<compile_context>
chip_gen: v7x
topology: tpu7x:2x2x1
jax: 0.10.2.dev20260603
libtpu: 0.0.44.dev20260713+nightly
codegen_flags: <defaults>
</compile_context>

<pallas_src>
import functools

import jax
import jax.numpy as jnp
from jax import lax
from jax.experimental import pallas as pl
from jax.experimental.pallas import tpu as pltpu
from jax.experimental.pallas import tpu_sc as plsc

L = 16
NROWS = 128
DIM = 32768
NCHUNK = DIM // L
NC = 2
NS = 16
NW = NC * NS
ROWS_PER = NROWS // NW
CAP = 16376
FAST_MAX = CAP - L
BISECT_ITERS = 12


_mesh = plsc.VectorSubcoreMesh(
    core_axis_name="c", subcore_axis_name="s", num_cores=NC, num_subcores=NS
)


@functools.partial(
    pl.kernel,
    out_type=jax.ShapeDtypeStruct((NROWS, DIM), jnp.float32),
    mesh=_mesh,
    scratch_types=[
        pltpu.VMEM((DIM,), jnp.float32),
        pltpu.VMEM((DIM,), jnp.float32),
        pltpu.VMEM((DIM,), jnp.float32),
        pltpu.VMEM((CAP,), jnp.float32),
        pltpu.SemaphoreType.DMA,
        pltpu.SemaphoreType.DMA,
        pltpu.SemaphoreType.DMA,
    ],
    compiler_params=pltpu.CompilerParams(needs_layout_passes=False),
)
def _sparsemax_sc(x_hbm, o_hbm, in0, in1, ob, cand_v, s0, s1, so):
    vzero = jnp.zeros((L,), jnp.float32)
    vone_i = jnp.ones((L,), jnp.int32)

    def sampled_max(buf):
        def gstep(g, acc):
            a = jnp.maximum(buf[pl.ds(g * 8 * 2 * L, L)],
                            buf[pl.ds((g * 8 * 2 + 8) * L, L)])
            return jnp.maximum(acc, a)

        acc = plsc.parallel_loop(
            0, NCHUNK // 16, 1, unroll=4,
            carry=jnp.full((L,), -jnp.inf, jnp.float32),
        )(gstep)
        return jnp.max(acc)

    def compress(buf, cutoff):
        def step(i, carry):
            off_m1, mx = carry
            v = buf[pl.ds(i * L, L)]
            mask = v > cutoff
            prefix = plsc.cumsum(vone_i, mask=mask)
            dest = off_m1 + prefix
            dest = plsc.bitcast(
                jnp.minimum(
                    plsc.bitcast(dest, jnp.uint32), jnp.uint32(CAP - 1)
                ),
                jnp.int32,
            )
            plsc.store_scatter(cand_v, [dest], v, mask=mask)
            cnt = plsc.all_reduce_population_count(mask)
            return off_m1 + cnt, jnp.maximum(mx, v)

        off_m1, mx = plsc.parallel_loop(
            0, NCHUNK, 1, unroll=8,
            carry=(
                jnp.full((L,), -1, jnp.int32),
                jnp.full((L,), -jnp.inf, jnp.float32),
            ),
        )(step)
        return off_m1[0] + 1, jnp.max(mx)

    def nchunks(m):
        return (m + (L - 1)) >> 4

    def g3_cand(m, t1, t2, t3):
        def step(i, accs):
            a1, a2, a3 = accs
            v = cand_v[pl.ds(i * L, L)]
            return (
                a1 + jnp.maximum(v - t1, 0.0),
                a2 + jnp.maximum(v - t2, 0.0),
                a3 + jnp.maximum(v - t3, 0.0),
            )

        a1, a2, a3 = plsc.parallel_loop(
            0, nchunks(m), 1, unroll=2, carry=(vzero, vzero, vzero)
        )(step)
        return jnp.sum(a1), jnp.sum(a2), jnp.sum(a3)

    def ks_cand(m, lo):
        def step(i, acc):
            ka, sa = acc
            v = cand_v[pl.ds(i * L, L)]
            sel = v > lo
            return (
                ka + jnp.where(sel, 1.0, 0.0),
                sa + jnp.where(sel, v, 0.0),
            )

        ka, sa = plsc.parallel_loop(
            0, nchunks(m), 1, unroll=2, carry=(vzero, vzero)
        )(step)
        return jnp.sum(ka), jnp.sum(sa)

    def g3_dense(buf, t1, t2, t3):
        def step(i, accs):
            a1, a2, a3 = accs
            v = buf[pl.ds(i * L, L)]
            return (
                a1 + jnp.maximum(v - t1, 0.0),
                a2 + jnp.maximum(v - t2, 0.0),
                a3 + jnp.maximum(v - t3, 0.0),
            )

        a1, a2, a3 = lax.fori_loop(
            0, NCHUNK, step, (vzero, vzero, vzero), unroll=4
        )
        return jnp.sum(a1), jnp.sum(a2), jnp.sum(a3)

    def ks_dense(buf, lo):
        def step(i, acc):
            ka, sa = acc
            v = buf[pl.ds(i * L, L)]
            sel = v > lo
            return (
                ka + jnp.where(sel, 1.0, 0.0),
                sa + jnp.where(sel, v, 0.0),
            )

        ka, sa = lax.fori_loop(0, NCHUNK, step, (vzero, vzero))
        return jnp.sum(ka), jnp.sum(sa)

    def solve(g3_fn, ks_fn, lo0, hi0):
        def bis(_, lh):
            lo, hi = lh
            w = hi - lo
            t1 = lo + 0.25 * w
            t2 = lo + 0.5 * w
            t3 = lo + 0.75 * w
            g1, g2, g3 = g3_fn(t1, t2, t3)
            ge1 = g1 >= 1.0
            ge2 = g2 >= 1.0
            ge3 = g3 >= 1.0
            lo2 = jnp.where(ge1, t1, lo)
            lo2 = jnp.where(ge2, t2, lo2)
            lo2 = jnp.where(ge3, t3, lo2)
            hi2 = jnp.where(ge3, hi, t3)
            hi2 = jnp.where(ge2, hi2, t2)
            hi2 = jnp.where(ge1, hi2, t1)
            return lo2, hi2

        lo, _ = lax.fori_loop(
            0,
            BISECT_ITERS,
            bis,
            (jnp.broadcast_to(lo0, (L,)), jnp.broadcast_to(hi0, (L,))),
        )
        kk, ss = ks_fn(lo)
        return (jnp.broadcast_to(ss, (L,)) - 1.0) / jnp.broadcast_to(kk, (L,))

    def dense_relu(buf, t, lo_chunk, hi_chunk):
        def step(i):
            ob[pl.ds(i * L, L)] = jnp.maximum(buf[pl.ds(i * L, L)] - t, 0.0)

        plsc.parallel_loop(lo_chunk, hi_chunk, 1, unroll=8)(step)

    wid = lax.axis_index("s") * NC + lax.axis_index("c")
    row0 = wid * ROWS_PER
    bufs = (in0, in1)
    sems = (s0, s1)

    in_handles = {0: pltpu.async_copy(x_hbm.at[row0], in0, s0)}
    out_handle = None

    for j in range(ROWS_PER):
        buf = bufs[j % 2]
        with jax.named_scope("iwait"):
            in_handles[j].wait()
        if j + 1 < ROWS_PER:
            in_handles[j + 1] = pltpu.async_copy(
                x_hbm.at[row0 + j + 1], bufs[(j + 1) % 2], sems[(j + 1) % 2]
            )

        with jax.named_scope("smax"):
            smax = sampled_max(buf)
        cut_v = jnp.broadcast_to(smax - 1.0, (L,))
        with jax.named_scope("compress"):
            m, xmax = compress(buf, cut_v)
        cand_v[pl.ds(jnp.minimum(m, CAP - L), L)] = jnp.full(
            (L,), -jnp.inf, jnp.float32
        )
        cutoff = xmax - 1.0
        fast = m <= FAST_MAX

        def fast_fn(opnd):
            mm, cut, xm = opnd
            return solve(
                lambda a, b, c: g3_cand(mm, a, b, c),
                lambda lo: ks_cand(mm, lo),
                cut,
                xm,
            )

        def slow_fn(opnd, buf=buf):
            mm, cut, xm = opnd
            return solve(
                lambda a, b, c: g3_dense(buf, a, b, c),
                lambda lo: ks_dense(buf, lo),
                cut,
                xm,
            )

        with jax.named_scope("solve"):
            t = lax.cond(fast, fast_fn, slow_fn, (m, cutoff, xmax))

        with jax.named_scope("owait"):
            if out_handle is not None:
                out_handle[0].wait()
                out_handle[1].wait()
        with jax.named_scope("relu"):
            dense_relu(buf, t, 0, NCHUNK // 2)
            h0 = pltpu.async_copy(
                ob.at[pl.ds(0, DIM // 2)],
                o_hbm.at[row0 + j, pl.ds(0, DIM // 2)],
                so,
            )
            dense_relu(buf, t, NCHUNK // 2, NCHUNK)
            h1 = pltpu.async_copy(
                ob.at[pl.ds(DIM // 2, DIM // 2)],
                o_hbm.at[row0 + j, pl.ds(DIM // 2, DIM // 2)],
                so,
            )
        out_handle = (h0, h1)

    out_handle[0].wait()
    out_handle[1].wait()


def kernel(x):
    return _sparsemax_sc(x)

# --- scband reference (transcript-rebuilt; emitter-appended) ---
"""Pipeline reference for scband-sparsemax-21122649162197 (READ-ONLY COPY).

The authoritative reference and input builder live on the scoring server;
editing this copy changes nothing except your own understanding.
"""

import jax, jax.numpy as jnp
import numpy as np


def setup_inputs(seed: int = 0) -> dict:
    key = jax.random.key(seed)
    x = jax.random.normal(key, (128, 32768), dtype=jnp.float32)
    return {"x": x}


def reference(x):
    obs, dim = x.shape
    # z = x - mean(x) along rows (as in the original TF implementation)
    z = x - jnp.mean(x, axis=1, keepdims=True)
    # full descending sort via top_k with k = dim
    z_sorted, _ = jax.lax.top_k(z, dim)
    z_cumsum = jnp.cumsum(z_sorted, axis=1)
    k = jnp.arange(1, dim + 1, dtype=x.dtype)
    z_check = 1.0 + k * z_sorted > z_cumsum
    k_z = jnp.sum(z_check.astype(jnp.int32), axis=1)
    row_idx = jnp.arange(obs)
    tau_sum = z_cumsum[row_idx, k_z - 1]
    tau_z = (tau_sum - 1.0) / k_z.astype(x.dtype)
    return jnp.maximum(jnp.asarray(0.0, dtype=x.dtype), z - tau_z[:, None])

if __name__ == "__main__":
    import jax
    _d = setup_inputs()
    print(jax.jit(kernel)(*tuple(_d.values())))

</pallas_src>

<mosaic_0001>
#map = affine_map<(d0, d1) -> (0, 0)>
module attributes {stable_mosaic.version = 14 : i64} {
  func.func @_sparsemax_sc(%arg0: i32, %arg1: i32, %arg2: memref<128x32768xf32, #tpu.memory_space<hbm>>, %arg3: memref<128x32768xf32, #tpu.memory_space<hbm>>, %arg4: memref<32768xf32, #tpu.memory_space<vmem>>, %arg5: memref<32768xf32, #tpu.memory_space<vmem>>, %arg6: memref<32768xf32, #tpu.memory_space<vmem>>, %arg7: memref<16376xf32, #tpu.memory_space<vmem>>, %arg8: memref<!tpu.dma_semaphore, #tpu.memory_space<semaphore_mem>>, %arg9: memref<!tpu.dma_semaphore, #tpu.memory_space<semaphore_mem>>, %arg10: memref<!tpu.dma_semaphore, #tpu.memory_space<semaphore_mem>>) attributes {dimension_semantics = [#tpu.dimension_semantics<core_parallel>, #tpu.dimension_semantics<subcore_parallel>], iteration_bounds = array<i64: 2, 16>, scalar_prefetch = 0 : i64, scratch_operands = 7 : i64, tpu.core_type = #tpu.core_type<sc_vector_subcore>, window_params = [{transform_indices = #map}, {transform_indices = #map}]} {
    %broadcast_in_dim3A = arith.constant 0.000000e+00 : f32
    %broadcast_in_dim3A_0 = vector.broadcast %broadcast_in_dim3A : f32 to vector<16xf32>
    %broadcast_in_dim3A_1 = arith.constant 1 : i32
    %broadcast_in_dim3A_2 = vector.broadcast %broadcast_in_dim3A_1 : i32 to vector<16xi32>
    %mul3A = arith.constant 2 : i32
    %mul3A_3 = arith.muli %arg1, %mul3A : i32
    %add3A = arith.addi %mul3A_3, %arg0 : i32
    %mul3A_4 = arith.constant 4 : i32
    %mul3A_5 = arith.muli %add3A, %mul3A_4 : i32
    %dma_start3A = arith.constant 0 : i32
    %dma_start3A_6 = tpu.memref_slice %arg2[%mul3A_5, %dma_start3A] : memref<128x32768xf32, #tpu.memory_space<hbm>> -> memref<1x32768xf32, #tpu.memory_space<hbm>>
    %dma_start3A_7 = tpu.memref_squeeze %dma_start3A_6 : memref<1x32768xf32, #tpu.memory_space<hbm>> -> memref<32768xf32, #tpu.memory_space<hbm>>
    %dma_start3A_8 = arith.constant 0 : i32
    %dma_start3A_9 = tpu.memref_slice %arg2[%mul3A_5, %dma_start3A_8] : memref<128x32768xf32, #tpu.memory_space<hbm>> -> memref<1x32768xf32, #tpu.memory_space<hbm>>
    %dma_start3A_10 = tpu.memref_squeeze %dma_start3A_9 : memref<1x32768xf32, #tpu.memory_space<hbm>> -> memref<32768xf32, #tpu.memory_space<hbm>>
    tpu.enqueue_dma source(%dma_start3A_10 : memref<32768xf32, #tpu.memory_space<hbm>>) target(%arg4 : memref<32768xf32, #tpu.memory_space<vmem>>) target_semaphore(%arg8 : memref<!tpu.dma_semaphore, #tpu.memory_space<semaphore_mem>>)
    "tpu.trace_start"() <{level = 10 : i32, message = "iwait"}> : () -> ()
    %dma_wait3A = arith.constant 0 : i32
    %dma_wait3A_11 = tpu.memref_slice %arg2[%mul3A_5, %dma_wait3A] : memref<128x32768xf32, #tpu.memory_space<hbm>> -> memref<1x32768xf32, #tpu.memory_space<hbm>>
    %dma_wait3A_12 = tpu.memref_squeeze %dma_wait3A_11 : memref<1x32768xf32, #tpu.memory_space<hbm>> -> memref<32768xf32, #tpu.memory_space<hbm>>
    %dma_wait3A_13 = arith.constant 0 : i32
    %dma_wait3A_14 = tpu.memref_slice %arg2[%mul3A_5, %dma_wait3A_13] : memref<128x32768xf32, #tpu.memory_space<hbm>> -> memref<1x32768xf32, #tpu.memory_space<hbm>>
    %dma_wait3A_15 = tpu.memref_squeeze %dma_wait3A_14 : memref<1x32768xf32, #tpu.memory_space<hbm>> -> memref<32768xf32, #tpu.memory_space<hbm>>
    tpu.wait_dma2 semaphore(%arg8 : memref<!tpu.dma_semaphore, #tpu.memory_space<semaphore_mem>>) src(%dma_wait3A_15 : memref<32768xf32, #tpu.memory_space<hbm>>) dst(%arg4 : memref<32768xf32, #tpu.memory_space<vmem>>)
    "tpu.trace_stop"() : () -> ()
    %add3A_16 = arith.constant 0 : i32
    %add3A_17 = arith.addi %mul3A_5, %add3A_16 : i32
    %add3A_18 = arith.constant 1 : i32
    %add3A_19 = arith.addi %add3A_17, %add3A_18 : i32
    %dma_start3A_20 = arith.constant 0 : i32
    %dma_start3A_21 = tpu.memref_slice %arg2[%add3A_19, %dma_start3A_20] : memref<128x32768xf32, #tpu.memory_space<hbm>> -> memref<1x32768xf32, #tpu.memory_space<hbm>>
    %dma_start3A_22 = tpu.memref_squeeze %dma_start3A_21 : memref<1x32768xf32, #tpu.memory_space<hbm>> -> memref<32768xf32, #tpu.memory_space<hbm>>
    %dma_start3A_23 = arith.constant 0 : i32
    %dma_start3A_24 = tpu.memref_slice %arg2[%add3A_19, %dma_start3A_23] : memref<128x32768xf32, #tpu.memory_space<hbm>> -> memref<1x32768xf32, #tpu.memory_space<hbm>>
    %dma_start3A_25 = tpu.memref_squeeze %dma_start3A_24 : memref<1x32768xf32, #tpu.memory_space<hbm>> -> memref<32768xf32, #tpu.memory_space<hbm>>
    tpu.enqueue_dma source(%dma_start3A_25 : memref<32768xf32, #tpu.memory_space<hbm>>) target(%arg5 : memref<32768xf32, #tpu.memory_space<vmem>>) target_semaphore(%arg9 : memref<!tpu.dma_semaphore, #tpu.memory_space<semaphore_mem>>)
    %broadcast_in_dim3A_26 = arith.constant 0xFF800000 : f32
    "tpu.trace_start"() <{level = 10 : i32, message = "smax"}> : () -> ()
    %broadcast_in_dim3A_27 = vector.broadcast %broadcast_in_dim3A_26 : f32 to vector<16xf32>
    %parallel_loop3A = arith.constant 0 : i32
    %parallel_loop3A_28 = arith.constant 128 : i32
    %parallel_loop3A_29 = arith.constant 1 : i32
    %parallel_loop3A_30 = scf.for %parallel_loop3A_426 = %parallel_loop3A to %parallel_loop3A_28 step %parallel_loop3A_29 iter_args(%parallel_loop3A_427 = %broadcast_in_dim3A_27) -> (vector<16xf32>)  : i32 {
      %parallel_loop3A_428 = arith.constant 8 : i32
      %parallel_loop3A_429 = arith.muli %parallel_loop3A_426, %parallel_loop3A_428 : i32
      %parallel_loop3A_430 = arith.constant 2 : i32
      %parallel_loop3A_431 = arith.muli %parallel_loop3A_429, %parallel_loop3A_430 : i32
      %parallel_loop3A_432 = arith.constant 16 : i32
      %parallel_loop3A_433 = arith.muli %parallel_loop3A_431, %parallel_loop3A_432 : i32
      %parallel_loop3A_434 = arith.index_cast %parallel_loop3A_433 : i32 to index
      %parallel_loop3A_435 = tpu.vector_load %arg4[%parallel_loop3A_434] {strides = array<i32>} : memref<32768xf32, #tpu.memory_space<vmem>>, vector<16xf32>,
      %parallel_loop3A_436 = arith.constant 8 : i32
      %parallel_loop3A_437 = arith.muli %parallel_loop3A_426, %parallel_loop3A_436 : i32
      %parallel_loop3A_438 = arith.constant 2 : i32
      %parallel_loop3A_439 = arith.muli %parallel_loop3A_437, %parallel_loop3A_438 : i32
      %parallel_loop3A_440 = arith.constant 8 : i32
      %parallel_loop3A_441 = arith.addi %parallel_loop3A_439, %parallel_loop3A_440 : i32
      %parallel_loop3A_442 = arith.constant 16 : i32
      %parallel_loop3A_443 = arith.muli %parallel_loop3A_441, %parallel_loop3A_442 : i32
      %parallel_loop3A_444 = arith.index_cast %parallel_loop3A_443 : i32 to index
      %parallel_loop3A_445 = tpu.vector_load %arg4[%parallel_loop3A_444] {strides = array<i32>} : memref<32768xf32, #tpu.memory_space<vmem>>, vector<16xf32>,
      %parallel_loop3A_446 = arith.maximumf %parallel_loop3A_435, %parallel_loop3A_445 : vector<16xf32>
      %parallel_loop3A_447 = arith.maximumf %parallel_loop3A_427, %parallel_loop3A_446 : vector<16xf32>
      scf.yield %parallel_loop3A_447 : vector<16xf32>
    } {sc.loop_unroll_factor = 4 : i64, sc.parallel_access}
    %reduce_max3A = arith.constant true
    %reduce_max3A_31 = vector.broadcast %reduce_max3A : i1 to vector<16xi1>
    %reduce_max3A_32 = tpu.scan <max>, %parallel_loop3A_30 masked %reduce_max3A_31 : vector<16xf32>, vector<16xi1> -> vector<16xf32>
    %reduce_max3A_33 = vector.extract %reduce_max3A_32[15] : f32 from vector<16xf32>
    "tpu.trace_stop"() : () -> ()
    %sub3A = arith.constant 1.000000e+00 : f32
    %sub3A_34 = arith.subf %reduce_max3A_33, %sub3A : f32
    %broadcast_in_dim3A_35 = vector.broadcast %sub3A_34 : f32 to vector<16xf32>
    %broadcast_in_dim3A_36 = arith.constant -1 : i32
    "tpu.trace_start"() <{level = 10 : i32, message = "compress"}> : () -> ()
    %broadcast_in_dim3A_37 = vector.broadcast %broadcast_in_dim3A_36 : i32 to vector<16xi32>
    %broadcast_in_dim3A_38 = arith.constant 0xFF800000 : f32
    %broadcast_in_dim3A_39 = vector.broadcast %broadcast_in_dim3A_38 : f32 to vector<16xf32>
    %parallel_loop3A_40 = arith.constant 0 : i32
    %parallel_loop3A_41 = arith.constant 2048 : i32
    %parallel_loop3A_42 = arith.constant 1 : i32
    %parallel_loop3A_43:2 = scf.for %parallel_loop3A_426 = %parallel_loop3A_40 to %parallel_loop3A_41 step %parallel_loop3A_42 iter_args(%parallel_loop3A_427 = %broadcast_in_dim3A_37, %parallel_loop3A_428 = %broadcast_in_dim3A_39) -> (vector<16xi32>, vector<16xf32>)  : i32 {
      %parallel_loop3A_429 = arith.constant 16 : i32
      %parallel_loop3A_430 = arith.muli %parallel_loop3A_426, %parallel_loop3A_429 : i32
      %parallel_loop3A_431 = arith.index_cast %parallel_loop3A_430 : i32 to index
      %parallel_loop3A_432 = tpu.vector_load %arg4[%parallel_loop3A_431] {strides = array<i32>} : memref<32768xf32, #tpu.memory_space<vmem>>, vector<16xf32>,
      %parallel_loop3A_433 = arith.cmpf ogt, %parallel_loop3A_432, %broadcast_in_dim3A_35 : vector<16xf32>
      %parallel_loop3A_434 = tpu.scan <sum>, %broadcast_in_dim3A_2 masked %parallel_loop3A_433 : vector<16xi32>, vector<16xi1> -> vector<16xi32>
      %parallel_loop3A_435 = arith.addi %parallel_loop3A_427, %parallel_loop3A_434 : vector<16xi32>
      %parallel_loop3A_436 = vector.bitcast %parallel_loop3A_435 : vector<16xi32> to vector<16xi32>
      %parallel_loop3A_437 = arith.constant 16375 : i32
      %parallel_loop3A_438 = vector.broadcast %parallel_loop3A_437 : i32 to vector<16xi32>
      %parallel_loop3A_439 = arith.minui %parallel_loop3A_436, %parallel_loop3A_438 : vector<16xi32>
      %parallel_loop3A_440 = vector.bitcast %parallel_loop3A_439 : vector<16xi32> to vector<16xi32>
      tpu.vector_store_idx %arg7[%parallel_loop3A_440], %parallel_loop3A_432 masked %parallel_loop3A_433 : memref<16376xf32, #tpu.memory_space<vmem>>[vector<16xi32>], vector<16xf32>, vector<16xi1>
      %parallel_loop3A_441 = tpu.all_reduce %parallel_loop3A_433 {dim = 0 : i64, kind = #tpu.reduction_kind<sum>} : vector<16xi1> -> vector<16xi32>
      %parallel_loop3A_442 = arith.addi %parallel_loop3A_427, %parallel_loop3A_441 : vector<16xi32>
      %parallel_loop3A_443 = arith.maximumf %parallel_loop3A_428, %parallel_loop3A_432 : vector<16xf32>
      scf.yield %parallel_loop3A_442, %parallel_loop3A_443 : vector<16xi32>, vector<16xf32>
    } {sc.loop_unroll_factor = 8 : i64, sc.parallel_access}
    %slice3A = vector.extract_strided_slice %parallel_loop3A_43#0 {offsets = [0], sizes = [1], strides = [1]} : vector<16xi32> to vector<1xi32>
    %squeeze3A = vector.extract %slice3A[0] : i32 from vector<1xi32>
    %add3A_44 = arith.constant 1 : i32
    %add3A_45 = arith.addi %squeeze3A, %add3A_44 : i32
    %reduce_max3A_46 = arith.constant true
    %reduce_max3A_47 = vector.broadcast %reduce_max3A_46 : i1 to vector<16xi1>
    %reduce_max3A_48 = tpu.scan <max>, %parallel_loop3A_43#1 masked %reduce_max3A_47 : vector<16xf32>, vector<16xi1> -> vector<16xf32>
    %reduce_max3A_49 = vector.extract %reduce_max3A_48[15] : f32 from vector<16xf32>
    %broadcast_in_dim3A_50 = arith.constant 0xFF800000 : f32
    "tpu.trace_stop"() : () -> ()
    %broadcast_in_dim3A_51 = vector.broadcast %broadcast_in_dim3A_50 : f32 to vector<16xf32>
    %min3A = arith.constant 16360 : i32
    %min3A_52 = arith.minsi %add3A_45, %min3A : i32
    %swap3A = arith.index_cast %min3A_52 : i32 to index
    %swap3A_53 = tpu.vector_load %arg7[%swap3A] {strides = array<i32>} : memref<16376xf32, #tpu.memory_space<vmem>>, vector<16xf32>,
    tpu.vector_store %arg7[%swap3A], %broadcast_in_dim3A_51 {strides = array<i32>} : memref<16376xf32, #tpu.memory_space<vmem>>, vector<16xf32>,
    %sub3A_54 = arith.constant 1.000000e+00 : f32
    %sub3A_55 = arith.subf %reduce_max3A_49, %sub3A_54 : f32
    %le3A = arith.constant 16360 : i32
    %le3A_56 = arith.cmpi sle, %add3A_45, %le3A : i32
    "tpu.trace_start"() <{level = 10 : i32, message = "solve"}> : () -> ()
    %convert_element_type3A = arith.extui %le3A_56 : i1 to i32
    %cond3A = arith.constant 0 : i32
    %cond3A_57 = arith.cmpi ne, %convert_element_type3A, %cond3A : i32
    %cond3A_58 = scf.if %cond3A_57 -> (vector<16xf32>) {
      %broadcast_in_dim3A_426 = vector.broadcast %sub3A_55 : f32 to vector<16xf32>
      %broadcast_in_dim3A_427 = vector.broadcast %reduce_max3A_49 : f32 to vector<16xf32>
      %scan3A = arith.constant 0 : i32
      %scan3A_428 = arith.constant 12 : i32
      %scan3A_429 = arith.addi %scan3A, %scan3A_428 : i32
      %scan3A_430 = arith.constant 1 : i32
      %scan3A_431:2 = scf.for %scan3A_451 = %scan3A to %scan3A_429 step %scan3A_430 iter_args(%scan3A_452 = %broadcast_in_dim3A_426, %scan3A_453 = %broadcast_in_dim3A_427) -> (vector<16xf32>, vector<16xf32>)  : i32 {
        %sub3A_454 = arith.subf %scan3A_453, %scan3A_452 : vector<16xf32>
        %mul3A_455 = arith.constant 2.500000e-01 : f32
        %mul3A_456 = vector.broadcast %mul3A_455 : f32 to vector<16xf32>
        %mul3A_457 = arith.mulf %mul3A_456, %sub3A_454 : vector<16xf32>
        %add3A_458 = arith.addf %scan3A_452, %mul3A_457 : vector<16xf32>
        %mul3A_459 = arith.constant 5.000000e-01 : f32
        %mul3A_460 = vector.broadcast %mul3A_459 : f32 to vector<16xf32>
        %mul3A_461 = arith.mulf %mul3A_460, %sub3A_454 : vector<16xf32>
        %add3A_462 = arith.addf %scan3A_452, %mul3A_461 : vector<16xf32>
        %mul3A_463 = arith.constant 7.500000e-01 : f32
        %mul3A_464 = vector.broadcast %mul3A_463 : f32 to vector<16xf32>
        %mul3A_465 = arith.mulf %mul3A_464, %sub3A_454 : vector<16xf32>
        %add3A_466 = arith.addf %scan3A_452, %mul3A_465 : vector<16xf32>
        %add3A_467 = arith.constant 15 : i32
        %add3A_468 = arith.addi %add3A_45, %add3A_467 : i32
        %shift_right_arithmetic3A_469 = arith.constant 4 : i32
        %shift_right_arithmetic3A_470 = arith.shrsi %add3A_468, %shift_right_arithmetic3A_469 : i32
        %parallel_loop3A_471 = arith.constant 0 : i32
        %parallel_loop3A_472 = arith.constant 1 : i32
        %parallel_loop3A_473:3 = scf.for %parallel_loop3A_496 = %parallel_loop3A_471 to %shift_right_arithmetic3A_470 step %parallel_loop3A_472 iter_args(%parallel_loop3A_497 = %broadcast_in_dim3A_0, %parallel_loop3A_498 = %broadcast_in_dim3A_0, %parallel_loop3A_499 = %broadcast_in_dim3A_0) -> (vector<16xf32>, vector<16xf32>, vector<16xf32>)  : i32 {
          %parallel_loop3A_500 = arith.constant 16 : i32
          %parallel_loop3A_501 = arith.muli %parallel_loop3A_496, %parallel_loop3A_500 : i32
          %parallel_loop3A_502 = arith.index_cast %parallel_loop3A_501 : i32 to index
          %parallel_loop3A_503 = tpu.vector_load %arg7[%parallel_loop3A_502] {strides = array<i32>} : memref<16376xf32, #tpu.memory_space<vmem>>, vector<16xf32>,
          %parallel_loop3A_504 = arith.subf %parallel_loop3A_503, %add3A_458 : vector<16xf32>
          %parallel_loop3A_505 = arith.constant 0.000000e+00 : f32
          %parallel_loop3A_506 = vector.broadcast %parallel_loop3A_505 : f32 to vector<16xf32>
          %parallel_loop3A_507 = arith.maximumf %parallel_loop3A_504, %parallel_loop3A_506 : vector<16xf32>
          %parallel_loop3A_508 = arith.addf %parallel_loop3A_497, %parallel_loop3A_507 : vector<16xf32>
          %parallel_loop3A_509 = arith.subf %parallel_loop3A_503, %add3A_462 : vector<16xf32>
          %parallel_loop3A_510 = arith.constant 0.000000e+00 : f32
          %parallel_loop3A_511 = vector.broadcast %parallel_loop3A_510 : f32 to vector<16xf32>
          %parallel_loop3A_512 = arith.maximumf %parallel_loop3A_509, %parallel_loop3A_511 : vector<16xf32>
          %parallel_loop3A_513 = arith.addf %parallel_loop3A_498, %parallel_loop3A_512 : vector<16xf32>
          %parallel_loop3A_514 = arith.subf %parallel_loop3A_503, %add3A_466 : vector<16xf32>
          %parallel_loop3A_515 = arith.constant 0.000000e+00 : f32
          %parallel_loop3A_516 = vector.broadcast %parallel_loop3A_515 : f32 to vector<16xf32>
          %parallel_loop3A_517 = arith.maximumf %parallel_loop3A_514, %parallel_loop3A_516 : vector<16xf32>
          %parallel_loop3A_518 = arith.addf %parallel_loop3A_499, %parallel_loop3A_517 : vector<16xf32>
          scf.yield %parallel_loop3A_508, %parallel_loop3A_513, %parallel_loop3A_518 : vector<16xf32>, vector<16xf32>, vector<16xf32>
        } {sc.loop_unroll_factor = 2 : i64, sc.parallel_access}
        %reduce_sum3A_474 = arith.constant true
        %reduce_sum3A_475 = vector.broadcast %reduce_sum3A_474 : i1 to vector<16xi1>
        %reduce_sum3A_476 = tpu.scan <sum>, %parallel_loop3A_473#0 masked %reduce_sum3A_475 : vector<16xf32>, vector<16xi1> -> vector<16xf32>
        %reduce_sum3A_477 = vector.extract %reduce_sum3A_476[15] : f32 from vector<16xf32>
        %reduce_sum3A_478 = arith.constant true
        %reduce_sum3A_479 = vector.broadcast %reduce_sum3A_478 : i1 to vector<16xi1>
        %reduce_sum3A_480 = tpu.scan <sum>, %parallel_loop3A_473#1 masked %reduce_sum3A_479 : vector<16xf32>, vector<16xi1> -> vector<16xf32>
        %reduce_sum3A_481 = vector.extract %reduce_sum3A_480[15] : f32 from vector<16xf32>
        %reduce_sum3A_482 = arith.constant true
        %reduce_sum3A_483 = vector.broadcast %reduce_sum3A_482 : i1 to vector<16xi1>
        %reduce_sum3A_484 = tpu.scan <sum>, %parallel_loop3A_473#2 masked %reduce_sum3A_483 : vector<16xf32>, vector<16xi1> -> vector<16xf32>
        %reduce_sum3A_485 = vector.extract %reduce_sum3A_484[15] : f32 from vector<16xf32>
        %ge3A = arith.constant 1.000000e+00 : f32
        %ge3A_486 = arith.cmpf oge, %reduce_sum3A_477, %ge3A : f32
        %ge3A_487 = arith.constant 1.000000e+00 : f32
        %ge3A_488 = arith.cmpf oge, %reduce_sum3A_481, %ge3A_487 : f32
        %ge3A_489 = arith.constant 1.000000e+00 : f32
        %ge3A_490 = arith.cmpf oge, %reduce_sum3A_485, %ge3A_489 : f32
        %select_n3A = arith.select %ge3A_486, %add3A_458, %scan3A_452 : vector<16xf32>
        %select_n3A_491 = arith.select %ge3A_488, %add3A_462, %select_n3A : vector<16xf32>
        %select_n3A_492 = arith.select %ge3A_490, %add3A_466, %select_n3A_491 : vector<16xf32>
        %select_n3A_493 = arith.select %ge3A_490, %scan3A_453, %add3A_466 : vector<16xf32>
        %select_n3A_494 = arith.select %ge3A_488, %select_n3A_493, %add3A_462 : vector<16xf32>
        %select_n3A_495 = arith.select %ge3A_486, %select_n3A_494, %add3A_458 : vector<16xf32>
        scf.yield %select_n3A_492, %select_n3A_495 : vector<16xf32>, vector<16xf32>
      }
      %scan3A_432 = arith.constant 12 : i32
      %add3A_433 = arith.constant 15 : i32
      %add3A_434 = arith.addi %add3A_45, %add3A_433 : i32
      %shift_right_arithmetic3A = arith.constant 4 : i32
      %shift_right_arithmetic3A_435 = arith.shrsi %add3A_434, %shift_right_arithmetic3A : i32
      %parallel_loop3A_436 = arith.constant 0 : i32
      %parallel_loop3A_437 = arith.constant 1 : i32
      %parallel_loop3A_438:2 = scf.for %parallel_loop3A_451 = %parallel_loop3A_436 to %shift_right_arithmetic3A_435 step %parallel_loop3A_437 iter_args(%parallel_loop3A_452 = %broadcast_in_dim3A_0, %parallel_loop3A_453 = %broadcast_in_dim3A_0) -> (vector<16xf32>, vector<16xf32>)  : i32 {
        %parallel_loop3A_454 = arith.constant 16 : i32
        %parallel_loop3A_455 = arith.muli %parallel_loop3A_451, %parallel_loop3A_454 : i32
        %parallel_loop3A_456 = arith.index_cast %parallel_loop3A_455 : i32 to index
        %parallel_loop3A_457 = tpu.vector_load %arg7[%parallel_loop3A_456] {strides = array<i32>} : memref<16376xf32, #tpu.memory_space<vmem>>, vector<16xf32>,
        %parallel_loop3A_458 = arith.cmpf ogt, %parallel_loop3A_457, %scan3A_431#0 : vector<16xf32>
        %parallel_loop3A_459 = arith.constant 1.000000e+00 : f32
        %parallel_loop3A_460 = arith.constant 0.000000e+00 : f32
        %parallel_loop3A_461 = vector.broadcast %parallel_loop3A_459 : f32 to vector<16xf32>
        %parallel_loop3A_462 = vector.broadcast %parallel_loop3A_460 : f32 to vector<16xf32>
        %parallel_loop3A_463 = arith.select %parallel_loop3A_458, %parallel_loop3A_461, %parallel_loop3A_462 : vector<16xi1>, vector<16xf32>
        %parallel_loop3A_464 = arith.addf %parallel_loop3A_452, %parallel_loop3A_463 : vector<16xf32>
        %parallel_loop3A_465 = arith.constant 0.000000e+00 : f32
        %parallel_loop3A_466 = vector.broadcast %parallel_loop3A_465 : f32 to vector<16xf32>
        %parallel_loop3A_467 = arith.select %parallel_loop3A_458, %parallel_loop3A_457, %parallel_loop3A_466 : vector<16xi1>, vector<16xf32>
        %parallel_loop3A_468 = arith.addf %parallel_loop3A_453, %parallel_loop3A_467 : vector<16xf32>
        scf.yield %parallel_loop3A_464, %parallel_loop3A_468 : vector<16xf32>, vector<16xf32>
      } {sc.loop_unroll_factor = 2 : i64, sc.parallel_access}
      %reduce_sum3A = arith.constant true
      %reduce_sum3A_439 = vector.broadcast %reduce_sum3A : i1 to vector<16xi1>
      %reduce_sum3A_440 = tpu.scan <sum>, %parallel_loop3A_438#0 masked %reduce_sum3A_439 : vector<16xf32>, vector<16xi1> -> vector<16xf32>
      %reduce_sum3A_441 = vector.extract %reduce_sum3A_440[15] : f32 from vector<16xf32>
      %reduce_sum3A_442 = arith.constant true
      %reduce_sum3A_443 = vector.broadcast %reduce_sum3A_442 : i1 to vector<16xi1>
      %reduce_sum3A_444 = tpu.scan <sum>, %parallel_loop3A_438#1 masked %reduce_sum3A_443 : vector<16xf32>, vector<16xi1> -> vector<16xf32>
      %reduce_sum3A_445 = vector.extract %reduce_sum3A_444[15] : f32 from vector<16xf32>
      %broadcast_in_dim3A_446 = vector.broadcast %reduce_sum3A_445 : f32 to vector<16xf32>
      %sub3A_447 = arith.constant 1.000000e+00 : f32
      %sub3A_448 = vector.broadcast %sub3A_447 : f32 to vector<16xf32>
      %sub3A_449 = arith.subf %broadcast_in_dim3A_446, %sub3A_448 : vector<16xf32>
      %broadcast_in_dim3A_450 = vector.broadcast %reduce_sum3A_441 : f32 to vector<16xf32>
      %div3A = arith.divf %sub3A_449, %broadcast_in_dim3A_450 : vector<16xf32>
      scf.yield %div3A : vector<16xf32>
    } else {
      %broadcast_in_dim3A_426 = vector.broadcast %sub3A_55 : f32 to vector<16xf32>
      %broadcast_in_dim3A_427 = vector.broadcast %reduce_max3A_49 : f32 to vector<16xf32>
      %scan3A = arith.constant 0 : i32
      %scan3A_428 = arith.constant 12 : i32
      %scan3A_429 = arith.addi %scan3A, %scan3A_428 : i32
      %scan3A_430 = arith.constant 1 : i32
      %scan3A_431:2 = scf.for %scan3A_451 = %scan3A to %scan3A_429 step %scan3A_430 iter_args(%scan3A_452 = %broadcast_in_dim3A_426, %scan3A_453 = %broadcast_in_dim3A_427) -> (vector<16xf32>, vector<16xf32>)  : i32 {
        %sub3A_454 = arith.subf %scan3A_453, %scan3A_452 : vector<16xf32>
        %mul3A_455 = arith.constant 2.500000e-01 : f32
        %mul3A_456 = vector.broadcast %mul3A_455 : f32 to vector<16xf32>
        %mul3A_457 = arith.mulf %mul3A_456, %sub3A_454 : vector<16xf32>
        %add3A_458 = arith.addf %scan3A_452, %mul3A_457 : vector<16xf32>
        %mul3A_459 = arith.constant 5.000000e-01 : f32
        %mul3A_460 = vector.broadcast %mul3A_459 : f32 to vector<16xf32>
        %mul3A_461 = arith.mulf %mul3A_460, %sub3A_454 : vector<16xf32>
        %add3A_462 = arith.addf %scan3A_452, %mul3A_461 : vector<16xf32>
        %mul3A_463 = arith.constant 7.500000e-01 : f32
        %mul3A_464 = vector.broadcast %mul3A_463 : f32 to vector<16xf32>
        %mul3A_465 = arith.mulf %mul3A_464, %sub3A_454 : vector<16xf32>
        %add3A_466 = arith.addf %scan3A_452, %mul3A_465 : vector<16xf32>
        %scan3A_467 = arith.constant 0 : i32
        %scan3A_468 = arith.constant 2048 : i32
        %scan3A_469 = arith.addi %scan3A_467, %scan3A_468 : i32
        %scan3A_470 = arith.constant 4 : i32
        %scan3A_471:3 = scf.for %scan3A_495 = %scan3A_467 to %scan3A_469 step %scan3A_470 iter_args(%scan3A_496 = %broadcast_in_dim3A_0, %scan3A_497 = %broadcast_in_dim3A_0, %scan3A_498 = %broadcast_in_dim3A_0) -> (vector<16xf32>, vector<16xf32>, vector<16xf32>)  : i32 {
          %mul3A_499 = arith.constant 16 : i32
          %mul3A_500 = arith.muli %scan3A_495, %mul3A_499 : i32
          %get3A = arith.index_cast %mul3A_500 : i32 to index
          %get3A_501 = tpu.vector_load %arg4[%get3A] {strides = array<i32>} : memref<32768xf32, #tpu.memory_space<vmem>>, vector<16xf32>,
          %sub3A_502 = arith.subf %get3A_501, %add3A_458 : vector<16xf32>
          %max3A = arith.constant 0.000000e+00 : f32
          %max3A_503 = vector.broadcast %max3A : f32 to vector<16xf32>
          %max3A_504 = arith.maximumf %sub3A_502, %max3A_503 : vector<16xf32>
          %add3A_505 = arith.addf %scan3A_496, %max3A_504 : vector<16xf32>
          %sub3A_506 = arith.subf %get3A_501, %add3A_462 : vector<16xf32>
          %max3A_507 = arith.constant 0.000000e+00 : f32
          %max3A_508 = vector.broadcast %max3A_507 : f32 to vector<16xf32>
          %max3A_509 = arith.maximumf %sub3A_506, %max3A_508 : vector<16xf32>
          %add3A_510 = arith.addf %scan3A_497, %max3A_509 : vector<16xf32>
          %sub3A_511 = arith.subf %get3A_501, %add3A_466 : vector<16xf32>
          %max3A_512 = arith.constant 0.000000e+00 : f32
          %max3A_513 = vector.broadcast %max3A_512 : f32 to vector<16xf32>
          %max3A_514 = arith.maximumf %sub3A_511, %max3A_513 : vector<16xf32>
          %add3A_515 = arith.addf %scan3A_498, %max3A_514 : vector<16xf32>
          %scan3A_516 = arith.constant 1 : i32
          %scan3A_517 = arith.addi %scan3A_495, %scan3A_516 : i32
          %mul3A_518 = arith.constant 16 : i32
          %mul3A_519 = arith.muli %scan3A_517, %mul3A_518 : i32
          %get3A_520 = arith.index_cast %mul3A_519 : i32 to index
          %get3A_521 = tpu.vector_load %arg4[%get3A_520] {strides = array<i32>} : memref<32768xf32, #tpu.memory_space<vmem>>, vector<16xf32>,
          %sub3A_522 = arith.subf %get3A_521, %add3A_458 : vector<16xf32>
          %max3A_523 = arith.constant 0.000000e+00 : f32
          %max3A_524 = vector.broadcast %max3A_523 : f32 to vector<16xf32>
          %max3A_525 = arith.maximumf %sub3A_522, %max3A_524 : vector<16xf32>
          %add3A_526 = arith.addf %add3A_505, %max3A_525 : vector<16xf32>
          %sub3A_527 = arith.subf %get3A_521, %add3A_462 : vector<16xf32>
          %max3A_528 = arith.constant 0.000000e+00 : f32
          %max3A_529 = vector.broadcast %max3A_528 : f32 to vector<16xf32>
          %max3A_530 = arith.maximumf %sub3A_527, %max3A_529 : vector<16xf32>
          %add3A_531 = arith.addf %add3A_510, %max3A_530 : vector<16xf32>
          %sub3A_532 = arith.subf %get3A_521, %add3A_466 : vector<16xf32>
          %max3A_533 = arith.constant 0.000000e+00 : f32
          %max3A_534 = vector.broadcast %max3A_533 : f32 to vector<16xf32>
          %max3A_535 = arith.maximumf %sub3A_532, %max3A_534 : vector<16xf32>
          %add3A_536 = arith.addf %add3A_515, %max3A_535 : vector<16xf32>
          %scan3A_537 = arith.constant 2 : i32
          %scan3A_538 = arith.addi %scan3A_495, %scan3A_537 : i32
          %mul3A_539 = arith.constant 16 : i32
          %mul3A_540 = arith.muli %scan3A_538, %mul3A_539 : i32
          %get3A_541 = arith.index_cast %mul3A_540 : i32 to index
          %get3A_542 = tpu.vector_load %arg4[%get3A_541] {strides = array<i32>} : memref<32768xf32, #tpu.memory_space<vmem>>, vector<16xf32>,
          %sub3A_543 = arith.subf %get3A_542, %add3A_458 : vector<16xf32>
          %max3A_544 = arith.constant 0.000000e+00 : f32
          %max3A_545 = vector.broadcast %max3A_544 : f32 to vector<16xf32>
          %max3A_546 = arith.maximumf %sub3A_543, %max3A_545 : vector<16xf32>
          %add3A_547 = arith.addf %add3A_526, %max3A_546 : vector<16xf32>
          %sub3A_548 = arith.subf %get3A_542, %add3A_462 : vector<16xf32>
          %max3A_549 = arith.constant 0.000000e+00 : f32
          %max3A_550 = vector.broadcast %max3A_549 : f32 to vector<16xf32>
          %max3A_551 = arith.maximumf %sub3A_548, %max3A_550 : vector<16xf32>
          %add3A_552 = arith.addf %add3A_531, %max3A_551 : vector<16xf32>
          %sub3A_553 = arith.subf %get3A_542, %add3A_466 : vector<16xf32>
          %max3A_554 = arith.constant 0.000000e+00 : f32
          %max3A_555 = vector.broadcast %max3A_554 : f32 to vector<16xf32>
          %max3A_556 = arith.maximumf %sub3A_553, %max3A_555 : vector<16xf32>
          %add3A_557 = arith.addf %add3A_536, %max3A_556 : vector<16xf32>
          %scan3A_558 = arith.constant 3 : i32
          %scan3A_559 = arith.addi %scan3A_495, %scan3A_558 : i32
          %mul3A_560 = arith.constant 16 : i32
          %mul3A_561 = arith.muli %scan3A_559, %mul3A_560 : i32
          %get3A_562 = arith.index_cast %mul3A_561 : i32 to index
          %get3A_563 = tpu.vector_load %arg4[%get3A_562] {strides = array<i32>} : memref<32768xf32, #tpu.memory_space<vmem>>, vector<16xf32>,
          %sub3A_564 = arith.subf %get3A_563, %add3A_458 : vector<16xf32>
          %max3A_565 = arith.constant 0.000000e+00 : f32
          %max3A_566 = vector.broadcast %max3A_565 : f32 to vector<16xf32>
          %max3A_567 = arith.maximumf %sub3A_564, %max3A_566 : vector<16xf32>
          %add3A_568 = arith.addf %add3A_547, %max3A_567 : vector<16xf32>
          %sub3A_569 = arith.subf %get3A_563, %add3A_462 : vector<16xf32>
          %max3A_570 = arith.constant 0.000000e+00 : f32
          %max3A_571 = vector.broadcast %max3A_570 : f32 to vector<16xf32>
          %max3A_572 = arith.maximumf %sub3A_569, %max3A_571 : vector<16xf32>
          %add3A_573 = arith.addf %add3A_552, %max3A_572 : vector<16xf32>
          %sub3A_574 = arith.subf %get3A_563, %add3A_466 : vector<16xf32>
          %max3A_575 = arith.constant 0.000000e+00 : f32
          %max3A_576 = vector.broadcast %max3A_575 : f32 to vector<16xf32>
          %max3A_577 = arith.maximumf %sub3A_574, %max3A_576 : vector<16xf32>
          %add3A_578 = arith.addf %add3A_557, %max3A_577 : vector<16xf32>
          scf.yield %add3A_568, %add3A_573, %add3A_578 : vector<16xf32>, vector<16xf32>, vector<16xf32>
        }
        %scan3A_472 = arith.constant 2048 : i32
        %reduce_sum3A_473 = arith.constant true
        %reduce_sum3A_474 = vector.broadcast %reduce_sum3A_473 : i1 to vector<16xi1>
        %reduce_sum3A_475 = tpu.scan <sum>, %scan3A_471#0 masked %reduce_sum3A_474 : vector<16xf32>, vector<16xi1> -> vector<16xf32>
        %reduce_sum3A_476 = vector.extract %reduce_sum3A_475[15] : f32 from vector<16xf32>
        %reduce_sum3A_477 = arith.constant true
        %reduce_sum3A_478 = vector.broadcast %reduce_sum3A_477 : i1 to vector<16xi1>
        %reduce_sum3A_479 = tpu.scan <sum>, %scan3A_471#1 masked %reduce_sum3A_478 : vector<16xf32>, vector<16xi1> -> vector<16xf32>
        %reduce_sum3A_480 = vector.extract %reduce_sum3A_479[15] : f32 from vector<16xf32>
        %reduce_sum3A_481 = arith.constant true
        %reduce_sum3A_482 = vector.broadcast %reduce_sum3A_481 : i1 to vector<16xi1>
        %reduce_sum3A_483 = tpu.scan <sum>, %scan3A_471#2 masked %reduce_sum3A_482 : vector<16xf32>, vector<16xi1> -> vector<16xf32>
        %reduce_sum3A_484 = vector.extract %reduce_sum3A_483[15] : f32 from vector<16xf32>
        %ge3A = arith.constant 1.000000e+00 : f32
        %ge3A_485 = arith.cmpf oge, %reduce_sum3A_476, %ge3A : f32
        %ge3A_486 = arith.constant 1.000000e+00 : f32
        %ge3A_487 = arith.cmpf oge, %reduce_sum3A_480, %ge3A_486 : f32
        %ge3A_488 = arith.constant 1.000000e+00 : f32
        %ge3A_489 = arith.cmpf oge, %reduce_sum3A_484, %ge3A_488 : f32
        %select_n3A = arith.select %ge3A_485, %add3A_458, %scan3A_452 : vector<16xf32>
        %select_n3A_490 = arith.select %ge3A_487, %add3A_462, %select_n3A : vector<16xf32>
        %select_n3A_491 = arith.select %ge3A_489, %add3A_466, %select_n3A_490 : vector<16xf32>
        %select_n3A_492 = arith.select %ge3A_489, %scan3A_453, %add3A_466 : vector<16xf32>
        %select_n3A_493 = arith.select %ge3A_487, %select_n3A_492, %add3A_462 : vector<16xf32>
        %select_n3A_494 = arith.select %ge3A_485, %select_n3A_493, %add3A_458 : vector<16xf32>
        scf.yield %select_n3A_491, %select_n3A_494 : vector<16xf32>, vector<16xf32>
      }
      %scan3A_432 = arith.constant 12 : i32
      %scan3A_433 = arith.constant 0 : i32
      %scan3A_434 = arith.constant 2048 : i32
      %scan3A_435 = arith.addi %scan3A_433, %scan3A_434 : i32
      %scan3A_436 = arith.constant 1 : i32
      %scan3A_437:2 = scf.for %scan3A_451 = %scan3A_433 to %scan3A_435 step %scan3A_436 iter_args(%scan3A_452 = %broadcast_in_dim3A_0, %scan3A_453 = %broadcast_in_dim3A_0) -> (vector<16xf32>, vector<16xf32>)  : i32 {
        %mul3A_454 = arith.constant 16 : i32
        %mul3A_455 = arith.muli %scan3A_451, %mul3A_454 : i32
        %get3A = arith.index_cast %mul3A_455 : i32 to index
        %get3A_456 = tpu.vector_load %arg4[%get3A] {strides = array<i32>} : memref<32768xf32, #tpu.memory_space<vmem>>, vector<16xf32>,
        %gt3A = arith.cmpf ogt, %get3A_456, %scan3A_431#0 : vector<16xf32>
        %jit3A = arith.constant 1.000000e+00 : f32
        %jit3A_457 = arith.constant 0.000000e+00 : f32
        %broadcast_in_dim3A_458 = vector.broadcast %jit3A : f32 to vector<16xf32>
        %broadcast_in_dim3A_459 = vector.broadcast %jit3A_457 : f32 to vector<16xf32>
        %select_n3A = arith.select %gt3A, %broadcast_in_dim3A_458, %broadcast_in_dim3A_459 : vector<16xi1>, vector<16xf32>
        %add3A_460 = arith.addf %scan3A_452, %select_n3A : vector<16xf32>
        %jit3A_461 = arith.constant 0.000000e+00 : f32
        %broadcast_in_dim3A_462 = vector.broadcast %jit3A_461 : f32 to vector<16xf32>
        %select_n3A_463 = arith.select %gt3A, %get3A_456, %broadcast_in_dim3A_462 : vector<16xi1>, vector<16xf32>
        %add3A_464 = arith.addf %scan3A_453, %select_n3A_463 : vector<16xf32>
        scf.yield %add3A_460, %add3A_464 : vector<16xf32>, vector<16xf32>
      }
      %scan3A_438 = arith.constant 2048 : i32
      %reduce_sum3A = arith.constant true
      %reduce_sum3A_439 = vector.broadcast %reduce_sum3A : i1 to vector<16xi1>
      %reduce_sum3A_440 = tpu.scan <sum>, %scan3A_437#0 masked %reduce_sum3A_439 : vector<16xf32>, vector<16xi1> -> vector<16xf32>
      %reduce_sum3A_441 = vector.extract %reduce_sum3A_440[15] : f32 from vector<16xf32>
      %reduce_sum3A_442 = arith.constant true
      %reduce_sum3A_443 = vector.broadcast %reduce_sum3A_442 : i1 to vector<16xi1>
      %reduce_sum3A_444 = tpu.scan <sum>, %scan3A_437#1 masked %reduce_sum3A_443 : vector<16xf32>, vector<16xi1> -> vector<16xf32>
      %reduce_sum3A_445 = vector.extract %reduce_sum3A_444[15] : f32 from vector<16xf32>
      %broadcast_in_dim3A_446 = vector.broadcast %reduce_sum3A_445 : f32 to vector<16xf32>
      %sub3A_447 = arith.constant 1.000000e+00 : f32
      %sub3A_448 = vector.broadcast %sub3A_447 : f32 to vector<16xf32>
      %sub3A_449 = arith.subf %broadcast_in_dim3A_446, %sub3A_448 : vector<16xf32>
      %broadcast_in_dim3A_450 = vector.broadcast %reduce_sum3A_441 : f32 to vector<16xf32>
      %div3A = arith.divf %sub3A_449, %broadcast_in_dim3A_450 : vector<16xf32>
      scf.yield %div3A : vector<16xf32>
    }
    %parallel_loop3A_59 = arith.constant 0 : i32
    %parallel_loop3A_60 = arith.constant 1024 : i32
    %parallel_loop3A_61 = arith.constant 1 : i32
    "tpu.trace_stop"() : () -> ()
    "tpu.trace_start"() <{level = 10 : i32, message = "relu"}> : () -> ()
    scf.for %parallel_loop3A_426 = %parallel_loop3A_59 to %parallel_loop3A_60 step %parallel_loop3A_61  : i32 {
      %parallel_loop3A_427 = arith.constant 16 : i32
      %parallel_loop3A_428 = arith.muli %parallel_loop3A_426, %parallel_loop3A_427 : i32
      %parallel_loop3A_429 = arith.index_cast %parallel_loop3A_428 : i32 to index
      %parallel_loop3A_430 = tpu.vector_load %arg4[%parallel_loop3A_429] {strides = array<i32>} : memref<32768xf32, #tpu.memory_space<vmem>>, vector<16xf32>,
      %parallel_loop3A_431 = arith.subf %parallel_loop3A_430, %cond3A_58 : vector<16xf32>
      %parallel_loop3A_432 = arith.constant 0.000000e+00 : f32
      %parallel_loop3A_433 = vector.broadcast %parallel_loop3A_432 : f32 to vector<16xf32>
      %parallel_loop3A_434 = arith.maximumf %parallel_loop3A_431, %parallel_loop3A_433 : vector<16xf32>
      %parallel_loop3A_435 = arith.constant 16 : i32
      %parallel_loop3A_436 = arith.muli %parallel_loop3A_426, %parallel_loop3A_435 : i32
      %parallel_loop3A_437 = arith.index_cast %parallel_loop3A_436 : i32 to index
      %parallel_loop3A_438 = tpu.vector_load %arg6[%parallel_loop3A_437] {strides = array<i32>} : memref<32768xf32, #tpu.memory_space<vmem>>, vector<16xf32>,
      tpu.vector_store %arg6[%parallel_loop3A_437], %parallel_loop3A_434 {strides = array<i32>} : memref<32768xf32, #tpu.memory_space<vmem>>, vector<16xf32>,
    } {sc.loop_unroll_factor = 8 : i64, sc.parallel_access}
    %add3A_62 = arith.constant 0 : i32
    %add3A_63 = arith.addi %mul3A_5, %add3A_62 : i32
    %dma_start3A_64 = arith.constant 0 : i32
    %dma_start3A_65 = tpu.memref_slice %arg6[%dma_start3A_64] : memref<32768xf32, #tpu.memory_space<vmem>> -> memref<16384xf32, #tpu.memory_space<vmem>>
    %dma_start3A_66 = arith.constant 0 : i32
    %dma_start3A_67 = tpu.memref_slice %arg3[%add3A_63, %dma_start3A_66] : memref<128x32768xf32, #tpu.memory_space<hbm>> -> memref<1x16384xf32, #tpu.memory_space<hbm>>
    %dma_start3A_68 = tpu.memref_squeeze %dma_start3A_67 : memref<1x16384xf32, #tpu.memory_space<hbm>> -> memref<16384xf32, #tpu.memory_space<hbm>>
    %dma_start3A_69 = arith.constant 0 : i32
    %dma_start3A_70 = tpu.memref_slice %arg3[%add3A_63, %dma_start3A_69] : memref<128x32768xf32, #tpu.memory_space<hbm>> -> memref<1x16384xf32, #tpu.memory_space<hbm>>
    %dma_start3A_71 = tpu.memref_squeeze %dma_start3A_70 : memref<1x16384xf32, #tpu.memory_space<hbm>> -> memref<16384xf32, #tpu.memory_space<hbm>>
    %dma_start3A_72 = arith.constant 0 : i32
    %dma_start3A_73 = tpu.memref_slice %arg6[%dma_start3A_72] : memref<32768xf32, #tpu.memory_space<vmem>> -> memref<16384xf32, #tpu.memory_space<vmem>>
    tpu.enqueue_dma source(%dma_start3A_73 : memref<16384xf32, #tpu.memory_space<vmem>>) target(%dma_start3A_71 : memref<16384xf32, #tpu.memory_space<hbm>>) target_semaphore(%arg10 : memref<!tpu.dma_semaphore, #tpu.memory_space<semaphore_mem>>)
    %parallel_loop3A_74 = arith.constant 1024 : i32
    %parallel_loop3A_75 = arith.constant 2048 : i32
    %parallel_loop3A_76 = arith.constant 1 : i32
    scf.for %parallel_loop3A_426 = %parallel_loop3A_74 to %parallel_loop3A_75 step %parallel_loop3A_76  : i32 {
      %parallel_loop3A_427 = arith.constant 16 : i32
      %parallel_loop3A_428 = arith.muli %parallel_loop3A_426, %parallel_loop3A_427 : i32
      %parallel_loop3A_429 = arith.index_cast %parallel_loop3A_428 : i32 to index
      %parallel_loop3A_430 = tpu.vector_load %arg4[%parallel_loop3A_429] {strides = array<i32>} : memref<32768xf32, #tpu.memory_space<vmem>>, vector<16xf32>,
      %parallel_loop3A_431 = arith.subf %parallel_loop3A_430, %cond3A_58 : vector<16xf32>
      %parallel_loop3A_432 = arith.constant 0.000000e+00 : f32
      %parallel_loop3A_433 = vector.broadcast %parallel_loop3A_432 : f32 to vector<16xf32>
      %parallel_loop3A_434 = arith.maximumf %parallel_loop3A_431, %parallel_loop3A_433 : vector<16xf32>
      %parallel_loop3A_435 = arith.constant 16 : i32
      %parallel_loop3A_436 = arith.muli %parallel_loop3A_426, %parallel_loop3A_435 : i32
      %parallel_loop3A_437 = arith.index_cast %parallel_loop3A_436 : i32 to index
      %parallel_loop3A_438 = tpu.vector_load %arg6[%parallel_loop3A_437] {strides = array<i32>} : memref<32768xf32, #tpu.memory_space<vmem>>, vector<16xf32>,
      tpu.vector_store %arg6[%parallel_loop3A_437], %parallel_loop3A_434 {strides = array<i32>} : memref<32768xf32, #tpu.memory_space<vmem>>, vector<16xf32>,
    } {sc.loop_unroll_factor = 8 : i64, sc.parallel_access}
    %add3A_77 = arith.constant 0 : i32
    %add3A_78 = arith.addi %mul3A_5, %add3A_77 : i32
    %dma_start3A_79 = arith.constant 16384 : i32
    %dma_start3A_80 = tpu.memref_slice %arg6[%dma_start3A_79] : memref<32768xf32, #tpu.memory_space<vmem>> -> memref<16384xf32, #tpu.memory_space<vmem>>
    %dma_start3A_81 = arith.constant 16384 : i32
    %dma_start3A_82 = tpu.memref_slice %arg3[%add3A_78, %dma_start3A_81] : memref<128x32768xf32, #tpu.memory_space<hbm>> -> memref<1x16384xf32, #tpu.memory_space<hbm>>
    %dma_start3A_83 = tpu.memref_squeeze %dma_start3A_82 : memref<1x16384xf32, #tpu.memory_space<hbm>> -> memref<16384xf32, #tpu.memory_space<hbm>>
    %dma_start3A_84 = arith.constant 16384 : i32
    %dma_start3A_85 = tpu.memref_slice %arg3[%add3A_78, %dma_start3A_84] : memref<128x32768xf32, #tpu.memory_space<hbm>> -> memref<1x16384xf32, #tpu.memory_space<hbm>>
    %dma_start3A_86 = tpu.memref_squeeze %dma_start3A_85 : memref<1x16384xf32, #tpu.memory_space<hbm>> -> memref<16384xf32, #tpu.memory_space<hbm>>
    %dma_start3A_87 = arith.constant 16384 : i32
    %dma_start3A_88 = tpu.memref_slice %arg6[%dma_start3A_87] : memref<32768xf32, #tpu.memory_space<vmem>> -> memref<16384xf32, #tpu.memory_space<vmem>>
    tpu.enqueue_dma source(%dma_start3A_88 : memref<16384xf32, #tpu.memory_space<vmem>>) target(%dma_start3A_86 : memref<16384xf32, #tpu.memory_space<hbm>>) target_semaphore(%arg10 : memref<!tpu.dma_semaphore, #tpu.memory_space<semaphore_mem>>)
    "tpu.trace_stop"() : () -> ()
    "tpu.trace_start"() <{level = 10 : i32, message = "iwait"}> : () -> ()
    %dma_wait3A_89 = arith.constant 0 : i32
    %dma_wait3A_90 = tpu.memref_slice %arg2[%add3A_19, %dma_wait3A_89] : memref<128x32768xf32, #tpu.memory_space<hbm>> -> memref<1x32768xf32, #tpu.memory_space<hbm>>
    %dma_wait3A_91 = tpu.memref_squeeze %dma_wait3A_90 : memref<1x32768xf32, #tpu.memory_space<hbm>> -> memref<32768xf32, #tpu.memory_space<hbm>>
    %dma_wait3A_92 = arith.constant 0 : i32
    %dma_wait3A_93 = tpu.memref_slice %arg2[%add3A_19, %dma_wait3A_92] : memref<128x32768xf32, #tpu.memory_space<hbm>> -> memref<1x32768xf32, #tpu.memory_space<hbm>>
    %dma_wait3A_94 = tpu.memref_squeeze %dma_wait3A_93 : memref<1x32768xf32, #tpu.memory_space<hbm>> -> memref<32768xf32, #tpu.memory_space<hbm>>
    tpu.wait_dma2 semaphore(%arg9 : memref<!tpu.dma_semaphore, #tpu.memory_space<semaphore_mem>>) src(%dma_wait3A_94 : memref<32768xf32, #tpu.memory_space<hbm>>) dst(%arg5 : memref<32768xf32, #tpu.memory_space<vmem>>)
    "tpu.trace_stop"() : () -> ()
    %add3A_95 = arith.constant 1 : i32
    %add3A_96 = arith.addi %mul3A_5, %add3A_95 : i32
    %add3A_97 = arith.constant 1 : i32
    %add3A_98 = arith.addi %add3A_96, %add3A_97 : i32
    %dma_start3A_99 = arith.constant 0 : i32
    %dma_start3A_100 = tpu.memref_slice %arg2[%add3A_98, %dma_start3A_99] : memref<128x32768xf32, #tpu.memory_space<hbm>> -> memref<1x32768xf32, #tpu.memory_space<hbm>>
    %dma_start3A_101 = tpu.memref_squeeze %dma_start3A_100 : memref<1x32768xf32, #tpu.memory_space<hbm>> -> memref<32768xf32, #tpu.memory_space<hbm>>
    %dma_start3A_102 = arith.constant 0 : i32
    %dma_start3A_103 = tpu.memref_slice %arg2[%add3A_98, %dma_start3A_102] : memref<128x32768xf32, #tpu.memory_space<hbm>> -> memref<1x32768xf32, #tpu.memory_space<hbm>>
    %dma_start3A_104 = tpu.memref_squeeze %dma_start3A_103 : memref<1x32768xf32, #tpu.memory_space<hbm>> -> memref<32768xf32, #tpu.memory_space<hbm>>
    tpu.enqueue_dma source(%dma_start3A_104 : memref<32768xf32, #tpu.memory_space<hbm>>) target(%arg4 : memref<32768xf32, #tpu.memory_space<vmem>>) target_semaphore(%arg8 : memref<!tpu.dma_semaphore, #tpu.memory_space<semaphore_mem>>)
    %broadcast_in_dim3A_105 = arith.constant 0xFF800000 : f32
    "tpu.trace_start"() <{level = 10 : i32, message = "smax"}> : () -> ()
    %broadcast_in_dim3A_106 = vector.broadcast %broadcast_in_dim3A_105 : f32 to vector<16xf32>
    %parallel_loop3A_107 = arith.constant 0 : i32
    %parallel_loop3A_108 = arith.constant 128 : i32
    %parallel_loop3A_109 = arith.constant 1 : i32
    %parallel_loop3A_110 = scf.for %parallel_loop3A_426 = %parallel_loop3A_107 to %parallel_loop3A_108 step %parallel_loop3A_109 iter_args(%parallel_loop3A_427 = %broadcast_in_dim3A_106) -> (vector<16xf32>)  : i32 {
      %parallel_loop3A_428 = arith.constant 8 : i32
      %parallel_loop3A_429 = arith.muli %parallel_loop3A_426, %parallel_loop3A_428 : i32
      %parallel_loop3A_430 = arith.constant 2 : i32
      %parallel_loop3A_431 = arith.muli %parallel_loop3A_429, %parallel_loop3A_430 : i32
      %parallel_loop3A_432 = arith.constant 16 : i32
      %parallel_loop3A_433 = arith.muli %parallel_loop3A_431, %parallel_loop3A_432 : i32
      %parallel_loop3A_434 = arith.index_cast %parallel_loop3A_433 : i32 to index
      %parallel_loop3A_435 = tpu.vector_load %arg5[%parallel_loop3A_434] {strides = array<i32>} : memref<32768xf32, #tpu.memory_space<vmem>>, vector<16xf32>,
      %parallel_loop3A_436 = arith.constant 8 : i32
      %parallel_loop3A_437 = arith.muli %parallel_loop3A_426, %parallel_loop3A_436 : i32
      %parallel_loop3A_438 = arith.constant 2 : i32
      %parallel_loop3A_439 = arith.muli %parallel_loop3A_437, %parallel_loop3A_438 : i32
      %parallel_loop3A_440 = arith.constant 8 : i32
      %parallel_loop3A_441 = arith.addi %parallel_loop3A_439, %parallel_loop3A_440 : i32
      %parallel_loop3A_442 = arith.constant 16 : i32
      %parallel_loop3A_443 = arith.muli %parallel_loop3A_441, %parallel_loop3A_442 : i32
      %parallel_loop3A_444 = arith.index_cast %parallel_loop3A_443 : i32 to index
      %parallel_loop3A_445 = tpu.vector_load %arg5[%parallel_loop3A_444] {strides = array<i32>} : memref<32768xf32, #tpu.memory_space<vmem>>, vector<16xf32>,
      %parallel_loop3A_446 = arith.maximumf %parallel_loop3A_435, %parallel_loop3A_445 : vector<16xf32>
      %parallel_loop3A_447 = arith.maximumf %parallel_loop3A_427, %parallel_loop3A_446 : vector<16xf32>
      scf.yield %parallel_loop3A_447 : vector<16xf32>
    } {sc.loop_unroll_factor = 4 : i64, sc.parallel_access}
    %reduce_max3A_111 = arith.constant true
    %reduce_max3A_112 = vector.broadcast %reduce_max3A_111 : i1 to vector<16xi1>
    %reduce_max3A_113 = tpu.scan <max>, %parallel_loop3A_110 masked %reduce_max3A_112 : vector<16xf32>, vector<16xi1> -> vector<16xf32>
    %reduce_max3A_114 = vector.extract %reduce_max3A_113[15] : f32 from vector<16xf32>
    "tpu.trace_stop"() : () -> ()
    %sub3A_115 = arith.constant 1.000000e+00 : f32
    %sub3A_116 = arith.subf %reduce_max3A_114, %sub3A_115 : f32
    %broadcast_in_dim3A_117 = vector.broadcast %sub3A_116 : f32 to vector<16xf32>
    %broadcast_in_dim3A_118 = arith.constant -1 : i32
    "tpu.trace_start"() <{level = 10 : i32, message = "compress"}> : () -> ()
    %broadcast_in_dim3A_119 = vector.broadcast %broadcast_in_dim3A_118 : i32 to vector<16xi32>
    %broadcast_in_dim3A_120 = arith.constant 0xFF800000 : f32
    %broadcast_in_dim3A_121 = vector.broadcast %broadcast_in_dim3A_120 : f32 to vector<16xf32>
    %parallel_loop3A_122 = arith.constant 0 : i32
    %parallel_loop3A_123 = arith.constant 2048 : i32
    %parallel_loop3A_124 = arith.constant 1 : i32
    %parallel_loop3A_125:2 = scf.for %parallel_loop3A_426 = %parallel_loop3A_122 to %parallel_loop3A_123 step %parallel_loop3A_124 iter_args(%parallel_loop3A_427 = %broadcast_in_dim3A_119, %parallel_loop3A_428 = %broadcast_in_dim3A_121) -> (vector<16xi32>, vector<16xf32>)  : i32 {
      %parallel_loop3A_429 = arith.constant 16 : i32
      %parallel_loop3A_430 = arith.muli %parallel_loop3A_426, %parallel_loop3A_429 : i32
      %parallel_loop3A_431 = arith.index_cast %parallel_loop3A_430 : i32 to index
      %parallel_loop3A_432 = tpu.vector_load %arg5[%parallel_loop3A_431] {strides = array<i32>} : memref<32768xf32, #tpu.memory_space<vmem>>, vector<16xf32>,
      %parallel_loop3A_433 = arith.cmpf ogt, %parallel_loop3A_432, %broadcast_in_dim3A_117 : vector<16xf32>
      %parallel_loop3A_434 = tpu.scan <sum>, %broadcast_in_dim3A_2 masked %parallel_loop3A_433 : vector<16xi32>, vector<16xi1> -> vector<16xi32>
      %parallel_loop3A_435 = arith.addi %parallel_loop3A_427, %parallel_loop3A_434 : vector<16xi32>
      %parallel_loop3A_436 = vector.bitcast %parallel_loop3A_435 : vector<16xi32> to vector<16xi32>
      %parallel_loop3A_437 = arith.constant 16375 : i32
      %parallel_loop3A_438 = vector.broadcast %parallel_loop3A_437 : i32 to vector<16xi32>
      %parallel_loop3A_439 = arith.minui %parallel_loop3A_436, %parallel_loop3A_438 : vector<16xi32>
      %parallel_loop3A_440 = vector.bitcast %parallel_loop3A_439 : vector<16xi32> to vector<16xi32>
      tpu.vector_store_idx %arg7[%parallel_loop3A_440], %parallel_loop3A_432 masked %parallel_loop3A_433 : memref<16376xf32, #tpu.memory_space<vmem>>[vector<16xi32>], vector<16xf32>, vector<16xi1>
      %parallel_loop3A_441 = tpu.all_reduce %parallel_loop3A_433 {dim = 0 : i64, kind = #tpu.reduction_kind<sum>} : vector<16xi1> -> vector<16xi32>
      %parallel_loop3A_442 = arith.addi %parallel_loop3A_427, %parallel_loop3A_441 : vector<16xi32>
      %parallel_loop3A_443 = arith.maximumf %parallel_loop3A_428, %parallel_loop3A_432 : vector<16xf32>
      scf.yield %parallel_loop3A_442, %parallel_loop3A_443 : vector<16xi32>, vector<16xf32>
    } {sc.loop_unroll_factor = 8 : i64, sc.parallel_access}
    %slice3A_126 = vector.extract_strided_slice %parallel_loop3A_125#0 {offsets = [0], sizes = [1], strides = [1]} : vector<16xi32> to vector<1xi32>
    %squeeze3A_127 = vector.extract %slice3A_126[0] : i32 from vector<1xi32>
    %add3A_128 = arith.constant 1 : i32
    %add3A_129 = arith.addi %squeeze3A_127, %add3A_128 : i32
    %reduce_max3A_130 = arith.constant true
    %reduce_max3A_131 = vector.broadcast %reduce_max3A_130 : i1 to vector<16xi1>
    %reduce_max3A_132 = tpu.scan <max>, %parallel_loop3A_125#1 masked %reduce_max3A_131 : vector<16xf32>, vector<16xi1> -> vector<16xf32>
    %reduce_max3A_133 = vector.extract %reduce_max3A_132[15] : f32 from vector<16xf32>
    %broadcast_in_dim3A_134 = arith.constant 0xFF800000 : f32
    "tpu.trace_stop"() : () -> ()
    %broadcast_in_dim3A_135 = vector.broadcast %broadcast_in_dim3A_134 : f32 to vector<16xf32>
    %min3A_136 = arith.constant 16360 : i32
    %min3A_137 = arith.minsi %add3A_129, %min3A_136 : i32
    %swap3A_138 = arith.index_cast %min3A_137 : i32 to index
    %swap3A_139 = tpu.vector_load %arg7[%swap3A_138] {strides = array<i32>} : memref<16376xf32, #tpu.memory_space<vmem>>, vector<16xf32>,
    tpu.vector_store %arg7[%swap3A_138], %broadcast_in_dim3A_135 {strides = array<i32>} : memref<16376xf32, #tpu.memory_space<vmem>>, vector<16xf32>,
    %sub3A_140 = arith.constant 1.000000e+00 : f32
    %sub3A_141 = arith.subf %reduce_max3A_133, %sub3A_140 : f32
    %le3A_142 = arith.constant 16360 : i32
    %le3A_143 = arith.cmpi sle, %add3A_129, %le3A_142 : i32
    "tpu.trace_start"() <{level = 10 : i32, message = "solve"}> : () -> ()
    %convert_element_type3A_144 = arith.extui %le3A_143 : i1 to i32
    %cond3A_145 = arith.constant 0 : i32
    %cond3A_146 = arith.cmpi ne, %convert_element_type3A_144, %cond3A_145 : i32
    %cond3A_147 = scf.if %cond3A_146 -> (vector<16xf32>) {
      %broadcast_in_dim3A_426 = vector.broadcast %sub3A_141 : f32 to vector<16xf32>
      %broadcast_in_dim3A_427 = vector.broadcast %reduce_max3A_133 : f32 to vector<16xf32>
      %scan3A = arith.constant 0 : i32
      %scan3A_428 = arith.constant 12 : i32
      %scan3A_429 = arith.addi %scan3A, %scan3A_428 : i32
      %scan3A_430 = arith.constant 1 : i32
      %scan3A_431:2 = scf.for %scan3A_451 = %scan3A to %scan3A_429 step %scan3A_430 iter_args(%scan3A_452 = %broadcast_in_dim3A_426, %scan3A_453 = %broadcast_in_dim3A_427) -> (vector<16xf32>, vector<16xf32>)  : i32 {
        %sub3A_454 = arith.subf %scan3A_453, %scan3A_452 : vector<16xf32>
        %mul3A_455 = arith.constant 2.500000e-01 : f32
        %mul3A_456 = vector.broadcast %mul3A_455 : f32 to vector<16xf32>
        %mul3A_457 = arith.mulf %mul3A_456, %sub3A_454 : vector<16xf32>
        %add3A_458 = arith.addf %scan3A_452, %mul3A_457 : vector<16xf32>
        %mul3A_459 = arith.constant 5.000000e-01 : f32
        %mul3A_460 = vector.broadcast %mul3A_459 : f32 to vector<16xf32>
        %mul3A_461 = arith.mulf %mul3A_460, %sub3A_454 : vector<16xf32>
        %add3A_462 = arith.addf %scan3A_452, %mul3A_461 : vector<16xf32>
        %mul3A_463 = arith.constant 7.500000e-01 : f32
        %mul3A_464 = vector.broadcast %mul3A_463 : f32 to vector<16xf32>
        %mul3A_465 = arith.mulf %mul3A_464, %sub3A_454 : vector<16xf32>
        %add3A_466 = arith.addf %scan3A_452, %mul3A_465 : vector<16xf32>
        %add3A_467 = arith.constant 15 : i32
        %add3A_468 = arith.addi %add3A_129, %add3A_467 : i32
        %shift_right_arithmetic3A_469 = arith.constant 4 : i32
        %shift_right_arithmetic3A_470 = arith.shrsi %add3A_468, %shift_right_arithmetic3A_469 : i32
        %parallel_loop3A_471 = arith.constant 0 : i32
        %parallel_loop3A_472 = arith.constant 1 : i32
        %parallel_loop3A_473:3 = scf.for %parallel_loop3A_496 = %parallel_loop3A_471 to %shift_right_arithmetic3A_470 step %parallel_loop3A_472 iter_args(%parallel_loop3A_497 = %broadcast_in_dim3A_0, %parallel_loop3A_498 = %broadcast_in_dim3A_0, %parallel_loop3A_499 = %broadcast_in_dim3A_0) -> (vector<16xf32>, vector<16xf32>, vector<16xf32>)  : i32 {
          %parallel_loop3A_500 = arith.constant 16 : i32
          %parallel_loop3A_501 = arith.muli %parallel_loop3A_496, %parallel_loop3A_500 : i32
          %parallel_loop3A_502 = arith.index_cast %parallel_loop3A_501 : i32 to index
          %parallel_loop3A_503 = tpu.vector_load %arg7[%parallel_loop3A_502] {strides = array<i32>} : memref<16376xf32, #tpu.memory_space<vmem>>, vector<16xf32>,
          %parallel_loop3A_504 = arith.subf %parallel_loop3A_503, %add3A_458 : vector<16xf32>
          %parallel_loop3A_505 = arith.constant 0.000000e+00 : f32
          %parallel_loop3A_506 = vector.broadcast %parallel_loop3A_505 : f32 to vector<16xf32>
          %parallel_loop3A_507 = arith.maximumf %parallel_loop3A_504, %parallel_loop3A_506 : vector<16xf32>
          %parallel_loop3A_508 = arith.addf %parallel_loop3A_497, %parallel_loop3A_507 : vector<16xf32>
          %parallel_loop3A_509 = arith.subf %parallel_loop3A_503, %add3A_462 : vector<16xf32>
          %parallel_loop3A_510 = arith.constant 0.000000e+00 : f32
          %parallel_loop3A_511 = vector.broadcast %parallel_loop3A_510 : f32 to vector<16xf32>
          %parallel_loop3A_512 = arith.maximumf %parallel_loop3A_509, %parallel_loop3A_511 : vector<16xf32>
          %parallel_loop3A_513 = arith.addf %parallel_loop3A_498, %parallel_loop3A_512 : vector<16xf32>
          %parallel_loop3A_514 = arith.subf %parallel_loop3A_503, %add3A_466 : vector<16xf32>
          %parallel_loop3A_515 = arith.constant 0.000000e+00 : f32
          %parallel_loop3A_516 = vector.broadcast %parallel_loop3A_515 : f32 to vector<16xf32>
          %parallel_loop3A_517 = arith.maximumf %parallel_loop3A_514, %parallel_loop3A_516 : vector<16xf32>
          %parallel_loop3A_518 = arith.addf %parallel_loop3A_499, %parallel_loop3A_517 : vector<16xf32>
          scf.yield %parallel_loop3A_508, %parallel_loop3A_513, %parallel_loop3A_518 : vector<16xf32>, vector<16xf32>, vector<16xf32>
        } {sc.loop_unroll_factor = 2 : i64, sc.parallel_access}
        %reduce_sum3A_474 = arith.constant true
        %reduce_sum3A_475 = vector.broadcast %reduce_sum3A_474 : i1 to vector<16xi1>
        %reduce_sum3A_476 = tpu.scan <sum>, %parallel_loop3A_473#0 masked %reduce_sum3A_475 : vector<16xf32>, vector<16xi1> -> vector<16xf32>
        %reduce_sum3A_477 = vector.extract %reduce_sum3A_476[15] : f32 from vector<16xf32>
        %reduce_sum3A_478 = arith.constant true
        %reduce_sum3A_479 = vector.broadcast %reduce_sum3A_478 : i1 to vector<16xi1>
        %reduce_sum3A_480 = tpu.scan <sum>, %parallel_loop3A_473#1 masked %reduce_sum3A_479 : vector<16xf32>, vector<16xi1> -> vector<16xf32>
        %reduce_sum3A_481 = vector.extract %reduce_sum3A_480[15] : f32 from vector<16xf32>
        %reduce_sum3A_482 = arith.constant true
        %reduce_sum3A_483 = vector.broadcast %reduce_sum3A_482 : i1 to vector<16xi1>
        %reduce_sum3A_484 = tpu.scan <sum>, %parallel_loop3A_473#2 masked %reduce_sum3A_483 : vector<16xf32>, vector<16xi1> -> vector<16xf32>
        %reduce_sum3A_485 = vector.extract %reduce_sum3A_484[15] : f32 from vector<16xf32>
        %ge3A = arith.constant 1.000000e+00 : f32
        %ge3A_486 = arith.cmpf oge, %reduce_sum3A_477, %ge3A : f32
        %ge3A_487 = arith.constant 1.000000e+00 : f32
        %ge3A_488 = arith.cmpf oge, %reduce_sum3A_481, %ge3A_487 : f32
        %ge3A_489 = arith.constant 1.000000e+00 : f32
        %ge3A_490 = arith.cmpf oge, %reduce_sum3A_485, %ge3A_489 : f32
        %select_n3A = arith.select %ge3A_486, %add3A_458, %scan3A_452 : vector<16xf32>
        %select_n3A_491 = arith.select %ge3A_488, %add3A_462, %select_n3A : vector<16xf32>
        %select_n3A_492 = arith.select %ge3A_490, %add3A_466, %select_n3A_491 : vector<16xf32>
        %select_n3A_493 = arith.select %ge3A_490, %scan3A_453, %add3A_466 : vector<16xf32>
        %select_n3A_494 = arith.select %ge3A_488, %select_n3A_493, %add3A_462 : vector<16xf32>
        %select_n3A_495 = arith.select %ge3A_486, %select_n3A_494, %add3A_458 : vector<16xf32>
        scf.yield %select_n3A_492, %select_n3A_495 : vector<16xf32>, vector<16xf32>
      }
      %scan3A_432 = arith.constant 12 : i32
      %add3A_433 = arith.constant 15 : i32
      %add3A_434 = arith.addi %add3A_129, %add3A_433 : i32
      %shift_right_arithmetic3A = arith.constant 4 : i32
      %shift_right_arithmetic3A_435 = arith.shrsi %add3A_434, %shift_right_arithmetic3A : i32
      %parallel_loop3A_436 = arith.constant 0 : i32
      %parallel_loop3A_437 = arith.constant 1 : i32
      %parallel_loop3A_438:2 = scf.for %parallel_loop3A_451 = %parallel_loop3A_436 to %shift_right_arithmetic3A_435 step %parallel_loop3A_437 iter_args(%parallel_loop3A_452 = %broadcast_in_dim3A_0, %parallel_loop3A_453 = %broadcast_in_dim3A_0) -> (vector<16xf32>, vector<16xf32>)  : i32 {
        %parallel_loop3A_454 = arith.constant 16 : i32
        %parallel_loop3A_455 = arith.muli %parallel_loop3A_451, %parallel_loop3A_454 : i32
        %parallel_loop3A_456 = arith.index_cast %parallel_loop3A_455 : i32 to index
        %parallel_loop3A_457 = tpu.vector_load %arg7[%parallel_loop3A_456] {strides = array<i32>} : memref<16376xf32, #tpu.memory_space<vmem>>, vector<16xf32>,
        %parallel_loop3A_458 = arith.cmpf ogt, %parallel_loop3A_457, %scan3A_431#0 : vector<16xf32>
        %parallel_loop3A_459 = arith.constant 1.000000e+00 : f32
        %parallel_loop3A_460 = arith.constant 0.000000e+00 : f32
        %parallel_loop3A_461 = vector.broadcast %parallel_loop3A_459 : f32 to vector<16xf32>
        %parallel_loop3A_462 = vector.broadcast %parallel_loop3A_460 : f32 to vector<16xf32>
        %parallel_loop3A_463 = arith.select %parallel_loop3A_458, %parallel_loop3A_461, %parallel_loop3A_462 : vector<16xi1>, vector<16xf32>
        %parallel_loop3A_464 = arith.addf %parallel_loop3A_452, %parallel_loop3A_463 : vector<16xf32>
        %parallel_loop3A_465 = arith.constant 0.000000e+00 : f32
        %parallel_loop3A_466 = vector.broadcast %parallel_loop3A_465 : f32 to vector<16xf32>
        %parallel_loop3A_467 = arith.select %parallel_loop3A_458, %parallel_loop3A_457, %parallel_loop3A_466 : vector<16xi1>, vector<16xf32>
        %parallel_loop3A_468 = arith.addf %parallel_loop3A_453, %parallel_loop3A_467 : vector<16xf32>
        scf.yield %parallel_loop3A_464, %parallel_loop3A_468 : vector<16xf32>, vector<16xf32>
      } {sc.loop_unroll_factor = 2 : i64, sc.parallel_access}
      %reduce_sum3A = arith.constant true
      %reduce_sum3A_439 = vector.broadcast %reduce_sum3A : i1 to vector<16xi1>
      %reduce_sum3A_440 = tpu.scan <sum>, %parallel_loop3A_438#0 masked %reduce_sum3A_439 : vector<16xf32>, vector<16xi1> -> vector<16xf32>
      %reduce_sum3A_441 = vector.extract %reduce_sum3A_440[15] : f32 from vector<16xf32>
      %reduce_sum3A_442 = arith.constant true
      %reduce_sum3A_443 = vector.broadcast %reduce_sum3A_442 : i1 to vector<16xi1>
      %reduce_sum3A_444 = tpu.scan <sum>, %parallel_loop3A_438#1 masked %reduce_sum3A_443 : vector<16xf32>, vector<16xi1> -> vector<16xf32>
      %reduce_sum3A_445 = vector.extract %reduce_sum3A_444[15] : f32 from vector<16xf32>
      %broadcast_in_dim3A_446 = vector.broadcast %reduce_sum3A_445 : f32 to vector<16xf32>
      %sub3A_447 = arith.constant 1.000000e+00 : f32
      %sub3A_448 = vector.broadcast %sub3A_447 : f32 to vector<16xf32>
      %sub3A_449 = arith.subf %broadcast_in_dim3A_446, %sub3A_448 : vector<16xf32>
      %broadcast_in_dim3A_450 = vector.broadcast %reduce_sum3A_441 : f32 to vector<16xf32>
      %div3A = arith.divf %sub3A_449, %broadcast_in_dim3A_450 : vector<16xf32>
      scf.yield %div3A : vector<16xf32>
    } else {
      %broadcast_in_dim3A_426 = vector.broadcast %sub3A_141 : f32 to vector<16xf32>
      %broadcast_in_dim3A_427 = vector.broadcast %reduce_max3A_133 : f32 to vector<16xf32>
      %scan3A = arith.constant 0 : i32
      %scan3A_428 = arith.constant 12 : i32
      %scan3A_429 = arith.addi %scan3A, %scan3A_428 : i32
      %scan3A_430 = arith.constant 1 : i32
      %scan3A_431:2 = scf.for %scan3A_451 = %scan3A to %scan3A_429 step %scan3A_430 iter_args(%scan3A_452 = %broadcast_in_dim3A_426, %scan3A_453 = %broadcast_in_dim3A_427) -> (vector<16xf32>, vector<16xf32>)  : i32 {
        %sub3A_454 = arith.subf %scan3A_453, %scan3A_452 : vector<16xf32>
        %mul3A_455 = arith.constant 2.500000e-01 : f32
        %mul3A_456 = vector.broadcast %mul3A_455 : f32 to vector<16xf32>
        %mul3A_457 = arith.mulf %mul3A_456, %sub3A_454 : vector<16xf32>
        %add3A_458 = arith.addf %scan3A_452, %mul3A_457 : vector<16xf32>
        %mul3A_459 = arith.constant 5.000000e-01 : f32
        %mul3A_460 = vector.broadcast %mul3A_459 : f32 to vector<16xf32>
        %mul3A_461 = arith.mulf %mul3A_460, %sub3A_454 : vector<16xf32>
        %add3A_462 = arith.addf %scan3A_452, %mul3A_461 : vector<16xf32>
        %mul3A_463 = arith.constant 7.500000e-01 : f32
        %mul3A_464 = vector.broadcast %mul3A_463 : f32 to vector<16xf32>
        %mul3A_465 = arith.mulf %mul3A_464, %sub3A_454 : vector<16xf32>
        %add3A_466 = arith.addf %scan3A_452, %mul3A_465 : vector<16xf32>
        %scan3A_467 = arith.constant 0 : i32
        %scan3A_468 = arith.constant 2048 : i32
        %scan3A_469 = arith.addi %scan3A_467, %scan3A_468 : i32
        %scan3A_470 = arith.constant 4 : i32
        %scan3A_471:3 = scf.for %scan3A_495 = %scan3A_467 to %scan3A_469 step %scan3A_470 iter_args(%scan3A_496 = %broadcast_in_dim3A_0, %scan3A_497 = %broadcast_in_dim3A_0, %scan3A_498 = %broadcast_in_dim3A_0) -> (vector<16xf32>, vector<16xf32>, vector<16xf32>)  : i32 {
          %mul3A_499 = arith.constant 16 : i32
          %mul3A_500 = arith.muli %scan3A_495, %mul3A_499 : i32
          %get3A = arith.index_cast %mul3A_500 : i32 to index
          %get3A_501 = tpu.vector_load %arg5[%get3A] {strides = array<i32>} : memref<32768xf32, #tpu.memory_space<vmem>>, vector<16xf32>,
          %sub3A_502 = arith.subf %get3A_501, %add3A_458 : vector<16xf32>
          %max3A = arith.constant 0.000000e+00 : f32
          %max3A_503 = vector.broadcast %max3A : f32 to vector<16xf32>
          %max3A_504 = arith.maximumf %sub3A_502, %max3A_503 : vector<16xf32>
          %add3A_505 = arith.addf %scan3A_496, %max3A_504 : vector<16xf32>
          %sub3A_506 = arith.subf %get3A_501, %add3A_462 : vector<16xf32>
          %max3A_507 = arith.constant 0.000000e+00 : f32
          %max3A_508 = vector.broadcast %max3A_507 : f32 to vector<16xf32>
          %max3A_509 = arith.maximumf %sub3A_506, %max3A_508 : vector<16xf32>
          %add3A_510 = arith.addf %scan3A_497, %max3A_509 : vector<16xf32>
          %sub3A_511 = arith.subf %get3A_501, %add3A_466 : vector<16xf32>
          %max3A_512 = arith.constant 0.000000e+00 : f32
          %max3A_513 = vector.broadcast %max3A_512 : f32 to vector<16xf32>
          %max3A_514 = arith.maximumf %sub3A_511, %max3A_513 : vector<16xf32>
          %add3A_515 = arith.addf %scan3A_498, %max3A_514 : vector<16xf32>
          %scan3A_516 = arith.constant 1 : i32
          %scan3A_517 = arith.addi %scan3A_495, %scan3A_516 : i32
          %mul3A_518 = arith.constant 16 : i32
          %mul3A_519 = arith.muli %scan3A_517, %mul3A_518 : i32
          %get3A_520 = arith.index_cast %mul3A_519 : i32 to index
          %get3A_521 = tpu.vector_load %arg5[%get3A_520] {strides = array<i32>} : memref<32768xf32, #tpu.memory_space<vmem>>, vector<16xf32>,
          %sub3A_522 = arith.subf %get3A_521, %add3A_458 : vector<16xf32>
          %max3A_523 = arith.constant 0.000000e+00 : f32
          %max3A_524 = vector.broadcast %max3A_523 : f32 to vector<16xf32>
          %max3A_525 = arith.maximumf %sub3A_522, %max3A_524 : vector<16xf32>
          %add3A_526 = arith.addf %add3A_505, %max3A_525 : vector<16xf32>
          %sub3A_527 = arith.subf %get3A_521, %add3A_462 : vector<16xf32>
          %max3A_528 = arith.constant 0.000000e+00 : f32
          %max3A_529 = vector.broadcast %max3A_528 : f32 to vector<16xf32>
          %max3A_530 = arith.maximumf %sub3A_527, %max3A_529 : vector<16xf32>
          %add3A_531 = arith.addf %add3A_510, %max3A_530 : vector<16xf32>
          %sub3A_532 = arith.subf %get3A_521, %add3A_466 : vector<16xf32>
          %max3A_533 = arith.constant 0.000000e+00 : f32
          %max3A_534 = vector.broadcast %max3A_533 : f32 to vector<16xf32>
          %max3A_535 = arith.maximumf %sub3A_532, %max3A_534 : vector<16xf32>
          %add3A_536 = arith.addf %add3A_515, %max3A_535 : vector<16xf32>
          %scan3A_537 = arith.constant 2 : i32
          %scan3A_538 = arith.addi %scan3A_495, %scan3A_537 : i32
          %mul3A_539 = arith.constant 16 : i32
          %mul3A_540 = arith.muli %scan3A_538, %mul3A_539 : i32
          %get3A_541 = arith.index_cast %mul3A_540 : i32 to index
          %get3A_542 = tpu.vector_load %arg5[%get3A_541] {strides = array<i32>} : memref<32768xf32, #tpu.memory_space<vmem>>, vector<16xf32>,
          %sub3A_543 = arith.subf %get3A_542, %add3A_458 : vector<16xf32>
          %max3A_544 = arith.constant 0.000000e+00 : f32
          %max3A_545 = vector.broadcast %max3A_544 : f32 to vector<16xf32>
          %max3A_546 = arith.maximumf %sub3A_543, %max3A_545 : vector<16xf32>
          %add3A_547 = arith.addf %add3A_526, %max3A_546 : vector<16xf32>
          %sub3A_548 = arith.subf %get3A_542, %add3A_462 : vector<16xf32>
          %max3A_549 = arith.constant 0.000000e+00 : f32
          %max3A_550 = vector.broadcast %max3A_549 : f32 to vector<16xf32>
          %max3A_551 = arith.maximumf %sub3A_548, %max3A_550 : vector<16xf32>
          %add3A_552 = arith.addf %add3A_531, %max3A_551 : vector<16xf32>
          %sub3A_553 = arith.subf %get3A_542, %add3A_466 : vector<16xf32>
          %max3A_554 = arith.constant 0.000000e+00 : f32
          %max3A_555 = vector.broadcast %max3A_554 : f32 to vector<16xf32>
          %max3A_556 = arith.maximumf %sub3A_553, %max3A_555 : vector<16xf32>
          %add3A_557 = arith.addf %add3A_536, %max3A_556 : vector<16xf32>
          %scan3A_558 = arith.constant 3 : i32
          %scan3A_559 = arith.addi %scan3A_495, %scan3A_558 : i32
          %mul3A_560 = arith.constant 16 : i32
          %mul3A_561 = arith.muli %scan3A_559, %mul3A_560 : i32
          %get3A_562 = arith.index_cast %mul3A_561 : i32 to index
          %get3A_563 = tpu.vector_load %arg5[%get3A_562] {strides = array<i32>} : memref<32768xf32, #tpu.memory_space<vmem>>, vector<16xf32>,
          %sub3A_564 = arith.subf %get3A_563, %add3A_458 : vector<16xf32>
          %max3A_565 = arith.constant 0.000000e+00 : f32
          %max3A_566 = vector.broadcast %max3A_565 : f32 to vector<16xf32>
          %max3A_567 = arith.maximumf %sub3A_564, %max3A_566 : vector<16xf32>
          %add3A_568 = arith.addf %add3A_547, %max3A_567 : vector<16xf32>
          %sub3A_569 = arith.subf %get3A_563, %add3A_462 : vector<16xf32>
          %max3A_570 = arith.constant 0.000000e+00 : f32
          %max3A_571 = vector.broadcast %max3A_570 : f32 to vector<16xf32>
          %max3A_572 = arith.maximumf %sub3A_569, %max3A_571 : vector<16xf32>
          %add3A_573 = arith.addf %add3A_552, %max3A_572 : vector<16xf32>
          %sub3A_574 = arith.subf %get3A_563, %add3A_466 : vector<16xf32>
          %max3A_575 = arith.constant 0.000000e+00 : f32
          %max3A_576 = vector.broadcast %max3A_575 : f32 to vector<16xf32>
          %max3A_577 = arith.maximumf %sub3A_574, %max3A_576 : vector<16xf32>
          %add3A_578 = arith.addf %add3A_557, %max3A_577 : vector<16xf32>
          scf.yield %add3A_568, %add3A_573, %add3A_578 : vector<16xf32>, vector<16xf32>, vector<16xf32>
        }
        %scan3A_472 = arith.constant 2048 : i32
        %reduce_sum3A_473 = arith.constant true
        %reduce_sum3A_474 = vector.broadcast %reduce_sum3A_473 : i1 to vector<16xi1>
        %reduce_sum3A_475 = tpu.scan <sum>, %scan3A_471#0 masked %reduce_sum3A_474 : vector<16xf32>, vector<16xi1> -> vector<16xf32>
        %reduce_sum3A_476 = vector.extract %reduce_sum3A_475[15] : f32 from vector<16xf32>
        %reduce_sum3A_477 = arith.constant true
        %reduce_sum3A_478 = vector.broadcast %reduce_sum3A_477 : i1 to vector<16xi1>
        %reduce_sum3A_479 = tpu.scan <sum>, %scan3A_471#1 masked %reduce_sum3A_478 : vector<16xf32>, vector<16xi1> -> vector<16xf32>
        %reduce_sum3A_480 = vector.extract %reduce_sum3A_479[15] : f32 from vector<16xf32>
        %reduce_sum3A_481 = arith.constant true
        %reduce_sum3A_482 = vector.broadcast %reduce_sum3A_481 : i1 to vector<16xi1>
        %reduce_sum3A_483 = tpu.scan <sum>, %scan3A_471#2 masked %reduce_sum3A_482 : vector<16xf32>, vector<16xi1> -> vector<16xf32>
        %reduce_sum3A_484 = vector.extract %reduce_sum3A_483[15] : f32 from vector<16xf32>
        %ge3A = arith.constant 1.000000e+00 : f32
        %ge3A_485 = arith.cmpf oge, %reduce_sum3A_476, %ge3A : f32
        %ge3A_486 = arith.constant 1.000000e+00 : f32
        %ge3A_487 = arith.cmpf oge, %reduce_sum3A_480, %ge3A_486 : f32
        %ge3A_488 = arith.constant 1.000000e+00 : f32
        %ge3A_489 = arith.cmpf oge, %reduce_sum3A_484, %ge3A_488 : f32
        %select_n3A = arith.select %ge3A_485, %add3A_458, %scan3A_452 : vector<16xf32>
        %select_n3A_490 = arith.select %ge3A_487, %add3A_462, %select_n3A : vector<16xf32>
        %select_n3A_491 = arith.select %ge3A_489, %add3A_466, %select_n3A_490 : vector<16xf32>
        %select_n3A_492 = arith.select %ge3A_489, %scan3A_453, %add3A_466 : vector<16xf32>
        %select_n3A_493 = arith.select %ge3A_487, %select_n3A_492, %add3A_462 : vector<16xf32>
        %select_n3A_494 = arith.select %ge3A_485, %select_n3A_493, %add3A_458 : vector<16xf32>
        scf.yield %select_n3A_491, %select_n3A_494 : vector<16xf32>, vector<16xf32>
      }
      %scan3A_432 = arith.constant 12 : i32
      %scan3A_433 = arith.constant 0 : i32
      %scan3A_434 = arith.constant 2048 : i32
      %scan3A_435 = arith.addi %scan3A_433, %scan3A_434 : i32
      %scan3A_436 = arith.constant 1 : i32
      %scan3A_437:2 = scf.for %scan3A_451 = %scan3A_433 to %scan3A_435 step %scan3A_436 iter_args(%scan3A_452 = %broadcast_in_dim3A_0, %scan3A_453 = %broadcast_in_dim3A_0) -> (vector<16xf32>, vector<16xf32>)  : i32 {
        %mul3A_454 = arith.constant 16 : i32
        %mul3A_455 = arith.muli %scan3A_451, %mul3A_454 : i32
        %get3A = arith.index_cast %mul3A_455 : i32 to index
        %get3A_456 = tpu.vector_load %arg5[%get3A] {strides = array<i32>} : memref<32768xf32, #tpu.memory_space<vmem>>, vector<16xf32>,
        %gt3A = arith.cmpf ogt, %get3A_456, %scan3A_431#0 : vector<16xf32>
        %jit3A = arith.constant 1.000000e+00 : f32
        %jit3A_457 = arith.constant 0.000000e+00 : f32
        %broadcast_in_dim3A_458 = vector.broadcast %jit3A : f32 to vector<16xf32>
        %broadcast_in_dim3A_459 = vector.broadcast %jit3A_457 : f32 to vector<16xf32>
        %select_n3A = arith.select %gt3A, %broadcast_in_dim3A_458, %broadcast_in_dim3A_459 : vector<16xi1>, vector<16xf32>
        %add3A_460 = arith.addf %scan3A_452, %select_n3A : vector<16xf32>
        %jit3A_461 = arith.constant 0.000000e+00 : f32
        %broadcast_in_dim3A_462 = vector.broadcast %jit3A_461 : f32 to vector<16xf32>
        %select_n3A_463 = arith.select %gt3A, %get3A_456, %broadcast_in_dim3A_462 : vector<16xi1>, vector<16xf32>
        %add3A_464 = arith.addf %scan3A_453, %select_n3A_463 : vector<16xf32>
        scf.yield %add3A_460, %add3A_464 : vector<16xf32>, vector<16xf32>
      }
      %scan3A_438 = arith.constant 2048 : i32
      %reduce_sum3A = arith.constant true
      %reduce_sum3A_439 = vector.broadcast %reduce_sum3A : i1 to vector<16xi1>
      %reduce_sum3A_440 = tpu.scan <sum>, %scan3A_437#0 masked %reduce_sum3A_439 : vector<16xf32>, vector<16xi1> -> vector<16xf32>
      %reduce_sum3A_441 = vector.extract %reduce_sum3A_440[15] : f32 from vector<16xf32>
      %reduce_sum3A_442 = arith.constant true
      %reduce_sum3A_443 = vector.broadcast %reduce_sum3A_442 : i1 to vector<16xi1>
      %reduce_sum3A_444 = tpu.scan <sum>, %scan3A_437#1 masked %reduce_sum3A_443 : vector<16xf32>, vector<16xi1> -> vector<16xf32>
      %reduce_sum3A_445 = vector.extract %reduce_sum3A_444[15] : f32 from vector<16xf32>
      %broadcast_in_dim3A_446 = vector.broadcast %reduce_sum3A_445 : f32 to vector<16xf32>
      %sub3A_447 = arith.constant 1.000000e+00 : f32
      %sub3A_448 = vector.broadcast %sub3A_447 : f32 to vector<16xf32>
      %sub3A_449 = arith.subf %broadcast_in_dim3A_446, %sub3A_448 : vector<16xf32>
      %broadcast_in_dim3A_450 = vector.broadcast %reduce_sum3A_441 : f32 to vector<16xf32>
      %div3A = arith.divf %sub3A_449, %broadcast_in_dim3A_450 : vector<16xf32>
      scf.yield %div3A : vector<16xf32>
    }
    "tpu.trace_stop"() : () -> ()
    "tpu.trace_start"() <{level = 10 : i32, message = "owait"}> : () -> ()
    %dma_wait3A_148 = arith.constant 0 : i32
    %dma_wait3A_149 = tpu.memref_slice %arg6[%dma_wait3A_148] : memref<32768xf32, #tpu.memory_space<vmem>> -> memref<16384xf32, #tpu.memory_space<vmem>>
    %dma_wait3A_150 = arith.constant 0 : i32
    %dma_wait3A_151 = tpu.memref_slice %arg3[%add3A_63, %dma_wait3A_150] : memref<128x32768xf32, #tpu.memory_space<hbm>> -> memref<1x16384xf32, #tpu.memory_space<hbm>>
    %dma_wait3A_152 = tpu.memref_squeeze %dma_wait3A_151 : memref<1x16384xf32, #tpu.memory_space<hbm>> -> memref<16384xf32, #tpu.memory_space<hbm>>
    %dma_wait3A_153 = arith.constant 0 : i32
    %dma_wait3A_154 = tpu.memref_slice %arg3[%add3A_63, %dma_wait3A_153] : memref<128x32768xf32, #tpu.memory_space<hbm>> -> memref<1x16384xf32, #tpu.memory_space<hbm>>
    %dma_wait3A_155 = tpu.memref_squeeze %dma_wait3A_154 : memref<1x16384xf32, #tpu.memory_space<hbm>> -> memref<16384xf32, #tpu.memory_space<hbm>>
    %dma_wait3A_156 = arith.constant 0 : i32
    %dma_wait3A_157 = tpu.memref_slice %arg6[%dma_wait3A_156] : memref<32768xf32, #tpu.memory_space<vmem>> -> memref<16384xf32, #tpu.memory_space<vmem>>
    tpu.wait_dma2 semaphore(%arg10 : memref<!tpu.dma_semaphore, #tpu.memory_space<semaphore_mem>>) src(%dma_wait3A_157 : memref<16384xf32, #tpu.memory_space<vmem>>) dst(%dma_wait3A_155 : memref<16384xf32, #tpu.memory_space<hbm>>)
    %dma_wait3A_158 = arith.constant 16384 : i32
    %dma_wait3A_159 = tpu.memref_slice %arg6[%dma_wait3A_158] : memref<32768xf32, #tpu.memory_space<vmem>> -> memref<16384xf32, #tpu.memory_space<vmem>>
    %dma_wait3A_160 = arith.constant 16384 : i32
    %dma_wait3A_161 = tpu.memref_slice %arg3[%add3A_78, %dma_wait3A_160] : memref<128x32768xf32, #tpu.memory_space<hbm>> -> memref<1x16384xf32, #tpu.memory_space<hbm>>
    %dma_wait3A_162 = tpu.memref_squeeze %dma_wait3A_161 : memref<1x16384xf32, #tpu.memory_space<hbm>> -> memref<16384xf32, #tpu.memory_space<hbm>>
    %dma_wait3A_163 = arith.constant 16384 : i32
    %dma_wait3A_164 = tpu.memref_slice %arg3[%add3A_78, %dma_wait3A_163] : memref<128x32768xf32, #tpu.memory_space<hbm>> -> memref<1x16384xf32, #tpu.memory_space<hbm>>
    %dma_wait3A_165 = tpu.memref_squeeze %dma_wait3A_164 : memref<1x16384xf32, #tpu.memory_space<hbm>> -> memref<16384xf32, #tpu.memory_space<hbm>>
    %dma_wait3A_166 = arith.constant 16384 : i32
    %dma_wait3A_167 = tpu.memref_slice %arg6[%dma_wait3A_166] : memref<32768xf32, #tpu.memory_space<vmem>> -> memref<16384xf32, #tpu.memory_space<vmem>>
    tpu.wait_dma2 semaphore(%arg10 : memref<!tpu.dma_semaphore, #tpu.memory_space<semaphore_mem>>) src(%dma_wait3A_167 : memref<16384xf32, #tpu.memory_space<vmem>>) dst(%dma_wait3A_165 : memref<16384xf32, #tpu.memory_space<hbm>>)
    %parallel_loop3A_168 = arith.constant 0 : i32
    %parallel_loop3A_169 = arith.constant 1024 : i32
    %parallel_loop3A_170 = arith.constant 1 : i32
    "tpu.trace_stop"() : () -> ()
    "tpu.trace_start"() <{level = 10 : i32, message = "relu"}> : () -> ()
    scf.for %parallel_loop3A_426 = %parallel_loop3A_168 to %parallel_loop3A_169 step %parallel_loop3A_170  : i32 {
      %parallel_loop3A_427 = arith.constant 16 : i32
      %parallel_loop3A_428 = arith.muli %parallel_loop3A_426, %parallel_loop3A_427 : i32
      %parallel_loop3A_429 = arith.index_cast %parallel_loop3A_428 : i32 to index
      %parallel_loop3A_430 = tpu.vector_load %arg5[%parallel_loop3A_429] {strides = array<i32>} : memref<32768xf32, #tpu.memory_space<vmem>>, vector<16xf32>,
      %parallel_loop3A_431 = arith.subf %parallel_loop3A_430, %cond3A_147 : vector<16xf32>
      %parallel_loop3A_432 = arith.constant 0.000000e+00 : f32
      %parallel_loop3A_433 = vector.broadcast %parallel_loop3A_432 : f32 to vector<16xf32>
      %parallel_loop3A_434 = arith.maximumf %parallel_loop3A_431, %parallel_loop3A_433 : vector<16xf32>
      %parallel_loop3A_435 = arith.constant 16 : i32
      %parallel_loop3A_436 = arith.muli %parallel_loop3A_426, %parallel_loop3A_435 : i32
      %parallel_loop3A_437 = arith.index_cast %parallel_loop3A_436 : i32 to index
      %parallel_loop3A_438 = tpu.vector_load %arg6[%parallel_loop3A_437] {strides = array<i32>} : memref<32768xf32, #tpu.memory_space<vmem>>, vector<16xf32>,
      tpu.vector_store %arg6[%parallel_loop3A_437], %parallel_loop3A_434 {strides = array<i32>} : memref<32768xf32, #tpu.memory_space<vmem>>, vector<16xf32>,
    } {sc.loop_unroll_factor = 8 : i64, sc.parallel_access}
    %add3A_171 = arith.constant 1 : i32
    %add3A_172 = arith.addi %mul3A_5, %add3A_171 : i32
    %dma_start3A_173 = arith.constant 0 : i32
    %dma_start3A_174 = tpu.memref_slice %arg6[%dma_start3A_173] : memref<32768xf32, #tpu.memory_space<vmem>> -> memref<16384xf32, #tpu.memory_space<vmem>>
    %dma_start3A_175 = arith.constant 0 : i32
    %dma_start3A_176 = tpu.memref_slice %arg3[%add3A_172, %dma_start3A_175] : memref<128x32768xf32, #tpu.memory_space<hbm>> -> memref<1x16384xf32, #tpu.memory_space<hbm>>
    %dma_start3A_177 = tpu.memref_squeeze %dma_start3A_176 : memref<1x16384xf32, #tpu.memory_space<hbm>> -> memref<16384xf32, #tpu.memory_space<hbm>>
    %dma_start3A_178 = arith.constant 0 : i32
    %dma_start3A_179 = tpu.memref_slice %arg3[%add3A_172, %dma_start3A_178] : memref<128x32768xf32, #tpu.memory_space<hbm>> -> memref<1x16384xf32, #tpu.memory_space<hbm>>
    %dma_start3A_180 = tpu.memref_squeeze %dma_start3A_179 : memref<1x16384xf32, #tpu.memory_space<hbm>> -> memref<16384xf32, #tpu.memory_space<hbm>>
    %dma_start3A_181 = arith.constant 0 : i32
    %dma_start3A_182 = tpu.memref_slice %arg6[%dma_start3A_181] : memref<32768xf32, #tpu.memory_space<vmem>> -> memref<16384xf32, #tpu.memory_space<vmem>>
    tpu.enqueue_dma source(%dma_start3A_182 : memref<16384xf32, #tpu.memory_space<vmem>>) target(%dma_start3A_180 : memref<16384xf32, #tpu.memory_space<hbm>>) target_semaphore(%arg10 : memref<!tpu.dma_semaphore, #tpu.memory_space<semaphore_mem>>)
    %parallel_loop3A_183 = arith.constant 1024 : i32
    %parallel_loop3A_184 = arith.constant 2048 : i32
    %parallel_loop3A_185 = arith.constant 1 : i32
    scf.for %parallel_loop3A_426 = %parallel_loop3A_183 to %parallel_loop3A_184 step %parallel_loop3A_185  : i32 {
      %parallel_loop3A_427 = arith.constant 16 : i32
      %parallel_loop3A_428 = arith.muli %parallel_loop3A_426, %parallel_loop3A_427 : i32
      %parallel_loop3A_429 = arith.index_cast %parallel_loop3A_428 : i32 to index
      %parallel_loop3A_430 = tpu.vector_load %arg5[%parallel_loop3A_429] {strides = array<i32>} : memref<32768xf32, #tpu.memory_space<vmem>>, vector<16xf32>,
      %parallel_loop3A_431 = arith.subf %parallel_loop3A_430, %cond3A_147 : vector<16xf32>
      %parallel_loop3A_432 = arith.constant 0.000000e+00 : f32
      %parallel_loop3A_433 = vector.broadcast %parallel_loop3A_432 : f32 to vector<16xf32>
      %parallel_loop3A_434 = arith.maximumf %parallel_loop3A_431, %parallel_loop3A_433 : vector<16xf32>
      %parallel_loop3A_435 = arith.constant 16 : i32
      %parallel_loop3A_436 = arith.muli %parallel_loop3A_426, %parallel_loop3A_435 : i32
      %parallel_loop3A_437 = arith.index_cast %parallel_loop3A_436 : i32 to index
      %parallel_loop3A_438 = tpu.vector_load %arg6[%parallel_loop3A_437] {strides = array<i32>} : memref<32768xf32, #tpu.memory_space<vmem>>, vector<16xf32>,
      tpu.vector_store %arg6[%parallel_loop3A_437], %parallel_loop3A_434 {strides = array<i32>} : memref<32768xf32, #tpu.memory_space<vmem>>, vector<16xf32>,
    } {sc.loop_unroll_factor = 8 : i64, sc.parallel_access}
    %add3A_186 = arith.constant 1 : i32
    %add3A_187 = arith.addi %mul3A_5, %add3A_186 : i32
    %dma_start3A_188 = arith.constant 16384 : i32
    %dma_start3A_189 = tpu.memref_slice %arg6[%dma_start3A_188] : memref<32768xf32, #tpu.memory_space<vmem>> -> memref<16384xf32, #tpu.memory_space<vmem>>
    %dma_start3A_190 = arith.constant 16384 : i32
    %dma_start3A_191 = tpu.memref_slice %arg3[%add3A_187, %dma_start3A_190] : memref<128x32768xf32, #tpu.memory_space<hbm>> -> memref<1x16384xf32, #tpu.memory_space<hbm>>
    %dma_start3A_192 = tpu.memref_squeeze %dma_start3A_191 : memref<1x16384xf32, #tpu.memory_space<hbm>> -> memref<16384xf32, #tpu.memory_space<hbm>>
    %dma_start3A_193 = arith.constant 16384 : i32
    %dma_start3A_194 = tpu.memref_slice %arg3[%add3A_187, %dma_start3A_193] : memref<128x32768xf32, #tpu.memory_space<hbm>> -> memref<1x16384xf32, #tpu.memory_space<hbm>>
    %dma_start3A_195 = tpu.memref_squeeze %dma_start3A_194 : memref<1x16384xf32, #tpu.memory_space<hbm>> -> memref<16384xf32, #tpu.memory_space<hbm>>
    %dma_start3A_196 = arith.constant 16384 : i32
    %dma_start3A_197 = tpu.memref_slice %arg6[%dma_start3A_196] : memref<32768xf32, #tpu.memory_space<vmem>> -> memref<16384xf32, #tpu.memory_space<vmem>>
    tpu.enqueue_dma source(%dma_start3A_197 : memref<16384xf32, #tpu.memory_space<vmem>>) target(%dma_start3A_195 : memref<16384xf32, #tpu.memory_space<hbm>>) target_semaphore(%arg10 : memref<!tpu.dma_semaphore, #tpu.memory_space<semaphore_mem>>)
    "tpu.trace_stop"() : () -> ()
    "tpu.trace_start"() <{level = 10 : i32, message = "iwait"}> : () -> ()
    %dma_wait3A_198 = arith.constant 0 : i32
    %dma_wait3A_199 = tpu.memref_slice %arg2[%add3A_98, %dma_wait3A_198] : memref<128x32768xf32, #tpu.memory_space<hbm>> -> memref<1x32768xf32, #tpu.memory_space<hbm>>
    %dma_wait3A_200 = tpu.memref_squeeze %dma_wait3A_199 : memref<1x32768xf32, #tpu.memory_space<hbm>> -> memref<32768xf32, #tpu.memory_space<hbm>>
    %dma_wait3A_201 = arith.constant 0 : i32
    %dma_wait3A_202 = tpu.memref_slice %arg2[%add3A_98, %dma_wait3A_201] : memref<128x32768xf32, #tpu.memory_space<hbm>> -> memref<1x32768xf32, #tpu.memory_space<hbm>>
    %dma_wait3A_203 = tpu.memref_squeeze %dma_wait3A_202 : memref<1x32768xf32, #tpu.memory_space<hbm>> -> memref<32768xf32, #tpu.memory_space<hbm>>
    tpu.wait_dma2 semaphore(%arg8 : memref<!tpu.dma_semaphore, #tpu.memory_space<semaphore_mem>>) src(%dma_wait3A_203 : memref<32768xf32, #tpu.memory_space<hbm>>) dst(%arg4 : memref<32768xf32, #tpu.memory_space<vmem>>)
    "tpu.trace_stop"() : () -> ()
    %add3A_204 = arith.constant 2 : i32
    %add3A_205 = arith.addi %mul3A_5, %add3A_204 : i32
    %add3A_206 = arith.constant 1 : i32
    %add3A_207 = arith.addi %add3A_205, %add3A_206 : i32
    %dma_start3A_208 = arith.constant 0 : i32
    %dma_start3A_209 = tpu.memref_slice %arg2[%add3A_207, %dma_start3A_208] : memref<128x32768xf32, #tpu.memory_space<hbm>> -> memref<1x32768xf32, #tpu.memory_space<hbm>>
    %dma_start3A_210 = tpu.memref_squeeze %dma_start3A_209 : memref<1x32768xf32, #tpu.memory_space<hbm>> -> memref<32768xf32, #tpu.memory_space<hbm>>
    %dma_start3A_211 = arith.constant 0 : i32
    %dma_start3A_212 = tpu.memref_slice %arg2[%add3A_207, %dma_start3A_211] : memref<128x32768xf32, #tpu.memory_space<hbm>> -> memref<1x32768xf32, #tpu.memory_space<hbm>>
    %dma_start3A_213 = tpu.memref_squeeze %dma_start3A_212 : memref<1x32768xf32, #tpu.memory_space<hbm>> -> memref<32768xf32, #tpu.memory_space<hbm>>
    tpu.enqueue_dma source(%dma_start3A_213 : memref<32768xf32, #tpu.memory_space<hbm>>) target(%arg5 : memref<32768xf32, #tpu.memory_space<vmem>>) target_semaphore(%arg9 : memref<!tpu.dma_semaphore, #tpu.memory_space<semaphore_mem>>)
    %broadcast_in_dim3A_214 = arith.constant 0xFF800000 : f32
    "tpu.trace_start"() <{level = 10 : i32, message = "smax"}> : () -> ()
    %broadcast_in_dim3A_215 = vector.broadcast %broadcast_in_dim3A_214 : f32 to vector<16xf32>
    %parallel_loop3A_216 = arith.constant 0 : i32
    %parallel_loop3A_217 = arith.constant 128 : i32
    %parallel_loop3A_218 = arith.constant 1 : i32
    %parallel_loop3A_219 = scf.for %parallel_loop3A_426 = %parallel_loop3A_216 to %parallel_loop3A_217 step %parallel_loop3A_218 iter_args(%parallel_loop3A_427 = %broadcast_in_dim3A_215) -> (vector<16xf32>)  : i32 {
      %parallel_loop3A_428 = arith.constant 8 : i32
      %parallel_loop3A_429 = arith.muli %parallel_loop3A_426, %parallel_loop3A_428 : i32
      %parallel_loop3A_430 = arith.constant 2 : i32
      %parallel_loop3A_431 = arith.muli %parallel_loop3A_429, %parallel_loop3A_430 : i32
      %parallel_loop3A_432 = arith.constant 16 : i32
      %parallel_loop3A_433 = arith.muli %parallel_loop3A_431, %parallel_loop3A_432 : i32
      %parallel_loop3A_434 = arith.index_cast %parallel_loop3A_433 : i32 to index
      %parallel_loop3A_435 = tpu.vector_load %arg4[%parallel_loop3A_434] {strides = array<i32>} : memref<32768xf32, #tpu.memory_space<vmem>>, vector<16xf32>,
      %parallel_loop3A_436 = arith.constant 8 : i32
      %parallel_loop3A_437 = arith.muli %parallel_loop3A_426, %parallel_loop3A_436 : i32
      %parallel_loop3A_438 = arith.constant 2 : i32
      %parallel_loop3A_439 = arith.muli %parallel_loop3A_437, %parallel_loop3A_438 : i32
      %parallel_loop3A_440 = arith.constant 8 : i32
      %parallel_loop3A_441 = arith.addi %parallel_loop3A_439, %parallel_loop3A_440 : i32
      %parallel_loop3A_442 = arith.constant 16 : i32
      %parallel_loop3A_443 = arith.muli %parallel_loop3A_441, %parallel_loop3A_442 : i32
      %parallel_loop3A_444 = arith.index_cast %parallel_loop3A_443 : i32 to index
      %parallel_loop3A_445 = tpu.vector_load %arg4[%parallel_loop3A_444] {strides = array<i32>} : memref<32768xf32, #tpu.memory_space<vmem>>, vector<16xf32>,
      %parallel_loop3A_446 = arith.maximumf %parallel_loop3A_435, %parallel_loop3A_445 : vector<16xf32>
      %parallel_loop3A_447 = arith.maximumf %parallel_loop3A_427, %parallel_loop3A_446 : vector<16xf32>
      scf.yield %parallel_loop3A_447 : vector<16xf32>
    } {sc.loop_unroll_factor = 4 : i64, sc.parallel_access}
    %reduce_max3A_220 = arith.constant true
    %reduce_max3A_221 = vector.broadcast %reduce_max3A_220 : i1 to vector<16xi1>
    %reduce_max3A_222 = tpu.scan <max>, %parallel_loop3A_219 masked %reduce_max3A_221 : vector<16xf32>, vector<16xi1> -> vector<16xf32>
    %reduce_max3A_223 = vector.extract %reduce_max3A_222[15] : f32 from vector<16xf32>
    "tpu.trace_stop"() : () -> ()
    %sub3A_224 = arith.constant 1.000000e+00 : f32
    %sub3A_225 = arith.subf %reduce_max3A_223, %sub3A_224 : f32
    %broadcast_in_dim3A_226 = vector.broadcast %sub3A_225 : f32 to vector<16xf32>
    %broadcast_in_dim3A_227 = arith.constant -1 : i32
    "tpu.trace_start"() <{level = 10 : i32, message = "compress"}> : () -> ()
    %broadcast_in_dim3A_228 = vector.broadcast %broadcast_in_dim3A_227 : i32 to vector<16xi32>
    %broadcast_in_dim3A_229 = arith.constant 0xFF800000 : f32
    %broadcast_in_dim3A_230 = vector.broadcast %broadcast_in_dim3A_229 : f32 to vector<16xf32>
    %parallel_loop3A_231 = arith.constant 0 : i32
    %parallel_loop3A_232 = arith.constant 2048 : i32
    %parallel_loop3A_233 = arith.constant 1 : i32
    %parallel_loop3A_234:2 = scf.for %parallel_loop3A_426 = %parallel_loop3A_231 to %parallel_loop3A_232 step %parallel_loop3A_233 iter_args(%parallel_loop3A_427 = %broadcast_in_dim3A_228, %parallel_loop3A_428 = %broadcast_in_dim3A_230) -> (vector<16xi32>, vector<16xf32>)  : i32 {
      %parallel_loop3A_429 = arith.constant 16 : i32
      %parallel_loop3A_430 = arith.muli %parallel_loop3A_426, %parallel_loop3A_429 : i32
      %parallel_loop3A_431 = arith.index_cast %parallel_loop3A_430 : i32 to index
      %parallel_loop3A_432 = tpu.vector_load %arg4[%parallel_loop3A_431] {strides = array<i32>} : memref<32768xf32, #tpu.memory_space<vmem>>, vector<16xf32>,
      %parallel_loop3A_433 = arith.cmpf ogt, %parallel_loop3A_432, %broadcast_in_dim3A_226 : vector<16xf32>
      %parallel_loop3A_434 = tpu.scan <sum>, %broadcast_in_dim3A_2 masked %parallel_loop3A_433 : vector<16xi32>, vector<16xi1> -> vector<16xi32>
      %parallel_loop3A_435 = arith.addi %parallel_loop3A_427, %parallel_loop3A_434 : vector<16xi32>
      %parallel_loop3A_436 = vector.bitcast %parallel_loop3A_435 : vector<16xi32> to vector<16xi32>
      %parallel_loop3A_437 = arith.constant 16375 : i32
      %parallel_loop3A_438 = vector.broadcast %parallel_loop3A_437 : i32 to vector<16xi32>
      %parallel_loop3A_439 = arith.minui %parallel_loop3A_436, %parallel_loop3A_438 : vector<16xi32>
      %parallel_loop3A_440 = vector.bitcast %parallel_loop3A_439 : vector<16xi32> to vector<16xi32>
      tpu.vector_store_idx %arg7[%parallel_loop3A_440], %parallel_loop3A_432 masked %parallel_loop3A_433 : memref<16376xf32, #tpu.memory_space<vmem>>[vector<16xi32>], vector<16xf32>, vector<16xi1>
      %parallel_loop3A_441 = tpu.all_reduce %parallel_loop3A_433 {dim = 0 : i64, kind = #tpu.reduction_kind<sum>} : vector<16xi1> -> vector<16xi32>
      %parallel_loop3A_442 = arith.addi %parallel_loop3A_427, %parallel_loop3A_441 : vector<16xi32>
      %parallel_loop3A_443 = arith.maximumf %parallel_loop3A_428, %parallel_loop3A_432 : vector<16xf32>
      scf.yield %parallel_loop3A_442, %parallel_loop3A_443 : vector<16xi32>, vector<16xf32>
    } {sc.loop_unroll_factor = 8 : i64, sc.parallel_access}
    %slice3A_235 = vector.extract_strided_slice %parallel_loop3A_234#0 {offsets = [0], sizes = [1], strides = [1]} : vector<16xi32> to vector<1xi32>
    %squeeze3A_236 = vector.extract %slice3A_235[0] : i32 from vector<1xi32>
    %add3A_237 = arith.constant 1 : i32
    %add3A_238 = arith.addi %squeeze3A_236, %add3A_237 : i32
    %reduce_max3A_239 = arith.constant true
    %reduce_max3A_240 = vector.broadcast %reduce_max3A_239 : i1 to vector<16xi1>
    %reduce_max3A_241 = tpu.scan <max>, %parallel_loop3A_234#1 masked %reduce_max3A_240 : vector<16xf32>, vector<16xi1> -> vector<16xf32>
    %reduce_max3A_242 = vector.extract %reduce_max3A_241[15] : f32 from vector<16xf32>
    %broadcast_in_dim3A_243 = arith.constant 0xFF800000 : f32
    "tpu.trace_stop"() : () -> ()
    %broadcast_in_dim3A_244 = vector.broadcast %broadcast_in_dim3A_243 : f32 to vector<16xf32>
    %min3A_245 = arith.constant 16360 : i32
    %min3A_246 = arith.minsi %add3A_238, %min3A_245 : i32
    %swap3A_247 = arith.index_cast %min3A_246 : i32 to index
    %swap3A_248 = tpu.vector_load %arg7[%swap3A_247] {strides = array<i32>} : memref<16376xf32, #tpu.memory_space<vmem>>, vector<16xf32>,
    tpu.vector_store %arg7[%swap3A_247], %broadcast_in_dim3A_244 {strides = array<i32>} : memref<16376xf32, #tpu.memory_space<vmem>>, vector<16xf32>,
    %sub3A_249 = arith.constant 1.000000e+00 : f32
    %sub3A_250 = arith.subf %reduce_max3A_242, %sub3A_249 : f32
    %le3A_251 = arith.constant 16360 : i32
    %le3A_252 = arith.cmpi sle, %add3A_238, %le3A_251 : i32
    "tpu.trace_start"() <{level = 10 : i32, message = "solve"}> : () -> ()
    %convert_element_type3A_253 = arith.extui %le3A_252 : i1 to i32
    %cond3A_254 = arith.constant 0 : i32
    %cond3A_255 = arith.cmpi ne, %convert_element_type3A_253, %cond3A_254 : i32
    %cond3A_256 = scf.if %cond3A_255 -> (vector<16xf32>) {
      %broadcast_in_dim3A_426 = vector.broadcast %sub3A_250 : f32 to vector<16xf32>
      %broadcast_in_dim3A_427 = vector.broadcast %reduce_max3A_242 : f32 to vector<16xf32>
      %scan3A = arith.constant 0 : i32
      %scan3A_428 = arith.constant 12 : i32
      %scan3A_429 = arith.addi %scan3A, %scan3A_428 : i32
      %scan3A_430 = arith.constant 1 : i32
      %scan3A_431:2 = scf.for %scan3A_451 = %scan3A to %scan3A_429 step %scan3A_430 iter_args(%scan3A_452 = %broadcast_in_dim3A_426, %scan3A_453 = %broadcast_in_dim3A_427) -> (vector<16xf32>, vector<16xf32>)  : i32 {
        %sub3A_454 = arith.subf %scan3A_453, %scan3A_452 : vector<16xf32>
        %mul3A_455 = arith.constant 2.500000e-01 : f32
        %mul3A_456 = vector.broadcast %mul3A_455 : f32 to vector<16xf32>
        %mul3A_457 = arith.mulf %mul3A_456, %sub3A_454 : vector<16xf32>
        %add3A_458 = arith.addf %scan3A_452, %mul3A_457 : vector<16xf32>
        %mul3A_459 = arith.constant 5.000000e-01 : f32
        %mul3A_460 = vector.broadcast %mul3A_459 : f32 to vector<16xf32>
        %mul3A_461 = arith.mulf %mul3A_460, %sub3A_454 : vector<16xf32>
        %add3A_462 = arith.addf %scan3A_452, %mul3A_461 : vector<16xf32>
        %mul3A_463 = arith.constant 7.500000e-01 : f32
        %mul3A_464 = vector.broadcast %mul3A_463 : f32 to vector<16xf32>
        %mul3A_465 = arith.mulf %mul3A_464, %sub3A_454 : vector<16xf32>
        %add3A_466 = arith.addf %scan3A_452, %mul3A_465 : vector<16xf32>
        %add3A_467 = arith.constant 15 : i32
        %add3A_468 = arith.addi %add3A_238, %add3A_467 : i32
        %shift_right_arithmetic3A_469 = arith.constant 4 : i32
        %shift_right_arithmetic3A_470 = arith.shrsi %add3A_468, %shift_right_arithmetic3A_469 : i32
        %parallel_loop3A_471 = arith.constant 0 : i32
        %parallel_loop3A_472 = arith.constant 1 : i32
        %parallel_loop3A_473:3 = scf.for %parallel_loop3A_496 = %parallel_loop3A_471 to %shift_right_arithmetic3A_470 step %parallel_loop3A_472 iter_args(%parallel_loop3A_497 = %broadcast_in_dim3A_0, %parallel_loop3A_498 = %broadcast_in_dim3A_0, %parallel_loop3A_499 = %broadcast_in_dim3A_0) -> (vector<16xf32>, vector<16xf32>, vector<16xf32>)  : i32 {
          %parallel_loop3A_500 = arith.constant 16 : i32
          %parallel_loop3A_501 = arith.muli %parallel_loop3A_496, %parallel_loop3A_500 : i32
          %parallel_loop3A_502 = arith.index_cast %parallel_loop3A_501 : i32 to index
          %parallel_loop3A_503 = tpu.vector_load %arg7[%parallel_loop3A_502] {strides = array<i32>} : memref<16376xf32, #tpu.memory_space<vmem>>, vector<16xf32>,
          %parallel_loop3A_504 = arith.subf %parallel_loop3A_503, %add3A_458 : vector<16xf32>
          %parallel_loop3A_505 = arith.constant 0.000000e+00 : f32
          %parallel_loop3A_506 = vector.broadcast %parallel_loop3A_505 : f32 to vector<16xf32>
          %parallel_loop3A_507 = arith.maximumf %parallel_loop3A_504, %parallel_loop3A_506 : vector<16xf32>
          %parallel_loop3A_508 = arith.addf %parallel_loop3A_497, %parallel_loop3A_507 : vector<16xf32>
          %parallel_loop3A_509 = arith.subf %parallel_loop3A_503, %add3A_462 : vector<16xf32>
          %parallel_loop3A_510 = arith.constant 0.000000e+00 : f32
          %parallel_loop3A_511 = vector.broadcast %parallel_loop3A_510 : f32 to vector<16xf32>
          %parallel_loop3A_512 = arith.maximumf %parallel_loop3A_509, %parallel_loop3A_511 : vector<16xf32>
          %parallel_loop3A_513 = arith.addf %parallel_loop3A_498, %parallel_loop3A_512 : vector<16xf32>
          %parallel_loop3A_514 = arith.subf %parallel_loop3A_503, %add3A_466 : vector<16xf32>
          %parallel_loop3A_515 = arith.constant 0.000000e+00 : f32
          %parallel_loop3A_516 = vector.broadcast %parallel_loop3A_515 : f32 to vector<16xf32>
          %parallel_loop3A_517 = arith.maximumf %parallel_loop3A_514, %parallel_loop3A_516 : vector<16xf32>
          %parallel_loop3A_518 = arith.addf %parallel_loop3A_499, %parallel_loop3A_517 : vector<16xf32>
          scf.yield %parallel_loop3A_508, %parallel_loop3A_513, %parallel_loop3A_518 : vector<16xf32>, vector<16xf32>, vector<16xf32>
        } {sc.loop_unroll_factor = 2 : i64, sc.parallel_access}
        %reduce_sum3A_474 = arith.constant true
        %reduce_sum3A_475 = vector.broadcast %reduce_sum3A_474 : i1 to vector<16xi1>
        %reduce_sum3A_476 = tpu.scan <sum>, %parallel_loop3A_473#0 masked %reduce_sum3A_475 : vector<16xf32>, vector<16xi1> -> vector<16xf32>
        %reduce_sum3A_477 = vector.extract %reduce_sum3A_476[15] : f32 from vector<16xf32>
        %reduce_sum3A_478 = arith.constant true
        %reduce_sum3A_479 = vector.broadcast %reduce_sum3A_478 : i1 to vector<16xi1>
        %reduce_sum3A_480 = tpu.scan <sum>, %parallel_loop3A_473#1 masked %reduce_sum3A_479 : vector<16xf32>, vector<16xi1> -> vector<16xf32>
        %reduce_sum3A_481 = vector.extract %reduce_sum3A_480[15] : f32 from vector<16xf32>
        %reduce_sum3A_482 = arith.constant true
        %reduce_sum3A_483 = vector.broadcast %reduce_sum3A_482 : i1 to vector<16xi1>
        %reduce_sum3A_484 = tpu.scan <sum>, %parallel_loop3A_473#2 masked %reduce_sum3A_483 : vector<16xf32>, vector<16xi1> -> vector<16xf32>
        %reduce_sum3A_485 = vector.extract %reduce_sum3A_484[15] : f32 from vector<16xf32>
        %ge3A = arith.constant 1.000000e+00 : f32
        %ge3A_486 = arith.cmpf oge, %reduce_sum3A_477, %ge3A : f32
        %ge3A_487 = arith.constant 1.000000e+00 : f32
        %ge3A_488 = arith.cmpf oge, %reduce_sum3A_481, %ge3A_487 : f32
        %ge3A_489 = arith.constant 1.000000e+00 : f32
        %ge3A_490 = arith.cmpf oge, %reduce_sum3A_485, %ge3A_489 : f32
        %select_n3A = arith.select %ge3A_486, %add3A_458, %scan3A_452 : vector<16xf32>
        %select_n3A_491 = arith.select %ge3A_488, %add3A_462, %select_n3A : vector<16xf32>
        %select_n3A_492 = arith.select %ge3A_490, %add3A_466, %select_n3A_491 : vector<16xf32>
        %select_n3A_493 = arith.select %ge3A_490, %scan3A_453, %add3A_466 : vector<16xf32>
        %select_n3A_494 = arith.select %ge3A_488, %select_n3A_493, %add3A_462 : vector<16xf32>
        %select_n3A_495 = arith.select %ge3A_486, %select_n3A_494, %add3A_458 : vector<16xf32>
        scf.yield %select_n3A_492, %select_n3A_495 : vector<16xf32>, vector<16xf32>
      }
      %scan3A_432 = arith.constant 12 : i32
      %add3A_433 = arith.constant 15 : i32
      %add3A_434 = arith.addi %add3A_238, %add3A_433 : i32
      %shift_right_arithmetic3A = arith.constant 4 : i32
      %shift_right_arithmetic3A_435 = arith.shrsi %add3A_434, %shift_right_arithmetic3A : i32
      %parallel_loop3A_436 = arith.constant 0 : i32
      %parallel_loop3A_437 = arith.constant 1 : i32
      %parallel_loop3A_438:2 = scf.for %parallel_loop3A_451 = %parallel_loop3A_436 to %shift_right_arithmetic3A_435 step %parallel_loop3A_437 iter_args(%parallel_loop3A_452 = %broadcast_in_dim3A_0, %parallel_loop3A_453 = %broadcast_in_dim3A_0) -> (vector<16xf32>, vector<16xf32>)  : i32 {
        %parallel_loop3A_454 = arith.constant 16 : i32
        %parallel_loop3A_455 = arith.muli %parallel_loop3A_451, %parallel_loop3A_454 : i32
        %parallel_loop3A_456 = arith.index_cast %parallel_loop3A_455 : i32 to index
        %parallel_loop3A_457 = tpu.vector_load %arg7[%parallel_loop3A_456] {strides = array<i32>} : memref<16376xf32, #tpu.memory_space<vmem>>, vector<16xf32>,
        %parallel_loop3A_458 = arith.cmpf ogt, %parallel_loop3A_457, %scan3A_431#0 : vector<16xf32>
        %parallel_loop3A_459 = arith.constant 1.000000e+00 : f32
        %parallel_loop3A_460 = arith.constant 0.000000e+00 : f32
        %parallel_loop3A_461 = vector.broadcast %parallel_loop3A_459 : f32 to vector<16xf32>
        %parallel_loop3A_462 = vector.broadcast %parallel_loop3A_460 : f32 to vector<16xf32>
        %parallel_loop3A_463 = arith.select %parallel_loop3A_458, %parallel_loop3A_461, %parallel_loop3A_462 : vector<16xi1>, vector<16xf32>
        %parallel_loop3A_464 = arith.addf %parallel_loop3A_452, %parallel_loop3A_463 : vector<16xf32>
        %parallel_loop3A_465 = arith.constant 0.000000e+00 : f32
        %parallel_loop3A_466 = vector.broadcast %parallel_loop3A_465 : f32 to vector<16xf32>
        %parallel_loop3A_467 = arith.select %parallel_loop3A_458, %parallel_loop3A_457, %parallel_loop3A_466 : vector<16xi1>, vector<16xf32>
        %parallel_loop3A_468 = arith.addf %parallel_loop3A_453, %parallel_loop3A_467 : vector<16xf32>
        scf.yield %parallel_loop3A_464, %parallel_loop3A_468 : vector<16xf32>, vector<16xf32>
      } {sc.loop_unroll_factor = 2 : i64, sc.parallel_access}
      %reduce_sum3A = arith.constant true
      %reduce_sum3A_439 = vector.broadcast %reduce_sum3A : i1 to vector<16xi1>
      %reduce_sum3A_440 = tpu.scan <sum>, %parallel_loop3A_438#0 masked %reduce_sum3A_439 : vector<16xf32>, vector<16xi1> -> vector<16xf32>
      %reduce_sum3A_441 = vector.extract %reduce_sum3A_440[15] : f32 from vector<16xf32>
      %reduce_sum3A_442 = arith.constant true
      %reduce_sum3A_443 = vector.broadcast %reduce_sum3A_442 : i1 to vector<16xi1>
      %reduce_sum3A_444 = tpu.scan <sum>, %parallel_loop3A_438#1 masked %reduce_sum3A_443 : vector<16xf32>, vector<16xi1> -> vector<16xf32>
      %reduce_sum3A_445 = vector.extract %reduce_sum3A_444[15] : f32 from vector<16xf32>
      %broadcast_in_dim3A_446 = vector.broadcast %reduce_sum3A_445 : f32 to vector<16xf32>
      %sub3A_447 = arith.constant 1.000000e+00 : f32
      %sub3A_448 = vector.broadcast %sub3A_447 : f32 to vector<16xf32>
      %sub3A_449 = arith.subf %broadcast_in_dim3A_446, %sub3A_448 : vector<16xf32>
      %broadcast_in_dim3A_450 = vector.broadcast %reduce_sum3A_441 : f32 to vector<16xf32>
      %div3A = arith.divf %sub3A_449, %broadcast_in_dim3A_450 : vector<16xf32>
      scf.yield %div3A : vector<16xf32>
    } else {
      %broadcast_in_dim3A_426 = vector.broadcast %sub3A_250 : f32 to vector<16xf32>
      %broadcast_in_dim3A_427 = vector.broadcast %reduce_max3A_242 : f32 to vector<16xf32>
      %scan3A = arith.constant 0 : i32
      %scan3A_428 = arith.constant 12 : i32
      %scan3A_429 = arith.addi %scan3A, %scan3A_428 : i32
      %scan3A_430 = arith.constant 1 : i32
      %scan3A_431:2 = scf.for %scan3A_451 = %scan3A to %scan3A_429 step %scan3A_430 iter_args(%scan3A_452 = %broadcast_in_dim3A_426, %scan3A_453 = %broadcast_in_dim3A_427) -> (vector<16xf32>, vector<16xf32>)  : i32 {
        %sub3A_454 = arith.subf %scan3A_453, %scan3A_452 : vector<16xf32>
        %mul3A_455 = arith.constant 2.500000e-01 : f32
        %mul3A_456 = vector.broadcast %mul3A_455 : f32 to vector<16xf32>
        %mul3A_457 = arith.mulf %mul3A_456, %sub3A_454 : vector<16xf32>
        %add3A_458 = arith.addf %scan3A_452, %mul3A_457 : vector<16xf32>
        %mul3A_459 = arith.constant 5.000000e-01 : f32
        %mul3A_460 = vector.broadcast %mul3A_459 : f32 to vector<16xf32>
        %mul3A_461 = arith.mulf %mul3A_460, %sub3A_454 : vector<16xf32>
        %add3A_462 = arith.addf %scan3A_452, %mul3A_461 : vector<16xf32>
        %mul3A_463 = arith.constant 7.500000e-01 : f32
        %mul3A_464 = vector.broadcast %mul3A_463 : f32 to vector<16xf32>
        %mul3A_465 = arith.mulf %mul3A_464, %sub3A_454 : vector<16xf32>
        %add3A_466 = arith.addf %scan3A_452, %mul3A_465 : vector<16xf32>
        %scan3A_467 = arith.constant 0 : i32
        %scan3A_468 = arith.constant 2048 : i32
        %scan3A_469 = arith.addi %scan3A_467, %scan3A_468 : i32
        %scan3A_470 = arith.constant 4 : i32
        %scan3A_471:3 = scf.for %scan3A_495 = %scan3A_467 to %scan3A_469 step %scan3A_470 iter_args(%scan3A_496 = %broadcast_in_dim3A_0, %scan3A_497 = %broadcast_in_dim3A_0, %scan3A_498 = %broadcast_in_dim3A_0) -> (vector<16xf32>, vector<16xf32>, vector<16xf32>)  : i32 {
          %mul3A_499 = arith.constant 16 : i32
          %mul3A_500 = arith.muli %scan3A_495, %mul3A_499 : i32
          %get3A = arith.index_cast %mul3A_500 : i32 to index
          %get3A_501 = tpu.vector_load %arg4[%get3A] {strides = array<i32>} : memref<32768xf32, #tpu.memory_space<vmem>>, vector<16xf32>,
          %sub3A_502 = arith.subf %get3A_501, %add3A_458 : vector<16xf32>
          %max3A = arith.constant 0.000000e+00 : f32
          %max3A_503 = vector.broadcast %max3A : f32 to vector<16xf32>
          %max3A_504 = arith.maximumf %sub3A_502, %max3A_503 : vector<16xf32>
          %add3A_505 = arith.addf %scan3A_496, %max3A_504 : vector<16xf32>
          %sub3A_506 = arith.subf %get3A_501, %add3A_462 : vector<16xf32>
          %max3A_507 = arith.constant 0.000000e+00 : f32
          %max3A_508 = vector.broadcast %max3A_507 : f32 to vector<16xf32>
          %max3A_509 = arith.maximumf %sub3A_506, %max3A_508 : vector<16xf32>
          %add3A_510 = arith.addf %scan3A_497, %max3A_509 : vector<16xf32>
          %sub3A_511 = arith.subf %get3A_501, %add3A_466 : vector<16xf32>
          %max3A_512 = arith.constant 0.000000e+00 : f32
          %max3A_513 = vector.broadcast %max3A_512 : f32 to vector<16xf32>
          %max3A_514 = arith.maximumf %sub3A_511, %max3A_513 : vector<16xf32>
          %add3A_515 = arith.addf %scan3A_498, %max3A_514 : vector<16xf32>
          %scan3A_516 = arith.constant 1 : i32
          %scan3A_517 = arith.addi %scan3A_495, %scan3A_516 : i32
          %mul3A_518 = arith.constant 16 : i32
          %mul3A_519 = arith.muli %scan3A_517, %mul3A_518 : i32
          %get3A_520 = arith.index_cast %mul3A_519 : i32 to index
          %get3A_521 = tpu.vector_load %arg4[%get3A_520] {strides = array<i32>} : memref<32768xf32, #tpu.memory_space<vmem>>, vector<16xf32>,
          %sub3A_522 = arith.subf %get3A_521, %add3A_458 : vector<16xf32>
          %max3A_523 = arith.constant 0.000000e+00 : f32
          %max3A_524 = vector.broadcast %max3A_523 : f32 to vector<16xf32>
          %max3A_525 = arith.maximumf %sub3A_522, %max3A_524 : vector<16xf32>
          %add3A_526 = arith.addf %add3A_505, %max3A_525 : vector<16xf32>
          %sub3A_527 = arith.subf %get3A_521, %add3A_462 : vector<16xf32>
          %max3A_528 = arith.constant 0.000000e+00 : f32
          %max3A_529 = vector.broadcast %max3A_528 : f32 to vector<16xf32>
          %max3A_530 = arith.maximumf %sub3A_527, %max3A_529 : vector<16xf32>
          %add3A_531 = arith.addf %add3A_510, %max3A_530 : vector<16xf32>
          %sub3A_532 = arith.subf %get3A_521, %add3A_466 : vector<16xf32>
          %max3A_533 = arith.constant 0.000000e+00 : f32
          %max3A_534 = vector.broadcast %max3A_533 : f32 to vector<16xf32>
          %max3A_535 = arith.maximumf %sub3A_532, %max3A_534 : vector<16xf32>
          %add3A_536 = arith.addf %add3A_515, %max3A_535 : vector<16xf32>
          %scan3A_537 = arith.constant 2 : i32
          %scan3A_538 = arith.addi %scan3A_495, %scan3A_537 : i32
          %mul3A_539 = arith.constant 16 : i32
          %mul3A_540 = arith.muli %scan3A_538, %mul3A_539 : i32
          %get3A_541 = arith.index_cast %mul3A_540 : i32 to index
          %get3A_542 = tpu.vector_load %arg4[%get3A_541] {strides = array<i32>} : memref<32768xf32, #tpu.memory_space<vmem>>, vector<16xf32>,
          %sub3A_543 = arith.subf %get3A_542, %add3A_458 : vector<16xf32>
          %max3A_544 = arith.constant 0.000000e+00 : f32
          %max3A_545 = vector.broadcast %max3A_544 : f32 to vector<16xf32>
          %max3A_546 = arith.maximumf %sub3A_543, %max3A_545 : vector<16xf32>
          %add3A_547 = arith.addf %add3A_526, %max3A_546 : vector<16xf32>
          %sub3A_548 = arith.subf %get3A_542, %add3A_462 : vector<16xf32>
          %max3A_549 = arith.constant 0.000000e+00 : f32
          %max3A_550 = vector.broadcast %max3A_549 : f32 to vector<16xf32>
          %max3A_551 = arith.maximumf %sub3A_548, %max3A_550 : vector<16xf32>
          %add3A_552 = arith.addf %add3A_531, %max3A_551 : vector<16xf32>
          %sub3A_553 = arith.subf %get3A_542, %add3A_466 : vector<16xf32>
          %max3A_554 = arith.constant 0.000000e+00 : f32
          %max3A_555 = vector.broadcast %max3A_554 : f32 to vector<16xf32>
          %max3A_556 = arith.maximumf %sub3A_553, %max3A_555 : vector<16xf32>
          %add3A_557 = arith.addf %add3A_536, %max3A_556 : vector<16xf32>
          %scan3A_558 = arith.constant 3 : i32
          %scan3A_559 = arith.addi %scan3A_495, %scan3A_558 : i32
          %mul3A_560 = arith.constant 16 : i32
          %mul3A_561 = arith.muli %scan3A_559, %mul3A_560 : i32
          %get3A_562 = arith.index_cast %mul3A_561 : i32 to index
          %get3A_563 = tpu.vector_load %arg4[%get3A_562] {strides = array<i32>} : memref<32768xf32, #tpu.memory_space<vmem>>, vector<16xf32>,
          %sub3A_564 = arith.subf %get3A_563, %add3A_458 : vector<16xf32>
          %max3A_565 = arith.constant 0.000000e+00 : f32
          %max3A_566 = vector.broadcast %max3A_565 : f32 to vector<16xf32>
          %max3A_567 = arith.maximumf %sub3A_564, %max3A_566 : vector<16xf32>
          %add3A_568 = arith.addf %add3A_547, %max3A_567 : vector<16xf32>
          %sub3A_569 = arith.subf %get3A_563, %add3A_462 : vector<16xf32>
          %max3A_570 = arith.constant 0.000000e+00 : f32
          %max3A_571 = vector.broadcast %max3A_570 : f32 to vector<16xf32>
          %max3A_572 = arith.maximumf %sub3A_569, %max3A_571 : vector<16xf32>
          %add3A_573 = arith.addf %add3A_552, %max3A_572 : vector<16xf32>
          %sub3A_574 = arith.subf %get3A_563, %add3A_466 : vector<16xf32>
          %max3A_575 = arith.constant 0.000000e+00 : f32
          %max3A_576 = vector.broadcast %max3A_575 : f32 to vector<16xf32>
          %max3A_577 = arith.maximumf %sub3A_574, %max3A_576 : vector<16xf32>
          %add3A_578 = arith.addf %add3A_557, %max3A_577 : vector<16xf32>
          scf.yield %add3A_568, %add3A_573, %add3A_578 : vector<16xf32>, vector<16xf32>, vector<16xf32>
        }
        %scan3A_472 = arith.constant 2048 : i32
        %reduce_sum3A_473 = arith.constant true
        %reduce_sum3A_474 = vector.broadcast %reduce_sum3A_473 : i1 to vector<16xi1>
        %reduce_sum3A_475 = tpu.scan <sum>, %scan3A_471#0 masked %reduce_sum3A_474 : vector<16xf32>, vector<16xi1> -> vector<16xf32>
        %reduce_sum3A_476 = vector.extract %reduce_sum3A_475[15] : f32 from vector<16xf32>
        %reduce_sum3A_477 = arith.constant true
        %reduce_sum3A_478 = vector.broadcast %reduce_sum3A_477 : i1 to vector<16xi1>
        %reduce_sum3A_479 = tpu.scan <sum>, %scan3A_471#1 masked %reduce_sum3A_478 : vector<16xf32>, vector<16xi1> -> vector<16xf32>
        %reduce_sum3A_480 = vector.extract %reduce_sum3A_479[15] : f32 from vector<16xf32>
        %reduce_sum3A_481 = arith.constant true
        %reduce_sum3A_482 = vector.broadcast %reduce_sum3A_481 : i1 to vector<16xi1>
        %reduce_sum3A_483 = tpu.scan <sum>, %scan3A_471#2 masked %reduce_sum3A_482 : vector<16xf32>, vector<16xi1> -> vector<16xf32>
        %reduce_sum3A_484 = vector.extract %reduce_sum3A_483[15] : f32 from vector<16xf32>
        %ge3A = arith.constant 1.000000e+00 : f32
        %ge3A_485 = arith.cmpf oge, %reduce_sum3A_476, %ge3A : f32
        %ge3A_486 = arith.constant 1.000000e+00 : f32
        %ge3A_487 = arith.cmpf oge, %reduce_sum3A_480, %ge3A_486 : f32
        %ge3A_488 = arith.constant 1.000000e+00 : f32
        %ge3A_489 = arith.cmpf oge, %reduce_sum3A_484, %ge3A_488 : f32
        %select_n3A = arith.select %ge3A_485, %add3A_458, %scan3A_452 : vector<16xf32>
        %select_n3A_490 = arith.select %ge3A_487, %add3A_462, %select_n3A : vector<16xf32>
        %select_n3A_491 = arith.select %ge3A_489, %add3A_466, %select_n3A_490 : vector<16xf32>
        %select_n3A_492 = arith.select %ge3A_489, %scan3A_453, %add3A_466 : vector<16xf32>
        %select_n3A_493 = arith.select %ge3A_487, %select_n3A_492, %add3A_462 : vector<16xf32>
        %select_n3A_494 = arith.select %ge3A_485, %select_n3A_493, %add3A_458 : vector<16xf32>
        scf.yield %select_n3A_491, %select_n3A_494 : vector<16xf32>, vector<16xf32>
      }
      %scan3A_432 = arith.constant 12 : i32
      %scan3A_433 = arith.constant 0 : i32
      %scan3A_434 = arith.constant 2048 : i32
      %scan3A_435 = arith.addi %scan3A_433, %scan3A_434 : i32
      %scan3A_436 = arith.constant 1 : i32
      %scan3A_437:2 = scf.for %scan3A_451 = %scan3A_433 to %scan3A_435 step %scan3A_436 iter_args(%scan3A_452 = %broadcast_in_dim3A_0, %scan3A_453 = %broadcast_in_dim3A_0) -> (vector<16xf32>, vector<16xf32>)  : i32 {
        %mul3A_454 = arith.constant 16 : i32
        %mul3A_455 = arith.muli %scan3A_451, %mul3A_454 : i32
        %get3A = arith.index_cast %mul3A_455 : i32 to index
        %get3A_456 = tpu.vector_load %arg4[%get3A] {strides = array<i32>} : memref<32768xf32, #tpu.memory_space<vmem>>, vector<16xf32>,
        %gt3A = arith.cmpf ogt, %get3A_456, %scan3A_431#0 : vector<16xf32>
        %jit3A = arith.constant 1.000000e+00 : f32
        %jit3A_457 = arith.constant 0.000000e+00 : f32
        %broadcast_in_dim3A_458 = vector.broadcast %jit3A : f32 to vector<16xf32>
        %broadcast_in_dim3A_459 = vector.broadcast %jit3A_457 : f32 to vector<16xf32>
        %select_n3A = arith.select %gt3A, %broadcast_in_dim3A_458, %broadcast_in_dim3A_459 : vector<16xi1>, vector<16xf32>
        %add3A_460 = arith.addf %scan3A_452, %select_n3A : vector<16xf32>
        %jit3A_461 = arith.constant 0.000000e+00 : f32
        %broadcast_in_dim3A_462 = vector.broadcast %jit3A_461 : f32 to vector<16xf32>
        %select_n3A_463 = arith.select %gt3A, %get3A_456, %broadcast_in_dim3A_462 : vector<16xi1>, vector<16xf32>
        %add3A_464 = arith.addf %scan3A_453, %select_n3A_463 : vector<16xf32>
        scf.yield %add3A_460, %add3A_464 : vector<16xf32>, vector<16xf32>
      }
      %scan3A_438 = arith.constant 2048 : i32
      %reduce_sum3A = arith.constant true
      %reduce_sum3A_439 = vector.broadcast %reduce_sum3A : i1 to vector<16xi1>
      %reduce_sum3A_440 = tpu.scan <sum>, %scan3A_437#0 masked %reduce_sum3A_439 : vector<16xf32>, vector<16xi1> -> vector<16xf32>
      %reduce_sum3A_441 = vector.extract %reduce_sum3A_440[15] : f32 from vector<16xf32>
      %reduce_sum3A_442 = arith.constant true
      %reduce_sum3A_443 = vector.broadcast %reduce_sum3A_442 : i1 to vector<16xi1>
      %reduce_sum3A_444 = tpu.scan <sum>, %scan3A_437#1 masked %reduce_sum3A_443 : vector<16xf32>, vector<16xi1> -> vector<16xf32>
      %reduce_sum3A_445 = vector.extract %reduce_sum3A_444[15] : f32 from vector<16xf32>
      %broadcast_in_dim3A_446 = vector.broadcast %reduce_sum3A_445 : f32 to vector<16xf32>
      %sub3A_447 = arith.constant 1.000000e+00 : f32
      %sub3A_448 = vector.broadcast %sub3A_447 : f32 to vector<16xf32>
      %sub3A_449 = arith.subf %broadcast_in_dim3A_446, %sub3A_448 : vector<16xf32>
      %broadcast_in_dim3A_450 = vector.broadcast %reduce_sum3A_441 : f32 to vector<16xf32>
      %div3A = arith.divf %sub3A_449, %broadcast_in_dim3A_450 : vector<16xf32>
      scf.yield %div3A : vector<16xf32>
    }
    "tpu.trace_stop"() : () -> ()
    "tpu.trace_start"() <{level = 10 : i32, message = "owait"}> : () -> ()
    %dma_wait3A_257 = arith.constant 0 : i32
    %dma_wait3A_258 = tpu.memref_slice %arg6[%dma_wait3A_257] : memref<32768xf32, #tpu.memory_space<vmem>> -> memref<16384xf32, #tpu.memory_space<vmem>>
    %dma_wait3A_259 = arith.constant 0 : i32
    %dma_wait3A_260 = tpu.memref_slice %arg3[%add3A_172, %dma_wait3A_259] : memref<128x32768xf32, #tpu.memory_space<hbm>> -> memref<1x16384xf32, #tpu.memory_space<hbm>>
    %dma_wait3A_261 = tpu.memref_squeeze %dma_wait3A_260 : memref<1x16384xf32, #tpu.memory_space<hbm>> -> memref<16384xf32, #tpu.memory_space<hbm>>
    %dma_wait3A_262 = arith.constant 0 : i32
    %dma_wait3A_263 = tpu.memref_slice %arg3[%add3A_172, %dma_wait3A_262] : memref<128x32768xf32, #tpu.memory_space<hbm>> -> memref<1x16384xf32, #tpu.memory_space<hbm>>
    %dma_wait3A_264 = tpu.memref_squeeze %dma_wait3A_263 : memref<1x16384xf32, #tpu.memory_space<hbm>> -> memref<16384xf32, #tpu.memory_space<hbm>>
    %dma_wait3A_265 = arith.constant 0 : i32
    %dma_wait3A_266 = tpu.memref_slice %arg6[%dma_wait3A_265] : memref<32768xf32, #tpu.memory_space<vmem>> -> memref<16384xf32, #tpu.memory_space<vmem>>
    tpu.wait_dma2 semaphore(%arg10 : memref<!tpu.dma_semaphore, #tpu.memory_space<semaphore_mem>>) src(%dma_wait3A_266 : memref<16384xf32, #tpu.memory_space<vmem>>) dst(%dma_wait3A_264 : memref<16384xf32, #tpu.memory_space<hbm>>)
    %dma_wait3A_267 = arith.constant 16384 : i32
    %dma_wait3A_268 = tpu.memref_slice %arg6[%dma_wait3A_267] : memref<32768xf32, #tpu.memory_space<vmem>> -> memref<16384xf32, #tpu.memory_space<vmem>>
    %dma_wait3A_269 = arith.constant 16384 : i32
    %dma_wait3A_270 = tpu.memref_slice %arg3[%add3A_187, %dma_wait3A_269] : memref<128x32768xf32, #tpu.memory_space<hbm>> -> memref<1x16384xf32, #tpu.memory_space<hbm>>
    %dma_wait3A_271 = tpu.memref_squeeze %dma_wait3A_270 : memref<1x16384xf32, #tpu.memory_space<hbm>> -> memref<16384xf32, #tpu.memory_space<hbm>>
    %dma_wait3A_272 = arith.constant 16384 : i32
    %dma_wait3A_273 = tpu.memref_slice %arg3[%add3A_187, %dma_wait3A_272] : memref<128x32768xf32, #tpu.memory_space<hbm>> -> memref<1x16384xf32, #tpu.memory_space<hbm>>
    %dma_wait3A_274 = tpu.memref_squeeze %dma_wait3A_273 : memref<1x16384xf32, #tpu.memory_space<hbm>> -> memref<16384xf32, #tpu.memory_space<hbm>>
    %dma_wait3A_275 = arith.constant 16384 : i32
    %dma_wait3A_276 = tpu.memref_slice %arg6[%dma_wait3A_275] : memref<32768xf32, #tpu.memory_space<vmem>> -> memref<16384xf32, #tpu.memory_space<vmem>>
    tpu.wait_dma2 semaphore(%arg10 : memref<!tpu.dma_semaphore, #tpu.memory_space<semaphore_mem>>) src(%dma_wait3A_276 : memref<16384xf32, #tpu.memory_space<vmem>>) dst(%dma_wait3A_274 : memref<16384xf32, #tpu.memory_space<hbm>>)
    %parallel_loop3A_277 = arith.constant 0 : i32
    %parallel_loop3A_278 = arith.constant 1024 : i32
    %parallel_loop3A_279 = arith.constant 1 : i32
    "tpu.trace_stop"() : () -> ()
    "tpu.trace_start"() <{level = 10 : i32, message = "relu"}> : () -> ()
    scf.for %parallel_loop3A_426 = %parallel_loop3A_277 to %parallel_loop3A_278 step %parallel_loop3A_279  : i32 {
      %parallel_loop3A_427 = arith.constant 16 : i32
      %parallel_loop3A_428 = arith.muli %parallel_loop3A_426, %parallel_loop3A_427 : i32
      %parallel_loop3A_429 = arith.index_cast %parallel_loop3A_428 : i32 to index
      %parallel_loop3A_430 = tpu.vector_load %arg4[%parallel_loop3A_429] {strides = array<i32>} : memref<32768xf32, #tpu.memory_space<vmem>>, vector<16xf32>,
      %parallel_loop3A_431 = arith.subf %parallel_loop3A_430, %cond3A_256 : vector<16xf32>
      %parallel_loop3A_432 = arith.constant 0.000000e+00 : f32
      %parallel_loop3A_433 = vector.broadcast %parallel_loop3A_432 : f32 to vector<16xf32>
      %parallel_loop3A_434 = arith.maximumf %parallel_loop3A_431, %parallel_loop3A_433 : vector<16xf32>
      %parallel_loop3A_435 = arith.constant 16 : i32
      %parallel_loop3A_436 = arith.muli %parallel_loop3A_426, %parallel_loop3A_435 : i32
      %parallel_loop3A_437 = arith.index_cast %parallel_loop3A_436 : i32 to index
      %parallel_loop3A_438 = tpu.vector_load %arg6[%parallel_loop3A_437] {strides = array<i32>} : memref<32768xf32, #tpu.memory_space<vmem>>, vector<16xf32>,
      tpu.vector_store %arg6[%parallel_loop3A_437], %parallel_loop3A_434 {strides = array<i32>} : memref<32768xf32, #tpu.memory_space<vmem>>, vector<16xf32>,
    } {sc.loop_unroll_factor = 8 : i64, sc.parallel_access}
    %add3A_280 = arith.constant 2 : i32
    %add3A_281 = arith.addi %mul3A_5, %add3A_280 : i32
    %dma_start3A_282 = arith.constant 0 : i32
    %dma_start3A_283 = tpu.memref_slice %arg6[%dma_start3A_282] : memref<32768xf32, #tpu.memory_space<vmem>> -> memref<16384xf32, #tpu.memory_space<vmem>>
    %dma_start3A_284 = arith.constant 0 : i32
    %dma_start3A_285 = tpu.memref_slice %arg3[%add3A_281, %dma_start3A_284] : memref<128x32768xf32, #tpu.memory_space<hbm>> -> memref<1x16384xf32, #tpu.memory_space<hbm>>
    %dma_start3A_286 = tpu.memref_squeeze %dma_start3A_285 : memref<1x16384xf32, #tpu.memory_space<hbm>> -> memref<16384xf32, #tpu.memory_space<hbm>>
    %dma_start3A_287 = arith.constant 0 : i32
    %dma_start3A_288 = tpu.memref_slice %arg3[%add3A_281, %dma_start3A_287] : memref<128x32768xf32, #tpu.memory_space<hbm>> -> memref<1x16384xf32, #tpu.memory_space<hbm>>
    %dma_start3A_289 = tpu.memref_squeeze %dma_start3A_288 : memref<1x16384xf32, #tpu.memory_space<hbm>> -> memref<16384xf32, #tpu.memory_space<hbm>>
    %dma_start3A_290 = arith.constant 0 : i32
    %dma_start3A_291 = tpu.memref_slice %arg6[%dma_start3A_290] : memref<32768xf32, #tpu.memory_space<vmem>> -> memref<16384xf32, #tpu.memory_space<vmem>>
    tpu.enqueue_dma source(%dma_start3A_291 : memref<16384xf32, #tpu.memory_space<vmem>>) target(%dma_start3A_289 : memref<16384xf32, #tpu.memory_space<hbm>>) target_semaphore(%arg10 : memref<!tpu.dma_semaphore, #tpu.memory_space<semaphore_mem>>)
    %parallel_loop3A_292 = arith.constant 1024 : i32
    %parallel_loop3A_293 = arith.constant 2048 : i32
    %parallel_loop3A_294 = arith.constant 1 : i32
    scf.for %parallel_loop3A_426 = %parallel_loop3A_292 to %parallel_loop3A_293 step %parallel_loop3A_294  : i32 {
      %parallel_loop3A_427 = arith.constant 16 : i32
      %parallel_loop3A_428 = arith.muli %parallel_loop3A_426, %parallel_loop3A_427 : i32
      %parallel_loop3A_429 = arith.index_cast %parallel_loop3A_428 : i32 to index
      %parallel_loop3A_430 = tpu.vector_load %arg4[%parallel_loop3A_429] {strides = array<i32>} : memref<32768xf32, #tpu.memory_space<vmem>>, vector<16xf32>,
      %parallel_loop3A_431 = arith.subf %parallel_loop3A_430, %cond3A_256 : vector<16xf32>
      %parallel_loop3A_432 = arith.constant 0.000000e+00 : f32
      %parallel_loop3A_433 = vector.broadcast %parallel_loop3A_432 : f32 to vector<16xf32>
      %parallel_loop3A_434 = arith.maximumf %parallel_loop3A_431, %parallel_loop3A_433 : vector<16xf32>
      %parallel_loop3A_435 = arith.constant 16 : i32
      %parallel_loop3A_436 = arith.muli %parallel_loop3A_426, %parallel_loop3A_435 : i32
      %parallel_loop3A_437 = arith.index_cast %parallel_loop3A_436 : i32 to index
      %parallel_loop3A_438 = tpu.vector_load %arg6[%parallel_loop3A_437] {strides = array<i32>} : memref<32768xf32, #tpu.memory_space<vmem>>, vector<16xf32>,
      tpu.vector_store %arg6[%parallel_loop3A_437], %parallel_loop3A_434 {strides = array<i32>} : memref<32768xf32, #tpu.memory_space<vmem>>, vector<16xf32>,
    } {sc.loop_unroll_factor = 8 : i64, sc.parallel_access}
    %add3A_295 = arith.constant 2 : i32
    %add3A_296 = arith.addi %mul3A_5, %add3A_295 : i32
    %dma_start3A_297 = arith.constant 16384 : i32
    %dma_start3A_298 = tpu.memref_slice %arg6[%dma_start3A_297] : memref<32768xf32, #tpu.memory_space<vmem>> -> memref<16384xf32, #tpu.memory_space<vmem>>
    %dma_start3A_299 = arith.constant 16384 : i32
    %dma_start3A_300 = tpu.memref_slice %arg3[%add3A_296, %dma_start3A_299] : memref<128x32768xf32, #tpu.memory_space<hbm>> -> memref<1x16384xf32, #tpu.memory_space<hbm>>
    %dma_start3A_301 = tpu.memref_squeeze %dma_start3A_300 : memref<1x16384xf32, #tpu.memory_space<hbm>> -> memref<16384xf32, #tpu.memory_space<hbm>>
    %dma_start3A_302 = arith.constant 16384 : i32
    %dma_start3A_303 = tpu.memref_slice %arg3[%add3A_296, %dma_start3A_302] : memref<128x32768xf32, #tpu.memory_space<hbm>> -> memref<1x16384xf32, #tpu.memory_space<hbm>>
    %dma_start3A_304 = tpu.memref_squeeze %dma_start3A_303 : memref<1x16384xf32, #tpu.memory_space<hbm>> -> memref<16384xf32, #tpu.memory_space<hbm>>
    %dma_start3A_305 = arith.constant 16384 : i32
    %dma_start3A_306 = tpu.memref_slice %arg6[%dma_start3A_305] : memref<32768xf32, #tpu.memory_space<vmem>> -> memref<16384xf32, #tpu.memory_space<vmem>>
    tpu.enqueue_dma source(%dma_start3A_306 : memref<16384xf32, #tpu.memory_space<vmem>>) target(%dma_start3A_304 : memref<16384xf32, #tpu.memory_space<hbm>>) target_semaphore(%arg10 : memref<!tpu.dma_semaphore, #tpu.memory_space<semaphore_mem>>)
    "tpu.trace_stop"() : () -> ()
    "tpu.trace_start"() <{level = 10 : i32, message = "iwait"}> : () -> ()
    %dma_wait3A_307 = arith.constant 0 : i32
    %dma_wait3A_308 = tpu.memref_slice %arg2[%add3A_207, %dma_wait3A_307] : memref<128x32768xf32, #tpu.memory_space<hbm>> -> memref<1x32768xf32, #tpu.memory_space<hbm>>
    %dma_wait3A_309 = tpu.memref_squeeze %dma_wait3A_308 : memref<1x32768xf32, #tpu.memory_space<hbm>> -> memref<32768xf32, #tpu.memory_space<hbm>>
    %dma_wait3A_310 = arith.constant 0 : i32
    %dma_wait3A_311 = tpu.memref_slice %arg2[%add3A_207, %dma_wait3A_310] : memref<128x32768xf32, #tpu.memory_space<hbm>> -> memref<1x32768xf32, #tpu.memory_space<hbm>>
    %dma_wait3A_312 = tpu.memref_squeeze %dma_wait3A_311 : memref<1x32768xf32, #tpu.memory_space<hbm>> -> memref<32768xf32, #tpu.memory_space<hbm>>
    tpu.wait_dma2 semaphore(%arg9 : memref<!tpu.dma_semaphore, #tpu.memory_space<semaphore_mem>>) src(%dma_wait3A_312 : memref<32768xf32, #tpu.memory_space<hbm>>) dst(%arg5 : memref<32768xf32, #tpu.memory_space<vmem>>)
    %broadcast_in_dim3A_313 = arith.constant 0xFF800000 : f32
    "tpu.trace_stop"() : () -> ()
    "tpu.trace_start"() <{level = 10 : i32, message = "smax"}> : () -> ()
    %broadcast_in_dim3A_314 = vector.broadcast %broadcast_in_dim3A_313 : f32 to vector<16xf32>
    %parallel_loop3A_315 = arith.constant 0 : i32
    %parallel_loop3A_316 = arith.constant 128 : i32
    %parallel_loop3A_317 = arith.constant 1 : i32
    %parallel_loop3A_318 = scf.for %parallel_loop3A_426 = %parallel_loop3A_315 to %parallel_loop3A_316 step %parallel_loop3A_317 iter_args(%parallel_loop3A_427 = %broadcast_in_dim3A_314) -> (vector<16xf32>)  : i32 {
      %parallel_loop3A_428 = arith.constant 8 : i32
      %parallel_loop3A_429 = arith.muli %parallel_loop3A_426, %parallel_loop3A_428 : i32
      %parallel_loop3A_430 = arith.constant 2 : i32
      %parallel_loop3A_431 = arith.muli %parallel_loop3A_429, %parallel_loop3A_430 : i32
      %parallel_loop3A_432 = arith.constant 16 : i32
      %parallel_loop3A_433 = arith.muli %parallel_loop3A_431, %parallel_loop3A_432 : i32
      %parallel_loop3A_434 = arith.index_cast %parallel_loop3A_433 : i32 to index
      %parallel_loop3A_435 = tpu.vector_load %arg5[%parallel_loop3A_434] {strides = array<i32>} : memref<32768xf32, #tpu.memory_space<vmem>>, vector<16xf32>,
      %parallel_loop3A_436 = arith.constant 8 : i32
      %parallel_loop3A_437 = arith.muli %parallel_loop3A_426, %parallel_loop3A_436 : i32
      %parallel_loop3A_438 = arith.constant 2 : i32
      %parallel_loop3A_439 = arith.muli %parallel_loop3A_437, %parallel_loop3A_438 : i32
      %parallel_loop3A_440 = arith.constant 8 : i32
      %parallel_loop3A_441 = arith.addi %parallel_loop3A_439, %parallel_loop3A_440 : i32
      %parallel_loop3A_442 = arith.constant 16 : i32
      %parallel_loop3A_443 = arith.muli %parallel_loop3A_441, %parallel_loop3A_442 : i32
      %parallel_loop3A_444 = arith.index_cast %parallel_loop3A_443 : i32 to index
      %parallel_loop3A_445 = tpu.vector_load %arg5[%parallel_loop3A_444] {strides = array<i32>} : memref<32768xf32, #tpu.memory_space<vmem>>, vector<16xf32>,
      %parallel_loop3A_446 = arith.maximumf %parallel_loop3A_435, %parallel_loop3A_445 : vector<16xf32>
      %parallel_loop3A_447 = arith.maximumf %parallel_loop3A_427, %parallel_loop3A_446 : vector<16xf32>
      scf.yield %parallel_loop3A_447 : vector<16xf32>
    } {sc.loop_unroll_factor = 4 : i64, sc.parallel_access}
    %reduce_max3A_319 = arith.constant true
    %reduce_max3A_320 = vector.broadcast %reduce_max3A_319 : i1 to vector<16xi1>
    %reduce_max3A_321 = tpu.scan <max>, %parallel_loop3A_318 masked %reduce_max3A_320 : vector<16xf32>, vector<16xi1> -> vector<16xf32>
    %reduce_max3A_322 = vector.extract %reduce_max3A_321[15] : f32 from vector<16xf32>
    "tpu.trace_stop"() : () -> ()
    %sub3A_323 = arith.constant 1.000000e+00 : f32
    %sub3A_324 = arith.subf %reduce_max3A_322, %sub3A_323 : f32
    %broadcast_in_dim3A_325 = vector.broadcast %sub3A_324 : f32 to vector<16xf32>
    %broadcast_in_dim3A_326 = arith.constant -1 : i32
    "tpu.trace_start"() <{level = 10 : i32, message = "compress"}> : () -> ()
    %broadcast_in_dim3A_327 = vector.broadcast %broadcast_in_dim3A_326 : i32 to vector<16xi32>
    %broadcast_in_dim3A_328 = arith.constant 0xFF800000 : f32
    %broadcast_in_dim3A_329 = vector.broadcast %broadcast_in_dim3A_328 : f32 to vector<16xf32>
    %parallel_loop3A_330 = arith.constant 0 : i32
    %parallel_loop3A_331 = arith.constant 2048 : i32
    %parallel_loop3A_332 = arith.constant 1 : i32
    %parallel_loop3A_333:2 = scf.for %parallel_loop3A_426 = %parallel_loop3A_330 to %parallel_loop3A_331 step %parallel_loop3A_332 iter_args(%parallel_loop3A_427 = %broadcast_in_dim3A_327, %parallel_loop3A_428 = %broadcast_in_dim3A_329) -> (vector<16xi32>, vector<16xf32>)  : i32 {
      %parallel_loop3A_429 = arith.constant 16 : i32
      %parallel_loop3A_430 = arith.muli %parallel_loop3A_426, %parallel_loop3A_429 : i32
      %parallel_loop3A_431 = arith.index_cast %parallel_loop3A_430 : i32 to index
      %parallel_loop3A_432 = tpu.vector_load %arg5[%parallel_loop3A_431] {strides = array<i32>} : memref<32768xf32, #tpu.memory_space<vmem>>, vector<16xf32>,
      %parallel_loop3A_433 = arith.cmpf ogt, %parallel_loop3A_432, %broadcast_in_dim3A_325 : vector<16xf32>
      %parallel_loop3A_434 = tpu.scan <sum>, %broadcast_in_dim3A_2 masked %parallel_loop3A_433 : vector<16xi32>, vector<16xi1> -> vector<16xi32>
      %parallel_loop3A_435 = arith.addi %parallel_loop3A_427, %parallel_loop3A_434 : vector<16xi32>
      %parallel_loop3A_436 = vector.bitcast %parallel_loop3A_435 : vector<16xi32> to vector<16xi32>
      %parallel_loop3A_437 = arith.constant 16375 : i32
      %parallel_loop3A_438 = vector.broadcast %parallel_loop3A_437 : i32 to vector<16xi32>
      %parallel_loop3A_439 = arith.minui %parallel_loop3A_436, %parallel_loop3A_438 : vector<16xi32>
      %parallel_loop3A_440 = vector.bitcast %parallel_loop3A_439 : vector<16xi32> to vector<16xi32>
      tpu.vector_store_idx %arg7[%parallel_loop3A_440], %parallel_loop3A_432 masked %parallel_loop3A_433 : memref<16376xf32, #tpu.memory_space<vmem>>[vector<16xi32>], vector<16xf32>, vector<16xi1>
      %parallel_loop3A_441 = tpu.all_reduce %parallel_loop3A_433 {dim = 0 : i64, kind = #tpu.reduction_kind<sum>} : vector<16xi1> -> vector<16xi32>
      %parallel_loop3A_442 = arith.addi %parallel_loop3A_427, %parallel_loop3A_441 : vector<16xi32>
      %parallel_loop3A_443 = arith.maximumf %parallel_loop3A_428, %parallel_loop3A_432 : vector<16xf32>
      scf.yield %parallel_loop3A_442, %parallel_loop3A_443 : vector<16xi32>, vector<16xf32>
    } {sc.loop_unroll_factor = 8 : i64, sc.parallel_access}
    %slice3A_334 = vector.extract_strided_slice %parallel_loop3A_333#0 {offsets = [0], sizes = [1], strides = [1]} : vector<16xi32> to vector<1xi32>
    %squeeze3A_335 = vector.extract %slice3A_334[0] : i32 from vector<1xi32>
    %add3A_336 = arith.constant 1 : i32
    %add3A_337 = arith.addi %squeeze3A_335, %add3A_336 : i32
    %reduce_max3A_338 = arith.constant true
    %reduce_max3A_339 = vector.broadcast %reduce_max3A_338 : i1 to vector<16xi1>
    %reduce_max3A_340 = tpu.scan <max>, %parallel_loop3A_333#1 masked %reduce_max3A_339 : vector<16xf32>, vector<16xi1> -> vector<16xf32>
    %reduce_max3A_341 = vector.extract %reduce_max3A_340[15] : f32 from vector<16xf32>
    %broadcast_in_dim3A_342 = arith.constant 0xFF800000 : f32
    "tpu.trace_stop"() : () -> ()
    %broadcast_in_dim3A_343 = vector.broadcast %broadcast_in_dim3A_342 : f32 to vector<16xf32>
    %min3A_344 = arith.constant 16360 : i32
    %min3A_345 = arith.minsi %add3A_337, %min3A_344 : i32
    %swap3A_346 = arith.index_cast %min3A_345 : i32 to index
    %swap3A_347 = tpu.vector_load %arg7[%swap3A_346] {strides = array<i32>} : memref<16376xf32, #tpu.memory_space<vmem>>, vector<16xf32>,
    tpu.vector_store %arg7[%swap3A_346], %broadcast_in_dim3A_343 {strides = array<i32>} : memref<16376xf32, #tpu.memory_space<vmem>>, vector<16xf32>,
    %sub3A_348 = arith.constant 1.000000e+00 : f32
    %sub3A_349 = arith.subf %reduce_max3A_341, %sub3A_348 : f32
    %le3A_350 = arith.constant 16360 : i32
    %le3A_351 = arith.cmpi sle, %add3A_337, %le3A_350 : i32
    "tpu.trace_start"() <{level = 10 : i32, message = "solve"}> : () -> ()
    %convert_element_type3A_352 = arith.extui %le3A_351 : i1 to i32
    %cond3A_353 = arith.constant 0 : i32
    %cond3A_354 = arith.cmpi ne, %convert_element_type3A_352, %cond3A_353 : i32
    %cond3A_355 = scf.if %cond3A_354 -> (vector<16xf32>) {
      %broadcast_in_dim3A_426 = vector.broadcast %sub3A_349 : f32 to vector<16xf32>
      %broadcast_in_dim3A_427 = vector.broadcast %reduce_max3A_341 : f32 to vector<16xf32>
      %scan3A = arith.constant 0 : i32
      %scan3A_428 = arith.constant 12 : i32
      %scan3A_429 = arith.addi %scan3A, %scan3A_428 : i32
      %scan3A_430 = arith.constant 1 : i32
      %scan3A_431:2 = scf.for %scan3A_451 = %scan3A to %scan3A_429 step %scan3A_430 iter_args(%scan3A_452 = %broadcast_in_dim3A_426, %scan3A_453 = %broadcast_in_dim3A_427) -> (vector<16xf32>, vector<16xf32>)  : i32 {
        %sub3A_454 = arith.subf %scan3A_453, %scan3A_452 : vector<16xf32>
        %mul3A_455 = arith.constant 2.500000e-01 : f32
        %mul3A_456 = vector.broadcast %mul3A_455 : f32 to vector<16xf32>
        %mul3A_457 = arith.mulf %mul3A_456, %sub3A_454 : vector<16xf32>
        %add3A_458 = arith.addf %scan3A_452, %mul3A_457 : vector<16xf32>
        %mul3A_459 = arith.constant 5.000000e-01 : f32
        %mul3A_460 = vector.broadcast %mul3A_459 : f32 to vector<16xf32>
        %mul3A_461 = arith.mulf %mul3A_460, %sub3A_454 : vector<16xf32>
        %add3A_462 = arith.addf %scan3A_452, %mul3A_461 : vector<16xf32>
        %mul3A_463 = arith.constant 7.500000e-01 : f32
        %mul3A_464 = vector.broadcast %mul3A_463 : f32 to vector<16xf32>
        %mul3A_465 = arith.mulf %mul3A_464, %sub3A_454 : vector<16xf32>
        %add3A_466 = arith.addf %scan3A_452, %mul3A_465 : vector<16xf32>
        %add3A_467 = arith.constant 15 : i32
        %add3A_468 = arith.addi %add3A_337, %add3A_467 : i32
        %shift_right_arithmetic3A_469 = arith.constant 4 : i32
        %shift_right_arithmetic3A_470 = arith.shrsi %add3A_468, %shift_right_arithmetic3A_469 : i32
        %parallel_loop3A_471 = arith.constant 0 : i32
        %parallel_loop3A_472 = arith.constant 1 : i32
        %parallel_loop3A_473:3 = scf.for %parallel_loop3A_496 = %parallel_loop3A_471 to %shift_right_arithmetic3A_470 step %parallel_loop3A_472 iter_args(%parallel_loop3A_497 = %broadcast_in_dim3A_0, %parallel_loop3A_498 = %broadcast_in_dim3A_0, %parallel_loop3A_499 = %broadcast_in_dim3A_0) -> (vector<16xf32>, vector<16xf32>, vector<16xf32>)  : i32 {
          %parallel_loop3A_500 = arith.constant 16 : i32
          %parallel_loop3A_501 = arith.muli %parallel_loop3A_496, %parallel_loop3A_500 : i32
          %parallel_loop3A_502 = arith.index_cast %parallel_loop3A_501 : i32 to index
          %parallel_loop3A_503 = tpu.vector_load %arg7[%parallel_loop3A_502] {strides = array<i32>} : memref<16376xf32, #tpu.memory_space<vmem>>, vector<16xf32>,
          %parallel_loop3A_504 = arith.subf %parallel_loop3A_503, %add3A_458 : vector<16xf32>
          %parallel_loop3A_505 = arith.constant 0.000000e+00 : f32
          %parallel_loop3A_506 = vector.broadcast %parallel_loop3A_505 : f32 to vector<16xf32>
          %parallel_loop3A_507 = arith.maximumf %parallel_loop3A_504, %parallel_loop3A_506 : vector<16xf32>
          %parallel_loop3A_508 = arith.addf %parallel_loop3A_497, %parallel_loop3A_507 : vector<16xf32>
          %parallel_loop3A_509 = arith.subf %parallel_loop3A_503, %add3A_462 : vector<16xf32>
          %parallel_loop3A_510 = arith.constant 0.000000e+00 : f32
          %parallel_loop3A_511 = vector.broadcast %parallel_loop3A_510 : f32 to vector<16xf32>
          %parallel_loop3A_512 = arith.maximumf %parallel_loop3A_509, %parallel_loop3A_511 : vector<16xf32>
          %parallel_loop3A_513 = arith.addf %parallel_loop3A_498, %parallel_loop3A_512 : vector<16xf32>
          %parallel_loop3A_514 = arith.subf %parallel_loop3A_503, %add3A_466 : vector<16xf32>
          %parallel_loop3A_515 = arith.constant 0.000000e+00 : f32
          %parallel_loop3A_516 = vector.broadcast %parallel_loop3A_515 : f32 to vector<16xf32>
          %parallel_loop3A_517 = arith.maximumf %parallel_loop3A_514, %parallel_loop3A_516 : vector<16xf32>
          %parallel_loop3A_518 = arith.addf %parallel_loop3A_499, %parallel_loop3A_517 : vector<16xf32>
          scf.yield %parallel_loop3A_508, %parallel_loop3A_513, %parallel_loop3A_518 : vector<16xf32>, vector<16xf32>, vector<16xf32>
        } {sc.loop_unroll_factor = 2 : i64, sc.parallel_access}
        %reduce_sum3A_474 = arith.constant true
        %reduce_sum3A_475 = vector.broadcast %reduce_sum3A_474 : i1 to vector<16xi1>
        %reduce_sum3A_476 = tpu.scan <sum>, %parallel_loop3A_473#0 masked %reduce_sum3A_475 : vector<16xf32>, vector<16xi1> -> vector<16xf32>
        %reduce_sum3A_477 = vector.extract %reduce_sum3A_476[15] : f32 from vector<16xf32>
        %reduce_sum3A_478 = arith.constant true
        %reduce_sum3A_479 = vector.broadcast %reduce_sum3A_478 : i1 to vector<16xi1>
        %reduce_sum3A_480 = tpu.scan <sum>, %parallel_loop3A_473#1 masked %reduce_sum3A_479 : vector<16xf32>, vector<16xi1> -> vector<16xf32>
        %reduce_sum3A_481 = vector.extract %reduce_sum3A_480[15] : f32 from vector<16xf32>
        %reduce_sum3A_482 = arith.constant true
        %reduce_sum3A_483 = vector.broadcast %reduce_sum3A_482 : i1 to vector<16xi1>
        %reduce_sum3A_484 = tpu.scan <sum>, %parallel_loop3A_473#2 masked %reduce_sum3A_483 : vector<16xf32>, vector<16xi1> -> vector<16xf32>
        %reduce_sum3A_485 = vector.extract %reduce_sum3A_484[15] : f32 from vector<16xf32>
        %ge3A = arith.constant 1.000000e+00 : f32
        %ge3A_486 = arith.cmpf oge, %reduce_sum3A_477, %ge3A : f32
        %ge3A_487 = arith.constant 1.000000e+00 : f32
        %ge3A_488 = arith.cmpf oge, %reduce_sum3A_481, %ge3A_487 : f32
        %ge3A_489 = arith.constant 1.000000e+00 : f32
        %ge3A_490 = arith.cmpf oge, %reduce_sum3A_485, %ge3A_489 : f32
        %select_n3A = arith.select %ge3A_486, %add3A_458, %scan3A_452 : vector<16xf32>
        %select_n3A_491 = arith.select %ge3A_488, %add3A_462, %select_n3A : vector<16xf32>
        %select_n3A_492 = arith.select %ge3A_490, %add3A_466, %select_n3A_491 : vector<16xf32>
        %select_n3A_493 = arith.select %ge3A_490, %scan3A_453, %add3A_466 : vector<16xf32>
        %select_n3A_494 = arith.select %ge3A_488, %select_n3A_493, %add3A_462 : vector<16xf32>
        %select_n3A_495 = arith.select %ge3A_486, %select_n3A_494, %add3A_458 : vector<16xf32>
        scf.yield %select_n3A_492, %select_n3A_495 : vector<16xf32>, vector<16xf32>
      }
      %scan3A_432 = arith.constant 12 : i32
      %add3A_433 = arith.constant 15 : i32
      %add3A_434 = arith.addi %add3A_337, %add3A_433 : i32
      %shift_right_arithmetic3A = arith.constant 4 : i32
      %shift_right_arithmetic3A_435 = arith.shrsi %add3A_434, %shift_right_arithmetic3A : i32
      %parallel_loop3A_436 = arith.constant 0 : i32
      %parallel_loop3A_437 = arith.constant 1 : i32
      %parallel_loop3A_438:2 = scf.for %parallel_loop3A_451 = %parallel_loop3A_436 to %shift_right_arithmetic3A_435 step %parallel_loop3A_437 iter_args(%parallel_loop3A_452 = %broadcast_in_dim3A_0, %parallel_loop3A_453 = %broadcast_in_dim3A_0) -> (vector<16xf32>, vector<16xf32>)  : i32 {
        %parallel_loop3A_454 = arith.constant 16 : i32
        %parallel_loop3A_455 = arith.muli %parallel_loop3A_451, %parallel_loop3A_454 : i32
        %parallel_loop3A_456 = arith.index_cast %parallel_loop3A_455 : i32 to index
        %parallel_loop3A_457 = tpu.vector_load %arg7[%parallel_loop3A_456] {strides = array<i32>} : memref<16376xf32, #tpu.memory_space<vmem>>, vector<16xf32>,
        %parallel_loop3A_458 = arith.cmpf ogt, %parallel_loop3A_457, %scan3A_431#0 : vector<16xf32>
        %parallel_loop3A_459 = arith.constant 1.000000e+00 : f32
        %parallel_loop3A_460 = arith.constant 0.000000e+00 : f32
        %parallel_loop3A_461 = vector.broadcast %parallel_loop3A_459 : f32 to vector<16xf32>
        %parallel_loop3A_462 = vector.broadcast %parallel_loop3A_460 : f32 to vector<16xf32>
        %parallel_loop3A_463 = arith.select %parallel_loop3A_458, %parallel_loop3A_461, %parallel_loop3A_462 : vector<16xi1>, vector<16xf32>
        %parallel_loop3A_464 = arith.addf %parallel_loop3A_452, %parallel_loop3A_463 : vector<16xf32>
        %parallel_loop3A_465 = arith.constant 0.000000e+00 : f32
        %parallel_loop3A_466 = vector.broadcast %parallel_loop3A_465 : f32 to vector<16xf32>
        %parallel_loop3A_467 = arith.select %parallel_loop3A_458, %parallel_loop3A_457, %parallel_loop3A_466 : vector<16xi1>, vector<16xf32>
        %parallel_loop3A_468 = arith.addf %parallel_loop3A_453, %parallel_loop3A_467 : vector<16xf32>
        scf.yield %parallel_loop3A_464, %parallel_loop3A_468 : vector<16xf32>, vector<16xf32>
      } {sc.loop_unroll_factor = 2 : i64, sc.parallel_access}
      %reduce_sum3A = arith.constant true
      %reduce_sum3A_439 = vector.broadcast %reduce_sum3A : i1 to vector<16xi1>
      %reduce_sum3A_440 = tpu.scan <sum>, %parallel_loop3A_438#0 masked %reduce_sum3A_439 : vector<16xf32>, vector<16xi1> -> vector<16xf32>
      %reduce_sum3A_441 = vector.extract %reduce_sum3A_440[15] : f32 from vector<16xf32>
      %reduce_sum3A_442 = arith.constant true
      %reduce_sum3A_443 = vector.broadcast %reduce_sum3A_442 : i1 to vector<16xi1>
      %reduce_sum3A_444 = tpu.scan <sum>, %parallel_loop3A_438#1 masked %reduce_sum3A_443 : vector<16xf32>, vector<16xi1> -> vector<16xf32>
      %reduce_sum3A_445 = vector.extract %reduce_sum3A_444[15] : f32 from vector<16xf32>
      %broadcast_in_dim3A_446 = vector.broadcast %reduce_sum3A_445 : f32 to vector<16xf32>
      %sub3A_447 = arith.constant 1.000000e+00 : f32
      %sub3A_448 = vector.broadcast %sub3A_447 : f32 to vector<16xf32>
      %sub3A_449 = arith.subf %broadcast_in_dim3A_446, %sub3A_448 : vector<16xf32>
      %broadcast_in_dim3A_450 = vector.broadcast %reduce_sum3A_441 : f32 to vector<16xf32>
      %div3A = arith.divf %sub3A_449, %broadcast_in_dim3A_450 : vector<16xf32>
      scf.yield %div3A : vector<16xf32>
    } else {
      %broadcast_in_dim3A_426 = vector.broadcast %sub3A_349 : f32 to vector<16xf32>
      %broadcast_in_dim3A_427 = vector.broadcast %reduce_max3A_341 : f32 to vector<16xf32>
      %scan3A = arith.constant 0 : i32
      %scan3A_428 = arith.constant 12 : i32
      %scan3A_429 = arith.addi %scan3A, %scan3A_428 : i32
      %scan3A_430 = arith.constant 1 : i32
      %scan3A_431:2 = scf.for %scan3A_451 = %scan3A to %scan3A_429 step %scan3A_430 iter_args(%scan3A_452 = %broadcast_in_dim3A_426, %scan3A_453 = %broadcast_in_dim3A_427) -> (vector<16xf32>, vector<16xf32>)  : i32 {
        %sub3A_454 = arith.subf %scan3A_453, %scan3A_452 : vector<16xf32>
        %mul3A_455 = arith.constant 2.500000e-01 : f32
        %mul3A_456 = vector.broadcast %mul3A_455 : f32 to vector<16xf32>
        %mul3A_457 = arith.mulf %mul3A_456, %sub3A_454 : vector<16xf32>
        %add3A_458 = arith.addf %scan3A_452, %mul3A_457 : vector<16xf32>
        %mul3A_459 = arith.constant 5.000000e-01 : f32
        %mul3A_460 = vector.broadcast %mul3A_459 : f32 to vector<16xf32>
        %mul3A_461 = arith.mulf %mul3A_460, %sub3A_454 : vector<16xf32>
        %add3A_462 = arith.addf %scan3A_452, %mul3A_461 : vector<16xf32>
        %mul3A_463 = arith.constant 7.500000e-01 : f32
        %mul3A_464 = vector.broadcast %mul3A_463 : f32 to vector<16xf32>
        %mul3A_465 = arith.mulf %mul3A_464, %sub3A_454 : vector<16xf32>
        %add3A_466 = arith.addf %scan3A_452, %mul3A_465 : vector<16xf32>
        %scan3A_467 = arith.constant 0 : i32
        %scan3A_468 = arith.constant 2048 : i32
        %scan3A_469 = arith.addi %scan3A_467, %scan3A_468 : i32
        %scan3A_470 = arith.constant 4 : i32
        %scan3A_471:3 = scf.for %scan3A_495 = %scan3A_467 to %scan3A_469 step %scan3A_470 iter_args(%scan3A_496 = %broadcast_in_dim3A_0, %scan3A_497 = %broadcast_in_dim3A_0, %scan3A_498 = %broadcast_in_dim3A_0) -> (vector<16xf32>, vector<16xf32>, vector<16xf32>)  : i32 {
          %mul3A_499 = arith.constant 16 : i32
          %mul3A_500 = arith.muli %scan3A_495, %mul3A_499 : i32
          %get3A = arith.index_cast %mul3A_500 : i32 to index
          %get3A_501 = tpu.vector_load %arg5[%get3A] {strides = array<i32>} : memref<32768xf32, #tpu.memory_space<vmem>>, vector<16xf32>,
          %sub3A_502 = arith.subf %get3A_501, %add3A_458 : vector<16xf32>
          %max3A = arith.constant 0.000000e+00 : f32
          %max3A_503 = vector.broadcast %max3A : f32 to vector<16xf32>
          %max3A_504 = arith.maximumf %sub3A_502, %max3A_503 : vector<16xf32>
          %add3A_505 = arith.addf %scan3A_496, %max3A_504 : vector<16xf32>
          %sub3A_506 = arith.subf %get3A_501, %add3A_462 : vector<16xf32>
          %max3A_507 = arith.constant 0.000000e+00 : f32
          %max3A_508 = vector.broadcast %max3A_507 : f32 to vector<16xf32>
          %max3A_509 = arith.maximumf %sub3A_506, %max3A_508 : vector<16xf32>
          %add3A_510 = arith.addf %scan3A_497, %max3A_509 : vector<16xf32>
          %sub3A_511 = arith.subf %get3A_501, %add3A_466 : vector<16xf32>
          %max3A_512 = arith.constant 0.000000e+00 : f32
          %max3A_513 = vector.broadcast %max3A_512 : f32 to vector<16xf32>
          %max3A_514 = arith.maximumf %sub3A_511, %max3A_513 : vector<16xf32>
          %add3A_515 = arith.addf %scan3A_498, %max3A_514 : vector<16xf32>
          %scan3A_516 = arith.constant 1 : i32
          %scan3A_517 = arith.addi %scan3A_495, %scan3A_516 : i32
          %mul3A_518 = arith.constant 16 : i32
          %mul3A_519 = arith.muli %scan3A_517, %mul3A_518 : i32
          %get3A_520 = arith.index_cast %mul3A_519 : i32 to index
          %get3A_521 = tpu.vector_load %arg5[%get3A_520] {strides = array<i32>} : memref<32768xf32, #tpu.memory_space<vmem>>, vector<16xf32>,
          %sub3A_522 = arith.subf %get3A_521, %add3A_458 : vector<16xf32>
          %max3A_523 = arith.constant 0.000000e+00 : f32
          %max3A_524 = vector.broadcast %max3A_523 : f32 to vector<16xf32>
          %max3A_525 = arith.maximumf %sub3A_522, %max3A_524 : vector<16xf32>
          %add3A_526 = arith.addf %add3A_505, %max3A_525 : vector<16xf32>
          %sub3A_527 = arith.subf %get3A_521, %add3A_462 : vector<16xf32>
          %max3A_528 = arith.constant 0.000000e+00 : f32
          %max3A_529 = vector.broadcast %max3A_528 : f32 to vector<16xf32>
          %max3A_530 = arith.maximumf %sub3A_527, %max3A_529 : vector<16xf32>
          %add3A_531 = arith.addf %add3A_510, %max3A_530 : vector<16xf32>
          %sub3A_532 = arith.subf %get3A_521, %add3A_466 : vector<16xf32>
          %max3A_533 = arith.constant 0.000000e+00 : f32
          %max3A_534 = vector.broadcast %max3A_533 : f32 to vector<16xf32>
          %max3A_535 = arith.maximumf %sub3A_532, %max3A_534 : vector<16xf32>
          %add3A_536 = arith.addf %add3A_515, %max3A_535 : vector<16xf32>
          %scan3A_537 = arith.constant 2 : i32
          %scan3A_538 = arith.addi %scan3A_495, %scan3A_537 : i32
          %mul3A_539 = arith.constant 16 : i32
          %mul3A_540 = arith.muli %scan3A_538, %mul3A_539 : i32
          %get3A_541 = arith.index_cast %mul3A_540 : i32 to index
          %get3A_542 = tpu.vector_load %arg5[%get3A_541] {strides = array<i32>} : memref<32768xf32, #tpu.memory_space<vmem>>, vector<16xf32>,
          %sub3A_543 = arith.subf %get3A_542, %add3A_458 : vector<16xf32>
          %max3A_544 = arith.constant 0.000000e+00 : f32
          %max3A_545 = vector.broadcast %max3A_544 : f32 to vector<16xf32>
          %max3A_546 = arith.maximumf %sub3A_543, %max3A_545 : vector<16xf32>
          %add3A_547 = arith.addf %add3A_526, %max3A_546 : vector<16xf32>
          %sub3A_548 = arith.subf %get3A_542, %add3A_462 : vector<16xf32>
          %max3A_549 = arith.constant 0.000000e+00 : f32
          %max3A_550 = vector.broadcast %max3A_549 : f32 to vector<16xf32>
          %max3A_551 = arith.maximumf %sub3A_548, %max3A_550 : vector<16xf32>
          %add3A_552 = arith.addf %add3A_531, %max3A_551 : vector<16xf32>
          %sub3A_553 = arith.subf %get3A_542, %add3A_466 : vector<16xf32>
          %max3A_554 = arith.constant 0.000000e+00 : f32
          %max3A_555 = vector.broadcast %max3A_554 : f32 to vector<16xf32>
          %max3A_556 = arith.maximumf %sub3A_553, %max3A_555 : vector<16xf32>
          %add3A_557 = arith.addf %add3A_536, %max3A_556 : vector<16xf32>
          %scan3A_558 = arith.constant 3 : i32
          %scan3A_559 = arith.addi %scan3A_495, %scan3A_558 : i32
          %mul3A_560 = arith.constant 16 : i32
          %mul3A_561 = arith.muli %scan3A_559, %mul3A_560 : i32
          %get3A_562 = arith.index_cast %mul3A_561 : i32 to index
          %get3A_563 = tpu.vector_load %arg5[%get3A_562] {strides = array<i32>} : memref<32768xf32, #tpu.memory_space<vmem>>, vector<16xf32>,
          %sub3A_564 = arith.subf %get3A_563, %add3A_458 : vector<16xf32>
          %max3A_565 = arith.constant 0.000000e+00 : f32
          %max3A_566 = vector.broadcast %max3A_565 : f32 to vector<16xf32>
          %max3A_567 = arith.maximumf %sub3A_564, %max3A_566 : vector<16xf32>
          %add3A_568 = arith.addf %add3A_547, %max3A_567 : vector<16xf32>
          %sub3A_569 = arith.subf %get3A_563, %add3A_462 : vector<16xf32>
          %max3A_570 = arith.constant 0.000000e+00 : f32
          %max3A_571 = vector.broadcast %max3A_570 : f32 to vector<16xf32>
          %max3A_572 = arith.maximumf %sub3A_569, %max3A_571 : vector<16xf32>
          %add3A_573 = arith.addf %add3A_552, %max3A_572 : vector<16xf32>
          %sub3A_574 = arith.subf %get3A_563, %add3A_466 : vector<16xf32>
          %max3A_575 = arith.constant 0.000000e+00 : f32
          %max3A_576 = vector.broadcast %max3A_575 : f32 to vector<16xf32>
          %max3A_577 = arith.maximumf %sub3A_574, %max3A_576 : vector<16xf32>
          %add3A_578 = arith.addf %add3A_557, %max3A_577 : vector<16xf32>
          scf.yield %add3A_568, %add3A_573, %add3A_578 : vector<16xf32>, vector<16xf32>, vector<16xf32>
        }
        %scan3A_472 = arith.constant 2048 : i32
        %reduce_sum3A_473 = arith.constant true
        %reduce_sum3A_474 = vector.broadcast %reduce_sum3A_473 : i1 to vector<16xi1>
        %reduce_sum3A_475 = tpu.scan <sum>, %scan3A_471#0 masked %reduce_sum3A_474 : vector<16xf32>, vector<16xi1> -> vector<16xf32>
        %reduce_sum3A_476 = vector.extract %reduce_sum3A_475[15] : f32 from vector<16xf32>
        %reduce_sum3A_477 = arith.constant true
        %reduce_sum3A_478 = vector.broadcast %reduce_sum3A_477 : i1 to vector<16xi1>
        %reduce_sum3A_479 = tpu.scan <sum>, %scan3A_471#1 masked %reduce_sum3A_478 : vector<16xf32>, vector<16xi1> -> vector<16xf32>
        %reduce_sum3A_480 = vector.extract %reduce_sum3A_479[15] : f32 from vector<16xf32>
        %reduce_sum3A_481 = arith.constant true
        %reduce_sum3A_482 = vector.broadcast %reduce_sum3A_481 : i1 to vector<16xi1>
        %reduce_sum3A_483 = tpu.scan <sum>, %scan3A_471#2 masked %reduce_sum3A_482 : vector<16xf32>, vector<16xi1> -> vector<16xf32>
        %reduce_sum3A_484 = vector.extract %reduce_sum3A_483[15] : f32 from vector<16xf32>
        %ge3A = arith.constant 1.000000e+00 : f32
        %ge3A_485 = arith.cmpf oge, %reduce_sum3A_476, %ge3A : f32
        %ge3A_486 = arith.constant 1.000000e+00 : f32
        %ge3A_487 = arith.cmpf oge, %reduce_sum3A_480, %ge3A_486 : f32
        %ge3A_488 = arith.constant 1.000000e+00 : f32
        %ge3A_489 = arith.cmpf oge, %reduce_sum3A_484, %ge3A_488 : f32
        %select_n3A = arith.select %ge3A_485, %add3A_458, %scan3A_452 : vector<16xf32>
        %select_n3A_490 = arith.select %ge3A_487, %add3A_462, %select_n3A : vector<16xf32>
        %select_n3A_491 = arith.select %ge3A_489, %add3A_466, %select_n3A_490 : vector<16xf32>
        %select_n3A_492 = arith.select %ge3A_489, %scan3A_453, %add3A_466 : vector<16xf32>
        %select_n3A_493 = arith.select %ge3A_487, %select_n3A_492, %add3A_462 : vector<16xf32>
        %select_n3A_494 = arith.select %ge3A_485, %select_n3A_493, %add3A_458 : vector<16xf32>
        scf.yield %select_n3A_491, %select_n3A_494 : vector<16xf32>, vector<16xf32>
      }
      %scan3A_432 = arith.constant 12 : i32
      %scan3A_433 = arith.constant 0 : i32
      %scan3A_434 = arith.constant 2048 : i32
      %scan3A_435 = arith.addi %scan3A_433, %scan3A_434 : i32
      %scan3A_436 = arith.constant 1 : i32
      %scan3A_437:2 = scf.for %scan3A_451 = %scan3A_433 to %scan3A_435 step %scan3A_436 iter_args(%scan3A_452 = %broadcast_in_dim3A_0, %scan3A_453 = %broadcast_in_dim3A_0) -> (vector<16xf32>, vector<16xf32>)  : i32 {
        %mul3A_454 = arith.constant 16 : i32
        %mul3A_455 = arith.muli %scan3A_451, %mul3A_454 : i32
        %get3A = arith.index_cast %mul3A_455 : i32 to index
        %get3A_456 = tpu.vector_load %arg5[%get3A] {strides = array<i32>} : memref<32768xf32, #tpu.memory_space<vmem>>, vector<16xf32>,
        %gt3A = arith.cmpf ogt, %get3A_456, %scan3A_431#0 : vector<16xf32>
        %jit3A = arith.constant 1.000000e+00 : f32
        %jit3A_457 = arith.constant 0.000000e+00 : f32
        %broadcast_in_dim3A_458 = vector.broadcast %jit3A : f32 to vector<16xf32>
        %broadcast_in_dim3A_459 = vector.broadcast %jit3A_457 : f32 to vector<16xf32>
        %select_n3A = arith.select %gt3A, %broadcast_in_dim3A_458, %broadcast_in_dim3A_459 : vector<16xi1>, vector<16xf32>
        %add3A_460 = arith.addf %scan3A_452, %select_n3A : vector<16xf32>
        %jit3A_461 = arith.constant 0.000000e+00 : f32
        %broadcast_in_dim3A_462 = vector.broadcast %jit3A_461 : f32 to vector<16xf32>
        %select_n3A_463 = arith.select %gt3A, %get3A_456, %broadcast_in_dim3A_462 : vector<16xi1>, vector<16xf32>
        %add3A_464 = arith.addf %scan3A_453, %select_n3A_463 : vector<16xf32>
        scf.yield %add3A_460, %add3A_464 : vector<16xf32>, vector<16xf32>
      }
      %scan3A_438 = arith.constant 2048 : i32
      %reduce_sum3A = arith.constant true
      %reduce_sum3A_439 = vector.broadcast %reduce_sum3A : i1 to vector<16xi1>
      %reduce_sum3A_440 = tpu.scan <sum>, %scan3A_437#0 masked %reduce_sum3A_439 : vector<16xf32>, vector<16xi1> -> vector<16xf32>
      %reduce_sum3A_441 = vector.extract %reduce_sum3A_440[15] : f32 from vector<16xf32>
      %reduce_sum3A_442 = arith.constant true
      %reduce_sum3A_443 = vector.broadcast %reduce_sum3A_442 : i1 to vector<16xi1>
      %reduce_sum3A_444 = tpu.scan <sum>, %scan3A_437#1 masked %reduce_sum3A_443 : vector<16xf32>, vector<16xi1> -> vector<16xf32>
      %reduce_sum3A_445 = vector.extract %reduce_sum3A_444[15] : f32 from vector<16xf32>
      %broadcast_in_dim3A_446 = vector.broadcast %reduce_sum3A_445 : f32 to vector<16xf32>
      %sub3A_447 = arith.constant 1.000000e+00 : f32
      %sub3A_448 = vector.broadcast %sub3A_447 : f32 to vector<16xf32>
      %sub3A_449 = arith.subf %broadcast_in_dim3A_446, %sub3A_448 : vector<16xf32>
      %broadcast_in_dim3A_450 = vector.broadcast %reduce_sum3A_441 : f32 to vector<16xf32>
      %div3A = arith.divf %sub3A_449, %broadcast_in_dim3A_450 : vector<16xf32>
      scf.yield %div3A : vector<16xf32>
    }
    "tpu.trace_stop"() : () -> ()
    "tpu.trace_start"() <{level = 10 : i32, message = "owait"}> : () -> ()
    %dma_wait3A_356 = arith.constant 0 : i32
    %dma_wait3A_357 = tpu.memref_slice %arg6[%dma_wait3A_356] : memref<32768xf32, #tpu.memory_space<vmem>> -> memref<16384xf32, #tpu.memory_space<vmem>>
    %dma_wait3A_358 = arith.constant 0 : i32
    %dma_wait3A_359 = tpu.memref_slice %arg3[%add3A_281, %dma_wait3A_358] : memref<128x32768xf32, #tpu.memory_space<hbm>> -> memref<1x16384xf32, #tpu.memory_space<hbm>>
    %dma_wait3A_360 = tpu.memref_squeeze %dma_wait3A_359 : memref<1x16384xf32, #tpu.memory_space<hbm>> -> memref<16384xf32, #tpu.memory_space<hbm>>
    %dma_wait3A_361 = arith.constant 0 : i32
    %dma_wait3A_362 = tpu.memref_slice %arg3[%add3A_281, %dma_wait3A_361] : memref<128x32768xf32, #tpu.memory_space<hbm>> -> memref<1x16384xf32, #tpu.memory_space<hbm>>
    %dma_wait3A_363 = tpu.memref_squeeze %dma_wait3A_362 : memref<1x16384xf32, #tpu.memory_space<hbm>> -> memref<16384xf32, #tpu.memory_space<hbm>>
    %dma_wait3A_364 = arith.constant 0 : i32
    %dma_wait3A_365 = tpu.memref_slice %arg6[%dma_wait3A_364] : memref<32768xf32, #tpu.memory_space<vmem>> -> memref<16384xf32, #tpu.memory_space<vmem>>
    tpu.wait_dma2 semaphore(%arg10 : memref<!tpu.dma_semaphore, #tpu.memory_space<semaphore_mem>>) src(%dma_wait3A_365 : memref<16384xf32, #tpu.memory_space<vmem>>) dst(%dma_wait3A_363 : memref<16384xf32, #tpu.memory_space<hbm>>)
    %dma_wait3A_366 = arith.constant 16384 : i32
    %dma_wait3A_367 = tpu.memref_slice %arg6[%dma_wait3A_366] : memref<32768xf32, #tpu.memory_space<vmem>> -> memref<16384xf32, #tpu.memory_space<vmem>>
    %dma_wait3A_368 = arith.constant 16384 : i32
    %dma_wait3A_369 = tpu.memref_slice %arg3[%add3A_296, %dma_wait3A_368] : memref<128x32768xf32, #tpu.memory_space<hbm>> -> memref<1x16384xf32, #tpu.memory_space<hbm>>
    %dma_wait3A_370 = tpu.memref_squeeze %dma_wait3A_369 : memref<1x16384xf32, #tpu.memory_space<hbm>> -> memref<16384xf32, #tpu.memory_space<hbm>>
    %dma_wait3A_371 = arith.constant 16384 : i32
    %dma_wait3A_372 = tpu.memref_slice %arg3[%add3A_296, %dma_wait3A_371] : memref<128x32768xf32, #tpu.memory_space<hbm>> -> memref<1x16384xf32, #tpu.memory_space<hbm>>
    %dma_wait3A_373 = tpu.memref_squeeze %dma_wait3A_372 : memref<1x16384xf32, #tpu.memory_space<hbm>> -> memref<16384xf32, #tpu.memory_space<hbm>>
    %dma_wait3A_374 = arith.constant 16384 : i32
    %dma_wait3A_375 = tpu.memref_slice %arg6[%dma_wait3A_374] : memref<32768xf32, #tpu.memory_space<vmem>> -> memref<16384xf32, #tpu.memory_space<vmem>>
    tpu.wait_dma2 semaphore(%arg10 : memref<!tpu.dma_semaphore, #tpu.memory_space<semaphore_mem>>) src(%dma_wait3A_375 : memref<16384xf32, #tpu.memory_space<vmem>>) dst(%dma_wait3A_373 : memref<16384xf32, #tpu.memory_space<hbm>>)
    %parallel_loop3A_376 = arith.constant 0 : i32
    %parallel_loop3A_377 = arith.constant 1024 : i32
    %parallel_loop3A_378 = arith.constant 1 : i32
    "tpu.trace_stop"() : () -> ()
    "tpu.trace_start"() <{level = 10 : i32, message = "relu"}> : () -> ()
    scf.for %parallel_loop3A_426 = %parallel_loop3A_376 to %parallel_loop3A_377 step %parallel_loop3A_378  : i32 {
      %parallel_loop3A_427 = arith.constant 16 : i32
      %parallel_loop3A_428 = arith.muli %parallel_loop3A_426, %parallel_loop3A_427 : i32
      %parallel_loop3A_429 = arith.index_cast %parallel_loop3A_428 : i32 to index
      %parallel_loop3A_430 = tpu.vector_load %arg5[%parallel_loop3A_429] {strides = array<i32>} : memref<32768xf32, #tpu.memory_space<vmem>>, vector<16xf32>,
      %parallel_loop3A_431 = arith.subf %parallel_loop3A_430, %cond3A_355 : vector<16xf32>
      %parallel_loop3A_432 = arith.constant 0.000000e+00 : f32
      %parallel_loop3A_433 = vector.broadcast %parallel_loop3A_432 : f32 to vector<16xf32>
      %parallel_loop3A_434 = arith.maximumf %parallel_loop3A_431, %parallel_loop3A_433 : vector<16xf32>
      %parallel_loop3A_435 = arith.constant 16 : i32
      %parallel_loop3A_436 = arith.muli %parallel_loop3A_426, %parallel_loop3A_435 : i32
      %parallel_loop3A_437 = arith.index_cast %parallel_loop3A_436 : i32 to index
      %parallel_loop3A_438 = tpu.vector_load %arg6[%parallel_loop3A_437] {strides = array<i32>} : memref<32768xf32, #tpu.memory_space<vmem>>, vector<16xf32>,
      tpu.vector_store %arg6[%parallel_loop3A_437], %parallel_loop3A_434 {strides = array<i32>} : memref<32768xf32, #tpu.memory_space<vmem>>, vector<16xf32>,
    } {sc.loop_unroll_factor = 8 : i64, sc.parallel_access}
    %add3A_379 = arith.constant 3 : i32
    %add3A_380 = arith.addi %mul3A_5, %add3A_379 : i32
    %dma_start3A_381 = arith.constant 0 : i32
    %dma_start3A_382 = tpu.memref_slice %arg6[%dma_start3A_381] : memref<32768xf32, #tpu.memory_space<vmem>> -> memref<16384xf32, #tpu.memory_space<vmem>>
    %dma_start3A_383 = arith.constant 0 : i32
    %dma_start3A_384 = tpu.memref_slice %arg3[%add3A_380, %dma_start3A_383] : memref<128x32768xf32, #tpu.memory_space<hbm>> -> memref<1x16384xf32, #tpu.memory_space<hbm>>
    %dma_start3A_385 = tpu.memref_squeeze %dma_start3A_384 : memref<1x16384xf32, #tpu.memory_space<hbm>> -> memref<16384xf32, #tpu.memory_space<hbm>>
    %dma_start3A_386 = arith.constant 0 : i32
    %dma_start3A_387 = tpu.memref_slice %arg3[%add3A_380, %dma_start3A_386] : memref<128x32768xf32, #tpu.memory_space<hbm>> -> memref<1x16384xf32, #tpu.memory_space<hbm>>
    %dma_start3A_388 = tpu.memref_squeeze %dma_start3A_387 : memref<1x16384xf32, #tpu.memory_space<hbm>> -> memref<16384xf32, #tpu.memory_space<hbm>>
    %dma_start3A_389 = arith.constant 0 : i32
    %dma_start3A_390 = tpu.memref_slice %arg6[%dma_start3A_389] : memref<32768xf32, #tpu.memory_space<vmem>> -> memref<16384xf32, #tpu.memory_space<vmem>>
    tpu.enqueue_dma source(%dma_start3A_390 : memref<16384xf32, #tpu.memory_space<vmem>>) target(%dma_start3A_388 : memref<16384xf32, #tpu.memory_space<hbm>>) target_semaphore(%arg10 : memref<!tpu.dma_semaphore, #tpu.memory_space<semaphore_mem>>)
    %parallel_loop3A_391 = arith.constant 1024 : i32
    %parallel_loop3A_392 = arith.constant 2048 : i32
    %parallel_loop3A_393 = arith.constant 1 : i32
    scf.for %parallel_loop3A_426 = %parallel_loop3A_391 to %parallel_loop3A_392 step %parallel_loop3A_393  : i32 {
      %parallel_loop3A_427 = arith.constant 16 : i32
      %parallel_loop3A_428 = arith.muli %parallel_loop3A_426, %parallel_loop3A_427 : i32
      %parallel_loop3A_429 = arith.index_cast %parallel_loop3A_428 : i32 to index
      %parallel_loop3A_430 = tpu.vector_load %arg5[%parallel_loop3A_429] {strides = array<i32>} : memref<32768xf32, #tpu.memory_space<vmem>>, vector<16xf32>,
      %parallel_loop3A_431 = arith.subf %parallel_loop3A_430, %cond3A_355 : vector<16xf32>
      %parallel_loop3A_432 = arith.constant 0.000000e+00 : f32
      %parallel_loop3A_433 = vector.broadcast %parallel_loop3A_432 : f32 to vector<16xf32>
      %parallel_loop3A_434 = arith.maximumf %parallel_loop3A_431, %parallel_loop3A_433 : vector<16xf32>
      %parallel_loop3A_435 = arith.constant 16 : i32
      %parallel_loop3A_436 = arith.muli %parallel_loop3A_426, %parallel_loop3A_435 : i32
      %parallel_loop3A_437 = arith.index_cast %parallel_loop3A_436 : i32 to index
      %parallel_loop3A_438 = tpu.vector_load %arg6[%parallel_loop3A_437] {strides = array<i32>} : memref<32768xf32, #tpu.memory_space<vmem>>, vector<16xf32>,
      tpu.vector_store %arg6[%parallel_loop3A_437], %parallel_loop3A_434 {strides = array<i32>} : memref<32768xf32, #tpu.memory_space<vmem>>, vector<16xf32>,
    } {sc.loop_unroll_factor = 8 : i64, sc.parallel_access}
    %add3A_394 = arith.constant 3 : i32
    %add3A_395 = arith.addi %mul3A_5, %add3A_394 : i32
    %dma_start3A_396 = arith.constant 16384 : i32
    %dma_start3A_397 = tpu.memref_slice %arg6[%dma_start3A_396] : memref<32768xf32, #tpu.memory_space<vmem>> -> memref<16384xf32, #tpu.memory_space<vmem>>
    %dma_start3A_398 = arith.constant 16384 : i32
    %dma_start3A_399 = tpu.memref_slice %arg3[%add3A_395, %dma_start3A_398] : memref<128x32768xf32, #tpu.memory_space<hbm>> -> memref<1x16384xf32, #tpu.memory_space<hbm>>
    %dma_start3A_400 = tpu.memref_squeeze %dma_start3A_399 : memref<1x16384xf32, #tpu.memory_space<hbm>> -> memref<16384xf32, #tpu.memory_space<hbm>>
    %dma_start3A_401 = arith.constant 16384 : i32
    %dma_start3A_402 = tpu.memref_slice %arg3[%add3A_395, %dma_start3A_401] : memref<128x32768xf32, #tpu.memory_space<hbm>> -> memref<1x16384xf32, #tpu.memory_space<hbm>>
    %dma_start3A_403 = tpu.memref_squeeze %dma_start3A_402 : memref<1x16384xf32, #tpu.memory_space<hbm>> -> memref<16384xf32, #tpu.memory_space<hbm>>
    %dma_start3A_404 = arith.constant 16384 : i32
    %dma_start3A_405 = tpu.memref_slice %arg6[%dma_start3A_404] : memref<32768xf32, #tpu.memory_space<vmem>> -> memref<16384xf32, #tpu.memory_space<vmem>>
    tpu.enqueue_dma source(%dma_start3A_405 : memref<16384xf32, #tpu.memory_space<vmem>>) target(%dma_start3A_403 : memref<16384xf32, #tpu.memory_space<hbm>>) target_semaphore(%arg10 : memref<!tpu.dma_semaphore, #tpu.memory_space<semaphore_mem>>)
    "tpu.trace_stop"() : () -> ()
    %dma_wait3A_406 = arith.constant 0 : i32
    %dma_wait3A_407 = tpu.memref_slice %arg6[%dma_wait3A_406] : memref<32768xf32, #tpu.memory_space<vmem>> -> memref<16384xf32, #tpu.memory_space<vmem>>
    %dma_wait3A_408 = arith.constant 0 : i32
    %dma_wait3A_409 = tpu.memref_slice %arg3[%add3A_380, %dma_wait3A_408] : memref<128x32768xf32, #tpu.memory_space<hbm>> -> memref<1x16384xf32, #tpu.memory_space<hbm>>
    %dma_wait3A_410 = tpu.memref_squeeze %dma_wait3A_409 : memref<1x16384xf32, #tpu.memory_space<hbm>> -> memref<16384xf32, #tpu.memory_space<hbm>>
    %dma_wait3A_411 = arith.constant 0 : i32
    %dma_wait3A_412 = tpu.memref_slice %arg3[%add3A_380, %dma_wait3A_411] : memref<128x32768xf32, #tpu.memory_space<hbm>> -> memref<1x16384xf32, #tpu.memory_space<hbm>>
    %dma_wait3A_413 = tpu.memref_squeeze %dma_wait3A_412 : memref<1x16384xf32, #tpu.memory_space<hbm>> -> memref<16384xf32, #tpu.memory_space<hbm>>
    %dma_wait3A_414 = arith.constant 0 : i32
    %dma_wait3A_415 = tpu.memref_slice %arg6[%dma_wait3A_414] : memref<32768xf32, #tpu.memory_space<vmem>> -> memref<16384xf32, #tpu.memory_space<vmem>>
    tpu.wait_dma2 semaphore(%arg10 : memref<!tpu.dma_semaphore, #tpu.memory_space<semaphore_mem>>) src(%dma_wait3A_415 : memref<16384xf32, #tpu.memory_space<vmem>>) dst(%dma_wait3A_413 : memref<16384xf32, #tpu.memory_space<hbm>>)
    %dma_wait3A_416 = arith.constant 16384 : i32
    %dma_wait3A_417 = tpu.memref_slice %arg6[%dma_wait3A_416] : memref<32768xf32, #tpu.memory_space<vmem>> -> memref<16384xf32, #tpu.memory_space<vmem>>
    %dma_wait3A_418 = arith.constant 16384 : i32
    %dma_wait3A_419 = tpu.memref_slice %arg3[%add3A_395, %dma_wait3A_418] : memref<128x32768xf32, #tpu.memory_space<hbm>> -> memref<1x16384xf32, #tpu.memory_space<hbm>>
    %dma_wait3A_420 = tpu.memref_squeeze %dma_wait3A_419 : memref<1x16384xf32, #tpu.memory_space<hbm>> -> memref<16384xf32, #tpu.memory_space<hbm>>
    %dma_wait3A_421 = arith.constant 16384 : i32
    %dma_wait3A_422 = tpu.memref_slice %arg3[%add3A_395, %dma_wait3A_421] : memref<128x32768xf32, #tpu.memory_space<hbm>> -> memref<1x16384xf32, #tpu.memory_space<hbm>>
    %dma_wait3A_423 = tpu.memref_squeeze %dma_wait3A_422 : memref<1x16384xf32, #tpu.memory_space<hbm>> -> memref<16384xf32, #tpu.memory_space<hbm>>
    %dma_wait3A_424 = arith.constant 16384 : i32
    %dma_wait3A_425 = tpu.memref_slice %arg6[%dma_wait3A_424] : memref<32768xf32, #tpu.memory_space<vmem>> -> memref<16384xf32, #tpu.memory_space<vmem>>
    tpu.wait_dma2 semaphore(%arg10 : memref<!tpu.dma_semaphore, #tpu.memory_space<semaphore_mem>>) src(%dma_wait3A_425 : memref<16384xf32, #tpu.memory_space<vmem>>) dst(%dma_wait3A_423 : memref<16384xf32, #tpu.memory_space<hbm>>)
    return
  }
}

</mosaic_0001>

<sc_bundles>
// kernel: kernel.3.cloned.1.call-start
scs
__scs_entry_jumppad:
0x0: {  	(pc) =	sbr.rel $0x88, $3  }
0x1: {  	(tag) =	ssettag $0x0;
	lr =	simm.s32 $0x1  }
0x2: {  	[smem:$0x3FA0] =	sst lr;
	_ =	strace $0xD0000000  }
0x3: {  	_ = 	snop  }
0x4: {  	_ = 	snop  }
0x5: {  	_ = 	snop  }
0x6: {  	_ = 	snop  }
0x7: {  	_ = 	snop  }
__scs_overlays_trampoline_lowered:
0x8: {  	[smem:$0x3FAF] =	sst s0  }
0x9: {  	[smem:$0x3FB0] =	sst s1  }
0xa: {  	[smem:$0x3FB1] =	sst s2  }
0xb: {  	[smem:$0x3FB2] =	sst s3  }
0xc: {  	[smem:$0x3FB3] =	sst s4  }
0xd: {  	[smem:$0x3FB4] =	sst s5  }
0xe: {  	[smem:$0x3FB5] =	sst s6  }
0xf: {  	[smem:$0x3FB6] =	sst s7  }
0x10: {  	[smem:$0x3FB7] =	sst s8  }
0x11: {  	[smem:$0x3FB8] =	sst s9;
	s0 =	simm.s32 @!p0 $0x0  }
0x12: {  	s1 =	sld [smem:$0x3F9E];
	s0 =	simm.s32 @p0 $0x1  }
0x13: {  	[smem:$0x3FB9] =	sst s0;
	s0 =	simm.s32 @!p1 $0x0  }
0x14: {  	s2 =	sld [smem:$0x3F9D];
	s0 =	simm.s32 @p1 $0x1  }
0x15: {  	[smem:$0x3FBA] =	sst s0;
	s0 =	simm.s32 @!p2 $0x0  }
0x16: {  	s3 =	sld [smem:$0x3FDB];
	s0 =	simm.s32 @p2 $0x1  }
0x17: {  	s4 =	simm.s32 $0x1BF5;
	[smem:$0x3FBC] =	sst s0  }
0x18: {  	s0 =	sld [smem:$0x3F9F];
	_ =	swait.ge [sflag:s4], $0x0  }
0x19: {  	s7 =	sld [smem:$0x3FA0]  }
0x1a: {  	s8 =	sadd.s32 $0xFFFFE003, lr  }
0x1b: {  	s9 =	sadd.s32 $0xFFFFFEF7, lr;
	s5 =	simm.s32 $0xFFFFFFFF;
	p2 =	slt.u32 s8, $0xFFFFF086  }
0x1c: {  	p1 =	slt.u32 s9, $0xF7A;
	s5 =	simm.s32 @!p2 $0x0  }
0x1d: {  	s5 =	simm.s32 @p1 $0x1;
	p0 =	seq.s32 s7, s2  }
0x1e: {  	s7 =	smul.u32 @!p0 $0xF7A, s2;
	p2 =	seq.s32 @!p0 s5, $0x0  }
0x1f: {  	s9 =	smul.u32 $0xF7A, s1;
	s8 =	simm.s32 @!p0 $0x1BF5;
	p2 =	por !p2, p0  }
0x20: {  	[sflag:s8] =	ssyncset.s32 @!p0 $0xFFFFF086;
	s6 =	sadd.s32 @!p0 s3, s7;
	s7 =	simm.s32 @!p0 $0x108  }
0x21: {  	s3 =	sadd.s32 s3, s9;
	s6 =	sadd.s32 @!p0 $0x88, s6;
	s7 =	simm.s32 @p2 $0x1082  }
0x22: {  	[simem:s7], [sflag:s8] =	dma.local @!p0 [hbm:s6], $0xF7A  }
0x23: {  	s9 =	sor.u32 $0xD0000000, s2;
	s6 =	simm.s32 $0x108;
	_ =	swait.ge @!p0 [sflag:s8], $0x0  }
0x24: {  	s3 =	sadd.s32 $0x88, s3;
	s6 =	simm.s32 @!p1 $0x1082;
	[sflag:s4] =	ssyncset.s32 $0xFFFFF086  }
0x25: {  	[simem:s6], [sflag:s4] =	dma.local [hbm:s3], $0xF7A  }
0x26: {  	[smem:$0x3FA0] =	sst s1;
	(tag) =	ssettag s2;
	_ =	strace s9  }
0x27: {  	s1 =	sld [smem:$0x3FB0]  }
0x28: {  	s2 =	sld [smem:$0x3FB1]  }
0x29: {  	s4 =	sld [smem:$0x3FB3]  }
0x2a: {  	p0 =	seq.s32 s5, $0x0;
	s5 =	sld [smem:$0x3FB4]  }
0x2b: {  	s6 =	sld [smem:$0x3FB5]  }
0x2c: {  	s7 =	sld [smem:$0x3FB6]  }
0x2d: {  	s3 =	simm.s32 $0x108;
	s8 =	sld [smem:$0x3FB7]  }
0x2e: {  	s3 =	simm.s32 @!p0 $0x1082;
	s9 =	sld [smem:$0x3FB8]  }
0x2f: {  	lr =	sadd.s32 s0, s3;
	s0 =	sld [smem:$0x3FAF]  }
0x30: {  	s3 =	sld [smem:$0x3FB2]  }
0x31: {  	[smem:$0x3FBB] =	sst s10  }
0x32: {  	s10 =	sld [smem:$0x3FB9];
	_ =	sdelay $0x3  }
0x33: {  	p0 =	seq.s32 s10, $0x1;
	s10 =	sld [smem:$0x3FBB];
	_ =	sdelay $0x3  }
0x34: {  	[smem:$0x3FBB] =	sst s10  }
0x35: {  	s10 =	sld [smem:$0x3FBA];
	_ =	sdelay $0x3  }
0x36: {  	p1 =	seq.s32 s10, $0x1;
	s10 =	sld [smem:$0x3FBB];
	_ =	sdelay $0x3  }
0x37: {  	[smem:$0x3FBB] =	sst s10  }
0x38: {  	s10 =	sld [smem:$0x3FBC]  }
0x39: {  	_ = 	snop;
	(pc) =	sbr.ind lr, $3  }
0x3a: {  	_ = 	snop  }
0x3b: {  	_ = 	snop  }
0x3c: {  	p2 =	seq.s32 s10, $0x1;
	s10 =	sld [smem:$0x3FBB]  }
0x3d: {  	_ =	shalt  }
0x3e: {  	_ =	shalt  }
0x3f: {  	_ =	shalt  }
0x40: {  	_ =	shalt  }
0x41: {  	_ =	shalt  }
0x42: {  	_ =	shalt  }
0x43: {  	_ =	shalt  }
0x44: {  	_ =	shalt  }
0x45: {  	_ =	shalt  }
0x46: {  	_ =	shalt  }
0x47: {  	_ =	shalt  }
0x48: {  	_ =	shalt  }
0x49: {  	_ =	shalt  }
0x4a: {  	_ =	shalt  }
0x4b: {  	_ =	shalt  }
0x4c: {  	_ =	shalt  }
0x4d: {  	_ =	shalt  }
0x4e: {  	_ =	shalt  }
0x4f: {  	_ =	shalt  }
0x50: {  	_ =	shalt  }
0x51: {  	_ =	shalt  }
0x52: {  	_ =	shalt  }
0x53: {  	_ =	shalt  }
0x54: {  	_ =	shalt  }
0x55: {  	_ =	shalt  }
0x56: {  	_ =	shalt  }
0x57: {  	_ =	shalt  }
0x58: {  	_ =	shalt  }
0x59: {  	_ =	shalt  }
0x5a: {  	_ =	shalt  }
0x5b: {  	_ =	shalt  }
0x5c: {  	_ =	shalt  }
0x5d: {  	_ =	shalt  }
0x5e: {  	_ =	shalt  }
0x5f: {  	_ =	shalt  }
0x60: {  	_ =	shalt  }
0x61: {  	_ =	shalt  }
0x62: {  	_ =	shalt  }
0x63: {  	_ =	shalt  }
0x64: {  	_ =	shalt  }
0x65: {  	_ =	shalt  }
0x66: {  	_ =	shalt  }
0x67: {  	_ =	shalt  }
0x68: {  	_ =	shalt  }
0x69: {  	_ =	shalt  }
0x6a: {  	_ =	shalt  }
0x6b: {  	_ =	shalt  }
0x6c: {  	_ =	shalt  }
0x6d: {  	_ =	shalt  }
0x6e: {  	_ =	shalt  }
0x6f: {  	_ =	shalt  }
0x70: {  	_ =	shalt  }
0x71: {  	_ =	shalt  }
0x72: {  	_ =	shalt  }
0x73: {  	_ =	shalt  }
0x74: {  	_ =	shalt  }
0x75: {  	_ =	shalt  }
0x76: {  	_ =	shalt  }
0x77: {  	_ =	shalt  }
0x78: {  	_ =	shalt  }
0x79: {  	_ =	shalt  }
0x7a: {  	_ =	shalt  }
0x7b: {  	_ =	shalt  }
0x7c: {  	_ =	shalt  }
0x7d: {  	_ =	shalt  }
0x7e: {  	_ =	shalt  }
0x7f: {  	_ =	shalt  }
0x80: {  	_ =	shalt  }
0x81: {  	_ =	shalt  }
0x82: {  	_ =	shalt  }
0x83: {  	_ =	shalt  }
0x84: {  	_ =	shalt  }
0x85: {  	_ =	shalt  }
0x86: {  	_ =	shalt  }
0x87: {  	_ =	shalt  }
.Lfunc_end0:
.L_simem_size_0:
called_computation_lowered:
.L_overlay_start_0:
0x88: {  	s2 =	sld [smem:$0x3FD9]  }
0x89: {  	s3 =	sld [smem:$0x3FFE];
	_ =	sdelay $0x1  }
0x8a: {  	s1 =	srdreg.scid  }
0x8b: {  	s0 =	sand.u32 $0x1, s1  }
0x8c: {  	s18 =	sshll.u32 s0, $0xA;
	s2 =	sadd.s32 s3, s2  }
0x8d: {  	s2 =	sadd.s32 s2, s18  }
0x8e: {  	[smem:$0x3FC7] =	sst s2  }
0x8f: {  	_ = 	snop  }
0x90: {  	s2 =	sld [smem:$0x3FC9]  }
0x91: {  	s19 =	sld [smem:$0x3FD0];
	(tm) =	ssettm $0x1  }
0x92: {  	s4 =	sld [smem:$0x3FFB];
	_ =	sdelay $0x3  }
0x93: {  	_ =	strace s4  }
0x94: {  	s4 =	sld [smem:$0x3FFC];
	_ =	sdelay $0x3  }
0x95: {  	_ =	strace s4  }
0x96: {  	s4 =	sld [smem:$0x3FFD];
	_ =	sdelay $0x3  }
0x97: {  	_ =	strace s4  }
0x98: {  	_ =	strace $0x8FFFFFFF  }
0x99: {  	s20 =	sld [smem:$0x3FDB];
	_ =	sdelay $0x1  }
0x9a: {  	s5 =	simm.s32 $_scs_section_size  }
0x9b: {  	s6 =	simm.s32 $_size__tile_overlayer_lowered;
	s7 =	simm.s32 $_tile_overlayer_lowered  }
0x9c: {  	s23 =	simm.s32 $0x1BFF;
	s22 =	sshll.u32 s7, $0x1;
	s4 =	sadd.s32 s5, s20  }
0x9d: {  	s8 =	simm.s32 $0x0;
	s21 =	sshll.u32 s6, $0x1;
	s6 =	sadd.s32 s22, s4  }
0x9e: {  	[timem:s8], [sflag:s23] =	dma.local [hbm:s6], s21  }
0x9f: {  	_ =	swait.ge [sflag:s23], s21  }
0xa0: {  	s5 =	ssub.s32 $0x0, s21;
	[sflag:s23] =	ssyncset.done $0x0  }
0xa1: {  	[sflag:s23] =	ssyncadd.s32 s5;
	_ =	sdelay $0x1  }
0xa2: {  	s24 =	simm.s32 $0x1B8B  }
0xa3: {  	_ =	swait.ge [sflag:s24], $0x1  }
0xa4: {  	[sflag:s24] =	ssyncset.done $0x0  }
0xa5: {  	s25 =	simm.s32 $0x1B8E;
	[sflag:s24] =	ssyncadd.s32 $0xFFFFFFFF  }
0xa6: {  	s26 =	simm.s32 $execute0_lowered;
	[smem:$0x3FD2] =	sst s25  }
0xa7: {  	s5 =	sshll.u32 s26, $0x1;
	_ =	strace $0x80000046;
	[dreg:$0x1] =	wrdreg $0xFFFFFFFF  }
0xa8: {  	s28 =	simm.s32 $_size_execute0_lowered;
	s4 =	sadd.s32 s4, s5;
	[dreg:$0x0] =	wrdreg $0x0  }
0xa9: {  	s5 =	sshll.u32 s28, $0x1;
	[dreg:$0x2] =	wrdreg s4  }
0xaa: {  	[dreg:$0x3] =	wrdreg s5  }
0xab: {  	[dreg:$0x4] =	wrdreg $0xC0  }
0xac: {  	_ =	task [dreg:s8], $0x5FFFF  }
0xad: {  	[dreg:$0x1] =	wrdreg $0xFFFFFFFF  }
0xae: {  	[dreg:$0x0] =	wrdreg $0x60  }
0xaf: {  	[dreg:$0x2] =	wrdreg s2  }
0xb0: {  	[dreg:$0x3] =	wrdreg s19  }
0xb1: {  	[dreg:$0x4] =	wrdreg $0x9  }
0xb2: {  	_ =	task.clear_ibuf [dreg:s8], $0x5FFFF;
	_ =	strace $0x90000046  }
0xb3: {  	s29 =	simm.s32 $0x9;
	_ =	strace $0x8000005F  }
0xb4: {  	_ =	swait.ge [sflag:s29], $0x1  }
0xb5: {  	[sflag:s29] =	ssyncadd.s32 $0xFFFFFFFF  }
0xb6: {  	_ =	strace $0x9000005F  }
0xb7: {  	_ =	sfence  }
0xb8: {  	s30 =	sld [smem:$0x0];
	_ =	sdelay $0x2  }
0xb9: {  	s31 =	sshll.u32 s1, $0xD;
	s1 =	sshrl.u32 s1, $0x2  }
0xba: {  	s3 =	sand.u32 $0x4000, s31;
	s1 =	sadd.s32 s1, s30  }
0xbb: {  	s0 =	sor.u32 s3, s0;
	s1 =	sshll.u32 s1, $0x11  }
0xbc: {  	s0 =	sor.u32 s1, s0  }
0xbd: {  	s0 =	sadd.s32 $0x8F2B, s0  }
0xbe: {  	[sflag:s0] =	ssyncadd.remote.s32 $0x1  }
0xbf: {  	_ =	sfence.sel $0xFFFF  }
0xc0: {  	[dreg:$0x0] =	wrdreg $0xFFFFFFFF;
	(pc) =	sbr.abs _section_cstart, $3  }
0xc1: {  	[dreg:$0x1] =	wrdreg $0xFFFFFFFF  }
0xc2: {  	_ =	task.clear_ibuf [dreg:s8], $0x2FFFF;
	_ =	strace $0x9FFFFFFF  }
0xc3: {  	(tm) =	ssettm $0x7FFFFFFF  }
tec
execute0_lowered:
.L_overlay_start_1:
0x0: {  	(tag) =	ssettag $0x1  }
0x1: {  	s10 =	rddreg [dreg:$0x0]  }
0x2: {  	s13 =	rddreg [dreg:$0x1]  }
0x3: {  	s2 =	srdreg.scid;
	s0 =	stileid.u32;
	s17 =	simm.s32 $0x400  }
0x4: {  	s18 =	simm.s32 $0x1;
	s19 =	simm.s32 $0x8000;
	s20 =	simm.s32 $0x18000  }
0x5: {  	s21 =	simm.s32 $0x10000;
	s22 =	simm.s32 $0x14000;
	s23 =	simm.s32 $0x2  }
0x6: {  	s24 =	simm.s32 $0x3;
	s25 =	simm.s32 $0x0;
	s3 =	sand.u32 $0x1, s2  }
0x7: {  	s2 =	simm.s32 $0x0;
	s4 =	sshll.u32 s0, $0xF;
	s14 =	sadd.s32 $0x4000, s13  }
0x8: {  	s5 =	sshll.u32 s3, $0x6;
	[smem:$0x7FF] =	sst s2;
	s3 =	ssub.s32 $0x2, s3  }
0x9: {  	s8 =	sor.u32 s5, s4;
	_ =	strace $0x80000047;
	s31 =	sshrl.u32 s3, $0x1  }
0xa: {  	s9 =	sor.u32 $0x10, s8;
	s15 =	ssub.s32 s3, s31;
	s3 =	sadd.s32 s10, s8  }
0xb: {  	s5 =	sadd.s32 s13, s8;
	s12 =	sor.u32 $0x20, s8;
	s6 =	sadd.s32 s8, s14  }
0xc: {  	s16 =	sor.u32 $0x30, s8;
	s4 =	sadd.s32 s10, s9;
	s7 =	sadd.s32 s10, s12  }
0xd: {  	s8 =	sadd.s32 s13, s9;
	s9 =	sadd.s32 s9, s14;
	s10 =	sadd.s32 s10, s16  }
0xe: {  	s11 =	sadd.s32 s13, s12;
	s12 =	sadd.s32 s12, s14;
	s13 =	sadd.s32 s13, s16  }
0xf: {  	v0 =	vimm.s32 $0x1;
	v1 =	vimm.f32 $-Inf;
	v2 =	vimm.f32 $0.0e+00;
	s14 =	sadd.s32 s16, s14;
	s15 =	smax.u32 s15, $0x1;
	s16 =	simm.s32 $0x80  }
.LBB2_1:
0x10: {  	[tilespmem:s2], [sflag:$0x1] =	stream.strided.gather [hbm4b:s3+s16], $0x8000, s17, s16, $0x38;
	[tilespmem:$0x1C000] =	vst v63  }
0x11: {  	_ =	strace $0x80000048  }
0x12: {  	_ =	swait.ge [sflag:s18], $0x8000  }
0x13: {  	[sflag:s18] =	ssyncset.done $0x0  }
0x14: {  	[sflag:s18] =	ssyncadd.s32 $0xFFFF8000  }
0x15: {  	_ =	strace $0x90000048  }
0x16: {  	[tilespmem:s19], [sflag:$0x2] =	stream.strided.gather [hbm4b:s4+s16], $0x8000, s17, s16, $0x38;
	[tilespmem:$0x1C000] =	vst v63  }
0x17: {  	s28 =	simm.s32 $0x200;
	_ =	strace $0x80000049  }
0x18: {  	v3 =	vld [tilespmem:s28+$0x100]  }
0x19: {  	v6 =	vld [tilespmem:s28+$0x0]  }
0x1a: {  	v4 =	vld [tilespmem:s28+$0xFFFFFF00]  }
0x1b: {  	v5 =	vld [tilespmem:s28+$0xFFFFFE00]  }
0x1c: {  	v8 =	vld [tilespmem:s28+$0xFFFFFE80]  }
0x1d: {  	v10 =	vld [tilespmem:s28+$0xFFFFFF80]  }
0x1e: {  	v9 =	vld [tilespmem:s28+$0x80]  }
0x1f: {  	s26 =	simm.s32 $0x0;
	v11 =	vimm.f32 $-Inf;
	v7 =	vld [tilespmem:s28+$0x180];
	s28 =	simm.s32 $0x600  }
.LBB2_2:
0x20: {  	v12 =	vld [tilespmem:s28+$0x100]  }
0x21: {  	s26 =	sadd.s32 $0x4, s26;
	v13 =	vld [tilespmem:s28+$0x0];
	v5 =	vmax.f32 v5, v8  }
0x22: {  	p0 =	slt.u32 s26, $0x7C;
	v8 =	vmax.f32 v11, v5;
	v10 =	vmax.f32 v4, v10;
	v4 =	vld [tilespmem:s28+$0xFFFFFF00]  }
.Ltmp0:
0x23: {  	v5 =	vld [tilespmem:s28+$0xFFFFFE00];
	v10 =	vmax.f32 v8, v10;
	v6 =	vmax.f32 v6, v9;
	(pc) =	sbr.rel @p0 .LBB2_2-.Ltmp0, $4  }
0x24: {  	v8 =	vld [tilespmem:s28+$0xFFFFFE80];
	v14 =	vmax.f32 v10, v6;
	v7 =	vmax.f32 v3, v7  }
0x25: {  	v10 =	vld [tilespmem:s28+$0xFFFFFF80];
	v11 =	vmax.f32 v14, v7;
	v3 =	vmov v12  }
0x26: {  	v9 =	vld [tilespmem:s28+$0x80];
	v6 =	vmov v13  }
0x27: {  	v7 =	vld [tilespmem:s28+$0x180];
	s28 =	sadd.s32 $0x400, s28  }
0x28: {  	_ = 	snop  }
0x29: {  	v5 =	vmax.f32 v5, v8  }
0x2a: {  	v5 =	vmax.f32 v11, v5;
	v4 =	vmax.f32 v4, v10  }
0x2b: {  	v4 =	vmax.f32 v5, v4;
	v5 =	vmax.f32 v6, v9  }
0x2c: {  	v4 =	vmax.f32 v4, v5;
	v3 =	vmax.f32 v3, v7  }
0x2d: {  	v3 =	vmax.f32 v4, v3  }
0x2e: {  	(xrf0) =	vmax.scan.msk.f32 $0xffff, v3;
	_ =	sdelay $0x5  }
0x2f: {  	v3, _, _ =	vpop (xrf0)  }
0x30: {  	(v2sf) =	vpush v3, $0xF;
	_ =	sdelay $0xe  }
0x31: {  	s26 =	spop (v2sf)  }
0x32: {  	_ =	strace $0x90000049  }
0x33: {  	s28 =	simm.s32 $0x40;
	_ =	strace $0x8000004A  }
0x34: {  	v15 =	vld [tilespmem:s28+$0xFFFFFFD0];
	_ =	sdelay $0x1  }
0x35: {  	s26 =	sadd.f32 $-1.000000000e+00, s26  }
0x36: {  	v18 =	vld [tilespmem:s28+$0xFFFFFFF0]  }
0x37: {  	v5 =	vld [tilespmem:s28+$0xFFFFFFC0];
	v10 =	vmov s26  }
0x38: {  	v4 =	vld [tilespmem:s28+$0x0];
	vm6 =	vgt.f32 v15, v10  }
0x39: {  	v6 =	vld [tilespmem:s28+$0xFFFFFFE0];
	(xrf0) =	vadd.scan.msk.s32 vm6, v0  }
0x3a: {  	v3 =	vld [tilespmem:s28+$0x10]  }
0x3b: {  	v7 =	vld [tilespmem:s28+$0x20]  }
0x3c: {  	v8 =	vld [tilespmem:s28+$0x30];
	vm7 =	vgt.f32 v18, v10;
	vm0 =	vgt.f32 v5, v10  }
0x3d: {  	v14 =	vimm.s32 $0xFFFFFFFF;
	v13 =	vmpcnt.ones.xlane vm0;
	(xrf0) =	vadd.scan.msk.s32 vm7, v0  }
0x3e: {  	v9 =	vimm.f32 $-Inf;
	vm2 =	vgt.f32 v4, v10;
	v11 =	vmpcnt.ones.xlane vm6  }
0x3f: {  	vm1 =	vgt.f32 v6, v10;
	v9 =	vmax.f32 v9, v5;
	v13 =	vadd.s32 v14, v13;
	v20, _, _ =	vpop (xrf0)  }
0x40: {  	vm4 =	vgt.f32 v3, v10;
	(xrf0) =	vadd.scan.msk.s32 vm2, v0;
	v21 =	vadd.s32 v13, v11;
	v11 =	vadd.s32 v13, v20  }
0x41: {  	vm3 =	vgt.f32 v7, v10;
	vm5 =	vgt.f32 v8, v10;
	v19 =	vmpcnt.ones.xlane vm1  }
0x42: {  	v12 =	vmpcnt.ones.xlane vm2;
	v16 =	vmpcnt.ones.xlane vm7;
	v9 =	vmax.f32 v9, v15;
	(xrf0) =	vadd.scan.msk.s32 vm1, v0  }
0x43: {  	v9 =	vmax.f32 v9, v6;
	(xrf0) =	vadd.scan.msk.s32 vm4, v0;
	v13 =	vadd.s32 v21, v19;
	v19 =	vmin.u32 v11, $0x3FF7;
	v11, _, _ =	vpop (xrf0)  }
0x44: {  	(xrf0) =	vadd.scan.msk.s32 vm0, v0;
	v16 =	vadd.s32 v13, v16;
	v11 =	vadd.s32 v13, v11;
	v13 =	vmpcnt.ones.xlane vm3  }
0x45: {  	v17 =	vmpcnt.ones.xlane vm4;
	v9 =	vmax.f32 v9, v18;
	(xrf0) =	vadd.scan.msk.s32 vm5, v0  }
0x46: {  	v20 =	vmax.f32 v9, v4;
	v12 =	vadd.s32 v16, v12;
	vm5 =	vmmov vm5;
	(xrf0) =	vadd.scan.msk.s32 vm3, v0;
	v22, _, _ =	vpop (xrf0)  }
0x47: {  	s26 =	simm.s32 $0xC0;
	v17 =	vadd.s32 v12, v17;
	v26 =	vmpcnt.ones.xlane vm5;
	v16 =	vadd.s32 v16, v22  }
0x48: {  	v9 =	vld [tilespmem:s26+$0x0];
	v23 =	vmin.u32 v11, $0x3FF7;
	v11 =	vmax.f32 v20, v3;
	v25 =	vadd.s32 v17, v13;
	v13, _, _ =	vpop (xrf0)  }
0x49: {  	v24 =	vmax.f32 v11, v7;
	v11 =	vld [tilespmem:s26+$0xFFFFFFD0];
	v22, _, _ =	vpop (xrf0)  }
0x4a: {  	vm4 =	vmmov vm4;
	v20 =	vmin.u32 v16, $0x3FF7;
	v21 =	vadd.s32 v21, v13;
	v13 =	vld [tilespmem:s26+$0x10];
	v16, _, _ =	vpop (xrf0)  }
0x4b: {  	v24 =	vmax.f32 v24, v8;
	v27 =	vadd.s32 v12, v22;
	v12 =	vld [tilespmem:s26+$0xFFFFFFF0];
	v22 =	vmin.u32 v21, $0x3FF7;
	v29, _, _ =	vpop (xrf0)  }
0x4c: {  	[tilespmem:v19+s20+$0x0] =	vst.idx.msk vm6, v15;
	v28 =	vadd.s32 v14, v16;
	v14 =	vadd.s32 v25, v26;
	v16 =	vld [tilespmem:s26+$0xFFFFFFE0];
	v15 =	vmin.u32 v27, $0x3FF7;
	v26, _, _ =	vpop (xrf0)  }
0x4d: {  	v25 =	vadd.s32 v25, v29;
	v21 =	vmin.u32 v28, $0x3FF7;
	v26 =	vadd.s32 v17, v26;
	v17 =	vld [tilespmem:s26+$0xFFFFFFC0]  }
0x4e: {  	s29 =	simm.s32 $0x140;
	s28 =	simm.s32 $0x8;
	[tilespmem:v23+s20+$0x0] =	vst.idx.msk vm7, v18;
	v18 =	vld [tilespmem:s26+$0x20];
	vm6 =	vgt.f32 v11, v10;
	v19 =	vmin.u32 v25, $0x3FF7;
	v23 =	vmin.u32 v26, $0x3FF7  }
.LBB2_4:
0x4f: {  	s28 =	sadd.s32 $0x8, s28;
	(xrf0) =	vadd.scan.msk.s32 vm6, v0;
	[tilespmem:v20+s20+$0x0] =	vst.idx.msk vm2, v4;
	v4 =	vmov v9;
	v9 =	vld [tilespmem:s29+$0x0]  }
0x50: {  	v20 =	vmpcnt.ones.xlane vm6;
	p0 =	slt.u32 s28, $0x7F8;
	vm7 =	vgt.f32 v12, v10;
	vm2 =	vgt.f32 v4, v10;
	v25 =	vld [tilespmem:s26+$0x30];
	[tilespmem:v22+s20+$0x0] =	vst.idx.msk vm1, v6;
	s26 =	smov.u32 s29  }
0x51: {  	vm8 =	vgt.f32 v13, v10;
	vm1 =	vgt.f32 v16, v10;
	v22 =	vmpcnt.ones.xlane vm2;
	(xrf0) =	vadd.scan.msk.s32 vm7, v0;
	v6 =	vmovc v16  }
0x52: {  	v16 =	vmax.f32 v24, v17;
	v24 =	vmpcnt.ones.xlane vm7;
	[tilespmem:v21+s20+$0x0] =	vst.idx.msk vm0, v5;
	vm0 =	vgt.f32 v17, v10  }
0x53: {  	v26 =	vmpcnt.ones.xlane vm8;
	v5 =	vmovc v17;
	v27 =	vmpcnt.ones.xlane vm0;
	v16 =	vmax.f32 v16, v11;
	[tilespmem:v23+s20+$0x0] =	vst.idx.msk vm3, v7  }
0x54: {  	v23 =	vmpcnt.ones.xlane vm1;
	vm3 =	vgt.f32 v18, v10;
	v7 =	vmovc v18;
	v16 =	vmax.f32 v16, v6;
	(xrf0) =	vadd.scan.msk.s32 vm2, v0  }
0x55: {  	v18 =	vadd.s32 v14, v27;
	v16 =	vmax.f32 v16, v12;
	vm9 =	vgt.f32 v25, v10;
	v21, _, _ =	vpop (xrf0);
	(xrf0) =	vadd.scan.msk.s32 vm1, v0  }
0x56: {  	v21 =	vadd.s32 v18, v21;
	v18 =	vadd.s32 v18, v20;
	(xrf0) =	vadd.scan.msk.s32 vm8, v0;
	[tilespmem:v19+s20+$0x0] =	vst.idx.msk vm5, v8  }
0x57: {  	v16 =	vmax.f32 v16, v4;
	v19 =	vmin.u32 v21, $0x3FF7;
	v23 =	vadd.s32 v18, v23;
	(xrf0) =	vadd.scan.msk.s32 vm0, v0;
	v17, _, _ =	vpop (xrf0)  }
0x58: {  	v8 =	vmovc v25;
	v21 =	vmpcnt.ones.xlane vm3;
	v17 =	vadd.s32 v23, v17;
	v20 =	vadd.s32 v23, v24;
	(xrf0) =	vadd.scan.msk.s32 vm9, v0  }
0x59: {  	v17 =	vmin.u32 v17, $0x3FF7;
	v22 =	vadd.s32 v20, v22;
	(xrf0) =	vadd.scan.msk.s32 vm3, v0;
	[tilespmem:v15+s20+$0x0] =	vst.idx.msk vm4, v3;
	v3 =	vmovc v13  }
0x5a: {  	vm4 =	vmmov vm8;
	v23 =	vadd.s32 v22, v26;
	v24 =	vmax.f32 v16, v3;
	v15, _, _ =	vpop (xrf0)  }
0x5b: {  	vm5 =	vmmov vm9;
	v25 =	vadd.s32 v23, v21;
	v26 =	vmax.f32 v24, v7;
	v13, _, _ =	vpop (xrf0)  }
0x5c: {  	v27 =	vmpcnt.ones.xlane vm5;
	v15 =	vadd.s32 v20, v15;
	[tilespmem:v19+s20+$0x0] =	vst.idx.msk vm6, v11;
	v11 =	vld [tilespmem:s29+$0xFFFFFFD0];
	v18 =	vadd.s32 v18, v13;
	v21, _, _ =	vpop (xrf0)  }
.Ltmp1:
0x5d: {  	v20 =	vmin.u32 v15, $0x3FF7;
	v24 =	vmax.f32 v26, v8;
	v13 =	vld [tilespmem:s29+$0x10];
	v15 =	vadd.s32 v22, v21;
	v16, _, _ =	vpop (xrf0);
	(pc) =	sbr.rel @p0 .LBB2_4-.Ltmp1, $4  }
0x5e: {  	v22 =	vmin.u32 v18, $0x3FF7;
	v21 =	vadd.s32 v14, v16;
	[tilespmem:v17+s20+$0x0] =	vst.idx.msk vm7, v12;
	v12 =	vld [tilespmem:s29+$0xFFFFFFF0];
	v14 =	vadd.s32 v25, v27;
	v17, _, _ =	vpop (xrf0)  }
0x5f: {  	v15 =	vmin.u32 v15, $0x3FF7;
	v16 =	vld [tilespmem:s29+$0xFFFFFFE0];
	v21 =	vmin.u32 v21, $0x3FF7;
	v18 =	vadd.s32 v25, v17;
	v19, _, _ =	vpop (xrf0)  }
0x60: {  	v17 =	vld [tilespmem:s29+$0xFFFFFFC0];
	v23 =	vadd.s32 v23, v19;
	v19 =	vmin.u32 v18, $0x3FF7  }
0x61: {  	s29 =	sadd.s32 $0x80, s29;
	vm6 =	vgt.f32 v11, v10;
	v18 =	vld [tilespmem:s26+$0x20];
	v23 =	vmin.u32 v23, $0x3FF7  }
0x62: {  	_ = 	snop  }
0x63: {  	v26 =	vmpcnt.ones.xlane vm6  }
0x64: {  	vm8 =	vgt.f32 v9, v10;
	vm11 =	vgt.f32 v13, v10;
	vm7 =	vgt.f32 v12, v10  }
0x65: {  	(xrf0) =	vadd.scan.msk.s32 vm6, v0;
	v25 =	vld [tilespmem:s26+$0x30];
	v30 =	vmpcnt.ones.xlane vm8;
	v24 =	vmax.f32 v24, v17;
	vm10 =	vgt.f32 v17, v10  }
0x66: {  	v32 =	vmpcnt.ones.xlane vm11;
	(xrf0) =	vadd.scan.msk.s32 vm7, v0;
	v24 =	vmax.f32 v24, v11;
	v27 =	vmpcnt.ones.xlane vm10  }
0x67: {  	vm9 =	vgt.f32 v16, v10;
	v28 =	vmpcnt.ones.xlane vm7;
	(xrf0) =	vadd.scan.msk.s32 vm8, v0;
	v24 =	vmax.f32 v24, v16  }
0x68: {  	v29 =	vmpcnt.ones.xlane vm9;
	(xrf0) =	vadd.scan.msk.s32 vm9, v0;
	v24 =	vmax.f32 v24, v12;
	v27 =	vadd.s32 v14, v27  }
0x69: {  	vm12 =	vgt.f32 v18, v10;
	(xrf0) =	vadd.scan.msk.s32 vm11, v0;
	v24 =	vmax.f32 v24, v9;
	v26 =	vadd.s32 v27, v26  }
0x6a: {  	vm13 =	vgt.f32 v25, v10;
	(xrf0) =	vadd.scan.msk.s32 vm10, v0;
	v24 =	vmax.f32 v24, v13;
	v29 =	vadd.s32 v26, v29  }
0x6b: {  	v59 =	vmpcnt.ones.xlane vm12;
	v58, _, _ =	vpop (xrf0);
	(xrf0) =	vadd.scan.msk.s32 vm13, v0;
	v24 =	vmax.f32 v24, v18;
	v28 =	vadd.s32 v29, v28  }
0x6c: {  	vm13 =	vmmov vm13;
	v31, _, _ =	vpop (xrf0);
	(xrf0) =	vadd.scan.msk.s32 vm12, v0;
	v24 =	vmax.f32 v24, v25;
	v30 =	vadd.s32 v28, v30  }
0x6d: {  	v35 =	vmpcnt.ones.xlane vm13;
	v33, _, _ =	vpop (xrf0);
	(xrf0) =	vmax.scan.msk.f32 $0xffff, v24;
	v32 =	vadd.s32 v30, v32  }
0x6e: {  	v34, _, _ =	vpop (xrf0);
	v24 =	vadd.s32 v32, v59  }
0x6f: {  	v36, _, _ =	vpop (xrf0);
	v35 =	vadd.s32 v24, v35  }
0x70: {  	v37, _, _ =	vpop (xrf0);
	(v2sf) =	vpush v35, $0x0  }
0x71: {  	v38, _, _ =	vpop (xrf0)  }
0x72: {  	v39, _, _ =	vpop (xrf0)  }
0x73: {  	v60, _, _ =	vpop (xrf0)  }
0x74: {  	(v2sf) =	vpush v60, $0xF;
	_ =	sdelay $0x1  }
0x75: {  	[tilespmem:v20+s20+$0x0] =	vst.idx.msk vm2, v4;
	v4 =	vadd.s32 v27, v58  }
0x76: {  	v4 =	vmin.u32 v4, $0x3FF7  }
0x77: {  	[tilespmem:v22+s20+$0x0] =	vst.idx.msk vm1, v6;
	v6 =	vadd.s32 v29, v31  }
0x78: {  	[tilespmem:v21+s20+$0x0] =	vst.idx.msk vm0, v5;
	v5 =	vadd.s32 v28, v33;
	v6 =	vmin.u32 v6, $0x3FF7  }
0x79: {  	[tilespmem:v23+s20+$0x0] =	vst.idx.msk vm3, v7;
	v7 =	vadd.s32 v26, v34;
	v5 =	vmin.u32 v5, $0x3FF7  }
0x7a: {  	[tilespmem:v15+s20+$0x0] =	vst.idx.msk vm4, v3;
	v7 =	vmin.u32 v7, $0x3FF7;
	v61 =	vadd.s32 v14, v37  }
0x7b: {  	[tilespmem:v4+s20+$0x0] =	vst.idx.msk vm6, v11;
	v3 =	vmin.u32 v61, $0x3FF7;
	v4 =	vadd.s32 v24, v38  }
0x7c: {  	[tilespmem:v19+s20+$0x0] =	vst.idx.msk vm5, v8;
	v63 =	vadd.s32 v30, v36;
	v4 =	vmin.u32 v4, $0x3FF7  }
0x7d: {  	v62 =	vadd.s32 v32, v39;
	[tilespmem:v6+s20+$0x0] =	vst.idx.msk vm7, v12;
	v6 =	vmin.u32 v63, $0x3FF7  }
0x7e: {  	v8 =	vmin.u32 v62, $0x3FF7;
	[tilespmem:v5+s20+$0x0] =	vst.idx.msk vm8, v9;
	s28 =	spop (v2sf)  }
0x7f: {  	[tilespmem:v7+s20+$0x0] =	vst.idx.msk vm9, v16;
	s26 =	sadd.s32 $0x1, s28  }
0x80: {  	[tilespmem:v3+s20+$0x0] =	vst.idx.msk vm10, v17;
	p1 =	sgt.s32 s26, $0x3FE8  }
.Ltmp2:
0x81: {  	[tilespmem:v4+s20+$0x0] =	vst.idx.msk vm13, v25;
	(pc) =	sbr.rel @p1 .LBB2_27-.Ltmp2, $4  }
0x82: {  	[tilespmem:v6+s20+$0x0] =	vst.idx.msk vm11, v13;
	p0 =	slt.s32 s26, $0x3FE8;
	s29 =	spop (v2sf)  }
0x83: {  	[tilespmem:v8+s20+$0x0] =	vst.idx.msk vm12, v18;
	s26 =	simm.s32 @!p0 $0x3FE8;
	s29 =	sadd.f32 $-1.000000000e+00, s29  }
0x84: {  	_ =	strace $0x9000004A;
	[tilespmem:s26+$0x18000] =	vst v1  }
0x85: {  	vm15 =	vmmov vm11;
	v4 =	vbroadcast v60, $0xF;
	s26 =	simm.s32 $0x0;
	_ =	strace $0x8000004B;
	v3 =	vmov s29  }
0x86: {  	s26 =	sadd.s32 $0x10, s28  }
.Ltmp3:
0x87: {  	s28 =	sshra.s32 s26, $0x4;
	s26 =	sshrl.u32 s26, $0x1F;
	(pc) =	sbr.rel .LBB2_7-.Ltmp3, $4  }
0x88: {  	s29 =	sadd.s32 s26, s28  }
0x89: {  	s26 =	sand.u32 $0xFFFFFFFE, s29;
	s29 =	sshll.u32 s29, $0x6  }
0x8a: {  	s30 =	ssub.s32 s28, s26;
	s28 =	sand.u32 $0xFFFFFF80, s29  }
0x8b: {  	s29 =	simm.s32 $0x0;
	p1 =	slt.s32 s26, $0x1;
	p0 =	slt.s32 s30, $0x1  }
.LBB2_27:
0x8c: {  	_ = 	snop  }
0x8d: {  	s0 =	simm.s32 $0x20;
	v6 =	vsub.f32 v4, v3  }
0x8e: {  	v8 =	vld [tilespmem:s0+$0xFFFFFFE0]  }
0x8f: {  	v12 =	vld [tilespmem:s0+$0x10];
	v5 =	vmul.f32 $7.500000000e-01, v6;
	v7 =	vmul.f32 $2.500000000e-01, v6  }
0x90: {  	v10 =	vld [tilespmem:s0+$0xFFFFFFF0];
	v9 =	vmul.f32 $5.000000000e-01, v6  }
0x91: {  	s31 =	simm.s32 $0x60;
	v11 =	vld [tilespmem:s0+$0x0];
	v5 =	vadd.f32 v5, v3;
	v6 =	vadd.f32 v7, v3  }
0x92: {  	v18 =	vld [tilespmem:s31+$0xFFFFFFE0];
	v7 =	vadd.f32 v9, v3  }
0x93: {  	v13 =	vsub.f32 v8, v5;
	v14 =	vsub.f32 v8, v6  }
0x94: {  	v15 =	vsub.f32 v8, v7;
	v19 =	vsub.f32 v12, v5  }
0x95: {  	v16 =	vimm.f32 $0.0e+00;
	v20 =	vsub.f32 v10, v7;
	v21 =	vsub.f32 v10, v6  }
0x96: {  	v23 =	vsub.f32 v11, v7;
	v9 =	vmax.f32 v13, $0.0e+00;
	v13 =	vsub.f32 v10, v5  }
0x97: {  	v25 =	vsub.f32 v18, v5;
	v17 =	vmax.f32 v14, $0.0e+00;
	v9 =	vadd.f32 v9, v16  }
0x98: {  	v14 =	vsub.f32 v12, v7;
	v8 =	vmax.f32 v13, $0.0e+00;
	v13 =	vsub.f32 v11, v5  }
0x99: {  	v10 =	vsub.f32 v12, v6;
	v12 =	vld [tilespmem:s31+$0xFFFFFFF0];
	v8 =	vadd.f32 v8, v9  }
0x9a: {  	v9 =	vmax.f32 v14, $0.0e+00;
	v14 =	vsub.f32 v11, v6;
	v11 =	vld [tilespmem:s31+$0x0];
	v13 =	vmax.f32 v13, $0.0e+00  }
0x9b: {  	v19 =	vmax.f32 v19, $0.0e+00;
	v22 =	vadd.f32 v17, v16;
	v13 =	vadd.f32 v13, v8;
	v8 =	vld [tilespmem:s31+$0x10]  }
0x9c: {  	v24 =	vmax.f32 v15, $0.0e+00;
	v21 =	vmax.f32 v21, $0.0e+00;
	v15 =	vsub.f32 v18, v7  }
0x9d: {  	v17 =	vmax.f32 v20, $0.0e+00;
	v22 =	vadd.f32 v21, v22;
	v21 =	vadd.f32 v24, v16  }
0x9e: {  	v20 =	vmax.f32 v23, $0.0e+00;
	v19 =	vadd.f32 v19, v13;
	v13 =	vsub.f32 v18, v6  }
0x9f: {  	v18 =	vmax.f32 v25, $0.0e+00;
	v25 =	vsub.f32 v12, v5;
	v24 =	vsub.f32 v11, v5  }
0xa0: {  	v14 =	vmax.f32 v14, $0.0e+00;
	v16 =	vadd.f32 v18, v19;
	v26 =	vsub.f32 v8, v7  }
0xa1: {  	v13 =	vmax.f32 v13, $0.0e+00;
	v23 =	vmax.f32 v25, $0.0e+00;
	v18 =	vsub.f32 v12, v7  }
0xa2: {  	s28 =	simm.s32 $0x4;
	s29 =	simm.s32 $0xA0;
	v19 =	vsub.f32 v8, v5;
	v23 =	vadd.f32 v23, v16;
	v16 =	vmax.f32 v26, $0.0e+00  }
.LBB2_28:
0xa3: {  	v25 =	vld [tilespmem:s29+$0xFFFFFFE0];
	s28 =	sadd.s32 $0x4, s28;
	v26 =	vsub.f32 v11, v6;
	v24 =	vmax.f32 v24, $0.0e+00;
	v22 =	vadd.f32 v14, v22  }
0xa4: {  	v28 =	vsub.f32 v12, v6;
	v27 =	vld [tilespmem:s29+$0x0];
	p0 =	slt.u32 s28, $0x7FC;
	v23 =	vadd.f32 v24, v23;
	v24 =	vmax.f32 v10, $0.0e+00  }
0xa5: {  	v19 =	vmax.f32 v19, $0.0e+00;
	v17 =	vadd.f32 v17, v21;
	v10 =	vsub.f32 v8, v6;
	v8 =	vld [tilespmem:s29+$0x10]  }
0xa6: {  	v14 =	vmax.f32 v26, $0.0e+00;
	v21 =	vadd.f32 v24, v22;
	v12 =	vld [tilespmem:s29+$0xFFFFFFF0];
	v19 =	vadd.f32 v19, v23  }
0xa7: {  	v24 =	vsub.f32 v11, v7;
	v22 =	vadd.f32 v20, v17;
	v23 =	vmax.f32 v15, $0.0e+00  }
0xa8: {  	v20 =	vadd.f32 v13, v21;
	v21 =	vmax.f32 v28, $0.0e+00;
	v15 =	vsub.f32 v25, v6  }
0xa9: {  	v17 =	vmax.f32 v18, $0.0e+00;
	v18 =	vadd.f32 v9, v22;
	v9 =	vmovc v16;
	v26 =	vsub.f32 v25, v5;
	v11 =	vmovc v27  }
.Ltmp4:
0xaa: {  	v22 =	vadd.f32 v21, v20;
	v13 =	vmax.f32 v15, $0.0e+00;
	v15 =	vsub.f32 v25, v7;
	(pc) =	sbr.rel @p0 .LBB2_28-.Ltmp4, $4  }
0xab: {  	v21 =	vadd.f32 v23, v18;
	v16 =	vmax.f32 v26, $0.0e+00;
	v25 =	vsub.f32 v12, v5  }
0xac: {  	v20 =	vmax.f32 v24, $0.0e+00;
	v26 =	vsub.f32 v8, v7;
	v16 =	vadd.f32 v16, v19  }
0xad: {  	v24 =	vsub.f32 v11, v5;
	v19 =	vsub.f32 v8, v5;
	v23 =	vmax.f32 v25, $0.0e+00  }
0xae: {  	s29 =	sadd.s32 $0x40, s29;
	v18 =	vsub.f32 v12, v7;
	v23 =	vadd.f32 v23, v16;
	v16 =	vmax.f32 v26, $0.0e+00  }
0xaf: {  	v17 =	vadd.f32 v17, v21  }
0xb0: {  	v14 =	vadd.f32 v14, v22  }
0xb1: {  	v10 =	vmax.f32 v10, $0.0e+00;
	v17 =	vadd.f32 v20, v17  }
0xb2: {  	v10 =	vadd.f32 v10, v14  }
0xb3: {  	v12 =	vsub.f32 v12, v6;
	v9 =	vadd.f32 v9, v17  }
0xb4: {  	v55 =	vmax.f32 v15, $0.0e+00;
	v10 =	vadd.f32 v13, v10  }
0xb5: {  	v56 =	vsub.f32 v11, v6;
	v12 =	vmax.f32 v12, $0.0e+00;
	v9 =	vadd.f32 v55, v9  }
0xb6: {  	v57 =	vsub.f32 v11, v7;
	v58 =	vmax.f32 v18, $0.0e+00;
	v10 =	vadd.f32 v12, v10  }
0xb7: {  	v8 =	vsub.f32 v8, v6;
	v59 =	vmax.f32 v56, $0.0e+00;
	v9 =	vadd.f32 v58, v9  }
0xb8: {  	v11 =	vmax.f32 v57, $0.0e+00;
	v10 =	vadd.f32 v59, v10  }
0xb9: {  	v60 =	vmax.f32 v24, $0.0e+00;
	v8 =	vmax.f32 v8, $0.0e+00;
	v9 =	vadd.f32 v11, v9  }
0xba: {  	v61 =	vadd.f32 v60, v23;
	v8 =	vadd.f32 v8, v10  }
0xbb: {  	v62 =	vmax.f32 v19, $0.0e+00;
	v9 =	vadd.f32 v16, v9  }
0xbc: {  	v10 =	vadd.f32 v62, v61;
	(xrf2) =	vadd.scan.msk.f32 $0xffff, v8  }
0xbd: {  	(xrf2) =	vadd.scan.msk.f32 $0xffff, v9  }
0xbe: {  	(xrf2) =	vadd.scan.msk.f32 $0xffff, v10;
	_ =	sdelay $0x7  }
0xbf: {  	v8, _, _ =	vpop (xrf2)  }
0xc0: {  	(v2sf) =	vpush v8, $0xF;
	v9, _, _ =	vpop (xrf2)  }
0xc1: {  	(v2sf) =	vpush v9, $0xF;
	v63, _, _ =	vpop (xrf2)  }
0xc2: {  	(v2sf) =	vpush v63, $0xF;
	_ =	sdelay $0xc  }
0xc3: {  	s0 =	spop (v2sf)  }
0xc4: {  	s1 =	spop (v2sf)  }
0xc5: {  	s28 =	spop (v2sf)  }
0xc6: {  	p0 =	sge.f32 s0, $1.000000000e+00;
	p1 =	sge.f32 s28, $1.000000000e+00  }
0xc7: {  	p2 =	sge.f32 s1, $1.000000000e+00  }
0xc8: {  	s26 =	sadd.s32 $0x1, s26;
	v3 =	vpsel p0, v6, v3;
	v4 =	vpsel p1, v4, v5  }
0xc9: {  	v3 =	vpsel p2, v7, v3;
	v4 =	vpsel p2, v4, v7;
	p2 =	sne.s32 s26, $0xC  }
.Ltmp5:
0xca: {  	_ = 	snop;
	(pc) =	sbr.rel @p2 .LBB2_27-.Ltmp5, $2  }
0xcb: {  	_ =	sdelay $0x2  }
0xcc: {  	v3 =	vpsel p1, v5, v3;
	v4 =	vpsel p0, v4, v6  }
0xcd: {  	s0 =	simm.s32 $0x0  }
0xce: {  	v6 =	vld [tilespmem:s0+$0x0]  }
0xcf: {  	v4 =	vimm.f32 $0.0e+00;
	s26 =	simm.s32 $0x40;
	v5 =	vimm.f32 $0.0e+00  }
.LBB2_31:
0xd0: {  	p0 =	sne.s32 s26, $0x1FFC0  }
.Ltmp6:
0xd1: {  	_ = 	snop;
	(pc) =	sbr.rel @p0 .LBB2_31-.Ltmp6, $4  }
0xd2: {  	_ = 	snop  }
0xd3: {  	s0 =	sshra.s32 s26, $0x2;
	s26 =	sadd.s32 $0x40, s26;
	vm0 =	vgt.f32 v6, v3  }
0xd4: {  	v7 =	vsel vm0, $0x3F800000, v2;
	v8 =	vnsel vm0, $0x0, v6;
	v6 =	vld [tilespmem:s0+$0x0]  }
0xd5: {  	v4 =	vadd.f32 v7, v4;
	v5 =	vadd.f32 v8, v5  }
0xd6: {  	_ = 	snop  }
.Ltmp7:
0xd7: {  	_ = 	snop;
	(pc) =	sbr.rel .LBB2_33-.Ltmp7, $4  }
0xd8: {  	_ = 	snop  }
0xd9: {  	vm0 =	vgt.f32 v6, v3  }
0xda: {  	v3 =	vsel vm0, $0x3F800000, v2;
	v6 =	vnsel vm0, $0x0, v6  }
0xdb: {  	v3 =	vadd.f32 v3, v4;
	v4 =	vadd.f32 v6, v5  }
.LBB2_8:
0xdc: {  	v9 =	vimm.f32 $0.0e+00;
	v10 =	vimm.f32 $0.0e+00;
	v8 =	vimm.f32 $0.0e+00  }
.LBB2_9:
0xdd: {  	s30 =	sshra.s32 @!p0 s28, $0x2  }
0xde: {  	v11 =	vld @!p0 [tilespmem:s30+$0x18000];
	_ =	sdelay $0x4  }
0xdf: {  	v12 =	vsub.f32 @!p0 v11, v6  }
0xe0: {  	v13 =	vsub.f32 @!p0 v11, v7;
	v11 =	vsub.f32 @!p0 v11, v5;
	_ =	sdelay $0x1  }
0xe1: {  	v11 =	vmax.f32 @!p0 v11, $0.0e+00  }
0xe2: {  	v13 =	vmax.f32 @!p0 v13, $0.0e+00;
	v11 =	vadd.f32 @!p0 v11, v9  }
0xe3: {  	v12 =	vmax.f32 @!p0 v12, $0.0e+00;
	v13 =	vadd.f32 @!p0 v13, v10  }
0xe4: {  	v12 =	vadd.f32 @!p0 v12, v8;
	v9 =	vpsel p0, v9, v11  }
0xe5: {  	v10 =	vpsel p0, v10, v13;
	(xrf2) =	vadd.scan.msk.f32 $0xffff, v9  }
0xe6: {  	v8 =	vpsel p0, v8, v12;
	(xrf2) =	vadd.scan.msk.f32 $0xffff, v10  }
0xe7: {  	(xrf2) =	vadd.scan.msk.f32 $0xffff, v8;
	_ =	sdelay $0x7  }
0xe8: {  	v61, _, _ =	vpop (xrf2)  }
0xe9: {  	v62, _, _ =	vpop (xrf2);
	(v2sf) =	vpush v61, $0xF  }
0xea: {  	(v2sf) =	vpush v62, $0xF;
	v63, _, _ =	vpop (xrf2)  }
0xeb: {  	(v2sf) =	vpush v63, $0xF;
	_ =	sdelay $0xc  }
0xec: {  	s31 =	spop (v2sf)  }
0xed: {  	s0 =	spop (v2sf)  }
0xee: {  	s1 =	spop (v2sf)  }
0xef: {  	p2 =	sge.f32 s31, $1.000000000e+00;
	p3 =	sge.f32 s1, $1.000000000e+00  }
0xf0: {  	p4 =	sge.f32 s0, $1.000000000e+00  }
0xf1: {  	s29 =	sadd.s32 $0x1, s29;
	v3 =	vpsel p2, v5, v3;
	v4 =	vpsel p3, v4, v6  }
0xf2: {  	v3 =	vpsel p4, v7, v3;
	v4 =	vpsel p4, v4, v7;
	p4 =	sne.s32 s29, $0xC  }
.Ltmp8:
0xf3: {  	_ = 	snop;
	(pc) =	sbr.rel @!p4 .LBB2_10-.Ltmp8, $2  }
0xf4: {  	_ =	sdelay $0x2  }
0xf5: {  	v3 =	vpsel p3, v6, v3;
	v4 =	vpsel p2, v4, v5  }
.LBB2_7:
0xf6: {  	v5 =	vsub.f32 v4, v3  }
.Ltmp9:
0xf7: {  	_ = 	snop;
	(pc) =	sbr.rel @p1 .LBB2_8-.Ltmp9, $4  }
0xf8: {  	v6 =	vmul.f32 $2.500000000e-01, v5  }
0xf9: {  	v7 =	vmul.f32 $5.000000000e-01, v5;
	v8 =	vmul.f32 $7.500000000e-01, v5  }
0xfa: {  	v5 =	vadd.f32 v6, v3  }
0xfb: {  	v7 =	vadd.f32 v7, v3;
	v6 =	vadd.f32 v8, v3  }
0xfc: {  	s30 =	simm.s32 $0x18010  }
0xfd: {  	p3 =	sgt.s32 s26, $0x2;
	v20 =	vld [tilespmem:s30+$0xFFFFFFF0]  }
.Ltmp10:
0xfe: {  	_ = 	snop;
	(pc) =	sbr.rel @!p3 .LBB2_14-.Ltmp10, $2  }
0xff: {  	_ =	sdelay $0x2  }
0x100: {  	v8 =	vimm.f32 $0.0e+00;
	s31 =	simm.s32 $0x18030;
	p2 =	por $0x0, $0x0;
	v16 =	vld [tilespmem:s30+$0x0];
	v12 =	vsub.f32 v20, v5  }
0x101: {  	_ =	sdelay $0x1  }
0x102: {  	v18 =	vld [tilespmem:s31+$0xFFFFFFF0];
	v9 =	vsub.f32 v20, v6  }
0x103: {  	p3 =	sgt.s32 s26, $0x4  }
.Ltmp11:
0x104: {  	v11 =	vsub.f32 v20, v7;
	v13 =	vmax.f32 v9, $0.0e+00;
	v9 =	vsub.f32 v16, v7;
	(pc) =	sbr.rel @!p3 .LBB2_16-.Ltmp11, $4  }
0x105: {  	v17 =	vsub.f32 v16, v5;
	v15 =	vsub.f32 v16, v6;
	v16 =	vld [tilespmem:s31+$0x0]  }
0x106: {  	v19 =	vimm.f32 $0.0e+00;
	v10 =	vmax.f32 v12, $0.0e+00  }
0x107: {  	v11 =	vmax.f32 v11, $0.0e+00;
	v14 =	vadd.f32 v13, v8;
	v12 =	vsub.f32 v18, v5  }
0x108: {  	s30 =	simm.s32 $0x4;
	p2 =	por $0x1, $0x1;
	s31 =	simm.s32 $0x18050;
	v9 =	vmax.f32 v9, $0.0e+00;
	v13 =	vmax.f32 v17, $0.0e+00;
	v17 =	vimm.f32 $0.0e+00  }
.LBB2_17:
0x109: {  	s30 =	sadd.s32 $0x2, s30  }
0x10a: {  	v20 =	vld [tilespmem:s31+$0xFFFFFFF0];
	v21 =	vsub.f32 v18, v6;
	v19 =	vadd.f32 v10, v19;
	v15 =	vmax.f32 v15, $0.0e+00;
	v22 =	vmovc v16;
	p3 =	slt.s32 s30, s26  }
.Ltmp12:
0x10b: {  	v17 =	vadd.f32 v11, v17;
	v16 =	vld [tilespmem:s31+$0x0];
	v10 =	vmax.f32 v12, $0.0e+00;
	v12 =	vsub.f32 v18, v7;
	(pc) =	sbr.rel @p3 .LBB2_17-.Ltmp12, $4  }
0x10c: {  	v14 =	vadd.f32 v15, v14;
	v18 =	vmax.f32 v21, $0.0e+00;
	v21 =	vsub.f32 v22, v7  }
0x10d: {  	v23 =	vsub.f32 v22, v5;
	v15 =	vsub.f32 v22, v6;
	v11 =	vmax.f32 v12, $0.0e+00  }
0x10e: {  	v19 =	vadd.f32 v13, v19;
	v17 =	vadd.f32 v9, v17;
	v9 =	vmax.f32 v21, $0.0e+00  }
0x10f: {  	s31 =	sadd.s32 $0x20, s31;
	v14 =	vadd.f32 v18, v14;
	v13 =	vmax.f32 v23, $0.0e+00;
	v12 =	vsub.f32 v20, v5;
	v18 =	vmovc v20  }
0x110: {  	v20 =	vmov v18  }
.LBB2_19:
0x111: {  	v18 =	vsub.f32 v20, v6  }
0x112: {  	v10 =	vadd.f32 @p2 v10, v19;
	v57 =	vsub.f32 v20, v7  }
0x113: {  	v15 =	vmax.f32 @p2 v15, $0.0e+00;
	v11 =	vadd.f32 @p2 v11, v17;
	v59 =	vsub.f32 v16, v7  }
0x114: {  	v12 =	vmax.f32 v12, $0.0e+00;
	v61 =	vsub.f32 v16, v6;
	v14 =	vadd.f32 @p2 v15, v14  }
0x115: {  	v58 =	vmax.f32 v18, $0.0e+00;
	v10 =	vadd.f32 @p2 v13, v10;
	v9 =	vadd.f32 @p2 v9, v11  }
.Ltmp13:
0x116: {  	v60 =	vmax.f32 v57, $0.0e+00;
	v11 =	vsub.f32 v16, v5;
	v14 =	vpsel p2, v14, v8;
	(pc) =	sbr.rel .LBB2_9-.Ltmp13, $4  }
0x117: {  	v14 =	vadd.f32 v58, v14;
	v10 =	vpsel p2, v10, v8;
	v8 =	vpsel p2, v9, v8  }
0x118: {  	v9 =	vadd.f32 v12, v10;
	v10 =	vmax.f32 v61, $0.0e+00;
	v62 =	vadd.f32 v60, v8  }
0x119: {  	v63 =	vmax.f32 v59, $0.0e+00;
	v11 =	vmax.f32 v11, $0.0e+00;
	v8 =	vadd.f32 v10, v14  }
0x11a: {  	v9 =	vadd.f32 v11, v9;
	v10 =	vadd.f32 v63, v62  }
.LBB2_14:
.Ltmp14:
0x11b: {  	(pc) =	sbr.rel .LBB2_19-.Ltmp14, $2  }
0x11c: {  	_ =	sdelay $0x2  }
0x11d: {  	v19 =	vimm.f32 $0.0e+00;
	v17 =	vimm.f32 $0.0e+00  }
.LBB2_16:
.Ltmp15:
0x11e: {  	(pc) =	sbr.rel .LBB2_19-.Ltmp15, $2  }
0x11f: {  	_ =	sdelay $0x2  }
0x120: {  	v20 =	vmov v18;
	v19 =	vimm.f32 $0.0e+00;
	v17 =	vimm.f32 $0.0e+00  }
.LBB2_10:
.Ltmp16:
0x121: {  	(pc) =	sbr.rel @p1 .LBB2_11-.Ltmp16, $2  }
0x122: {  	_ =	sdelay $0x2  }
0x123: {  	v4 =	vimm.f32 $0.0e+00  }
0x124: {  	p2 =	sgt.s32 s26, $0x2  }
.Ltmp17:
0x125: {  	_ = 	snop;
	(pc) =	sbr.rel @!p2 .LBB2_21-.Ltmp17, $4  }
0x126: {  	_ = 	snop  }
0x127: {  	s28 =	simm.s32 $0x18010  }
0x128: {  	v10 =	vld [tilespmem:s28+$0xFFFFFFF0]  }
0x129: {  	p1 =	por $0x0, $0x0;
	v5 =	vld [tilespmem:s28+$0x0]  }
0x12a: {  	_ = 	snop  }
0x12b: {  	p2 =	sgt.s32 s26, $0x4  }
.Ltmp18:
0x12c: {  	_ = 	snop;
	(pc) =	sbr.rel @!p2 .LBB2_23-.Ltmp18, $4  }
0x12d: {  	vm0 =	vgt.f32 v10, v3  }
0x12e: {  	s28 =	simm.s32 $0x18030;
	v7 =	vsel vm0, $0x3F800000, v2  }
0x12f: {  	v6 =	vld [tilespmem:s28+$0xFFFFFFF0];
	v8 =	vnsel vm0, $0x0, v10;
	vm15 =	vgt.f32 v5, v3;
	v7 =	vadd.f32 v7, v4  }
0x130: {  	s29 =	simm.s32 $0x4;
	p1 =	por $0x1, $0x1;
	v9 =	vadd.f32 v8, v4;
	v8 =	vld [tilespmem:s28+$0x0];
	v11 =	vsel vm15, $0x3F800000, v2;
	v12 =	vnsel vm15, $0x0, v5  }
.LBB2_24:
0x131: {  	s29 =	sadd.s32 $0x2, s29  }
0x132: {  	v5 =	vadd.f32 v11, v7;
	v9 =	vadd.f32 v12, v9;
	p2 =	slt.s32 s29, s26  }
.Ltmp19:
0x133: {  	(pc) =	sbr.rel @p2 .LBB2_24-.Ltmp19, $4  }
0x134: {  	s28 =	sadd.s32 $0x20, s28;
	vm0 =	vgt.f32 v6, v3  }
0x135: {  	v7 =	vsel vm0, $0x3F800000, v2;
	v10 =	vnsel vm0, $0x0, v6;
	v6 =	vld [tilespmem:s28+$0xFFFFFFF0]  }
0x136: {  	v7 =	vadd.f32 v7, v5;
	v9 =	vadd.f32 v10, v9;
	vm0 =	vgt.f32 v8, v3  }
0x137: {  	v11 =	vsel vm0, $0x3F800000, v2;
	v12 =	vnsel vm0, $0x0, v8;
	v8 =	vld [tilespmem:s28+$0x0]  }
0x138: {  	_ =	sdelay $0x3  }
0x139: {  	v10 =	vmov v6;
	v5 =	vmov v8  }
.LBB2_26:
0x13a: {  	v6 =	vadd.f32 @p1 v11, v7;
	v7 =	vadd.f32 @p1 v12, v9;
	vm0 =	vgt.f32 v10, v3  }
.Ltmp20:
0x13b: {  	v8 =	vsel vm0, $0x3F800000, v2;
	(pc) =	sbr.rel .LBB2_12-.Ltmp20, $4  }
0x13c: {  	v63 =	vnsel vm0, $0x0, v10;
	v6 =	vpsel p1, v6, v4;
	v4 =	vpsel p1, v7, v4  }
0x13d: {  	vm15 =	vgt.f32 v5, v3;
	v6 =	vadd.f32 v8, v6;
	v7 =	vadd.f32 v63, v4  }
0x13e: {  	v5 =	vnsel vm15, $0x0, v5;
	v4 =	vsel vm15, $0x3F800000, v2  }
0x13f: {  	v4 =	vadd.f32 v4, v6;
	v5 =	vadd.f32 v5, v7  }
.LBB2_11:
0x140: {  	v5 =	vimm.f32 $0.0e+00  }
.LBB2_12:
0x141: {  	v6 =	vld @!p0 [tilespmem:s30+$0x18000];
	_ =	sdelay $0x4  }
0x142: {  	vm0 =	vgt.f32 @!p0 v6, v3;
	v3 =	vimm.f32 @!p0 $0.0e+00  }
0x143: {  	v6 =	vnsel @!p0 vm0, $0x0, v6;
	v3 =	vsel @!p0 vm0, $0x3F800000, v3  }
0x144: {  	v6 =	vadd.f32 @!p0 v6, v5;
	v3 =	vadd.f32 @!p0 v3, v4;
	_ =	sdelay $0x1  }
0x145: {  	v3 =	vpsel p0, v4, v3;
	v4 =	vpsel p0, v5, v6  }
.LBB2_33:
0x146: {  	_ = 	snop  }
0x147: {  	(xrf2) =	vadd.scan.msk.f32 $0xffff, v3;
	_ =	sdelay $0x9  }
0x148: {  	v3, _, _ =	vpop (xrf2)  }
0x149: {  	(xrf2) =	vadd.scan.msk.f32 $0xffff, v4;
	v3 =	vbroadcast v3, $0xF;
	_ =	sdelay $0x1  }
0x14a: {  	(erf) = vrcp.f32 v3;
	_ =	sdelay $0x7  }
0x14b: {  	v3, _, _ =	vpop (xrf2)  }
0x14c: {  	v4 =	vpop (erf)  }
0x14d: {  	_ =	strace $0x9000004B  }
0x14e: {  	s0 =	simm.s32 $0x40;
	v3 =	vadd.f32 $-1.000000000e+00, v3;
	_ =	strace $0x8000004C  }
0x14f: {  	v5 =	vld [tilespmem:s0+$0x30]  }
0x150: {  	v3 =	vbroadcast v3, $0xF;
	v7 =	vld [tilespmem:s0+$0xFFFFFFD0]  }
0x151: {  	v9 =	vld [tilespmem:s0+$0xFFFFFFE0]  }
0x152: {  	v3 =	vmul.f32 v3, v4;
	v8 =	vld [tilespmem:s0+$0xFFFFFFF0]  }
0x153: {  	v6 =	vld [tilespmem:s0+$0x0]  }
0x154: {  	v4 =	vld [tilespmem:s0+$0x10];
	v11 =	vsub.f32 v5, v3  }
0x155: {  	v5 =	vld [tilespmem:s0+$0x20];
	v10 =	vsub.f32 v7, v3  }
0x156: {  	s26 =	simm.s32 $0x10040;
	s28 =	simm.s32 $0x0;
	s29 =	simm.s32 $0xC0;
	v7 =	vld [tilespmem:s0+$0xFFFFFFC0];
	v9 =	vsub.f32 v9, v3;
	v11 =	vmax.f32 v11, $0.0e+00  }
.LBB2_34:
0x157: {  	v12 =	vld [tilespmem:s29+$0x30];
	s28 =	sadd.s32 $0x8, s28;
	v10 =	vmax.f32 v10, $0.0e+00;
	v8 =	vsub.f32 v8, v3;
	[tilespmem:s26+$0x30] =	vst v11  }
0x158: {  	v11 =	vld [tilespmem:s29+$0xFFFFFFD0];
	p0 =	slt.u32 s28, $0x3F8;
	[tilespmem:s26+$0xFFFFFFD0] =	vst v10;
	v9 =	vmax.f32 v9, $0.0e+00;
	v6 =	vsub.f32 v6, v3  }
0x159: {  	v13 =	vld [tilespmem:s29+$0xFFFFFFE0];
	[tilespmem:s26+$0xFFFFFFE0] =	vst v9;
	v9 =	vmax.f32 v8, $0.0e+00;
	v4 =	vsub.f32 v4, v3  }
.Ltmp21:
0x15a: {  	v8 =	vld [tilespmem:s29+$0xFFFFFFF0];
	[tilespmem:s26+$0xFFFFFFF0] =	vst v9;
	v9 =	vmax.f32 v6, $0.0e+00;
	v5 =	vsub.f32 v5, v3;
	(pc) =	sbr.rel @p0 .LBB2_34-.Ltmp21, $4  }
0x15b: {  	v6 =	vld [tilespmem:s29+$0x0];
	v7 =	vsub.f32 v7, v3;
	[tilespmem:s26+$0x0] =	vst v9;
	v9 =	vmax.f32 v4, $0.0e+00  }
0x15c: {  	v4 =	vld [tilespmem:s29+$0x10];
	v12 =	vsub.f32 v12, v3;
	[tilespmem:s26+$0x10] =	vst v9;
	v9 =	vmax.f32 v5, $0.0e+00  }
0x15d: {  	v10 =	vsub.f32 v11, v3;
	v5 =	vld [tilespmem:s29+$0x20];
	v14 =	vmax.f32 v7, $0.0e+00;
	[tilespmem:s26+$0x20] =	vst v9  }
0x15e: {  	v7 =	vld [tilespmem:s29+$0xFFFFFFC0];
	v9 =	vsub.f32 v13, v3;
	v11 =	vmax.f32 v12, $0.0e+00;
	s29 =	sadd.s32 $0x80, s29;
	[tilespmem:s26+$0xFFFFFFC0] =	vst v14;
	s26 =	sadd.s32 $0x80, s26  }
0x15f: {  	v10 =	vmax.f32 v10, $0.0e+00;
	v8 =	vsub.f32 v8, v3;
	[tilespmem:s26+$0x30] =	vst v11  }
0x160: {  	[tilespmem:s26+$0xFFFFFFD0] =	vst v10;
	v9 =	vmax.f32 v9, $0.0e+00;
	v6 =	vsub.f32 v6, v3  }
0x161: {  	[tilespmem:s26+$0xFFFFFFE0] =	vst v9;
	v8 =	vmax.f32 v8, $0.0e+00;
	v4 =	vsub.f32 v4, v3  }
0x162: {  	[tilespmem:s26+$0xFFFFFFF0] =	vst v8;
	v6 =	vmax.f32 v6, $0.0e+00;
	v5 =	vsub.f32 v5, v3  }
0x163: {  	v7 =	vsub.f32 v7, v3;
	[tilespmem:s26+$0x0] =	vst v6;
	v4 =	vmax.f32 v4, $0.0e+00  }
0x164: {  	[tilespmem:s26+$0x10] =	vst v4;
	v4 =	vmax.f32 v5, $0.0e+00  }
0x165: {  	v5 =	vmax.f32 v7, $0.0e+00;
	[tilespmem:s26+$0x20] =	vst v4  }
0x166: {  	s28 =	simm.s32 $0x0;
	[tilespmem:s26+$0xFFFFFFC0] =	vst v5  }
0x167: {  	[hbm4b:s5+s16] =	stream.strided.scatter [tilespmem:s21], [sflag:$0x3], $0x4000, s17, s16, $0x200038;
	[tilespmem:$0x1C000] =	vst v63  }
0x168: {  	v4 =	vld [tilespmem:s28+$0x4070]  }
0x169: {  	v5 =	vld [tilespmem:s28+$0x4000]  }
0x16a: {  	v6 =	vld [tilespmem:s28+$0x4010]  }
0x16b: {  	v7 =	vld [tilespmem:s28+$0x4020]  }
0x16c: {  	v8 =	vld [tilespmem:s28+$0x4030]  }
0x16d: {  	v9 =	vld [tilespmem:s28+$0x4040];
	v4 =	vsub.f32 v4, v3  }
0x16e: {  	v10 =	vld [tilespmem:s28+$0x4050];
	v5 =	vsub.f32 v5, v3  }
0x16f: {  	s26 =	simm.s32 $0x80;
	v11 =	vld [tilespmem:s28+$0x4060];
	v6 =	vsub.f32 v6, v3;
	v4 =	vmax.f32 v4, $0.0e+00  }
0x170: {  	v12 =	vld [tilespmem:s26+$0x4070];
	v7 =	vsub.f32 v7, v3;
	v5 =	vmax.f32 v5, $0.0e+00;
	[tilespmem:s28+$0x14070] =	vst v4  }
0x171: {  	v13 =	vld [tilespmem:s26+$0x4000];
	[tilespmem:s28+$0x14000] =	vst v5;
	v4 =	vmax.f32 v6, $0.0e+00;
	v6 =	vsub.f32 v8, v3  }
0x172: {  	v8 =	vld [tilespmem:s26+$0x4010];
	[tilespmem:s28+$0x14010] =	vst v4;
	v4 =	vmax.f32 v7, $0.0e+00;
	v7 =	vsub.f32 v9, v3  }
0x173: {  	v5 =	vld [tilespmem:s26+$0x4020];
	v9 =	vsub.f32 v10, v3;
	[tilespmem:s28+$0x14020] =	vst v4;
	v6 =	vmax.f32 v6, $0.0e+00  }
0x174: {  	v11 =	vsub.f32 v11, v3;
	v4 =	vld [tilespmem:s26+$0x4030];
	[tilespmem:s28+$0x14030] =	vst v6;
	v7 =	vmax.f32 v7, $0.0e+00  }
0x175: {  	v10 =	vsub.f32 v12, v3;
	v6 =	vld [tilespmem:s26+$0x4040];
	v14 =	vmax.f32 v9, $0.0e+00;
	[tilespmem:s28+$0x14040] =	vst v7  }
0x176: {  	s29 =	simm.s32 $0x408;
	s30 =	simm.s32 $0x400;
	v11 =	vmax.f32 v11, $0.0e+00;
	v9 =	vsub.f32 v13, v3;
	v7 =	vld [tilespmem:s26+$0x4050];
	[tilespmem:s28+$0x14050] =	vst v14  }
.LBB2_36:
0x177: {  	s29 =	sadd.s32 $0x8, s29;
	v8 =	vsub.f32 v8, v3;
	v12 =	vld [tilespmem:s26+$0x4060];
	v10 =	vmax.f32 v10, $0.0e+00;
	[tilespmem:s28+$0x14060] =	vst v11;
	s28 =	smov.u32 s26;
	s26 =	sshra.s32 s30, $0x2  }
0x178: {  	v11 =	vld [tilespmem:s26+$0x4070];
	p0 =	slt.u32 s29, $0x7F8;
	v9 =	vmax.f32 v9, $0.0e+00;
	v5 =	vsub.f32 v5, v3;
	[tilespmem:s28+$0x14070] =	vst v10  }
0x179: {  	v13 =	vld [tilespmem:s26+$0x4000];
	[tilespmem:s28+$0x14000] =	vst v9;
	v9 =	vmax.f32 v8, $0.0e+00;
	v4 =	vsub.f32 v4, v3  }
.Ltmp22:
0x17a: {  	v8 =	vld [tilespmem:s26+$0x4010];
	[tilespmem:s28+$0x14010] =	vst v9;
	v9 =	vmax.f32 v5, $0.0e+00;
	v6 =	vsub.f32 v6, v3;
	(pc) =	sbr.rel @p0 .LBB2_36-.Ltmp22, $4  }
0x17b: {  	v5 =	vld [tilespmem:s26+$0x4020];
	[tilespmem:s28+$0x14020] =	vst v9;
	v9 =	vmax.f32 v4, $0.0e+00;
	v7 =	vsub.f32 v7, v3  }
0x17c: {  	v4 =	vld [tilespmem:s26+$0x4030];
	[tilespmem:s28+$0x14030] =	vst v9;
	v9 =	vmax.f32 v6, $0.0e+00;
	v12 =	vsub.f32 v12, v3  }
0x17d: {  	v6 =	vld [tilespmem:s26+$0x4040];
	v10 =	vsub.f32 v11, v3;
	[tilespmem:s28+$0x14040] =	vst v9;
	v11 =	vmax.f32 v7, $0.0e+00  }
0x17e: {  	s30 =	sadd.s32 $0x200, s30;
	v9 =	vsub.f32 v13, v3;
	v7 =	vld [tilespmem:s26+$0x4050];
	[tilespmem:s28+$0x14050] =	vst v11;
	v11 =	vmax.f32 v12, $0.0e+00  }
0x17f: {  	v8 =	vsub.f32 v8, v3;
	v12 =	vld [tilespmem:s26+$0x4060];
	v10 =	vmax.f32 v10, $0.0e+00;
	[tilespmem:s28+$0x14060] =	vst v11  }
0x180: {  	v9 =	vmax.f32 v9, $0.0e+00;
	v5 =	vsub.f32 v5, v3;
	[tilespmem:s26+$0x14070] =	vst v10  }
0x181: {  	[tilespmem:s26+$0x14000] =	vst v9;
	v8 =	vmax.f32 v8, $0.0e+00;
	v4 =	vsub.f32 v4, v3  }
0x182: {  	[tilespmem:s26+$0x14010] =	vst v8;
	v5 =	vmax.f32 v5, $0.0e+00;
	v6 =	vsub.f32 v6, v3  }
0x183: {  	[tilespmem:s26+$0x14020] =	vst v5;
	v4 =	vmax.f32 v4, $0.0e+00;
	v5 =	vsub.f32 v7, v3  }
0x184: {  	[tilespmem:s26+$0x14030] =	vst v4;
	v4 =	vmax.f32 v6, $0.0e+00;
	v3 =	vsub.f32 v12, v3  }
0x185: {  	[tilespmem:s26+$0x14040] =	vst v4;
	v4 =	vmax.f32 v5, $0.0e+00  }
0x186: {  	[tilespmem:s26+$0x14050] =	vst v4;
	v3 =	vmax.f32 v3, $0.0e+00  }
0x187: {  	[tilespmem:s26+$0x14060] =	vst v3  }
0x188: {  	[hbm4b:s6+s16] =	stream.strided.scatter [tilespmem:s22], [sflag:$0x3], $0x4000, s17, s16, $0x200038;
	[tilespmem:$0x1C000] =	vst v63  }
0x189: {  	_ =	strace $0x9000004C  }
0x18a: {  	_ =	strace $0x8000004D  }
0x18b: {  	_ =	swait.ge [sflag:s23], $0x8000  }
0x18c: {  	[sflag:s23] =	ssyncset.done $0x0  }
0x18d: {  	[sflag:s23] =	ssyncadd.s32 $0xFFFF8000  }
0x18e: {  	_ =	strace $0x9000004D  }
0x18f: {  	[tilespmem:s2], [sflag:$0x1] =	stream.strided.gather [hbm4b:s7+s16], $0x8000, s17, s16, $0x38;
	[tilespmem:$0x1C000] =	vst v63  }
0x190: {  	s0 =	simm.s32 $0x8200;
	_ =	strace $0x8000004E  }
0x191: {  	v3 =	vld [tilespmem:s0+$0x100]  }
0x192: {  	v6 =	vld [tilespmem:s0+$0x0]  }
0x193: {  	v4 =	vld [tilespmem:s0+$0xFFFFFF00]  }
0x194: {  	v5 =	vld [tilespmem:s0+$0xFFFFFE00]  }
0x195: {  	v8 =	vld [tilespmem:s0+$0xFFFFFE80]  }
0x196: {  	v10 =	vld [tilespmem:s0+$0xFFFFFF80]  }
0x197: {  	v9 =	vld [tilespmem:s0+$0x80]  }
0x198: {  	v11 =	vimm.f32 $-Inf;
	s28 =	simm.s32 $0x8600;
	s26 =	simm.s32 $0x0;
	v7 =	vld [tilespmem:s0+$0x180]  }
.LBB2_38:
0x199: {  	v12 =	vld [tilespmem:s28+$0x100]  }
0x19a: {  	s26 =	sadd.s32 $0x4, s26;
	v13 =	vld [tilespmem:s28+$0x0];
	v5 =	vmax.f32 v5, v8  }
0x19b: {  	p0 =	slt.u32 s26, $0x7C;
	v8 =	vmax.f32 v11, v5;
	v10 =	vmax.f32 v4, v10;
	v4 =	vld [tilespmem:s28+$0xFFFFFF00]  }
.Ltmp23:
0x19c: {  	v5 =	vld [tilespmem:s28+$0xFFFFFE00];
	v10 =	vmax.f32 v8, v10;
	v6 =	vmax.f32 v6, v9;
	(pc) =	sbr.rel @p0 .LBB2_38-.Ltmp23, $4  }
0x19d: {  	v8 =	vld [tilespmem:s28+$0xFFFFFE80];
	v14 =	vmax.f32 v10, v6;
	v7 =	vmax.f32 v3, v7  }
0x19e: {  	v10 =	vld [tilespmem:s28+$0xFFFFFF80];
	v11 =	vmax.f32 v14, v7;
	v3 =	vmov v12  }
0x19f: {  	v9 =	vld [tilespmem:s28+$0x80];
	v6 =	vmov v13  }
0x1a0: {  	v7 =	vld [tilespmem:s28+$0x180];
	s28 =	sadd.s32 $0x400, s28  }
0x1a1: {  	_ = 	snop  }
0x1a2: {  	v5 =	vmax.f32 v5, v8  }
0x1a3: {  	v5 =	vmax.f32 v11, v5;
	v4 =	vmax.f32 v4, v10  }
0x1a4: {  	v4 =	vmax.f32 v5, v4;
	v5 =	vmax.f32 v6, v9  }
0x1a5: {  	v4 =	vmax.f32 v4, v5;
	v3 =	vmax.f32 v3, v7  }
0x1a6: {  	v3 =	vmax.f32 v4, v3  }
0x1a7: {  	(xrf0) =	vmax.scan.msk.f32 $0xffff, v3;
	_ =	sdelay $0x5  }
0x1a8: {  	v3, _, _ =	vpop (xrf0)  }
0x1a9: {  	(v2sf) =	vpush v3, $0xF;
	_ =	sdelay $0xe  }
0x1aa: {  	s0 =	spop (v2sf)  }
0x1ab: {  	_ =	strace $0x9000004E  }
0x1ac: {  	s1 =	simm.s32 $0x8040;
	_ =	strace $0x8000004F  }
0x1ad: {  	v15 =	vld [tilespmem:s1+$0xFFFFFFD0];
	_ =	sdelay $0x1  }
0x1ae: {  	s0 =	sadd.f32 $-1.000000000e+00, s0  }
0x1af: {  	v18 =	vld [tilespmem:s1+$0xFFFFFFF0]  }
0x1b0: {  	v5 =	vld [tilespmem:s1+$0xFFFFFFC0];
	v10 =	vmov s0  }
0x1b1: {  	v4 =	vld [tilespmem:s1+$0x0];
	vm6 =	vgt.f32 v15, v10  }
0x1b2: {  	v6 =	vld [tilespmem:s1+$0xFFFFFFE0];
	(xrf0) =	vadd.scan.msk.s32 vm6, v0  }
0x1b3: {  	v3 =	vld [tilespmem:s1+$0x10]  }
0x1b4: {  	v7 =	vld [tilespmem:s1+$0x20]  }
0x1b5: {  	v8 =	vld [tilespmem:s1+$0x30];
	vm7 =	vgt.f32 v18, v10;
	vm0 =	vgt.f32 v5, v10  }
0x1b6: {  	v14 =	vimm.s32 $0xFFFFFFFF;
	v13 =	vmpcnt.ones.xlane vm0;
	(xrf0) =	vadd.scan.msk.s32 vm7, v0  }
0x1b7: {  	v9 =	vimm.f32 $-Inf;
	vm2 =	vgt.f32 v4, v10;
	v11 =	vmpcnt.ones.xlane vm6  }
0x1b8: {  	vm1 =	vgt.f32 v6, v10;
	v9 =	vmax.f32 v9, v5;
	v13 =	vadd.s32 v14, v13;
	v20, _, _ =	vpop (xrf0)  }
0x1b9: {  	vm4 =	vgt.f32 v3, v10;
	(xrf0) =	vadd.scan.msk.s32 vm2, v0;
	v21 =	vadd.s32 v13, v11;
	v11 =	vadd.s32 v13, v20  }
0x1ba: {  	vm3 =	vgt.f32 v7, v10;
	vm5 =	vgt.f32 v8, v10;
	v19 =	vmpcnt.ones.xlane vm1  }
0x1bb: {  	v12 =	vmpcnt.ones.xlane vm2;
	v16 =	vmpcnt.ones.xlane vm7;
	v9 =	vmax.f32 v9, v15;
	(xrf0) =	vadd.scan.msk.s32 vm1, v0  }
0x1bc: {  	v9 =	vmax.f32 v9, v6;
	(xrf0) =	vadd.scan.msk.s32 vm4, v0;
	v13 =	vadd.s32 v21, v19;
	v19 =	vmin.u32 v11, $0x3FF7;
	v11, _, _ =	vpop (xrf0)  }
0x1bd: {  	(xrf0) =	vadd.scan.msk.s32 vm0, v0;
	v16 =	vadd.s32 v13, v16;
	v11 =	vadd.s32 v13, v11;
	v13 =	vmpcnt.ones.xlane vm3  }
0x1be: {  	v17 =	vmpcnt.ones.xlane vm4;
	v9 =	vmax.f32 v9, v18;
	(xrf0) =	vadd.scan.msk.s32 vm5, v0  }
0x1bf: {  	v20 =	vmax.f32 v9, v4;
	v12 =	vadd.s32 v16, v12;
	vm5 =	vmmov vm5;
	(xrf0) =	vadd.scan.msk.s32 vm3, v0;
	v22, _, _ =	vpop (xrf0)  }
0x1c0: {  	s26 =	simm.s32 $0x80C0;
	v17 =	vadd.s32 v12, v17;
	v26 =	vmpcnt.ones.xlane vm5;
	v16 =	vadd.s32 v16, v22  }
0x1c1: {  	v9 =	vld [tilespmem:s26+$0x0];
	v23 =	vmin.u32 v11, $0x3FF7;
	v11 =	vmax.f32 v20, v3;
	v25 =	vadd.s32 v17, v13;
	v13, _, _ =	vpop (xrf0)  }
0x1c2: {  	v24 =	vmax.f32 v11, v7;
	v11 =	vld [tilespmem:s26+$0xFFFFFFD0];
	v22, _, _ =	vpop (xrf0)  }
0x1c3: {  	vm4 =	vmmov vm4;
	v20 =	vmin.u32 v16, $0x3FF7;
	v21 =	vadd.s32 v21, v13;
	v13 =	vld [tilespmem:s26+$0x10];
	v16, _, _ =	vpop (xrf0)  }
0x1c4: {  	v24 =	vmax.f32 v24, v8;
	v27 =	vadd.s32 v12, v22;
	v12 =	vld [tilespmem:s26+$0xFFFFFFF0];
	v22 =	vmin.u32 v21, $0x3FF7;
	v29, _, _ =	vpop (xrf0)  }
0x1c5: {  	[tilespmem:v19+s20+$0x0] =	vst.idx.msk vm6, v15;
	v28 =	vadd.s32 v14, v16;
	v14 =	vadd.s32 v25, v26;
	v16 =	vld [tilespmem:s26+$0xFFFFFFE0];
	v15 =	vmin.u32 v27, $0x3FF7;
	v26, _, _ =	vpop (xrf0)  }
0x1c6: {  	v25 =	vadd.s32 v25, v29;
	v21 =	vmin.u32 v28, $0x3FF7;
	v26 =	vadd.s32 v17, v26;
	v17 =	vld [tilespmem:s26+$0xFFFFFFC0]  }
0x1c7: {  	s28 =	simm.s32 $0x8;
	s29 =	simm.s32 $0x8140;
	[tilespmem:v23+s20+$0x0] =	vst.idx.msk vm7, v18;
	v18 =	vld [tilespmem:s26+$0x20];
	vm6 =	vgt.f32 v11, v10;
	v19 =	vmin.u32 v25, $0x3FF7;
	v23 =	vmin.u32 v26, $0x3FF7  }
.LBB2_40:
0x1c8: {  	s28 =	sadd.s32 $0x8, s28;
	(xrf0) =	vadd.scan.msk.s32 vm6, v0;
	[tilespmem:v20+s20+$0x0] =	vst.idx.msk vm2, v4;
	v4 =	vmov v9;
	v9 =	vld [tilespmem:s29+$0x0]  }
0x1c9: {  	v20 =	vmpcnt.ones.xlane vm6;
	p0 =	slt.u32 s28, $0x7F8;
	vm7 =	vgt.f32 v12, v10;
	vm2 =	vgt.f32 v4, v10;
	v25 =	vld [tilespmem:s26+$0x30];
	[tilespmem:v22+s20+$0x0] =	vst.idx.msk vm1, v6;
	s26 =	smov.u32 s29  }
0x1ca: {  	vm8 =	vgt.f32 v13, v10;
	vm1 =	vgt.f32 v16, v10;
	v22 =	vmpcnt.ones.xlane vm2;
	(xrf0) =	vadd.scan.msk.s32 vm7, v0;
	v6 =	vmovc v16  }
0x1cb: {  	v16 =	vmax.f32 v24, v17;
	v24 =	vmpcnt.ones.xlane vm7;
	[tilespmem:v21+s20+$0x0] =	vst.idx.msk vm0, v5;
	vm0 =	vgt.f32 v17, v10  }
0x1cc: {  	v26 =	vmpcnt.ones.xlane vm8;
	v5 =	vmovc v17;
	v27 =	vmpcnt.ones.xlane vm0;
	v16 =	vmax.f32 v16, v11;
	[tilespmem:v23+s20+$0x0] =	vst.idx.msk vm3, v7  }
0x1cd: {  	v23 =	vmpcnt.ones.xlane vm1;
	vm3 =	vgt.f32 v18, v10;
	v7 =	vmovc v18;
	v16 =	vmax.f32 v16, v6;
	(xrf0) =	vadd.scan.msk.s32 vm2, v0  }
0x1ce: {  	v18 =	vadd.s32 v14, v27;
	v16 =	vmax.f32 v16, v12;
	vm9 =	vgt.f32 v25, v10;
	v21, _, _ =	vpop (xrf0);
	(xrf0) =	vadd.scan.msk.s32 vm1, v0  }
0x1cf: {  	v21 =	vadd.s32 v18, v21;
	v18 =	vadd.s32 v18, v20;
	(xrf0) =	vadd.scan.msk.s32 vm8, v0;
	[tilespmem:v19+s20+$0x0] =	vst.idx.msk vm5, v8  }
0x1d0: {  	v16 =	vmax.f32 v16, v4;
	v19 =	vmin.u32 v21, $0x3FF7;
	v23 =	vadd.s32 v18, v23;
	(xrf0) =	vadd.scan.msk.s32 vm0, v0;
	v17, _, _ =	vpop (xrf0)  }
0x1d1: {  	v8 =	vmovc v25;
	v21 =	vmpcnt.ones.xlane vm3;
	v17 =	vadd.s32 v23, v17;
	v20 =	vadd.s32 v23, v24;
	(xrf0) =	vadd.scan.msk.s32 vm9, v0  }
0x1d2: {  	v17 =	vmin.u32 v17, $0x3FF7;
	v22 =	vadd.s32 v20, v22;
	(xrf0) =	vadd.scan.msk.s32 vm3, v0;
	[tilespmem:v15+s20+$0x0] =	vst.idx.msk vm4, v3;
	v3 =	vmovc v13  }
0x1d3: {  	vm4 =	vmmov vm8;
	v23 =	vadd.s32 v22, v26;
	v24 =	vmax.f32 v16, v3;
	v15, _, _ =	vpop (xrf0)  }
0x1d4: {  	vm5 =	vmmov vm9;
	v25 =	vadd.s32 v23, v21;
	v26 =	vmax.f32 v24, v7;
	v13, _, _ =	vpop (xrf0)  }
0x1d5: {  	v27 =	vmpcnt.ones.xlane vm5;
	v15 =	vadd.s32 v20, v15;
	[tilespmem:v19+s20+$0x0] =	vst.idx.msk vm6, v11;
	v11 =	vld [tilespmem:s29+$0xFFFFFFD0];
	v18 =	vadd.s32 v18, v13;
	v21, _, _ =	vpop (xrf0)  }
.Ltmp24:
0x1d6: {  	v20 =	vmin.u32 v15, $0x3FF7;
	v24 =	vmax.f32 v26, v8;
	v13 =	vld [tilespmem:s29+$0x10];
	v15 =	vadd.s32 v22, v21;
	v16, _, _ =	vpop (xrf0);
	(pc) =	sbr.rel @p0 .LBB2_40-.Ltmp24, $4  }
0x1d7: {  	v22 =	vmin.u32 v18, $0x3FF7;
	v21 =	vadd.s32 v14, v16;
	[tilespmem:v17+s20+$0x0] =	vst.idx.msk vm7, v12;
	v12 =	vld [tilespmem:s29+$0xFFFFFFF0];
	v14 =	vadd.s32 v25, v27;
	v17, _, _ =	vpop (xrf0)  }
0x1d8: {  	v15 =	vmin.u32 v15, $0x3FF7;
	v16 =	vld [tilespmem:s29+$0xFFFFFFE0];
	v21 =	vmin.u32 v21, $0x3FF7;
	v18 =	vadd.s32 v25, v17;
	v19, _, _ =	vpop (xrf0)  }
0x1d9: {  	v17 =	vld [tilespmem:s29+$0xFFFFFFC0];
	v23 =	vadd.s32 v23, v19;
	v19 =	vmin.u32 v18, $0x3FF7  }
0x1da: {  	s29 =	sadd.s32 $0x80, s29;
	vm6 =	vgt.f32 v11, v10;
	v18 =	vld [tilespmem:s26+$0x20];
	v23 =	vmin.u32 v23, $0x3FF7  }
0x1db: {  	_ = 	snop  }
0x1dc: {  	v26 =	vmpcnt.ones.xlane vm6  }
0x1dd: {  	vm8 =	vgt.f32 v9, v10;
	vm11 =	vgt.f32 v13, v10;
	vm7 =	vgt.f32 v12, v10  }
0x1de: {  	(xrf0) =	vadd.scan.msk.s32 vm6, v0;
	v25 =	vld [tilespmem:s26+$0x30];
	v30 =	vmpcnt.ones.xlane vm8;
	v24 =	vmax.f32 v24, v17;
	vm10 =	vgt.f32 v17, v10  }
0x1df: {  	v32 =	vmpcnt.ones.xlane vm11;
	(xrf0) =	vadd.scan.msk.s32 vm7, v0;
	v24 =	vmax.f32 v24, v11;
	v27 =	vmpcnt.ones.xlane vm10  }
0x1e0: {  	vm9 =	vgt.f32 v16, v10;
	v28 =	vmpcnt.ones.xlane vm7;
	(xrf0) =	vadd.scan.msk.s32 vm8, v0;
	v24 =	vmax.f32 v24, v16  }
0x1e1: {  	v29 =	vmpcnt.ones.xlane vm9;
	(xrf0) =	vadd.scan.msk.s32 vm9, v0;
	v24 =	vmax.f32 v24, v12;
	v27 =	vadd.s32 v14, v27  }
0x1e2: {  	vm12 =	vgt.f32 v18, v10;
	(xrf0) =	vadd.scan.msk.s32 vm11, v0;
	v24 =	vmax.f32 v24, v9;
	v26 =	vadd.s32 v27, v26  }
0x1e3: {  	vm13 =	vgt.f32 v25, v10;
	(xrf0) =	vadd.scan.msk.s32 vm10, v0;
	v24 =	vmax.f32 v24, v13;
	v29 =	vadd.s32 v26, v29  }
0x1e4: {  	v59 =	vmpcnt.ones.xlane vm12;
	v58, _, _ =	vpop (xrf0);
	(xrf0) =	vadd.scan.msk.s32 vm13, v0;
	v24 =	vmax.f32 v24, v18;
	v28 =	vadd.s32 v29, v28  }
0x1e5: {  	vm13 =	vmmov vm13;
	v31, _, _ =	vpop (xrf0);
	(xrf0) =	vadd.scan.msk.s32 vm12, v0;
	v24 =	vmax.f32 v24, v25;
	v30 =	vadd.s32 v28, v30  }
0x1e6: {  	v35 =	vmpcnt.ones.xlane vm13;
	v33, _, _ =	vpop (xrf0);
	(xrf0) =	vmax.scan.msk.f32 $0xffff, v24;
	v32 =	vadd.s32 v30, v32  }
0x1e7: {  	v34, _, _ =	vpop (xrf0);
	v24 =	vadd.s32 v32, v59  }
0x1e8: {  	v36, _, _ =	vpop (xrf0);
	v35 =	vadd.s32 v24, v35  }
0x1e9: {  	v37, _, _ =	vpop (xrf0);
	(v2sf) =	vpush v35, $0x0  }
0x1ea: {  	v38, _, _ =	vpop (xrf0)  }
0x1eb: {  	v39, _, _ =	vpop (xrf0)  }
0x1ec: {  	v60, _, _ =	vpop (xrf0)  }
0x1ed: {  	(v2sf) =	vpush v60, $0xF;
	_ =	sdelay $0x1  }
0x1ee: {  	[tilespmem:v20+s20+$0x0] =	vst.idx.msk vm2, v4;
	v4 =	vadd.s32 v27, v58  }
0x1ef: {  	v4 =	vmin.u32 v4, $0x3FF7  }
0x1f0: {  	[tilespmem:v22+s20+$0x0] =	vst.idx.msk vm1, v6;
	v6 =	vadd.s32 v29, v31  }
0x1f1: {  	[tilespmem:v21+s20+$0x0] =	vst.idx.msk vm0, v5;
	v5 =	vadd.s32 v28, v33;
	v6 =	vmin.u32 v6, $0x3FF7  }
0x1f2: {  	[tilespmem:v23+s20+$0x0] =	vst.idx.msk vm3, v7;
	v7 =	vadd.s32 v26, v34;
	v5 =	vmin.u32 v5, $0x3FF7  }
0x1f3: {  	[tilespmem:v15+s20+$0x0] =	vst.idx.msk vm4, v3;
	v7 =	vmin.u32 v7, $0x3FF7;
	v61 =	vadd.s32 v14, v37  }
0x1f4: {  	[tilespmem:v4+s20+$0x0] =	vst.idx.msk vm6, v11;
	v3 =	vmin.u32 v61, $0x3FF7;
	v4 =	vadd.s32 v24, v38  }
0x1f5: {  	[tilespmem:v19+s20+$0x0] =	vst.idx.msk vm5, v8;
	v63 =	vadd.s32 v30, v36;
	v4 =	vmin.u32 v4, $0x3FF7  }
0x1f6: {  	v62 =	vadd.s32 v32, v39;
	[tilespmem:v6+s20+$0x0] =	vst.idx.msk vm7, v12;
	v6 =	vmin.u32 v63, $0x3FF7  }
0x1f7: {  	v8 =	vmin.u32 v62, $0x3FF7;
	[tilespmem:v5+s20+$0x0] =	vst.idx.msk vm8, v9;
	s28 =	spop (v2sf)  }
0x1f8: {  	[tilespmem:v7+s20+$0x0] =	vst.idx.msk vm9, v16;
	s0 =	sadd.s32 $0x1, s28  }
0x1f9: {  	[tilespmem:v3+s20+$0x0] =	vst.idx.msk vm10, v17;
	p1 =	sgt.s32 s0, $0x3FE8  }
.Ltmp25:
0x1fa: {  	[tilespmem:v4+s20+$0x0] =	vst.idx.msk vm13, v25;
	(pc) =	sbr.rel @p1 .LBB2_63-.Ltmp25, $4  }
0x1fb: {  	[tilespmem:v6+s20+$0x0] =	vst.idx.msk vm11, v13;
	p0 =	slt.s32 s0, $0x3FE8;
	s1 =	spop (v2sf)  }
0x1fc: {  	[tilespmem:v8+s20+$0x0] =	vst.idx.msk vm12, v18;
	s0 =	simm.s32 @!p0 $0x3FE8;
	s1 =	sadd.f32 $-1.000000000e+00, s1  }
0x1fd: {  	_ =	strace $0x9000004F;
	[tilespmem:s0+$0x18000] =	vst v1  }
0x1fe: {  	s26 =	simm.s32 $0x0;
	vm15 =	vmmov vm11;
	v4 =	vbroadcast v60, $0xF;
	_ =	strace $0x80000050;
	v3 =	vmov s1  }
0x1ff: {  	s0 =	sadd.s32 $0x10, s28  }
.Ltmp26:
0x200: {  	s1 =	sshra.s32 s0, $0x4;
	s0 =	sshrl.u32 s0, $0x1F;
	(pc) =	sbr.rel .LBB2_43-.Ltmp26, $4  }
0x201: {  	s0 =	sadd.s32 s0, s1  }
0x202: {  	s26 =	sand.u32 $0xFFFFFFFE, s0  }
0x203: {  	s29 =	simm.s32 $0x0;
	s0 =	sshll.u32 s0, $0x6;
	s1 =	ssub.s32 s1, s26  }
0x204: {  	s28 =	sand.u32 $0xFFFFFF80, s0;
	p1 =	slt.s32 s26, $0x1;
	p0 =	slt.s32 s1, $0x1  }
.LBB2_63:
0x205: {  	_ = 	snop  }
0x206: {  	s0 =	simm.s32 $0x8020;
	v6 =	vsub.f32 v4, v3  }
0x207: {  	v8 =	vld [tilespmem:s0+$0xFFFFFFE0]  }
0x208: {  	v12 =	vld [tilespmem:s0+$0x10];
	v5 =	vmul.f32 $7.500000000e-01, v6;
	v7 =	vmul.f32 $2.500000000e-01, v6  }
0x209: {  	v10 =	vld [tilespmem:s0+$0xFFFFFFF0];
	v9 =	vmul.f32 $5.000000000e-01, v6  }
0x20a: {  	s31 =	simm.s32 $0x8060;
	v11 =	vld [tilespmem:s0+$0x0];
	v5 =	vadd.f32 v5, v3;
	v6 =	vadd.f32 v7, v3  }
0x20b: {  	v18 =	vld [tilespmem:s31+$0xFFFFFFE0];
	v7 =	vadd.f32 v9, v3  }
0x20c: {  	v13 =	vsub.f32 v8, v5;
	v14 =	vsub.f32 v8, v6  }
0x20d: {  	v15 =	vsub.f32 v8, v7;
	v19 =	vsub.f32 v12, v5  }
0x20e: {  	v16 =	vimm.f32 $0.0e+00;
	v20 =	vsub.f32 v10, v7;
	v21 =	vsub.f32 v10, v6  }
0x20f: {  	v23 =	vsub.f32 v11, v7;
	v9 =	vmax.f32 v13, $0.0e+00;
	v13 =	vsub.f32 v10, v5  }
0x210: {  	v25 =	vsub.f32 v18, v5;
	v17 =	vmax.f32 v14, $0.0e+00;
	v9 =	vadd.f32 v9, v16  }
0x211: {  	v14 =	vsub.f32 v12, v7;
	v8 =	vmax.f32 v13, $0.0e+00;
	v13 =	vsub.f32 v11, v5  }
0x212: {  	v10 =	vsub.f32 v12, v6;
	v12 =	vld [tilespmem:s31+$0xFFFFFFF0];
	v8 =	vadd.f32 v8, v9  }
0x213: {  	v9 =	vmax.f32 v14, $0.0e+00;
	v14 =	vsub.f32 v11, v6;
	v11 =	vld [tilespmem:s31+$0x0];
	v13 =	vmax.f32 v13, $0.0e+00  }
0x214: {  	v19 =	vmax.f32 v19, $0.0e+00;
	v22 =	vadd.f32 v17, v16;
	v13 =	vadd.f32 v13, v8;
	v8 =	vld [tilespmem:s31+$0x10]  }
0x215: {  	v24 =	vmax.f32 v15, $0.0e+00;
	v21 =	vmax.f32 v21, $0.0e+00;
	v15 =	vsub.f32 v18, v7  }
0x216: {  	v17 =	vmax.f32 v20, $0.0e+00;
	v22 =	vadd.f32 v21, v22;
	v21 =	vadd.f32 v24, v16  }
0x217: {  	v20 =	vmax.f32 v23, $0.0e+00;
	v19 =	vadd.f32 v19, v13;
	v13 =	vsub.f32 v18, v6  }
0x218: {  	v18 =	vmax.f32 v25, $0.0e+00;
	v25 =	vsub.f32 v12, v5;
	v24 =	vsub.f32 v11, v5  }
0x219: {  	v14 =	vmax.f32 v14, $0.0e+00;
	v16 =	vadd.f32 v18, v19;
	v26 =	vsub.f32 v8, v7  }
0x21a: {  	v13 =	vmax.f32 v13, $0.0e+00;
	v23 =	vmax.f32 v25, $0.0e+00;
	v18 =	vsub.f32 v12, v7  }
0x21b: {  	s28 =	simm.s32 $0x4;
	s29 =	simm.s32 $0x80A0;
	v19 =	vsub.f32 v8, v5;
	v23 =	vadd.f32 v23, v16;
	v16 =	vmax.f32 v26, $0.0e+00  }
.LBB2_64:
0x21c: {  	v25 =	vld [tilespmem:s29+$0xFFFFFFE0];
	s28 =	sadd.s32 $0x4, s28;
	v26 =	vsub.f32 v11, v6;
	v24 =	vmax.f32 v24, $0.0e+00;
	v22 =	vadd.f32 v14, v22  }
0x21d: {  	v28 =	vsub.f32 v12, v6;
	v27 =	vld [tilespmem:s29+$0x0];
	p0 =	slt.u32 s28, $0x7FC;
	v23 =	vadd.f32 v24, v23;
	v24 =	vmax.f32 v10, $0.0e+00  }
0x21e: {  	v19 =	vmax.f32 v19, $0.0e+00;
	v17 =	vadd.f32 v17, v21;
	v10 =	vsub.f32 v8, v6;
	v8 =	vld [tilespmem:s29+$0x10]  }
0x21f: {  	v14 =	vmax.f32 v26, $0.0e+00;
	v21 =	vadd.f32 v24, v22;
	v12 =	vld [tilespmem:s29+$0xFFFFFFF0];
	v19 =	vadd.f32 v19, v23  }
0x220: {  	v24 =	vsub.f32 v11, v7;
	v22 =	vadd.f32 v20, v17;
	v23 =	vmax.f32 v15, $0.0e+00  }
0x221: {  	v20 =	vadd.f32 v13, v21;
	v21 =	vmax.f32 v28, $0.0e+00;
	v15 =	vsub.f32 v25, v6  }
0x222: {  	v17 =	vmax.f32 v18, $0.0e+00;
	v18 =	vadd.f32 v9, v22;
	v9 =	vmovc v16;
	v26 =	vsub.f32 v25, v5;
	v11 =	vmovc v27  }
.Ltmp27:
0x223: {  	v22 =	vadd.f32 v21, v20;
	v13 =	vmax.f32 v15, $0.0e+00;
	v15 =	vsub.f32 v25, v7;
	(pc) =	sbr.rel @p0 .LBB2_64-.Ltmp27, $4  }
0x224: {  	v21 =	vadd.f32 v23, v18;
	v16 =	vmax.f32 v26, $0.0e+00;
	v25 =	vsub.f32 v12, v5  }
0x225: {  	v20 =	vmax.f32 v24, $0.0e+00;
	v26 =	vsub.f32 v8, v7;
	v16 =	vadd.f32 v16, v19  }
0x226: {  	v24 =	vsub.f32 v11, v5;
	v19 =	vsub.f32 v8, v5;
	v23 =	vmax.f32 v25, $0.0e+00  }
0x227: {  	s29 =	sadd.s32 $0x40, s29;
	v18 =	vsub.f32 v12, v7;
	v23 =	vadd.f32 v23, v16;
	v16 =	vmax.f32 v26, $0.0e+00  }
0x228: {  	v17 =	vadd.f32 v17, v21  }
0x229: {  	v14 =	vadd.f32 v14, v22  }
0x22a: {  	v10 =	vmax.f32 v10, $0.0e+00;
	v17 =	vadd.f32 v20, v17  }
0x22b: {  	v10 =	vadd.f32 v10, v14  }
0x22c: {  	v12 =	vsub.f32 v12, v6;
	v9 =	vadd.f32 v9, v17  }
0x22d: {  	v55 =	vmax.f32 v15, $0.0e+00;
	v10 =	vadd.f32 v13, v10  }
0x22e: {  	v56 =	vsub.f32 v11, v6;
	v12 =	vmax.f32 v12, $0.0e+00;
	v9 =	vadd.f32 v55, v9  }
0x22f: {  	v57 =	vsub.f32 v11, v7;
	v58 =	vmax.f32 v18, $0.0e+00;
	v10 =	vadd.f32 v12, v10  }
0x230: {  	v8 =	vsub.f32 v8, v6;
	v59 =	vmax.f32 v56, $0.0e+00;
	v9 =	vadd.f32 v58, v9  }
0x231: {  	v11 =	vmax.f32 v57, $0.0e+00;
	v10 =	vadd.f32 v59, v10  }
0x232: {  	v60 =	vmax.f32 v24, $0.0e+00;
	v8 =	vmax.f32 v8, $0.0e+00;
	v9 =	vadd.f32 v11, v9  }
0x233: {  	v61 =	vadd.f32 v60, v23;
	v8 =	vadd.f32 v8, v10  }
0x234: {  	v62 =	vmax.f32 v19, $0.0e+00;
	v9 =	vadd.f32 v16, v9  }
0x235: {  	v10 =	vadd.f32 v62, v61;
	(xrf2) =	vadd.scan.msk.f32 $0xffff, v8  }
0x236: {  	(xrf2) =	vadd.scan.msk.f32 $0xffff, v9  }
0x237: {  	(xrf2) =	vadd.scan.msk.f32 $0xffff, v10;
	_ =	sdelay $0x7  }
0x238: {  	v8, _, _ =	vpop (xrf2)  }
0x239: {  	(v2sf) =	vpush v8, $0xF;
	v9, _, _ =	vpop (xrf2)  }
0x23a: {  	(v2sf) =	vpush v9, $0xF;
	v63, _, _ =	vpop (xrf2)  }
0x23b: {  	(v2sf) =	vpush v63, $0xF;
	_ =	sdelay $0xc  }
0x23c: {  	s0 =	spop (v2sf)  }
0x23d: {  	s1 =	spop (v2sf)  }
0x23e: {  	s28 =	spop (v2sf)  }
0x23f: {  	p0 =	sge.f32 s0, $1.000000000e+00;
	p1 =	sge.f32 s28, $1.000000000e+00  }
0x240: {  	p2 =	sge.f32 s1, $1.000000000e+00  }
0x241: {  	s26 =	sadd.s32 $0x1, s26;
	v3 =	vpsel p0, v6, v3;
	v4 =	vpsel p1, v4, v5  }
0x242: {  	v3 =	vpsel p2, v7, v3;
	v4 =	vpsel p2, v4, v7;
	p2 =	sne.s32 s26, $0xC  }
.Ltmp28:
0x243: {  	_ = 	snop;
	(pc) =	sbr.rel @p2 .LBB2_63-.Ltmp28, $2  }
0x244: {  	_ =	sdelay $0x2  }
0x245: {  	v3 =	vpsel p1, v5, v3;
	v4 =	vpsel p0, v4, v6  }
0x246: {  	s0 =	simm.s32 $0x0  }
0x247: {  	v6 =	vld [tilespmem:s0+$0x8000]  }
0x248: {  	v4 =	vimm.f32 $0.0e+00;
	s26 =	simm.s32 $0x40;
	v5 =	vimm.f32 $0.0e+00  }
.LBB2_67:
0x249: {  	p0 =	sne.s32 s26, $0x1FFC0  }
.Ltmp29:
0x24a: {  	_ = 	snop;
	(pc) =	sbr.rel @p0 .LBB2_67-.Ltmp29, $4  }
0x24b: {  	_ = 	snop  }
0x24c: {  	s0 =	sshra.s32 s26, $0x2;
	s26 =	sadd.s32 $0x40, s26;
	vm0 =	vgt.f32 v6, v3  }
0x24d: {  	v7 =	vsel vm0, $0x3F800000, v2;
	v8 =	vnsel vm0, $0x0, v6;
	v6 =	vld [tilespmem:s0+$0x8000]  }
0x24e: {  	v4 =	vadd.f32 v7, v4;
	v5 =	vadd.f32 v8, v5  }
0x24f: {  	_ = 	snop  }
.Ltmp30:
0x250: {  	_ = 	snop;
	(pc) =	sbr.rel .LBB2_69-.Ltmp30, $4  }
0x251: {  	_ = 	snop  }
0x252: {  	vm0 =	vgt.f32 v6, v3  }
0x253: {  	v3 =	vsel vm0, $0x3F800000, v2;
	v6 =	vnsel vm0, $0x0, v6  }
0x254: {  	v3 =	vadd.f32 v3, v4;
	v4 =	vadd.f32 v6, v5  }
.LBB2_44:
0x255: {  	v9 =	vimm.f32 $0.0e+00;
	v10 =	vimm.f32 $0.0e+00;
	v8 =	vimm.f32 $0.0e+00  }
.LBB2_45:
0x256: {  	s30 =	sshra.s32 @!p0 s28, $0x2  }
0x257: {  	v11 =	vld @!p0 [tilespmem:s30+$0x18000];
	_ =	sdelay $0x4  }
0x258: {  	v12 =	vsub.f32 @!p0 v11, v6  }
0x259: {  	v13 =	vsub.f32 @!p0 v11, v7;
	v11 =	vsub.f32 @!p0 v11, v5;
	_ =	sdelay $0x1  }
0x25a: {  	v11 =	vmax.f32 @!p0 v11, $0.0e+00  }
0x25b: {  	v13 =	vmax.f32 @!p0 v13, $0.0e+00;
	v11 =	vadd.f32 @!p0 v11, v9  }
0x25c: {  	v12 =	vmax.f32 @!p0 v12, $0.0e+00;
	v13 =	vadd.f32 @!p0 v13, v10  }
0x25d: {  	v12 =	vadd.f32 @!p0 v12, v8;
	v9 =	vpsel p0, v9, v11  }
0x25e: {  	v10 =	vpsel p0, v10, v13;
	(xrf2) =	vadd.scan.msk.f32 $0xffff, v9  }
0x25f: {  	v8 =	vpsel p0, v8, v12;
	(xrf2) =	vadd.scan.msk.f32 $0xffff, v10  }
0x260: {  	(xrf2) =	vadd.scan.msk.f32 $0xffff, v8;
	_ =	sdelay $0x7  }
0x261: {  	v61, _, _ =	vpop (xrf2)  }
0x262: {  	v62, _, _ =	vpop (xrf2);
	(v2sf) =	vpush v61, $0xF  }
0x263: {  	(v2sf) =	vpush v62, $0xF;
	v63, _, _ =	vpop (xrf2)  }
0x264: {  	(v2sf) =	vpush v63, $0xF;
	_ =	sdelay $0xc  }
0x265: {  	s0 =	spop (v2sf)  }
0x266: {  	s1 =	spop (v2sf)  }
0x267: {  	s31 =	spop (v2sf)  }
0x268: {  	p2 =	sge.f32 s0, $1.000000000e+00;
	p3 =	sge.f32 s31, $1.000000000e+00  }
0x269: {  	p4 =	sge.f32 s1, $1.000000000e+00  }
0x26a: {  	s29 =	sadd.s32 $0x1, s29;
	v3 =	vpsel p2, v5, v3;
	v4 =	vpsel p3, v4, v6  }
0x26b: {  	v3 =	vpsel p4, v7, v3;
	v4 =	vpsel p4, v4, v7;
	p4 =	sne.s32 s29, $0xC  }
.Ltmp31:
0x26c: {  	_ = 	snop;
	(pc) =	sbr.rel @!p4 .LBB2_46-.Ltmp31, $2  }
0x26d: {  	_ =	sdelay $0x2  }
0x26e: {  	v3 =	vpsel p3, v6, v3;
	v4 =	vpsel p2, v4, v5  }
.LBB2_43:
0x26f: {  	v5 =	vsub.f32 v4, v3  }
.Ltmp32:
0x270: {  	_ = 	snop;
	(pc) =	sbr.rel @p1 .LBB2_44-.Ltmp32, $4  }
0x271: {  	v6 =	vmul.f32 $2.500000000e-01, v5  }
0x272: {  	v7 =	vmul.f32 $5.000000000e-01, v5;
	v8 =	vmul.f32 $7.500000000e-01, v5  }
0x273: {  	v5 =	vadd.f32 v6, v3  }
0x274: {  	v7 =	vadd.f32 v7, v3;
	v6 =	vadd.f32 v8, v3  }
0x275: {  	s30 =	simm.s32 $0x18010  }
0x276: {  	p3 =	sgt.s32 s26, $0x2;
	v20 =	vld [tilespmem:s30+$0xFFFFFFF0]  }
.Ltmp33:
0x277: {  	_ = 	snop;
	(pc) =	sbr.rel @!p3 .LBB2_50-.Ltmp33, $2  }
0x278: {  	_ =	sdelay $0x2  }
0x279: {  	v8 =	vimm.f32 $0.0e+00;
	s31 =	simm.s32 $0x18030;
	p2 =	por $0x0, $0x0;
	v16 =	vld [tilespmem:s30+$0x0];
	v12 =	vsub.f32 v20, v5  }
0x27a: {  	_ =	sdelay $0x1  }
0x27b: {  	v18 =	vld [tilespmem:s31+$0xFFFFFFF0];
	v9 =	vsub.f32 v20, v6  }
0x27c: {  	p3 =	sgt.s32 s26, $0x4  }
.Ltmp34:
0x27d: {  	v11 =	vsub.f32 v20, v7;
	v13 =	vmax.f32 v9, $0.0e+00;
	v9 =	vsub.f32 v16, v7;
	(pc) =	sbr.rel @!p3 .LBB2_52-.Ltmp34, $4  }
0x27e: {  	v17 =	vsub.f32 v16, v5;
	v15 =	vsub.f32 v16, v6;
	v16 =	vld [tilespmem:s31+$0x0]  }
0x27f: {  	v19 =	vimm.f32 $0.0e+00;
	v10 =	vmax.f32 v12, $0.0e+00  }
0x280: {  	v11 =	vmax.f32 v11, $0.0e+00;
	v14 =	vadd.f32 v13, v8;
	v12 =	vsub.f32 v18, v5  }
0x281: {  	s30 =	simm.s32 $0x4;
	p2 =	por $0x1, $0x1;
	s31 =	simm.s32 $0x18050;
	v9 =	vmax.f32 v9, $0.0e+00;
	v13 =	vmax.f32 v17, $0.0e+00;
	v17 =	vimm.f32 $0.0e+00  }
.LBB2_53:
0x282: {  	s30 =	sadd.s32 $0x2, s30  }
0x283: {  	v20 =	vld [tilespmem:s31+$0xFFFFFFF0];
	v21 =	vsub.f32 v18, v6;
	v19 =	vadd.f32 v10, v19;
	v15 =	vmax.f32 v15, $0.0e+00;
	v22 =	vmovc v16;
	p3 =	slt.s32 s30, s26  }
.Ltmp35:
0x284: {  	v17 =	vadd.f32 v11, v17;
	v16 =	vld [tilespmem:s31+$0x0];
	v10 =	vmax.f32 v12, $0.0e+00;
	v12 =	vsub.f32 v18, v7;
	(pc) =	sbr.rel @p3 .LBB2_53-.Ltmp35, $4  }
0x285: {  	v14 =	vadd.f32 v15, v14;
	v18 =	vmax.f32 v21, $0.0e+00;
	v21 =	vsub.f32 v22, v7  }
0x286: {  	v23 =	vsub.f32 v22, v5;
	v15 =	vsub.f32 v22, v6;
	v11 =	vmax.f32 v12, $0.0e+00  }
0x287: {  	v19 =	vadd.f32 v13, v19;
	v17 =	vadd.f32 v9, v17;
	v9 =	vmax.f32 v21, $0.0e+00  }
0x288: {  	s31 =	sadd.s32 $0x20, s31;
	v14 =	vadd.f32 v18, v14;
	v13 =	vmax.f32 v23, $0.0e+00;
	v12 =	vsub.f32 v20, v5;
	v18 =	vmovc v20  }
0x289: {  	v20 =	vmov v18  }
.LBB2_55:
0x28a: {  	v18 =	vsub.f32 v20, v6  }
0x28b: {  	v10 =	vadd.f32 @p2 v10, v19;
	v57 =	vsub.f32 v20, v7  }
0x28c: {  	v15 =	vmax.f32 @p2 v15, $0.0e+00;
	v11 =	vadd.f32 @p2 v11, v17;
	v59 =	vsub.f32 v16, v7  }
0x28d: {  	v12 =	vmax.f32 v12, $0.0e+00;
	v61 =	vsub.f32 v16, v6;
	v14 =	vadd.f32 @p2 v15, v14  }
0x28e: {  	v58 =	vmax.f32 v18, $0.0e+00;
	v10 =	vadd.f32 @p2 v13, v10;
	v9 =	vadd.f32 @p2 v9, v11  }
.Ltmp36:
0x28f: {  	v60 =	vmax.f32 v57, $0.0e+00;
	v11 =	vsub.f32 v16, v5;
	v14 =	vpsel p2, v14, v8;
	(pc) =	sbr.rel .LBB2_45-.Ltmp36, $4  }
0x290: {  	v14 =	vadd.f32 v58, v14;
	v10 =	vpsel p2, v10, v8;
	v8 =	vpsel p2, v9, v8  }
0x291: {  	v9 =	vadd.f32 v12, v10;
	v10 =	vmax.f32 v61, $0.0e+00;
	v62 =	vadd.f32 v60, v8  }
0x292: {  	v63 =	vmax.f32 v59, $0.0e+00;
	v11 =	vmax.f32 v11, $0.0e+00;
	v8 =	vadd.f32 v10, v14  }
0x293: {  	v9 =	vadd.f32 v11, v9;
	v10 =	vadd.f32 v63, v62  }
.LBB2_50:
.Ltmp37:
0x294: {  	(pc) =	sbr.rel .LBB2_55-.Ltmp37, $2  }
0x295: {  	_ =	sdelay $0x2  }
0x296: {  	v19 =	vimm.f32 $0.0e+00;
	v17 =	vimm.f32 $0.0e+00  }
.LBB2_52:
.Ltmp38:
0x297: {  	(pc) =	sbr.rel .LBB2_55-.Ltmp38, $2  }
0x298: {  	_ =	sdelay $0x2  }
0x299: {  	v20 =	vmov v18;
	v19 =	vimm.f32 $0.0e+00;
	v17 =	vimm.f32 $0.0e+00  }
.LBB2_46:
.Ltmp39:
0x29a: {  	(pc) =	sbr.rel @p1 .LBB2_47-.Ltmp39, $2  }
0x29b: {  	_ =	sdelay $0x2  }
0x29c: {  	v4 =	vimm.f32 $0.0e+00  }
0x29d: {  	p2 =	sgt.s32 s26, $0x2  }
.Ltmp40:
0x29e: {  	_ = 	snop;
	(pc) =	sbr.rel @!p2 .LBB2_57-.Ltmp40, $4  }
0x29f: {  	_ = 	snop  }
0x2a0: {  	s28 =	simm.s32 $0x18010  }
0x2a1: {  	v10 =	vld [tilespmem:s28+$0xFFFFFFF0]  }
0x2a2: {  	p1 =	por $0x0, $0x0;
	v5 =	vld [tilespmem:s28+$0x0]  }
0x2a3: {  	_ = 	snop  }
0x2a4: {  	p2 =	sgt.s32 s26, $0x4  }
.Ltmp41:
0x2a5: {  	_ = 	snop;
	(pc) =	sbr.rel @!p2 .LBB2_59-.Ltmp41, $4  }
0x2a6: {  	vm0 =	vgt.f32 v10, v3  }
0x2a7: {  	s28 =	simm.s32 $0x18030;
	v7 =	vsel vm0, $0x3F800000, v2  }
0x2a8: {  	v6 =	vld [tilespmem:s28+$0xFFFFFFF0];
	v8 =	vnsel vm0, $0x0, v10;
	vm15 =	vgt.f32 v5, v3;
	v7 =	vadd.f32 v7, v4  }
0x2a9: {  	s29 =	simm.s32 $0x4;
	p1 =	por $0x1, $0x1;
	v9 =	vadd.f32 v8, v4;
	v8 =	vld [tilespmem:s28+$0x0];
	v11 =	vsel vm15, $0x3F800000, v2;
	v12 =	vnsel vm15, $0x0, v5  }
.LBB2_60:
0x2aa: {  	s29 =	sadd.s32 $0x2, s29  }
0x2ab: {  	v5 =	vadd.f32 v11, v7;
	v9 =	vadd.f32 v12, v9;
	p2 =	slt.s32 s29, s26  }
.Ltmp42:
0x2ac: {  	(pc) =	sbr.rel @p2 .LBB2_60-.Ltmp42, $4  }
0x2ad: {  	s28 =	sadd.s32 $0x20, s28;
	vm0 =	vgt.f32 v6, v3  }
0x2ae: {  	v7 =	vsel vm0, $0x3F800000, v2;
	v10 =	vnsel vm0, $0x0, v6;
	v6 =	vld [tilespmem:s28+$0xFFFFFFF0]  }
0x2af: {  	v7 =	vadd.f32 v7, v5;
	v9 =	vadd.f32 v10, v9;
	vm0 =	vgt.f32 v8, v3  }
0x2b0: {  	v11 =	vsel vm0, $0x3F800000, v2;
	v12 =	vnsel vm0, $0x0, v8;
	v8 =	vld [tilespmem:s28+$0x0]  }
0x2b1: {  	_ =	sdelay $0x3  }
0x2b2: {  	v10 =	vmov v6;
	v5 =	vmov v8  }
.LBB2_62:
0x2b3: {  	v6 =	vadd.f32 @p1 v11, v7;
	v7 =	vadd.f32 @p1 v12, v9;
	vm0 =	vgt.f32 v10, v3  }
.Ltmp43:
0x2b4: {  	v8 =	vsel vm0, $0x3F800000, v2;
	(pc) =	sbr.rel .LBB2_48-.Ltmp43, $4  }
0x2b5: {  	v63 =	vnsel vm0, $0x0, v10;
	v6 =	vpsel p1, v6, v4;
	v4 =	vpsel p1, v7, v4  }
0x2b6: {  	vm15 =	vgt.f32 v5, v3;
	v6 =	vadd.f32 v8, v6;
	v7 =	vadd.f32 v63, v4  }
0x2b7: {  	v5 =	vnsel vm15, $0x0, v5;
	v4 =	vsel vm15, $0x3F800000, v2  }
0x2b8: {  	v4 =	vadd.f32 v4, v6;
	v5 =	vadd.f32 v5, v7  }
.LBB2_47:
0x2b9: {  	v5 =	vimm.f32 $0.0e+00  }
.LBB2_48:
0x2ba: {  	v6 =	vld @!p0 [tilespmem:s30+$0x18000];
	_ =	sdelay $0x4  }
0x2bb: {  	vm0 =	vgt.f32 @!p0 v6, v3;
	v3 =	vimm.f32 @!p0 $0.0e+00  }
0x2bc: {  	v6 =	vnsel @!p0 vm0, $0x0, v6;
	v3 =	vsel @!p0 vm0, $0x3F800000, v3  }
0x2bd: {  	v6 =	vadd.f32 @!p0 v6, v5;
	v3 =	vadd.f32 @!p0 v3, v4;
	_ =	sdelay $0x1  }
0x2be: {  	v3 =	vpsel p0, v4, v3;
	v4 =	vpsel p0, v5, v6  }
.LBB2_69:
0x2bf: {  	_ = 	snop  }
0x2c0: {  	(xrf2) =	vadd.scan.msk.f32 $0xffff, v3;
	_ =	sdelay $0x9  }
0x2c1: {  	v3, _, _ =	vpop (xrf2)  }
0x2c2: {  	(xrf2) =	vadd.scan.msk.f32 $0xffff, v4;
	v3 =	vbroadcast v3, $0xF;
	_ =	sdelay $0x1  }
0x2c3: {  	(erf) = vrcp.f32 v3;
	_ =	sdelay $0x7  }
0x2c4: {  	v3, _, _ =	vpop (xrf2)  }
0x2c5: {  	v4 =	vpop (erf)  }
0x2c6: {  	_ =	strace $0x90000050  }
0x2c7: {  	_ =	strace $0x80000051  }
0x2c8: {  	_ =	swait.ge [sflag:s24], $0x4000  }
0x2c9: {  	[sflag:s24] =	ssyncset.done $0x0  }
0x2ca: {  	[sflag:s24] =	ssyncadd.s32 $0xFFFFC000  }
0x2cb: {  	_ =	swait.ge [sflag:s24], $0x4000  }
0x2cc: {  	[sflag:s24] =	ssyncset.done $0x0  }
0x2cd: {  	[sflag:s24] =	ssyncadd.s32 $0xFFFFC000  }
0x2ce: {  	_ =	strace $0x90000051  }
0x2cf: {  	s0 =	simm.s32 $0x8040;
	v3 =	vadd.f32 $-1.000000000e+00, v3;
	_ =	strace $0x80000052  }
0x2d0: {  	v5 =	vld [tilespmem:s0+$0x30]  }
0x2d1: {  	v3 =	vbroadcast v3, $0xF;
	v7 =	vld [tilespmem:s0+$0xFFFFFFD0]  }
0x2d2: {  	v9 =	vld [tilespmem:s0+$0xFFFFFFE0]  }
0x2d3: {  	v3 =	vmul.f32 v3, v4;
	v8 =	vld [tilespmem:s0+$0xFFFFFFF0]  }
0x2d4: {  	v6 =	vld [tilespmem:s0+$0x0]  }
0x2d5: {  	v4 =	vld [tilespmem:s0+$0x10];
	v11 =	vsub.f32 v5, v3  }
0x2d6: {  	v5 =	vld [tilespmem:s0+$0x20];
	v10 =	vsub.f32 v7, v3  }
0x2d7: {  	s26 =	simm.s32 $0x10040;
	s28 =	simm.s32 $0x0;
	s29 =	simm.s32 $0x80C0;
	v7 =	vld [tilespmem:s0+$0xFFFFFFC0];
	v9 =	vsub.f32 v9, v3;
	v11 =	vmax.f32 v11, $0.0e+00  }
.LBB2_70:
0x2d8: {  	v12 =	vld [tilespmem:s29+$0x30];
	s28 =	sadd.s32 $0x8, s28;
	v10 =	vmax.f32 v10, $0.0e+00;
	v8 =	vsub.f32 v8, v3;
	[tilespmem:s26+$0x30] =	vst v11  }
0x2d9: {  	v11 =	vld [tilespmem:s29+$0xFFFFFFD0];
	p0 =	slt.u32 s28, $0x3F8;
	[tilespmem:s26+$0xFFFFFFD0] =	vst v10;
	v9 =	vmax.f32 v9, $0.0e+00;
	v6 =	vsub.f32 v6, v3  }
0x2da: {  	v13 =	vld [tilespmem:s29+$0xFFFFFFE0];
	[tilespmem:s26+$0xFFFFFFE0] =	vst v9;
	v9 =	vmax.f32 v8, $0.0e+00;
	v4 =	vsub.f32 v4, v3  }
.Ltmp44:
0x2db: {  	v8 =	vld [tilespmem:s29+$0xFFFFFFF0];
	[tilespmem:s26+$0xFFFFFFF0] =	vst v9;
	v9 =	vmax.f32 v6, $0.0e+00;
	v5 =	vsub.f32 v5, v3;
	(pc) =	sbr.rel @p0 .LBB2_70-.Ltmp44, $4  }
0x2dc: {  	v6 =	vld [tilespmem:s29+$0x0];
	v7 =	vsub.f32 v7, v3;
	[tilespmem:s26+$0x0] =	vst v9;
	v9 =	vmax.f32 v4, $0.0e+00  }
0x2dd: {  	v4 =	vld [tilespmem:s29+$0x10];
	v12 =	vsub.f32 v12, v3;
	[tilespmem:s26+$0x10] =	vst v9;
	v9 =	vmax.f32 v5, $0.0e+00  }
0x2de: {  	v10 =	vsub.f32 v11, v3;
	v5 =	vld [tilespmem:s29+$0x20];
	v14 =	vmax.f32 v7, $0.0e+00;
	[tilespmem:s26+$0x20] =	vst v9  }
0x2df: {  	v7 =	vld [tilespmem:s29+$0xFFFFFFC0];
	v9 =	vsub.f32 v13, v3;
	v11 =	vmax.f32 v12, $0.0e+00;
	s29 =	sadd.s32 $0x80, s29;
	[tilespmem:s26+$0xFFFFFFC0] =	vst v14;
	s26 =	sadd.s32 $0x80, s26  }
0x2e0: {  	v10 =	vmax.f32 v10, $0.0e+00;
	v8 =	vsub.f32 v8, v3;
	[tilespmem:s26+$0x30] =	vst v11  }
0x2e1: {  	[tilespmem:s26+$0xFFFFFFD0] =	vst v10;
	v9 =	vmax.f32 v9, $0.0e+00;
	v6 =	vsub.f32 v6, v3  }
0x2e2: {  	[tilespmem:s26+$0xFFFFFFE0] =	vst v9;
	v8 =	vmax.f32 v8, $0.0e+00;
	v4 =	vsub.f32 v4, v3  }
0x2e3: {  	[tilespmem:s26+$0xFFFFFFF0] =	vst v8;
	v6 =	vmax.f32 v6, $0.0e+00;
	v5 =	vsub.f32 v5, v3  }
0x2e4: {  	v7 =	vsub.f32 v7, v3;
	[tilespmem:s26+$0x0] =	vst v6;
	v4 =	vmax.f32 v4, $0.0e+00  }
0x2e5: {  	[tilespmem:s26+$0x10] =	vst v4;
	v4 =	vmax.f32 v5, $0.0e+00  }
0x2e6: {  	v5 =	vmax.f32 v7, $0.0e+00;
	[tilespmem:s26+$0x20] =	vst v4  }
0x2e7: {  	s28 =	simm.s32 $0x0;
	[tilespmem:s26+$0xFFFFFFC0] =	vst v5  }
0x2e8: {  	[hbm4b:s8+s16] =	stream.strided.scatter [tilespmem:s21], [sflag:$0x3], $0x4000, s17, s16, $0x200038;
	[tilespmem:$0x1C000] =	vst v63  }
0x2e9: {  	v4 =	vld [tilespmem:s28+$0xC070]  }
0x2ea: {  	v5 =	vld [tilespmem:s28+$0xC000]  }
0x2eb: {  	v6 =	vld [tilespmem:s28+$0xC010]  }
0x2ec: {  	v7 =	vld [tilespmem:s28+$0xC020]  }
0x2ed: {  	v8 =	vld [tilespmem:s28+$0xC030]  }
0x2ee: {  	v9 =	vld [tilespmem:s28+$0xC040];
	v4 =	vsub.f32 v4, v3  }
0x2ef: {  	v10 =	vld [tilespmem:s28+$0xC050];
	v5 =	vsub.f32 v5, v3  }
0x2f0: {  	s26 =	simm.s32 $0x80;
	v11 =	vld [tilespmem:s28+$0xC060];
	v6 =	vsub.f32 v6, v3;
	v4 =	vmax.f32 v4, $0.0e+00  }
0x2f1: {  	v12 =	vld [tilespmem:s26+$0xC070];
	v7 =	vsub.f32 v7, v3;
	v5 =	vmax.f32 v5, $0.0e+00;
	[tilespmem:s28+$0x14070] =	vst v4  }
0x2f2: {  	v13 =	vld [tilespmem:s26+$0xC000];
	[tilespmem:s28+$0x14000] =	vst v5;
	v4 =	vmax.f32 v6, $0.0e+00;
	v6 =	vsub.f32 v8, v3  }
0x2f3: {  	v8 =	vld [tilespmem:s26+$0xC010];
	[tilespmem:s28+$0x14010] =	vst v4;
	v4 =	vmax.f32 v7, $0.0e+00;
	v7 =	vsub.f32 v9, v3  }
0x2f4: {  	v5 =	vld [tilespmem:s26+$0xC020];
	v9 =	vsub.f32 v10, v3;
	[tilespmem:s28+$0x14020] =	vst v4;
	v6 =	vmax.f32 v6, $0.0e+00  }
0x2f5: {  	v11 =	vsub.f32 v11, v3;
	v4 =	vld [tilespmem:s26+$0xC030];
	[tilespmem:s28+$0x14030] =	vst v6;
	v7 =	vmax.f32 v7, $0.0e+00  }
0x2f6: {  	v10 =	vsub.f32 v12, v3;
	v6 =	vld [tilespmem:s26+$0xC040];
	v14 =	vmax.f32 v9, $0.0e+00;
	[tilespmem:s28+$0x14040] =	vst v7  }
0x2f7: {  	s29 =	simm.s32 $0x408;
	s30 =	simm.s32 $0x400;
	v11 =	vmax.f32 v11, $0.0e+00;
	v9 =	vsub.f32 v13, v3;
	v7 =	vld [tilespmem:s26+$0xC050];
	[tilespmem:s28+$0x14050] =	vst v14  }
.LBB2_72:
0x2f8: {  	s29 =	sadd.s32 $0x8, s29;
	v8 =	vsub.f32 v8, v3;
	v12 =	vld [tilespmem:s26+$0xC060];
	v10 =	vmax.f32 v10, $0.0e+00;
	[tilespmem:s28+$0x14060] =	vst v11;
	s28 =	smov.u32 s26;
	s26 =	sshra.s32 s30, $0x2  }
0x2f9: {  	v11 =	vld [tilespmem:s26+$0xC070];
	p0 =	slt.u32 s29, $0x7F8;
	v9 =	vmax.f32 v9, $0.0e+00;
	v5 =	vsub.f32 v5, v3;
	[tilespmem:s28+$0x14070] =	vst v10  }
0x2fa: {  	v13 =	vld [tilespmem:s26+$0xC000];
	[tilespmem:s28+$0x14000] =	vst v9;
	v9 =	vmax.f32 v8, $0.0e+00;
	v4 =	vsub.f32 v4, v3  }
.Ltmp45:
0x2fb: {  	v8 =	vld [tilespmem:s26+$0xC010];
	[tilespmem:s28+$0x14010] =	vst v9;
	v9 =	vmax.f32 v5, $0.0e+00;
	v6 =	vsub.f32 v6, v3;
	(pc) =	sbr.rel @p0 .LBB2_72-.Ltmp45, $4  }
0x2fc: {  	v5 =	vld [tilespmem:s26+$0xC020];
	[tilespmem:s28+$0x14020] =	vst v9;
	v9 =	vmax.f32 v4, $0.0e+00;
	v7 =	vsub.f32 v7, v3  }
0x2fd: {  	v4 =	vld [tilespmem:s26+$0xC030];
	[tilespmem:s28+$0x14030] =	vst v9;
	v9 =	vmax.f32 v6, $0.0e+00;
	v12 =	vsub.f32 v12, v3  }
0x2fe: {  	v6 =	vld [tilespmem:s26+$0xC040];
	v10 =	vsub.f32 v11, v3;
	[tilespmem:s28+$0x14040] =	vst v9;
	v11 =	vmax.f32 v7, $0.0e+00  }
0x2ff: {  	s30 =	sadd.s32 $0x200, s30;
	v9 =	vsub.f32 v13, v3;
	v7 =	vld [tilespmem:s26+$0xC050];
	[tilespmem:s28+$0x14050] =	vst v11;
	v11 =	vmax.f32 v12, $0.0e+00  }
0x300: {  	v8 =	vsub.f32 v8, v3;
	v12 =	vld [tilespmem:s26+$0xC060];
	v10 =	vmax.f32 v10, $0.0e+00;
	[tilespmem:s28+$0x14060] =	vst v11  }
0x301: {  	v9 =	vmax.f32 v9, $0.0e+00;
	v5 =	vsub.f32 v5, v3;
	[tilespmem:s26+$0x14070] =	vst v10  }
0x302: {  	[tilespmem:s26+$0x14000] =	vst v9;
	v8 =	vmax.f32 v8, $0.0e+00;
	v4 =	vsub.f32 v4, v3  }
0x303: {  	[tilespmem:s26+$0x14010] =	vst v8;
	v5 =	vmax.f32 v5, $0.0e+00;
	v6 =	vsub.f32 v6, v3  }
0x304: {  	[tilespmem:s26+$0x14020] =	vst v5;
	v4 =	vmax.f32 v4, $0.0e+00;
	v5 =	vsub.f32 v7, v3  }
0x305: {  	[tilespmem:s26+$0x14030] =	vst v4;
	v4 =	vmax.f32 v6, $0.0e+00;
	v3 =	vsub.f32 v12, v3  }
0x306: {  	[tilespmem:s26+$0x14040] =	vst v4;
	v4 =	vmax.f32 v5, $0.0e+00  }
0x307: {  	[tilespmem:s26+$0x14050] =	vst v4;
	v3 =	vmax.f32 v3, $0.0e+00  }
0x308: {  	[tilespmem:s26+$0x14060] =	vst v3  }
0x309: {  	[hbm4b:s9+s16] =	stream.strided.scatter [tilespmem:s22], [sflag:$0x3], $0x4000, s17, s16, $0x200038;
	[tilespmem:$0x1C000] =	vst v63  }
0x30a: {  	_ =	strace $0x90000052  }
0x30b: {  	_ =	strace $0x80000053  }
0x30c: {  	_ =	swait.ge [sflag:s18], $0x8000  }
0x30d: {  	[sflag:s18] =	ssyncset.done $0x0  }
0x30e: {  	[sflag:s18] =	ssyncadd.s32 $0xFFFF8000  }
0x30f: {  	_ =	strace $0x90000053  }
0x310: {  	[tilespmem:s19], [sflag:$0x2] =	stream.strided.gather [hbm4b:s10+s16], $0x8000, s17, s16, $0x38;
	[tilespmem:$0x1C000] =	vst v63  }
0x311: {  	s0 =	simm.s32 $0x200;
	_ =	strace $0x80000054  }
0x312: {  	v3 =	vld [tilespmem:s0+$0x100]  }
0x313: {  	v6 =	vld [tilespmem:s0+$0x0]  }
0x314: {  	v4 =	vld [tilespmem:s0+$0xFFFFFF00]  }
0x315: {  	v5 =	vld [tilespmem:s0+$0xFFFFFE00]  }
0x316: {  	v8 =	vld [tilespmem:s0+$0xFFFFFE80]  }
0x317: {  	v10 =	vld [tilespmem:s0+$0xFFFFFF80]  }
0x318: {  	v9 =	vld [tilespmem:s0+$0x80]  }
0x319: {  	v11 =	vimm.f32 $-Inf;
	s28 =	simm.s32 $0x600;
	s26 =	simm.s32 $0x0;
	v7 =	vld [tilespmem:s0+$0x180]  }
.LBB2_74:
0x31a: {  	v12 =	vld [tilespmem:s28+$0x100]  }
0x31b: {  	s26 =	sadd.s32 $0x4, s26;
	v13 =	vld [tilespmem:s28+$0x0];
	v5 =	vmax.f32 v5, v8  }
0x31c: {  	p0 =	slt.u32 s26, $0x7C;
	v8 =	vmax.f32 v11, v5;
	v10 =	vmax.f32 v4, v10;
	v4 =	vld [tilespmem:s28+$0xFFFFFF00]  }
.Ltmp46:
0x31d: {  	v5 =	vld [tilespmem:s28+$0xFFFFFE00];
	v10 =	vmax.f32 v8, v10;
	v6 =	vmax.f32 v6, v9;
	(pc) =	sbr.rel @p0 .LBB2_74-.Ltmp46, $4  }
0x31e: {  	v8 =	vld [tilespmem:s28+$0xFFFFFE80];
	v14 =	vmax.f32 v10, v6;
	v7 =	vmax.f32 v3, v7  }
0x31f: {  	v10 =	vld [tilespmem:s28+$0xFFFFFF80];
	v11 =	vmax.f32 v14, v7;
	v3 =	vmov v12  }
0x320: {  	v9 =	vld [tilespmem:s28+$0x80];
	v6 =	vmov v13  }
0x321: {  	v7 =	vld [tilespmem:s28+$0x180];
	s28 =	sadd.s32 $0x400, s28  }
0x322: {  	_ = 	snop  }
0x323: {  	v5 =	vmax.f32 v5, v8  }
0x324: {  	v5 =	vmax.f32 v11, v5;
	v4 =	vmax.f32 v4, v10  }
0x325: {  	v4 =	vmax.f32 v5, v4;
	v5 =	vmax.f32 v6, v9  }
0x326: {  	v4 =	vmax.f32 v4, v5;
	v3 =	vmax.f32 v3, v7  }
0x327: {  	v3 =	vmax.f32 v4, v3  }
0x328: {  	(xrf0) =	vmax.scan.msk.f32 $0xffff, v3;
	_ =	sdelay $0x5  }
0x329: {  	v3, _, _ =	vpop (xrf0)  }
0x32a: {  	(v2sf) =	vpush v3, $0xF;
	_ =	sdelay $0xe  }
0x32b: {  	s0 =	spop (v2sf)  }
0x32c: {  	_ =	strace $0x90000054  }
0x32d: {  	s1 =	simm.s32 $0x40;
	_ =	strace $0x80000055  }
0x32e: {  	v15 =	vld [tilespmem:s1+$0xFFFFFFD0];
	_ =	sdelay $0x1  }
0x32f: {  	s0 =	sadd.f32 $-1.000000000e+00, s0  }
0x330: {  	v18 =	vld [tilespmem:s1+$0xFFFFFFF0]  }
0x331: {  	v5 =	vld [tilespmem:s1+$0xFFFFFFC0];
	v10 =	vmov s0  }
0x332: {  	v4 =	vld [tilespmem:s1+$0x0];
	vm6 =	vgt.f32 v15, v10  }
0x333: {  	v6 =	vld [tilespmem:s1+$0xFFFFFFE0];
	(xrf0) =	vadd.scan.msk.s32 vm6, v0  }
0x334: {  	v3 =	vld [tilespmem:s1+$0x10]  }
0x335: {  	v7 =	vld [tilespmem:s1+$0x20]  }
0x336: {  	v8 =	vld [tilespmem:s1+$0x30];
	vm7 =	vgt.f32 v18, v10;
	vm0 =	vgt.f32 v5, v10  }
0x337: {  	v14 =	vimm.s32 $0xFFFFFFFF;
	v13 =	vmpcnt.ones.xlane vm0;
	(xrf0) =	vadd.scan.msk.s32 vm7, v0  }
0x338: {  	v9 =	vimm.f32 $-Inf;
	vm2 =	vgt.f32 v4, v10;
	v11 =	vmpcnt.ones.xlane vm6  }
0x339: {  	vm1 =	vgt.f32 v6, v10;
	v9 =	vmax.f32 v9, v5;
	v13 =	vadd.s32 v14, v13;
	v20, _, _ =	vpop (xrf0)  }
0x33a: {  	vm4 =	vgt.f32 v3, v10;
	(xrf0) =	vadd.scan.msk.s32 vm2, v0;
	v21 =	vadd.s32 v13, v11;
	v11 =	vadd.s32 v13, v20  }
0x33b: {  	vm3 =	vgt.f32 v7, v10;
	vm5 =	vgt.f32 v8, v10;
	v19 =	vmpcnt.ones.xlane vm1  }
0x33c: {  	v12 =	vmpcnt.ones.xlane vm2;
	v16 =	vmpcnt.ones.xlane vm7;
	v9 =	vmax.f32 v9, v15;
	(xrf0) =	vadd.scan.msk.s32 vm1, v0  }
0x33d: {  	v9 =	vmax.f32 v9, v6;
	(xrf0) =	vadd.scan.msk.s32 vm4, v0;
	v13 =	vadd.s32 v21, v19;
	v19 =	vmin.u32 v11, $0x3FF7;
	v11, _, _ =	vpop (xrf0)  }
0x33e: {  	(xrf0) =	vadd.scan.msk.s32 vm0, v0;
	v16 =	vadd.s32 v13, v16;
	v11 =	vadd.s32 v13, v11;
	v13 =	vmpcnt.ones.xlane vm3  }
0x33f: {  	v17 =	vmpcnt.ones.xlane vm4;
	v9 =	vmax.f32 v9, v18;
	(xrf0) =	vadd.scan.msk.s32 vm5, v0  }
0x340: {  	v20 =	vmax.f32 v9, v4;
	v12 =	vadd.s32 v16, v12;
	vm5 =	vmmov vm5;
	(xrf0) =	vadd.scan.msk.s32 vm3, v0;
	v22, _, _ =	vpop (xrf0)  }
0x341: {  	s26 =	simm.s32 $0xC0;
	v17 =	vadd.s32 v12, v17;
	v26 =	vmpcnt.ones.xlane vm5;
	v16 =	vadd.s32 v16, v22  }
0x342: {  	v9 =	vld [tilespmem:s26+$0x0];
	v23 =	vmin.u32 v11, $0x3FF7;
	v11 =	vmax.f32 v20, v3;
	v25 =	vadd.s32 v17, v13;
	v13, _, _ =	vpop (xrf0)  }
0x343: {  	v24 =	vmax.f32 v11, v7;
	v11 =	vld [tilespmem:s26+$0xFFFFFFD0];
	v22, _, _ =	vpop (xrf0)  }
0x344: {  	vm4 =	vmmov vm4;
	v20 =	vmin.u32 v16, $0x3FF7;
	v21 =	vadd.s32 v21, v13;
	v13 =	vld [tilespmem:s26+$0x10];
	v16, _, _ =	vpop (xrf0)  }
0x345: {  	v24 =	vmax.f32 v24, v8;
	v27 =	vadd.s32 v12, v22;
	v12 =	vld [tilespmem:s26+$0xFFFFFFF0];
	v22 =	vmin.u32 v21, $0x3FF7;
	v29, _, _ =	vpop (xrf0)  }
0x346: {  	[tilespmem:v19+s20+$0x0] =	vst.idx.msk vm6, v15;
	v28 =	vadd.s32 v14, v16;
	v14 =	vadd.s32 v25, v26;
	v16 =	vld [tilespmem:s26+$0xFFFFFFE0];
	v15 =	vmin.u32 v27, $0x3FF7;
	v26, _, _ =	vpop (xrf0)  }
0x347: {  	v25 =	vadd.s32 v25, v29;
	v21 =	vmin.u32 v28, $0x3FF7;
	v26 =	vadd.s32 v17, v26;
	v17 =	vld [tilespmem:s26+$0xFFFFFFC0]  }
0x348: {  	s28 =	simm.s32 $0x8;
	s29 =	simm.s32 $0x140;
	[tilespmem:v23+s20+$0x0] =	vst.idx.msk vm7, v18;
	v18 =	vld [tilespmem:s26+$0x20];
	vm6 =	vgt.f32 v11, v10;
	v19 =	vmin.u32 v25, $0x3FF7;
	v23 =	vmin.u32 v26, $0x3FF7  }
.LBB2_76:
0x349: {  	s28 =	sadd.s32 $0x8, s28;
	(xrf0) =	vadd.scan.msk.s32 vm6, v0;
	[tilespmem:v20+s20+$0x0] =	vst.idx.msk vm2, v4;
	v4 =	vmov v9;
	v9 =	vld [tilespmem:s29+$0x0]  }
0x34a: {  	v20 =	vmpcnt.ones.xlane vm6;
	p0 =	slt.u32 s28, $0x7F8;
	vm7 =	vgt.f32 v12, v10;
	vm2 =	vgt.f32 v4, v10;
	v25 =	vld [tilespmem:s26+$0x30];
	[tilespmem:v22+s20+$0x0] =	vst.idx.msk vm1, v6;
	s26 =	smov.u32 s29  }
0x34b: {  	vm8 =	vgt.f32 v13, v10;
	vm1 =	vgt.f32 v16, v10;
	v22 =	vmpcnt.ones.xlane vm2;
	(xrf0) =	vadd.scan.msk.s32 vm7, v0;
	v6 =	vmovc v16  }
0x34c: {  	v16 =	vmax.f32 v24, v17;
	v24 =	vmpcnt.ones.xlane vm7;
	[tilespmem:v21+s20+$0x0] =	vst.idx.msk vm0, v5;
	vm0 =	vgt.f32 v17, v10  }
0x34d: {  	v26 =	vmpcnt.ones.xlane vm8;
	v5 =	vmovc v17;
	v27 =	vmpcnt.ones.xlane vm0;
	v16 =	vmax.f32 v16, v11;
	[tilespmem:v23+s20+$0x0] =	vst.idx.msk vm3, v7  }
0x34e: {  	v23 =	vmpcnt.ones.xlane vm1;
	vm3 =	vgt.f32 v18, v10;
	v7 =	vmovc v18;
	v16 =	vmax.f32 v16, v6;
	(xrf0) =	vadd.scan.msk.s32 vm2, v0  }
0x34f: {  	v18 =	vadd.s32 v14, v27;
	v16 =	vmax.f32 v16, v12;
	vm9 =	vgt.f32 v25, v10;
	v21, _, _ =	vpop (xrf0);
	(xrf0) =	vadd.scan.msk.s32 vm1, v0  }
0x350: {  	v21 =	vadd.s32 v18, v21;
	v18 =	vadd.s32 v18, v20;
	(xrf0) =	vadd.scan.msk.s32 vm8, v0;
	[tilespmem:v19+s20+$0x0] =	vst.idx.msk vm5, v8  }
0x351: {  	v16 =	vmax.f32 v16, v4;
	v19 =	vmin.u32 v21, $0x3FF7;
	v23 =	vadd.s32 v18, v23;
	(xrf0) =	vadd.scan.msk.s32 vm0, v0;
	v17, _, _ =	vpop (xrf0)  }
0x352: {  	v8 =	vmovc v25;
	v21 =	vmpcnt.ones.xlane vm3;
	v17 =	vadd.s32 v23, v17;
	v20 =	vadd.s32 v23, v24;
	(xrf0) =	vadd.scan.msk.s32 vm9, v0  }
0x353: {  	v17 =	vmin.u32 v17, $0x3FF7;
	v22 =	vadd.s32 v20, v22;
	(xrf0) =	vadd.scan.msk.s32 vm3, v0;
	[tilespmem:v15+s20+$0x0] =	vst.idx.msk vm4, v3;
	v3 =	vmovc v13  }
0x354: {  	vm4 =	vmmov vm8;
	v23 =	vadd.s32 v22, v26;
	v24 =	vmax.f32 v16, v3;
	v15, _, _ =	vpop (xrf0)  }
0x355: {  	vm5 =	vmmov vm9;
	v25 =	vadd.s32 v23, v21;
	v26 =	vmax.f32 v24, v7;
	v13, _, _ =	vpop (xrf0)  }
0x356: {  	v27 =	vmpcnt.ones.xlane vm5;
	v15 =	vadd.s32 v20, v15;
	[tilespmem:v19+s20+$0x0] =	vst.idx.msk vm6, v11;
	v11 =	vld [tilespmem:s29+$0xFFFFFFD0];
	v18 =	vadd.s32 v18, v13;
	v21, _, _ =	vpop (xrf0)  }
.Ltmp47:
0x357: {  	v20 =	vmin.u32 v15, $0x3FF7;
	v24 =	vmax.f32 v26, v8;
	v13 =	vld [tilespmem:s29+$0x10];
	v15 =	vadd.s32 v22, v21;
	v16, _, _ =	vpop (xrf0);
	(pc) =	sbr.rel @p0 .LBB2_76-.Ltmp47, $4  }
0x358: {  	v22 =	vmin.u32 v18, $0x3FF7;
	v21 =	vadd.s32 v14, v16;
	[tilespmem:v17+s20+$0x0] =	vst.idx.msk vm7, v12;
	v12 =	vld [tilespmem:s29+$0xFFFFFFF0];
	v14 =	vadd.s32 v25, v27;
	v17, _, _ =	vpop (xrf0)  }
0x359: {  	v15 =	vmin.u32 v15, $0x3FF7;
	v16 =	vld [tilespmem:s29+$0xFFFFFFE0];
	v21 =	vmin.u32 v21, $0x3FF7;
	v18 =	vadd.s32 v25, v17;
	v19, _, _ =	vpop (xrf0)  }
0x35a: {  	v17 =	vld [tilespmem:s29+$0xFFFFFFC0];
	v23 =	vadd.s32 v23, v19;
	v19 =	vmin.u32 v18, $0x3FF7  }
0x35b: {  	s29 =	sadd.s32 $0x80, s29;
	vm6 =	vgt.f32 v11, v10;
	v18 =	vld [tilespmem:s26+$0x20];
	v23 =	vmin.u32 v23, $0x3FF7  }
0x35c: {  	_ = 	snop  }
0x35d: {  	v26 =	vmpcnt.ones.xlane vm6  }
0x35e: {  	vm8 =	vgt.f32 v9, v10;
	vm11 =	vgt.f32 v13, v10;
	vm7 =	vgt.f32 v12, v10  }
0x35f: {  	(xrf0) =	vadd.scan.msk.s32 vm6, v0;
	v25 =	vld [tilespmem:s26+$0x30];
	v30 =	vmpcnt.ones.xlane vm8;
	v24 =	vmax.f32 v24, v17;
	vm10 =	vgt.f32 v17, v10  }
0x360: {  	v32 =	vmpcnt.ones.xlane vm11;
	(xrf0) =	vadd.scan.msk.s32 vm7, v0;
	v24 =	vmax.f32 v24, v11;
	v27 =	vmpcnt.ones.xlane vm10  }
0x361: {  	vm9 =	vgt.f32 v16, v10;
	v28 =	vmpcnt.ones.xlane vm7;
	(xrf0) =	vadd.scan.msk.s32 vm8, v0;
	v24 =	vmax.f32 v24, v16  }
0x362: {  	v29 =	vmpcnt.ones.xlane vm9;
	(xrf0) =	vadd.scan.msk.s32 vm9, v0;
	v24 =	vmax.f32 v24, v12;
	v27 =	vadd.s32 v14, v27  }
0x363: {  	vm12 =	vgt.f32 v18, v10;
	(xrf0) =	vadd.scan.msk.s32 vm11, v0;
	v24 =	vmax.f32 v24, v9;
	v26 =	vadd.s32 v27, v26  }
0x364: {  	vm13 =	vgt.f32 v25, v10;
	(xrf0) =	vadd.scan.msk.s32 vm10, v0;
	v24 =	vmax.f32 v24, v13;
	v29 =	vadd.s32 v26, v29  }
0x365: {  	v59 =	vmpcnt.ones.xlane vm12;
	v58, _, _ =	vpop (xrf0);
	(xrf0) =	vadd.scan.msk.s32 vm13, v0;
	v24 =	vmax.f32 v24, v18;
	v28 =	vadd.s32 v29, v28  }
0x366: {  	vm13 =	vmmov vm13;
	v31, _, _ =	vpop (xrf0);
	(xrf0) =	vadd.scan.msk.s32 vm12, v0;
	v24 =	vmax.f32 v24, v25;
	v30 =	vadd.s32 v28, v30  }
0x367: {  	v35 =	vmpcnt.ones.xlane vm13;
	v33, _, _ =	vpop (xrf0);
	(xrf0) =	vmax.scan.msk.f32 $0xffff, v24;
	v32 =	vadd.s32 v30, v32  }
0x368: {  	v34, _, _ =	vpop (xrf0);
	v24 =	vadd.s32 v32, v59  }
0x369: {  	v36, _, _ =	vpop (xrf0);
	v35 =	vadd.s32 v24, v35  }
0x36a: {  	v37, _, _ =	vpop (xrf0);
	(v2sf) =	vpush v35, $0x0  }
0x36b: {  	v38, _, _ =	vpop (xrf0)  }
0x36c: {  	v39, _, _ =	vpop (xrf0)  }
0x36d: {  	v60, _, _ =	vpop (xrf0)  }
0x36e: {  	(v2sf) =	vpush v60, $0xF;
	_ =	sdelay $0x1  }
0x36f: {  	[tilespmem:v20+s20+$0x0] =	vst.idx.msk vm2, v4;
	v4 =	vadd.s32 v27, v58  }
0x370: {  	v4 =	vmin.u32 v4, $0x3FF7  }
0x371: {  	[tilespmem:v22+s20+$0x0] =	vst.idx.msk vm1, v6;
	v6 =	vadd.s32 v29, v31  }
0x372: {  	[tilespmem:v21+s20+$0x0] =	vst.idx.msk vm0, v5;
	v5 =	vadd.s32 v28, v33;
	v6 =	vmin.u32 v6, $0x3FF7  }
0x373: {  	[tilespmem:v23+s20+$0x0] =	vst.idx.msk vm3, v7;
	v7 =	vadd.s32 v26, v34;
	v5 =	vmin.u32 v5, $0x3FF7  }
0x374: {  	[tilespmem:v15+s20+$0x0] =	vst.idx.msk vm4, v3;
	v7 =	vmin.u32 v7, $0x3FF7;
	v61 =	vadd.s32 v14, v37  }
0x375: {  	[tilespmem:v4+s20+$0x0] =	vst.idx.msk vm6, v11;
	v3 =	vmin.u32 v61, $0x3FF7;
	v4 =	vadd.s32 v24, v38  }
0x376: {  	[tilespmem:v19+s20+$0x0] =	vst.idx.msk vm5, v8;
	v63 =	vadd.s32 v30, v36;
	v4 =	vmin.u32 v4, $0x3FF7  }
0x377: {  	v62 =	vadd.s32 v32, v39;
	[tilespmem:v6+s20+$0x0] =	vst.idx.msk vm7, v12;
	v6 =	vmin.u32 v63, $0x3FF7  }
0x378: {  	v8 =	vmin.u32 v62, $0x3FF7;
	[tilespmem:v5+s20+$0x0] =	vst.idx.msk vm8, v9;
	s28 =	spop (v2sf)  }
0x379: {  	[tilespmem:v7+s20+$0x0] =	vst.idx.msk vm9, v16;
	s0 =	sadd.s32 $0x1, s28  }
0x37a: {  	[tilespmem:v3+s20+$0x0] =	vst.idx.msk vm10, v17;
	p1 =	sgt.s32 s0, $0x3FE8  }
.Ltmp48:
0x37b: {  	[tilespmem:v4+s20+$0x0] =	vst.idx.msk vm13, v25;
	(pc) =	sbr.rel @p1 .LBB2_99-.Ltmp48, $4  }
0x37c: {  	[tilespmem:v6+s20+$0x0] =	vst.idx.msk vm11, v13;
	p0 =	slt.s32 s0, $0x3FE8;
	s1 =	spop (v2sf)  }
0x37d: {  	[tilespmem:v8+s20+$0x0] =	vst.idx.msk vm12, v18;
	s0 =	simm.s32 @!p0 $0x3FE8;
	s1 =	sadd.f32 $-1.000000000e+00, s1  }
0x37e: {  	_ =	strace $0x90000055;
	[tilespmem:s0+$0x18000] =	vst v1  }
0x37f: {  	s26 =	simm.s32 $0x0;
	vm15 =	vmmov vm11;
	v4 =	vbroadcast v60, $0xF;
	_ =	strace $0x80000056;
	v3 =	vmov s1  }
0x380: {  	s0 =	sadd.s32 $0x10, s28  }
.Ltmp49:
0x381: {  	s1 =	sshra.s32 s0, $0x4;
	s0 =	sshrl.u32 s0, $0x1F;
	(pc) =	sbr.rel .LBB2_79-.Ltmp49, $4  }
0x382: {  	s0 =	sadd.s32 s0, s1  }
0x383: {  	s26 =	sand.u32 $0xFFFFFFFE, s0  }
0x384: {  	s29 =	simm.s32 $0x0;
	s0 =	sshll.u32 s0, $0x6;
	s1 =	ssub.s32 s1, s26  }
0x385: {  	s28 =	sand.u32 $0xFFFFFF80, s0;
	p1 =	slt.s32 s26, $0x1;
	p0 =	slt.s32 s1, $0x1  }
.LBB2_99:
0x386: {  	_ = 	snop  }
0x387: {  	s0 =	simm.s32 $0x20;
	v6 =	vsub.f32 v4, v3  }
0x388: {  	v8 =	vld [tilespmem:s0+$0xFFFFFFE0]  }
0x389: {  	v12 =	vld [tilespmem:s0+$0x10];
	v5 =	vmul.f32 $7.500000000e-01, v6;
	v7 =	vmul.f32 $2.500000000e-01, v6  }
0x38a: {  	v10 =	vld [tilespmem:s0+$0xFFFFFFF0];
	v9 =	vmul.f32 $5.000000000e-01, v6  }
0x38b: {  	s31 =	simm.s32 $0x60;
	v11 =	vld [tilespmem:s0+$0x0];
	v5 =	vadd.f32 v5, v3;
	v6 =	vadd.f32 v7, v3  }
0x38c: {  	v18 =	vld [tilespmem:s31+$0xFFFFFFE0];
	v7 =	vadd.f32 v9, v3  }
0x38d: {  	v13 =	vsub.f32 v8, v5;
	v14 =	vsub.f32 v8, v6  }
0x38e: {  	v15 =	vsub.f32 v8, v7;
	v19 =	vsub.f32 v12, v5  }
0x38f: {  	v16 =	vimm.f32 $0.0e+00;
	v20 =	vsub.f32 v10, v7;
	v21 =	vsub.f32 v10, v6  }
0x390: {  	v23 =	vsub.f32 v11, v7;
	v9 =	vmax.f32 v13, $0.0e+00;
	v13 =	vsub.f32 v10, v5  }
0x391: {  	v25 =	vsub.f32 v18, v5;
	v17 =	vmax.f32 v14, $0.0e+00;
	v9 =	vadd.f32 v9, v16  }
0x392: {  	v14 =	vsub.f32 v12, v7;
	v8 =	vmax.f32 v13, $0.0e+00;
	v13 =	vsub.f32 v11, v5  }
0x393: {  	v10 =	vsub.f32 v12, v6;
	v12 =	vld [tilespmem:s31+$0xFFFFFFF0];
	v8 =	vadd.f32 v8, v9  }
0x394: {  	v9 =	vmax.f32 v14, $0.0e+00;
	v14 =	vsub.f32 v11, v6;
	v11 =	vld [tilespmem:s31+$0x0];
	v13 =	vmax.f32 v13, $0.0e+00  }
0x395: {  	v19 =	vmax.f32 v19, $0.0e+00;
	v22 =	vadd.f32 v17, v16;
	v13 =	vadd.f32 v13, v8;
	v8 =	vld [tilespmem:s31+$0x10]  }
0x396: {  	v24 =	vmax.f32 v15, $0.0e+00;
	v21 =	vmax.f32 v21, $0.0e+00;
	v15 =	vsub.f32 v18, v7  }
0x397: {  	v17 =	vmax.f32 v20, $0.0e+00;
	v22 =	vadd.f32 v21, v22;
	v21 =	vadd.f32 v24, v16  }
0x398: {  	v20 =	vmax.f32 v23, $0.0e+00;
	v19 =	vadd.f32 v19, v13;
	v13 =	vsub.f32 v18, v6  }
0x399: {  	v18 =	vmax.f32 v25, $0.0e+00;
	v25 =	vsub.f32 v12, v5;
	v24 =	vsub.f32 v11, v5  }
0x39a: {  	v14 =	vmax.f32 v14, $0.0e+00;
	v16 =	vadd.f32 v18, v19;
	v26 =	vsub.f32 v8, v7  }
0x39b: {  	v13 =	vmax.f32 v13, $0.0e+00;
	v23 =	vmax.f32 v25, $0.0e+00;
	v18 =	vsub.f32 v12, v7  }
0x39c: {  	s28 =	simm.s32 $0x4;
	s29 =	simm.s32 $0xA0;
	v19 =	vsub.f32 v8, v5;
	v23 =	vadd.f32 v23, v16;
	v16 =	vmax.f32 v26, $0.0e+00  }
.LBB2_100:
0x39d: {  	v25 =	vld [tilespmem:s29+$0xFFFFFFE0];
	s28 =	sadd.s32 $0x4, s28;
	v26 =	vsub.f32 v11, v6;
	v24 =	vmax.f32 v24, $0.0e+00;
	v22 =	vadd.f32 v14, v22  }
0x39e: {  	v28 =	vsub.f32 v12, v6;
	v27 =	vld [tilespmem:s29+$0x0];
	p0 =	slt.u32 s28, $0x7FC;
	v23 =	vadd.f32 v24, v23;
	v24 =	vmax.f32 v10, $0.0e+00  }
0x39f: {  	v19 =	vmax.f32 v19, $0.0e+00;
	v17 =	vadd.f32 v17, v21;
	v10 =	vsub.f32 v8, v6;
	v8 =	vld [tilespmem:s29+$0x10]  }
0x3a0: {  	v14 =	vmax.f32 v26, $0.0e+00;
	v21 =	vadd.f32 v24, v22;
	v12 =	vld [tilespmem:s29+$0xFFFFFFF0];
	v19 =	vadd.f32 v19, v23  }
0x3a1: {  	v24 =	vsub.f32 v11, v7;
	v22 =	vadd.f32 v20, v17;
	v23 =	vmax.f32 v15, $0.0e+00  }
0x3a2: {  	v20 =	vadd.f32 v13, v21;
	v21 =	vmax.f32 v28, $0.0e+00;
	v15 =	vsub.f32 v25, v6  }
0x3a3: {  	v17 =	vmax.f32 v18, $0.0e+00;
	v18 =	vadd.f32 v9, v22;
	v9 =	vmovc v16;
	v26 =	vsub.f32 v25, v5;
	v11 =	vmovc v27  }
.Ltmp50:
0x3a4: {  	v22 =	vadd.f32 v21, v20;
	v13 =	vmax.f32 v15, $0.0e+00;
	v15 =	vsub.f32 v25, v7;
	(pc) =	sbr.rel @p0 .LBB2_100-.Ltmp50, $4  }
0x3a5: {  	v21 =	vadd.f32 v23, v18;
	v16 =	vmax.f32 v26, $0.0e+00;
	v25 =	vsub.f32 v12, v5  }
0x3a6: {  	v20 =	vmax.f32 v24, $0.0e+00;
	v26 =	vsub.f32 v8, v7;
	v16 =	vadd.f32 v16, v19  }
0x3a7: {  	v24 =	vsub.f32 v11, v5;
	v19 =	vsub.f32 v8, v5;
	v23 =	vmax.f32 v25, $0.0e+00  }
0x3a8: {  	s29 =	sadd.s32 $0x40, s29;
	v18 =	vsub.f32 v12, v7;
	v23 =	vadd.f32 v23, v16;
	v16 =	vmax.f32 v26, $0.0e+00  }
0x3a9: {  	v17 =	vadd.f32 v17, v21  }
0x3aa: {  	v14 =	vadd.f32 v14, v22  }
0x3ab: {  	v10 =	vmax.f32 v10, $0.0e+00;
	v17 =	vadd.f32 v20, v17  }
0x3ac: {  	v10 =	vadd.f32 v10, v14  }
0x3ad: {  	v12 =	vsub.f32 v12, v6;
	v9 =	vadd.f32 v9, v17  }
0x3ae: {  	v55 =	vmax.f32 v15, $0.0e+00;
	v10 =	vadd.f32 v13, v10  }
0x3af: {  	v56 =	vsub.f32 v11, v6;
	v12 =	vmax.f32 v12, $0.0e+00;
	v9 =	vadd.f32 v55, v9  }
0x3b0: {  	v57 =	vsub.f32 v11, v7;
	v58 =	vmax.f32 v18, $0.0e+00;
	v10 =	vadd.f32 v12, v10  }
0x3b1: {  	v8 =	vsub.f32 v8, v6;
	v59 =	vmax.f32 v56, $0.0e+00;
	v9 =	vadd.f32 v58, v9  }
0x3b2: {  	v11 =	vmax.f32 v57, $0.0e+00;
	v10 =	vadd.f32 v59, v10  }
0x3b3: {  	v60 =	vmax.f32 v24, $0.0e+00;
	v8 =	vmax.f32 v8, $0.0e+00;
	v9 =	vadd.f32 v11, v9  }
0x3b4: {  	v61 =	vadd.f32 v60, v23;
	v8 =	vadd.f32 v8, v10  }
0x3b5: {  	v62 =	vmax.f32 v19, $0.0e+00;
	v9 =	vadd.f32 v16, v9  }
0x3b6: {  	v10 =	vadd.f32 v62, v61;
	(xrf2) =	vadd.scan.msk.f32 $0xffff, v8  }
0x3b7: {  	(xrf2) =	vadd.scan.msk.f32 $0xffff, v9  }
0x3b8: {  	(xrf2) =	vadd.scan.msk.f32 $0xffff, v10;
	_ =	sdelay $0x7  }
0x3b9: {  	v8, _, _ =	vpop (xrf2)  }
0x3ba: {  	(v2sf) =	vpush v8, $0xF;
	v9, _, _ =	vpop (xrf2)  }
0x3bb: {  	(v2sf) =	vpush v9, $0xF;
	v63, _, _ =	vpop (xrf2)  }
0x3bc: {  	(v2sf) =	vpush v63, $0xF;
	_ =	sdelay $0xc  }
0x3bd: {  	s0 =	spop (v2sf)  }
0x3be: {  	s1 =	spop (v2sf)  }
0x3bf: {  	s28 =	spop (v2sf)  }
0x3c0: {  	p0 =	sge.f32 s0, $1.000000000e+00;
	p1 =	sge.f32 s28, $1.000000000e+00  }
0x3c1: {  	p2 =	sge.f32 s1, $1.000000000e+00  }
0x3c2: {  	s26 =	sadd.s32 $0x1, s26;
	v3 =	vpsel p0, v6, v3;
	v4 =	vpsel p1, v4, v5  }
0x3c3: {  	v3 =	vpsel p2, v7, v3;
	v4 =	vpsel p2, v4, v7;
	p2 =	sne.s32 s26, $0xC  }
.Ltmp51:
0x3c4: {  	_ = 	snop;
	(pc) =	sbr.rel @p2 .LBB2_99-.Ltmp51, $2  }
0x3c5: {  	_ =	sdelay $0x2  }
0x3c6: {  	v3 =	vpsel p1, v5, v3;
	v4 =	vpsel p0, v4, v6  }
0x3c7: {  	s0 =	simm.s32 $0x0  }
0x3c8: {  	v6 =	vld [tilespmem:s0+$0x0]  }
0x3c9: {  	v4 =	vimm.f32 $0.0e+00;
	s26 =	simm.s32 $0x40;
	v5 =	vimm.f32 $0.0e+00  }
.LBB2_103:
0x3ca: {  	p0 =	sne.s32 s26, $0x1FFC0  }
.Ltmp52:
0x3cb: {  	_ = 	snop;
	(pc) =	sbr.rel @p0 .LBB2_103-.Ltmp52, $4  }
0x3cc: {  	_ = 	snop  }
0x3cd: {  	s0 =	sshra.s32 s26, $0x2;
	s26 =	sadd.s32 $0x40, s26;
	vm0 =	vgt.f32 v6, v3  }
0x3ce: {  	v7 =	vsel vm0, $0x3F800000, v2;
	v8 =	vnsel vm0, $0x0, v6;
	v6 =	vld [tilespmem:s0+$0x0]  }
0x3cf: {  	v4 =	vadd.f32 v7, v4;
	v5 =	vadd.f32 v8, v5  }
0x3d0: {  	_ = 	snop  }
.Ltmp53:
0x3d1: {  	_ = 	snop;
	(pc) =	sbr.rel .LBB2_105-.Ltmp53, $4  }
0x3d2: {  	_ = 	snop  }
0x3d3: {  	vm0 =	vgt.f32 v6, v3  }
0x3d4: {  	v3 =	vsel vm0, $0x3F800000, v2;
	v6 =	vnsel vm0, $0x0, v6  }
0x3d5: {  	v3 =	vadd.f32 v3, v4;
	v4 =	vadd.f32 v6, v5  }
.LBB2_80:
0x3d6: {  	v9 =	vimm.f32 $0.0e+00;
	v10 =	vimm.f32 $0.0e+00;
	v8 =	vimm.f32 $0.0e+00  }
.LBB2_81:
0x3d7: {  	s30 =	sshra.s32 @!p0 s28, $0x2  }
0x3d8: {  	v11 =	vld @!p0 [tilespmem:s30+$0x18000];
	_ =	sdelay $0x4  }
0x3d9: {  	v12 =	vsub.f32 @!p0 v11, v6  }
0x3da: {  	v13 =	vsub.f32 @!p0 v11, v7;
	v11 =	vsub.f32 @!p0 v11, v5;
	_ =	sdelay $0x1  }
0x3db: {  	v11 =	vmax.f32 @!p0 v11, $0.0e+00  }
0x3dc: {  	v13 =	vmax.f32 @!p0 v13, $0.0e+00;
	v11 =	vadd.f32 @!p0 v11, v9  }
0x3dd: {  	v12 =	vmax.f32 @!p0 v12, $0.0e+00;
	v13 =	vadd.f32 @!p0 v13, v10  }
0x3de: {  	v12 =	vadd.f32 @!p0 v12, v8;
	v9 =	vpsel p0, v9, v11  }
0x3df: {  	v10 =	vpsel p0, v10, v13;
	(xrf2) =	vadd.scan.msk.f32 $0xffff, v9  }
0x3e0: {  	v8 =	vpsel p0, v8, v12;
	(xrf2) =	vadd.scan.msk.f32 $0xffff, v10  }
0x3e1: {  	(xrf2) =	vadd.scan.msk.f32 $0xffff, v8;
	_ =	sdelay $0x7  }
0x3e2: {  	v61, _, _ =	vpop (xrf2)  }
0x3e3: {  	v62, _, _ =	vpop (xrf2);
	(v2sf) =	vpush v61, $0xF  }
0x3e4: {  	(v2sf) =	vpush v62, $0xF;
	v63, _, _ =	vpop (xrf2)  }
0x3e5: {  	(v2sf) =	vpush v63, $0xF;
	_ =	sdelay $0xc  }
0x3e6: {  	s0 =	spop (v2sf)  }
0x3e7: {  	s1 =	spop (v2sf)  }
0x3e8: {  	s31 =	spop (v2sf)  }
0x3e9: {  	p2 =	sge.f32 s0, $1.000000000e+00;
	p3 =	sge.f32 s31, $1.000000000e+00  }
0x3ea: {  	p4 =	sge.f32 s1, $1.000000000e+00  }
0x3eb: {  	s29 =	sadd.s32 $0x1, s29;
	v3 =	vpsel p2, v5, v3;
	v4 =	vpsel p3, v4, v6  }
0x3ec: {  	v3 =	vpsel p4, v7, v3;
	v4 =	vpsel p4, v4, v7;
	p4 =	sne.s32 s29, $0xC  }
.Ltmp54:
0x3ed: {  	_ = 	snop;
	(pc) =	sbr.rel @!p4 .LBB2_82-.Ltmp54, $2  }
0x3ee: {  	_ =	sdelay $0x2  }
0x3ef: {  	v3 =	vpsel p3, v6, v3;
	v4 =	vpsel p2, v4, v5  }
.LBB2_79:
0x3f0: {  	v5 =	vsub.f32 v4, v3  }
.Ltmp55:
0x3f1: {  	_ = 	snop;
	(pc) =	sbr.rel @p1 .LBB2_80-.Ltmp55, $4  }
0x3f2: {  	v6 =	vmul.f32 $2.500000000e-01, v5  }
0x3f3: {  	v7 =	vmul.f32 $5.000000000e-01, v5;
	v8 =	vmul.f32 $7.500000000e-01, v5  }
0x3f4: {  	v5 =	vadd.f32 v6, v3  }
0x3f5: {  	v7 =	vadd.f32 v7, v3;
	v6 =	vadd.f32 v8, v3  }
0x3f6: {  	s30 =	simm.s32 $0x18010  }
0x3f7: {  	p3 =	sgt.s32 s26, $0x2;
	v20 =	vld [tilespmem:s30+$0xFFFFFFF0]  }
.Ltmp56:
0x3f8: {  	_ = 	snop;
	(pc) =	sbr.rel @!p3 .LBB2_86-.Ltmp56, $2  }
0x3f9: {  	_ =	sdelay $0x2  }
0x3fa: {  	v8 =	vimm.f32 $0.0e+00;
	s31 =	simm.s32 $0x18030;
	p2 =	por $0x0, $0x0;
	v16 =	vld [tilespmem:s30+$0x0];
	v12 =	vsub.f32 v20, v5  }
0x3fb: {  	_ =	sdelay $0x1  }
0x3fc: {  	v18 =	vld [tilespmem:s31+$0xFFFFFFF0];
	v9 =	vsub.f32 v20, v6  }
0x3fd: {  	p3 =	sgt.s32 s26, $0x4  }
.Ltmp57:
0x3fe: {  	v11 =	vsub.f32 v20, v7;
	v13 =	vmax.f32 v9, $0.0e+00;
	v9 =	vsub.f32 v16, v7;
	(pc) =	sbr.rel @!p3 .LBB2_88-.Ltmp57, $4  }
0x3ff: {  	v17 =	vsub.f32 v16, v5;
	v15 =	vsub.f32 v16, v6;
	v16 =	vld [tilespmem:s31+$0x0]  }
0x400: {  	v19 =	vimm.f32 $0.0e+00;
	v10 =	vmax.f32 v12, $0.0e+00  }
0x401: {  	v11 =	vmax.f32 v11, $0.0e+00;
	v14 =	vadd.f32 v13, v8;
	v12 =	vsub.f32 v18, v5  }
0x402: {  	s30 =	simm.s32 $0x4;
	p2 =	por $0x1, $0x1;
	s31 =	simm.s32 $0x18050;
	v9 =	vmax.f32 v9, $0.0e+00;
	v13 =	vmax.f32 v17, $0.0e+00;
	v17 =	vimm.f32 $0.0e+00  }
.LBB2_89:
0x403: {  	s30 =	sadd.s32 $0x2, s30  }
0x404: {  	v20 =	vld [tilespmem:s31+$0xFFFFFFF0];
	v21 =	vsub.f32 v18, v6;
	v19 =	vadd.f32 v10, v19;
	v15 =	vmax.f32 v15, $0.0e+00;
	v22 =	vmovc v16;
	p3 =	slt.s32 s30, s26  }
.Ltmp58:
0x405: {  	v17 =	vadd.f32 v11, v17;
	v16 =	vld [tilespmem:s31+$0x0];
	v10 =	vmax.f32 v12, $0.0e+00;
	v12 =	vsub.f32 v18, v7;
	(pc) =	sbr.rel @p3 .LBB2_89-.Ltmp58, $4  }
0x406: {  	v14 =	vadd.f32 v15, v14;
	v18 =	vmax.f32 v21, $0.0e+00;
	v21 =	vsub.f32 v22, v7  }
0x407: {  	v23 =	vsub.f32 v22, v5;
	v15 =	vsub.f32 v22, v6;
	v11 =	vmax.f32 v12, $0.0e+00  }
0x408: {  	v19 =	vadd.f32 v13, v19;
	v17 =	vadd.f32 v9, v17;
	v9 =	vmax.f32 v21, $0.0e+00  }
0x409: {  	s31 =	sadd.s32 $0x20, s31;
	v14 =	vadd.f32 v18, v14;
	v13 =	vmax.f32 v23, $0.0e+00;
	v12 =	vsub.f32 v20, v5;
	v18 =	vmovc v20  }
0x40a: {  	v20 =	vmov v18  }
.LBB2_91:
0x40b: {  	v18 =	vsub.f32 v20, v6  }
0x40c: {  	v10 =	vadd.f32 @p2 v10, v19;
	v57 =	vsub.f32 v20, v7  }
0x40d: {  	v15 =	vmax.f32 @p2 v15, $0.0e+00;
	v11 =	vadd.f32 @p2 v11, v17;
	v59 =	vsub.f32 v16, v7  }
0x40e: {  	v12 =	vmax.f32 v12, $0.0e+00;
	v61 =	vsub.f32 v16, v6;
	v14 =	vadd.f32 @p2 v15, v14  }
0x40f: {  	v58 =	vmax.f32 v18, $0.0e+00;
	v10 =	vadd.f32 @p2 v13, v10;
	v9 =	vadd.f32 @p2 v9, v11  }
.Ltmp59:
0x410: {  	v60 =	vmax.f32 v57, $0.0e+00;
	v11 =	vsub.f32 v16, v5;
	v14 =	vpsel p2, v14, v8;
	(pc) =	sbr.rel .LBB2_81-.Ltmp59, $4  }
0x411: {  	v14 =	vadd.f32 v58, v14;
	v10 =	vpsel p2, v10, v8;
	v8 =	vpsel p2, v9, v8  }
0x412: {  	v9 =	vadd.f32 v12, v10;
	v10 =	vmax.f32 v61, $0.0e+00;
	v62 =	vadd.f32 v60, v8  }
0x413: {  	v63 =	vmax.f32 v59, $0.0e+00;
	v11 =	vmax.f32 v11, $0.0e+00;
	v8 =	vadd.f32 v10, v14  }
0x414: {  	v9 =	vadd.f32 v11, v9;
	v10 =	vadd.f32 v63, v62  }
.LBB2_86:
.Ltmp60:
0x415: {  	(pc) =	sbr.rel .LBB2_91-.Ltmp60, $2  }
0x416: {  	_ =	sdelay $0x2  }
0x417: {  	v19 =	vimm.f32 $0.0e+00;
	v17 =	vimm.f32 $0.0e+00  }
.LBB2_88:
.Ltmp61:
0x418: {  	(pc) =	sbr.rel .LBB2_91-.Ltmp61, $2  }
0x419: {  	_ =	sdelay $0x2  }
0x41a: {  	v20 =	vmov v18;
	v19 =	vimm.f32 $0.0e+00;
	v17 =	vimm.f32 $0.0e+00  }
.LBB2_82:
.Ltmp62:
0x41b: {  	(pc) =	sbr.rel @p1 .LBB2_83-.Ltmp62, $2  }
0x41c: {  	_ =	sdelay $0x2  }
0x41d: {  	v4 =	vimm.f32 $0.0e+00  }
0x41e: {  	p2 =	sgt.s32 s26, $0x2  }
.Ltmp63:
0x41f: {  	_ = 	snop;
	(pc) =	sbr.rel @!p2 .LBB2_93-.Ltmp63, $4  }
0x420: {  	_ = 	snop  }
0x421: {  	s28 =	simm.s32 $0x18010  }
0x422: {  	v10 =	vld [tilespmem:s28+$0xFFFFFFF0]  }
0x423: {  	p1 =	por $0x0, $0x0;
	v5 =	vld [tilespmem:s28+$0x0]  }
0x424: {  	_ = 	snop  }
0x425: {  	p2 =	sgt.s32 s26, $0x4  }
.Ltmp64:
0x426: {  	_ = 	snop;
	(pc) =	sbr.rel @!p2 .LBB2_95-.Ltmp64, $4  }
0x427: {  	vm0 =	vgt.f32 v10, v3  }
0x428: {  	s28 =	simm.s32 $0x18030;
	v7 =	vsel vm0, $0x3F800000, v2  }
0x429: {  	v6 =	vld [tilespmem:s28+$0xFFFFFFF0];
	v8 =	vnsel vm0, $0x0, v10;
	vm15 =	vgt.f32 v5, v3;
	v7 =	vadd.f32 v7, v4  }
0x42a: {  	s29 =	simm.s32 $0x4;
	p1 =	por $0x1, $0x1;
	v9 =	vadd.f32 v8, v4;
	v8 =	vld [tilespmem:s28+$0x0];
	v11 =	vsel vm15, $0x3F800000, v2;
	v12 =	vnsel vm15, $0x0, v5  }
.LBB2_96:
0x42b: {  	s29 =	sadd.s32 $0x2, s29  }
0x42c: {  	v5 =	vadd.f32 v11, v7;
	v9 =	vadd.f32 v12, v9;
	p2 =	slt.s32 s29, s26  }
.Ltmp65:
0x42d: {  	(pc) =	sbr.rel @p2 .LBB2_96-.Ltmp65, $4  }
0x42e: {  	s28 =	sadd.s32 $0x20, s28;
	vm0 =	vgt.f32 v6, v3  }
0x42f: {  	v7 =	vsel vm0, $0x3F800000, v2;
	v10 =	vnsel vm0, $0x0, v6;
	v6 =	vld [tilespmem:s28+$0xFFFFFFF0]  }
0x430: {  	v7 =	vadd.f32 v7, v5;
	v9 =	vadd.f32 v10, v9;
	vm0 =	vgt.f32 v8, v3  }
0x431: {  	v11 =	vsel vm0, $0x3F800000, v2;
	v12 =	vnsel vm0, $0x0, v8;
	v8 =	vld [tilespmem:s28+$0x0]  }
0x432: {  	_ =	sdelay $0x3  }
0x433: {  	v10 =	vmov v6;
	v5 =	vmov v8  }
.LBB2_98:
0x434: {  	v6 =	vadd.f32 @p1 v11, v7;
	v7 =	vadd.f32 @p1 v12, v9;
	vm0 =	vgt.f32 v10, v3  }
.Ltmp66:
0x435: {  	v8 =	vsel vm0, $0x3F800000, v2;
	(pc) =	sbr.rel .LBB2_84-.Ltmp66, $4  }
0x436: {  	v63 =	vnsel vm0, $0x0, v10;
	v6 =	vpsel p1, v6, v4;
	v4 =	vpsel p1, v7, v4  }
0x437: {  	vm15 =	vgt.f32 v5, v3;
	v6 =	vadd.f32 v8, v6;
	v7 =	vadd.f32 v63, v4  }
0x438: {  	v5 =	vnsel vm15, $0x0, v5;
	v4 =	vsel vm15, $0x3F800000, v2  }
0x439: {  	v4 =	vadd.f32 v4, v6;
	v5 =	vadd.f32 v5, v7  }
.LBB2_83:
0x43a: {  	v5 =	vimm.f32 $0.0e+00  }
.LBB2_84:
0x43b: {  	v6 =	vld @!p0 [tilespmem:s30+$0x18000];
	_ =	sdelay $0x4  }
0x43c: {  	vm0 =	vgt.f32 @!p0 v6, v3;
	v3 =	vimm.f32 @!p0 $0.0e+00  }
0x43d: {  	v6 =	vnsel @!p0 vm0, $0x0, v6;
	v3 =	vsel @!p0 vm0, $0x3F800000, v3  }
0x43e: {  	v6 =	vadd.f32 @!p0 v6, v5;
	v3 =	vadd.f32 @!p0 v3, v4;
	_ =	sdelay $0x1  }
0x43f: {  	v3 =	vpsel p0, v4, v3;
	v4 =	vpsel p0, v5, v6  }
.LBB2_105:
0x440: {  	_ = 	snop  }
0x441: {  	(xrf2) =	vadd.scan.msk.f32 $0xffff, v3;
	_ =	sdelay $0x9  }
0x442: {  	v3, _, _ =	vpop (xrf2)  }
0x443: {  	(xrf2) =	vadd.scan.msk.f32 $0xffff, v4;
	v3 =	vbroadcast v3, $0xF;
	_ =	sdelay $0x1  }
0x444: {  	(erf) = vrcp.f32 v3;
	_ =	sdelay $0x7  }
0x445: {  	v3, _, _ =	vpop (xrf2)  }
0x446: {  	v4 =	vpop (erf)  }
0x447: {  	_ =	strace $0x90000056  }
0x448: {  	_ =	strace $0x80000057  }
0x449: {  	_ =	swait.ge [sflag:s24], $0x4000  }
0x44a: {  	[sflag:s24] =	ssyncset.done $0x0  }
0x44b: {  	[sflag:s24] =	ssyncadd.s32 $0xFFFFC000  }
0x44c: {  	_ =	swait.ge [sflag:s24], $0x4000  }
0x44d: {  	[sflag:s24] =	ssyncset.done $0x0  }
0x44e: {  	[sflag:s24] =	ssyncadd.s32 $0xFFFFC000  }
0x44f: {  	_ =	strace $0x90000057  }
0x450: {  	s0 =	simm.s32 $0x40;
	v3 =	vadd.f32 $-1.000000000e+00, v3;
	_ =	strace $0x80000058  }
0x451: {  	v5 =	vld [tilespmem:s0+$0x30]  }
0x452: {  	v3 =	vbroadcast v3, $0xF;
	v7 =	vld [tilespmem:s0+$0xFFFFFFD0]  }
0x453: {  	v9 =	vld [tilespmem:s0+$0xFFFFFFE0]  }
0x454: {  	v3 =	vmul.f32 v3, v4;
	v8 =	vld [tilespmem:s0+$0xFFFFFFF0]  }
0x455: {  	v6 =	vld [tilespmem:s0+$0x0]  }
0x456: {  	v4 =	vld [tilespmem:s0+$0x10];
	v11 =	vsub.f32 v5, v3  }
0x457: {  	v5 =	vld [tilespmem:s0+$0x20];
	v10 =	vsub.f32 v7, v3  }
0x458: {  	s26 =	simm.s32 $0x10040;
	s28 =	simm.s32 $0x0;
	s29 =	simm.s32 $0xC0;
	v7 =	vld [tilespmem:s0+$0xFFFFFFC0];
	v9 =	vsub.f32 v9, v3;
	v11 =	vmax.f32 v11, $0.0e+00  }
.LBB2_106:
0x459: {  	v12 =	vld [tilespmem:s29+$0x30];
	s28 =	sadd.s32 $0x8, s28;
	v10 =	vmax.f32 v10, $0.0e+00;
	v8 =	vsub.f32 v8, v3;
	[tilespmem:s26+$0x30] =	vst v11  }
0x45a: {  	v11 =	vld [tilespmem:s29+$0xFFFFFFD0];
	p0 =	slt.u32 s28, $0x3F8;
	[tilespmem:s26+$0xFFFFFFD0] =	vst v10;
	v9 =	vmax.f32 v9, $0.0e+00;
	v6 =	vsub.f32 v6, v3  }
0x45b: {  	v13 =	vld [tilespmem:s29+$0xFFFFFFE0];
	[tilespmem:s26+$0xFFFFFFE0] =	vst v9;
	v9 =	vmax.f32 v8, $0.0e+00;
	v4 =	vsub.f32 v4, v3  }
.Ltmp67:
0x45c: {  	v8 =	vld [tilespmem:s29+$0xFFFFFFF0];
	[tilespmem:s26+$0xFFFFFFF0] =	vst v9;
	v9 =	vmax.f32 v6, $0.0e+00;
	v5 =	vsub.f32 v5, v3;
	(pc) =	sbr.rel @p0 .LBB2_106-.Ltmp67, $4  }
0x45d: {  	v6 =	vld [tilespmem:s29+$0x0];
	v7 =	vsub.f32 v7, v3;
	[tilespmem:s26+$0x0] =	vst v9;
	v9 =	vmax.f32 v4, $0.0e+00  }
0x45e: {  	v4 =	vld [tilespmem:s29+$0x10];
	v12 =	vsub.f32 v12, v3;
	[tilespmem:s26+$0x10] =	vst v9;
	v9 =	vmax.f32 v5, $0.0e+00  }
0x45f: {  	v10 =	vsub.f32 v11, v3;
	v5 =	vld [tilespmem:s29+$0x20];
	v14 =	vmax.f32 v7, $0.0e+00;
	[tilespmem:s26+$0x20] =	vst v9  }
0x460: {  	v7 =	vld [tilespmem:s29+$0xFFFFFFC0];
	v9 =	vsub.f32 v13, v3;
	v11 =	vmax.f32 v12, $0.0e+00;
	s29 =	sadd.s32 $0x80, s29;
	[tilespmem:s26+$0xFFFFFFC0] =	vst v14;
	s26 =	sadd.s32 $0x80, s26  }
0x461: {  	v10 =	vmax.f32 v10, $0.0e+00;
	v8 =	vsub.f32 v8, v3;
	[tilespmem:s26+$0x30] =	vst v11  }
0x462: {  	[tilespmem:s26+$0xFFFFFFD0] =	vst v10;
	v9 =	vmax.f32 v9, $0.0e+00;
	v6 =	vsub.f32 v6, v3  }
0x463: {  	[tilespmem:s26+$0xFFFFFFE0] =	vst v9;
	v8 =	vmax.f32 v8, $0.0e+00;
	v4 =	vsub.f32 v4, v3  }
0x464: {  	[tilespmem:s26+$0xFFFFFFF0] =	vst v8;
	v6 =	vmax.f32 v6, $0.0e+00;
	v5 =	vsub.f32 v5, v3  }
0x465: {  	v7 =	vsub.f32 v7, v3;
	[tilespmem:s26+$0x0] =	vst v6;
	v4 =	vmax.f32 v4, $0.0e+00  }
0x466: {  	[tilespmem:s26+$0x10] =	vst v4;
	v4 =	vmax.f32 v5, $0.0e+00  }
0x467: {  	v5 =	vmax.f32 v7, $0.0e+00;
	[tilespmem:s26+$0x20] =	vst v4  }
0x468: {  	s28 =	simm.s32 $0x0;
	[tilespmem:s26+$0xFFFFFFC0] =	vst v5  }
0x469: {  	[hbm4b:s11+s16] =	stream.strided.scatter [tilespmem:s21], [sflag:$0x3], $0x4000, s17, s16, $0x200038;
	[tilespmem:$0x1C000] =	vst v63  }
0x46a: {  	v4 =	vld [tilespmem:s28+$0x4070]  }
0x46b: {  	v5 =	vld [tilespmem:s28+$0x4000]  }
0x46c: {  	v6 =	vld [tilespmem:s28+$0x4010]  }
0x46d: {  	v7 =	vld [tilespmem:s28+$0x4020]  }
0x46e: {  	v8 =	vld [tilespmem:s28+$0x4030]  }
0x46f: {  	v9 =	vld [tilespmem:s28+$0x4040];
	v4 =	vsub.f32 v4, v3  }
0x470: {  	v10 =	vld [tilespmem:s28+$0x4050];
	v5 =	vsub.f32 v5, v3  }
0x471: {  	s26 =	simm.s32 $0x80;
	v11 =	vld [tilespmem:s28+$0x4060];
	v6 =	vsub.f32 v6, v3;
	v4 =	vmax.f32 v4, $0.0e+00  }
0x472: {  	v12 =	vld [tilespmem:s26+$0x4070];
	v7 =	vsub.f32 v7, v3;
	v5 =	vmax.f32 v5, $0.0e+00;
	[tilespmem:s28+$0x14070] =	vst v4  }
0x473: {  	v13 =	vld [tilespmem:s26+$0x4000];
	[tilespmem:s28+$0x14000] =	vst v5;
	v4 =	vmax.f32 v6, $0.0e+00;
	v6 =	vsub.f32 v8, v3  }
0x474: {  	v8 =	vld [tilespmem:s26+$0x4010];
	[tilespmem:s28+$0x14010] =	vst v4;
	v4 =	vmax.f32 v7, $0.0e+00;
	v7 =	vsub.f32 v9, v3  }
0x475: {  	v5 =	vld [tilespmem:s26+$0x4020];
	v9 =	vsub.f32 v10, v3;
	[tilespmem:s28+$0x14020] =	vst v4;
	v6 =	vmax.f32 v6, $0.0e+00  }
0x476: {  	v11 =	vsub.f32 v11, v3;
	v4 =	vld [tilespmem:s26+$0x4030];
	[tilespmem:s28+$0x14030] =	vst v6;
	v7 =	vmax.f32 v7, $0.0e+00  }
0x477: {  	v10 =	vsub.f32 v12, v3;
	v6 =	vld [tilespmem:s26+$0x4040];
	v14 =	vmax.f32 v9, $0.0e+00;
	[tilespmem:s28+$0x14040] =	vst v7  }
0x478: {  	s29 =	simm.s32 $0x408;
	s30 =	simm.s32 $0x400;
	v11 =	vmax.f32 v11, $0.0e+00;
	v9 =	vsub.f32 v13, v3;
	v7 =	vld [tilespmem:s26+$0x4050];
	[tilespmem:s28+$0x14050] =	vst v14  }
.LBB2_108:
0x479: {  	s29 =	sadd.s32 $0x8, s29;
	v8 =	vsub.f32 v8, v3;
	v12 =	vld [tilespmem:s26+$0x4060];
	v10 =	vmax.f32 v10, $0.0e+00;
	[tilespmem:s28+$0x14060] =	vst v11;
	s28 =	smov.u32 s26;
	s26 =	sshra.s32 s30, $0x2  }
0x47a: {  	v11 =	vld [tilespmem:s26+$0x4070];
	p0 =	slt.u32 s29, $0x7F8;
	v9 =	vmax.f32 v9, $0.0e+00;
	v5 =	vsub.f32 v5, v3;
	[tilespmem:s28+$0x14070] =	vst v10  }
0x47b: {  	v13 =	vld [tilespmem:s26+$0x4000];
	[tilespmem:s28+$0x14000] =	vst v9;
	v9 =	vmax.f32 v8, $0.0e+00;
	v4 =	vsub.f32 v4, v3  }
.Ltmp68:
0x47c: {  	v8 =	vld [tilespmem:s26+$0x4010];
	[tilespmem:s28+$0x14010] =	vst v9;
	v9 =	vmax.f32 v5, $0.0e+00;
	v6 =	vsub.f32 v6, v3;
	(pc) =	sbr.rel @p0 .LBB2_108-.Ltmp68, $4  }
0x47d: {  	v5 =	vld [tilespmem:s26+$0x4020];
	[tilespmem:s28+$0x14020] =	vst v9;
	v9 =	vmax.f32 v4, $0.0e+00;
	v7 =	vsub.f32 v7, v3  }
0x47e: {  	v4 =	vld [tilespmem:s26+$0x4030];
	[tilespmem:s28+$0x14030] =	vst v9;
	v9 =	vmax.f32 v6, $0.0e+00;
	v12 =	vsub.f32 v12, v3  }
0x47f: {  	v6 =	vld [tilespmem:s26+$0x4040];
	v10 =	vsub.f32 v11, v3;
	[tilespmem:s28+$0x14040] =	vst v9;
	v11 =	vmax.f32 v7, $0.0e+00  }
0x480: {  	s30 =	sadd.s32 $0x200, s30;
	v9 =	vsub.f32 v13, v3;
	v7 =	vld [tilespmem:s26+$0x4050];
	[tilespmem:s28+$0x14050] =	vst v11;
	v11 =	vmax.f32 v12, $0.0e+00  }
0x481: {  	v8 =	vsub.f32 v8, v3;
	v12 =	vld [tilespmem:s26+$0x4060];
	v10 =	vmax.f32 v10, $0.0e+00;
	[tilespmem:s28+$0x14060] =	vst v11  }
0x482: {  	v9 =	vmax.f32 v9, $0.0e+00;
	v5 =	vsub.f32 v5, v3;
	[tilespmem:s26+$0x14070] =	vst v10  }
0x483: {  	[tilespmem:s26+$0x14000] =	vst v9;
	v8 =	vmax.f32 v8, $0.0e+00;
	v4 =	vsub.f32 v4, v3  }
0x484: {  	[tilespmem:s26+$0x14010] =	vst v8;
	v5 =	vmax.f32 v5, $0.0e+00;
	v6 =	vsub.f32 v6, v3  }
0x485: {  	[tilespmem:s26+$0x14020] =	vst v5;
	v4 =	vmax.f32 v4, $0.0e+00;
	v5 =	vsub.f32 v7, v3  }
0x486: {  	[tilespmem:s26+$0x14030] =	vst v4;
	v4 =	vmax.f32 v6, $0.0e+00;
	v3 =	vsub.f32 v12, v3  }
0x487: {  	[tilespmem:s26+$0x14040] =	vst v4;
	v4 =	vmax.f32 v5, $0.0e+00  }
0x488: {  	[tilespmem:s26+$0x14050] =	vst v4;
	v3 =	vmax.f32 v3, $0.0e+00  }
0x489: {  	[tilespmem:s26+$0x14060] =	vst v3  }
0x48a: {  	[hbm4b:s12+s16] =	stream.strided.scatter [tilespmem:s22], [sflag:$0x3], $0x4000, s17, s16, $0x200038;
	[tilespmem:$0x1C000] =	vst v63  }
0x48b: {  	_ =	strace $0x90000058  }
0x48c: {  	_ =	strace $0x80000059  }
0x48d: {  	_ =	swait.ge [sflag:s23], $0x8000  }
0x48e: {  	[sflag:s23] =	ssyncset.done $0x0  }
0x48f: {  	[sflag:s23] =	ssyncadd.s32 $0xFFFF8000  }
0x490: {  	_ =	strace $0x90000059  }
0x491: {  	s0 =	simm.s32 $0x8200;
	_ =	strace $0x8000005A  }
0x492: {  	v3 =	vld [tilespmem:s0+$0x100]  }
0x493: {  	v6 =	vld [tilespmem:s0+$0x0]  }
0x494: {  	v4 =	vld [tilespmem:s0+$0xFFFFFF00]  }
0x495: {  	v5 =	vld [tilespmem:s0+$0xFFFFFE00]  }
0x496: {  	v8 =	vld [tilespmem:s0+$0xFFFFFE80]  }
0x497: {  	v10 =	vld [tilespmem:s0+$0xFFFFFF80]  }
0x498: {  	v9 =	vld [tilespmem:s0+$0x80]  }
0x499: {  	v11 =	vimm.f32 $-Inf;
	s28 =	simm.s32 $0x8600;
	s26 =	simm.s32 $0x0;
	v7 =	vld [tilespmem:s0+$0x180]  }
.LBB2_110:
0x49a: {  	v12 =	vld [tilespmem:s28+$0x100]  }
0x49b: {  	s26 =	sadd.s32 $0x4, s26;
	v13 =	vld [tilespmem:s28+$0x0];
	v5 =	vmax.f32 v5, v8  }
0x49c: {  	p0 =	slt.u32 s26, $0x7C;
	v8 =	vmax.f32 v11, v5;
	v10 =	vmax.f32 v4, v10;
	v4 =	vld [tilespmem:s28+$0xFFFFFF00]  }
.Ltmp69:
0x49d: {  	v5 =	vld [tilespmem:s28+$0xFFFFFE00];
	v10 =	vmax.f32 v8, v10;
	v6 =	vmax.f32 v6, v9;
	(pc) =	sbr.rel @p0 .LBB2_110-.Ltmp69, $4  }
0x49e: {  	v8 =	vld [tilespmem:s28+$0xFFFFFE80];
	v14 =	vmax.f32 v10, v6;
	v7 =	vmax.f32 v3, v7  }
0x49f: {  	v10 =	vld [tilespmem:s28+$0xFFFFFF80];
	v11 =	vmax.f32 v14, v7;
	v3 =	vmov v12  }
0x4a0: {  	v9 =	vld [tilespmem:s28+$0x80];
	v6 =	vmov v13  }
0x4a1: {  	v7 =	vld [tilespmem:s28+$0x180];
	s28 =	sadd.s32 $0x400, s28  }
0x4a2: {  	_ = 	snop  }
0x4a3: {  	v5 =	vmax.f32 v5, v8  }
0x4a4: {  	v5 =	vmax.f32 v11, v5;
	v4 =	vmax.f32 v4, v10  }
0x4a5: {  	v4 =	vmax.f32 v5, v4;
	v5 =	vmax.f32 v6, v9  }
0x4a6: {  	v4 =	vmax.f32 v4, v5;
	v3 =	vmax.f32 v3, v7  }
0x4a7: {  	v3 =	vmax.f32 v4, v3  }
0x4a8: {  	(xrf0) =	vmax.scan.msk.f32 $0xffff, v3;
	_ =	sdelay $0x5  }
0x4a9: {  	v3, _, _ =	vpop (xrf0)  }
0x4aa: {  	(v2sf) =	vpush v3, $0xF;
	_ =	sdelay $0xe  }
0x4ab: {  	s0 =	spop (v2sf)  }
0x4ac: {  	_ =	strace $0x9000005A  }
0x4ad: {  	s1 =	simm.s32 $0x8040;
	_ =	strace $0x8000005B  }
0x4ae: {  	v15 =	vld [tilespmem:s1+$0xFFFFFFD0];
	_ =	sdelay $0x1  }
0x4af: {  	s0 =	sadd.f32 $-1.000000000e+00, s0  }
0x4b0: {  	v18 =	vld [tilespmem:s1+$0xFFFFFFF0]  }
0x4b1: {  	v5 =	vld [tilespmem:s1+$0xFFFFFFC0];
	v10 =	vmov s0  }
0x4b2: {  	v4 =	vld [tilespmem:s1+$0x0];
	vm6 =	vgt.f32 v15, v10  }
0x4b3: {  	v6 =	vld [tilespmem:s1+$0xFFFFFFE0];
	(xrf0) =	vadd.scan.msk.s32 vm6, v0  }
0x4b4: {  	v3 =	vld [tilespmem:s1+$0x10]  }
0x4b5: {  	v7 =	vld [tilespmem:s1+$0x20]  }
0x4b6: {  	v8 =	vld [tilespmem:s1+$0x30];
	vm7 =	vgt.f32 v18, v10;
	vm0 =	vgt.f32 v5, v10  }
0x4b7: {  	v14 =	vimm.s32 $0xFFFFFFFF;
	v13 =	vmpcnt.ones.xlane vm0;
	(xrf0) =	vadd.scan.msk.s32 vm7, v0  }
0x4b8: {  	v9 =	vimm.f32 $-Inf;
	vm2 =	vgt.f32 v4, v10;
	v11 =	vmpcnt.ones.xlane vm6  }
0x4b9: {  	vm1 =	vgt.f32 v6, v10;
	v9 =	vmax.f32 v9, v5;
	v13 =	vadd.s32 v14, v13;
	v20, _, _ =	vpop (xrf0)  }
0x4ba: {  	vm4 =	vgt.f32 v3, v10;
	(xrf0) =	vadd.scan.msk.s32 vm2, v0;
	v21 =	vadd.s32 v13, v11;
	v11 =	vadd.s32 v13, v20  }
0x4bb: {  	vm3 =	vgt.f32 v7, v10;
	vm5 =	vgt.f32 v8, v10;
	v19 =	vmpcnt.ones.xlane vm1  }
0x4bc: {  	v12 =	vmpcnt.ones.xlane vm2;
	v16 =	vmpcnt.ones.xlane vm7;
	v9 =	vmax.f32 v9, v15;
	(xrf0) =	vadd.scan.msk.s32 vm1, v0  }
0x4bd: {  	v9 =	vmax.f32 v9, v6;
	(xrf0) =	vadd.scan.msk.s32 vm4, v0;
	v13 =	vadd.s32 v21, v19;
	v19 =	vmin.u32 v11, $0x3FF7;
	v11, _, _ =	vpop (xrf0)  }
0x4be: {  	(xrf0) =	vadd.scan.msk.s32 vm0, v0;
	v16 =	vadd.s32 v13, v16;
	v11 =	vadd.s32 v13, v11;
	v13 =	vmpcnt.ones.xlane vm3  }
0x4bf: {  	v17 =	vmpcnt.ones.xlane vm4;
	v9 =	vmax.f32 v9, v18;
	(xrf0) =	vadd.scan.msk.s32 vm5, v0  }
0x4c0: {  	v20 =	vmax.f32 v9, v4;
	v12 =	vadd.s32 v16, v12;
	vm5 =	vmmov vm5;
	(xrf0) =	vadd.scan.msk.s32 vm3, v0;
	v22, _, _ =	vpop (xrf0)  }
0x4c1: {  	s26 =	simm.s32 $0x80C0;
	v17 =	vadd.s32 v12, v17;
	v26 =	vmpcnt.ones.xlane vm5;
	v16 =	vadd.s32 v16, v22  }
0x4c2: {  	v9 =	vld [tilespmem:s26+$0x0];
	v23 =	vmin.u32 v11, $0x3FF7;
	v11 =	vmax.f32 v20, v3;
	v25 =	vadd.s32 v17, v13;
	v13, _, _ =	vpop (xrf0)  }
0x4c3: {  	v24 =	vmax.f32 v11, v7;
	v11 =	vld [tilespmem:s26+$0xFFFFFFD0];
	v22, _, _ =	vpop (xrf0)  }
0x4c4: {  	vm4 =	vmmov vm4;
	v20 =	vmin.u32 v16, $0x3FF7;
	v21 =	vadd.s32 v21, v13;
	v13 =	vld [tilespmem:s26+$0x10];
	v16, _, _ =	vpop (xrf0)  }
0x4c5: {  	v24 =	vmax.f32 v24, v8;
	v27 =	vadd.s32 v12, v22;
	v12 =	vld [tilespmem:s26+$0xFFFFFFF0];
	v22 =	vmin.u32 v21, $0x3FF7;
	v29, _, _ =	vpop (xrf0)  }
0x4c6: {  	[tilespmem:v19+s20+$0x0] =	vst.idx.msk vm6, v15;
	v28 =	vadd.s32 v14, v16;
	v14 =	vadd.s32 v25, v26;
	v16 =	vld [tilespmem:s26+$0xFFFFFFE0];
	v15 =	vmin.u32 v27, $0x3FF7;
	v26, _, _ =	vpop (xrf0)  }
0x4c7: {  	v25 =	vadd.s32 v25, v29;
	v21 =	vmin.u32 v28, $0x3FF7;
	v26 =	vadd.s32 v17, v26;
	v17 =	vld [tilespmem:s26+$0xFFFFFFC0]  }
0x4c8: {  	s28 =	simm.s32 $0x8;
	s29 =	simm.s32 $0x8140;
	[tilespmem:v23+s20+$0x0] =	vst.idx.msk vm7, v18;
	v18 =	vld [tilespmem:s26+$0x20];
	vm6 =	vgt.f32 v11, v10;
	v19 =	vmin.u32 v25, $0x3FF7;
	v23 =	vmin.u32 v26, $0x3FF7  }
.LBB2_112:
0x4c9: {  	s28 =	sadd.s32 $0x8, s28;
	(xrf0) =	vadd.scan.msk.s32 vm6, v0;
	[tilespmem:v20+s20+$0x0] =	vst.idx.msk vm2, v4;
	v4 =	vmov v9;
	v9 =	vld [tilespmem:s29+$0x0]  }
0x4ca: {  	v20 =	vmpcnt.ones.xlane vm6;
	p0 =	slt.u32 s28, $0x7F8;
	vm7 =	vgt.f32 v12, v10;
	vm2 =	vgt.f32 v4, v10;
	v25 =	vld [tilespmem:s26+$0x30];
	[tilespmem:v22+s20+$0x0] =	vst.idx.msk vm1, v6;
	s26 =	smov.u32 s29  }
0x4cb: {  	vm8 =	vgt.f32 v13, v10;
	vm1 =	vgt.f32 v16, v10;
	v22 =	vmpcnt.ones.xlane vm2;
	(xrf0) =	vadd.scan.msk.s32 vm7, v0;
	v6 =	vmovc v16  }
0x4cc: {  	v16 =	vmax.f32 v24, v17;
	v24 =	vmpcnt.ones.xlane vm7;
	[tilespmem:v21+s20+$0x0] =	vst.idx.msk vm0, v5;
	vm0 =	vgt.f32 v17, v10  }
0x4cd: {  	v26 =	vmpcnt.ones.xlane vm8;
	v5 =	vmovc v17;
	v27 =	vmpcnt.ones.xlane vm0;
	v16 =	vmax.f32 v16, v11;
	[tilespmem:v23+s20+$0x0] =	vst.idx.msk vm3, v7  }
0x4ce: {  	v23 =	vmpcnt.ones.xlane vm1;
	vm3 =	vgt.f32 v18, v10;
	v7 =	vmovc v18;
	v16 =	vmax.f32 v16, v6;
	(xrf0) =	vadd.scan.msk.s32 vm2, v0  }
0x4cf: {  	v18 =	vadd.s32 v14, v27;
	v16 =	vmax.f32 v16, v12;
	vm9 =	vgt.f32 v25, v10;
	v21, _, _ =	vpop (xrf0);
	(xrf0) =	vadd.scan.msk.s32 vm1, v0  }
0x4d0: {  	v21 =	vadd.s32 v18, v21;
	v18 =	vadd.s32 v18, v20;
	(xrf0) =	vadd.scan.msk.s32 vm8, v0;
	[tilespmem:v19+s20+$0x0] =	vst.idx.msk vm5, v8  }
0x4d1: {  	v16 =	vmax.f32 v16, v4;
	v19 =	vmin.u32 v21, $0x3FF7;
	v23 =	vadd.s32 v18, v23;
	(xrf0) =	vadd.scan.msk.s32 vm0, v0;
	v17, _, _ =	vpop (xrf0)  }
0x4d2: {  	v8 =	vmovc v25;
	v21 =	vmpcnt.ones.xlane vm3;
	v17 =	vadd.s32 v23, v17;
	v20 =	vadd.s32 v23, v24;
	(xrf0) =	vadd.scan.msk.s32 vm9, v0  }
0x4d3: {  	v17 =	vmin.u32 v17, $0x3FF7;
	v22 =	vadd.s32 v20, v22;
	(xrf0) =	vadd.scan.msk.s32 vm3, v0;
	[tilespmem:v15+s20+$0x0] =	vst.idx.msk vm4, v3;
	v3 =	vmovc v13  }
0x4d4: {  	vm4 =	vmmov vm8;
	v23 =	vadd.s32 v22, v26;
	v24 =	vmax.f32 v16, v3;
	v15, _, _ =	vpop (xrf0)  }
0x4d5: {  	vm5 =	vmmov vm9;
	v25 =	vadd.s32 v23, v21;
	v26 =	vmax.f32 v24, v7;
	v13, _, _ =	vpop (xrf0)  }
0x4d6: {  	v27 =	vmpcnt.ones.xlane vm5;
	v15 =	vadd.s32 v20, v15;
	[tilespmem:v19+s20+$0x0] =	vst.idx.msk vm6, v11;
	v11 =	vld [tilespmem:s29+$0xFFFFFFD0];
	v18 =	vadd.s32 v18, v13;
	v21, _, _ =	vpop (xrf0)  }
.Ltmp70:
0x4d7: {  	v20 =	vmin.u32 v15, $0x3FF7;
	v24 =	vmax.f32 v26, v8;
	v13 =	vld [tilespmem:s29+$0x10];
	v15 =	vadd.s32 v22, v21;
	v16, _, _ =	vpop (xrf0);
	(pc) =	sbr.rel @p0 .LBB2_112-.Ltmp70, $4  }
0x4d8: {  	v22 =	vmin.u32 v18, $0x3FF7;
	v21 =	vadd.s32 v14, v16;
	[tilespmem:v17+s20+$0x0] =	vst.idx.msk vm7, v12;
	v12 =	vld [tilespmem:s29+$0xFFFFFFF0];
	v14 =	vadd.s32 v25, v27;
	v17, _, _ =	vpop (xrf0)  }
0x4d9: {  	v15 =	vmin.u32 v15, $0x3FF7;
	v16 =	vld [tilespmem:s29+$0xFFFFFFE0];
	v21 =	vmin.u32 v21, $0x3FF7;
	v18 =	vadd.s32 v25, v17;
	v19, _, _ =	vpop (xrf0)  }
0x4da: {  	v17 =	vld [tilespmem:s29+$0xFFFFFFC0];
	v23 =	vadd.s32 v23, v19;
	v19 =	vmin.u32 v18, $0x3FF7  }
0x4db: {  	s29 =	sadd.s32 $0x80, s29;
	vm6 =	vgt.f32 v11, v10;
	v18 =	vld [tilespmem:s26+$0x20];
	v23 =	vmin.u32 v23, $0x3FF7  }
0x4dc: {  	_ = 	snop  }
0x4dd: {  	v26 =	vmpcnt.ones.xlane vm6  }
0x4de: {  	vm8 =	vgt.f32 v9, v10;
	vm11 =	vgt.f32 v13, v10;
	vm7 =	vgt.f32 v12, v10  }
0x4df: {  	(xrf0) =	vadd.scan.msk.s32 vm6, v0;
	v25 =	vld [tilespmem:s26+$0x30];
	v30 =	vmpcnt.ones.xlane vm8;
	v24 =	vmax.f32 v24, v17;
	vm10 =	vgt.f32 v17, v10  }
0x4e0: {  	v32 =	vmpcnt.ones.xlane vm11;
	(xrf0) =	vadd.scan.msk.s32 vm7, v0;
	v24 =	vmax.f32 v24, v11;
	v27 =	vmpcnt.ones.xlane vm10  }
0x4e1: {  	vm9 =	vgt.f32 v16, v10;
	v28 =	vmpcnt.ones.xlane vm7;
	(xrf0) =	vadd.scan.msk.s32 vm8, v0;
	v24 =	vmax.f32 v24, v16  }
0x4e2: {  	v29 =	vmpcnt.ones.xlane vm9;
	(xrf0) =	vadd.scan.msk.s32 vm9, v0;
	v24 =	vmax.f32 v24, v12;
	v27 =	vadd.s32 v14, v27  }
0x4e3: {  	vm12 =	vgt.f32 v18, v10;
	(xrf0) =	vadd.scan.msk.s32 vm11, v0;
	v24 =	vmax.f32 v24, v9;
	v26 =	vadd.s32 v27, v26  }
0x4e4: {  	vm13 =	vgt.f32 v25, v10;
	(xrf0) =	vadd.scan.msk.s32 vm10, v0;
	v24 =	vmax.f32 v24, v13;
	v29 =	vadd.s32 v26, v29  }
0x4e5: {  	v59 =	vmpcnt.ones.xlane vm12;
	v58, _, _ =	vpop (xrf0);
	(xrf0) =	vadd.scan.msk.s32 vm13, v0;
	v24 =	vmax.f32 v24, v18;
	v28 =	vadd.s32 v29, v28  }
0x4e6: {  	vm13 =	vmmov vm13;
	v31, _, _ =	vpop (xrf0);
	(xrf0) =	vadd.scan.msk.s32 vm12, v0;
	v24 =	vmax.f32 v24, v25;
	v30 =	vadd.s32 v28, v30  }
0x4e7: {  	v35 =	vmpcnt.ones.xlane vm13;
	v33, _, _ =	vpop (xrf0);
	(xrf0) =	vmax.scan.msk.f32 $0xffff, v24;
	v32 =	vadd.s32 v30, v32  }
0x4e8: {  	v34, _, _ =	vpop (xrf0);
	v24 =	vadd.s32 v32, v59  }
0x4e9: {  	v36, _, _ =	vpop (xrf0);
	v35 =	vadd.s32 v24, v35  }
0x4ea: {  	v37, _, _ =	vpop (xrf0);
	(v2sf) =	vpush v35, $0x0  }
0x4eb: {  	v38, _, _ =	vpop (xrf0)  }
0x4ec: {  	v39, _, _ =	vpop (xrf0)  }
0x4ed: {  	v60, _, _ =	vpop (xrf0)  }
0x4ee: {  	(v2sf) =	vpush v60, $0xF;
	_ =	sdelay $0x1  }
0x4ef: {  	[tilespmem:v20+s20+$0x0] =	vst.idx.msk vm2, v4;
	v4 =	vadd.s32 v27, v58  }
0x4f0: {  	v4 =	vmin.u32 v4, $0x3FF7  }
0x4f1: {  	[tilespmem:v22+s20+$0x0] =	vst.idx.msk vm1, v6;
	v6 =	vadd.s32 v29, v31  }
0x4f2: {  	[tilespmem:v21+s20+$0x0] =	vst.idx.msk vm0, v5;
	v5 =	vadd.s32 v28, v33;
	v6 =	vmin.u32 v6, $0x3FF7  }
0x4f3: {  	[tilespmem:v23+s20+$0x0] =	vst.idx.msk vm3, v7;
	v7 =	vadd.s32 v26, v34;
	v5 =	vmin.u32 v5, $0x3FF7  }
0x4f4: {  	[tilespmem:v15+s20+$0x0] =	vst.idx.msk vm4, v3;
	v7 =	vmin.u32 v7, $0x3FF7;
	v61 =	vadd.s32 v14, v37  }
0x4f5: {  	[tilespmem:v4+s20+$0x0] =	vst.idx.msk vm6, v11;
	v3 =	vmin.u32 v61, $0x3FF7;
	v4 =	vadd.s32 v24, v38  }
0x4f6: {  	[tilespmem:v19+s20+$0x0] =	vst.idx.msk vm5, v8;
	v63 =	vadd.s32 v30, v36;
	v4 =	vmin.u32 v4, $0x3FF7  }
0x4f7: {  	v62 =	vadd.s32 v32, v39;
	[tilespmem:v6+s20+$0x0] =	vst.idx.msk vm7, v12;
	v6 =	vmin.u32 v63, $0x3FF7  }
0x4f8: {  	v8 =	vmin.u32 v62, $0x3FF7;
	[tilespmem:v5+s20+$0x0] =	vst.idx.msk vm8, v9;
	s28 =	spop (v2sf)  }
0x4f9: {  	[tilespmem:v7+s20+$0x0] =	vst.idx.msk vm9, v16;
	s0 =	sadd.s32 $0x1, s28  }
0x4fa: {  	[tilespmem:v3+s20+$0x0] =	vst.idx.msk vm10, v17;
	p1 =	sgt.s32 s0, $0x3FE8  }
.Ltmp71:
0x4fb: {  	[tilespmem:v4+s20+$0x0] =	vst.idx.msk vm13, v25;
	(pc) =	sbr.rel @p1 .LBB2_135-.Ltmp71, $4  }
0x4fc: {  	[tilespmem:v6+s20+$0x0] =	vst.idx.msk vm11, v13;
	p0 =	slt.s32 s0, $0x3FE8;
	s1 =	spop (v2sf)  }
0x4fd: {  	[tilespmem:v8+s20+$0x0] =	vst.idx.msk vm12, v18;
	s0 =	simm.s32 @!p0 $0x3FE8;
	s1 =	sadd.f32 $-1.000000000e+00, s1  }
0x4fe: {  	_ =	strace $0x9000005B;
	[tilespmem:s0+$0x18000] =	vst v1  }
0x4ff: {  	s26 =	simm.s32 $0x0;
	vm15 =	vmmov vm11;
	v4 =	vbroadcast v60, $0xF;
	_ =	strace $0x8000005C;
	v3 =	vmov s1  }
0x500: {  	s0 =	sadd.s32 $0x10, s28  }
.Ltmp72:
0x501: {  	s1 =	sshra.s32 s0, $0x4;
	s0 =	sshrl.u32 s0, $0x1F;
	(pc) =	sbr.rel .LBB2_115-.Ltmp72, $4  }
0x502: {  	s0 =	sadd.s32 s0, s1  }
0x503: {  	s26 =	sand.u32 $0xFFFFFFFE, s0  }
0x504: {  	s29 =	simm.s32 $0x0;
	s0 =	sshll.u32 s0, $0x6;
	s1 =	ssub.s32 s1, s26  }
0x505: {  	s28 =	sand.u32 $0xFFFFFF80, s0;
	p1 =	slt.s32 s26, $0x1;
	p0 =	slt.s32 s1, $0x1  }
.LBB2_135:
0x506: {  	_ = 	snop  }
0x507: {  	s0 =	simm.s32 $0x8020;
	v6 =	vsub.f32 v4, v3  }
0x508: {  	v8 =	vld [tilespmem:s0+$0xFFFFFFE0]  }
0x509: {  	v12 =	vld [tilespmem:s0+$0x10];
	v5 =	vmul.f32 $7.500000000e-01, v6;
	v7 =	vmul.f32 $2.500000000e-01, v6  }
0x50a: {  	v10 =	vld [tilespmem:s0+$0xFFFFFFF0];
	v9 =	vmul.f32 $5.000000000e-01, v6  }
0x50b: {  	s31 =	simm.s32 $0x8060;
	v11 =	vld [tilespmem:s0+$0x0];
	v5 =	vadd.f32 v5, v3;
	v6 =	vadd.f32 v7, v3  }
0x50c: {  	v18 =	vld [tilespmem:s31+$0xFFFFFFE0];
	v7 =	vadd.f32 v9, v3  }
0x50d: {  	v13 =	vsub.f32 v8, v5;
	v14 =	vsub.f32 v8, v6  }
0x50e: {  	v15 =	vsub.f32 v8, v7;
	v19 =	vsub.f32 v12, v5  }
0x50f: {  	v16 =	vimm.f32 $0.0e+00;
	v20 =	vsub.f32 v10, v7;
	v21 =	vsub.f32 v10, v6  }
0x510: {  	v23 =	vsub.f32 v11, v7;
	v9 =	vmax.f32 v13, $0.0e+00;
	v13 =	vsub.f32 v10, v5  }
0x511: {  	v25 =	vsub.f32 v18, v5;
	v17 =	vmax.f32 v14, $0.0e+00;
	v9 =	vadd.f32 v9, v16  }
0x512: {  	v14 =	vsub.f32 v12, v7;
	v8 =	vmax.f32 v13, $0.0e+00;
	v13 =	vsub.f32 v11, v5  }
0x513: {  	v10 =	vsub.f32 v12, v6;
	v12 =	vld [tilespmem:s31+$0xFFFFFFF0];
	v8 =	vadd.f32 v8, v9  }
0x514: {  	v9 =	vmax.f32 v14, $0.0e+00;
	v14 =	vsub.f32 v11, v6;
	v11 =	vld [tilespmem:s31+$0x0];
	v13 =	vmax.f32 v13, $0.0e+00  }
0x515: {  	v19 =	vmax.f32 v19, $0.0e+00;
	v22 =	vadd.f32 v17, v16;
	v13 =	vadd.f32 v13, v8;
	v8 =	vld [tilespmem:s31+$0x10]  }
0x516: {  	v24 =	vmax.f32 v15, $0.0e+00;
	v21 =	vmax.f32 v21, $0.0e+00;
	v15 =	vsub.f32 v18, v7  }
0x517: {  	v17 =	vmax.f32 v20, $0.0e+00;
	v22 =	vadd.f32 v21, v22;
	v21 =	vadd.f32 v24, v16  }
0x518: {  	v20 =	vmax.f32 v23, $0.0e+00;
	v19 =	vadd.f32 v19, v13;
	v13 =	vsub.f32 v18, v6  }
0x519: {  	v18 =	vmax.f32 v25, $0.0e+00;
	v25 =	vsub.f32 v12, v5;
	v24 =	vsub.f32 v11, v5  }
0x51a: {  	v14 =	vmax.f32 v14, $0.0e+00;
	v16 =	vadd.f32 v18, v19;
	v26 =	vsub.f32 v8, v7  }
0x51b: {  	v13 =	vmax.f32 v13, $0.0e+00;
	v23 =	vmax.f32 v25, $0.0e+00;
	v18 =	vsub.f32 v12, v7  }
0x51c: {  	s28 =	simm.s32 $0x4;
	s29 =	simm.s32 $0x80A0;
	v19 =	vsub.f32 v8, v5;
	v23 =	vadd.f32 v23, v16;
	v16 =	vmax.f32 v26, $0.0e+00  }
.LBB2_136:
0x51d: {  	v25 =	vld [tilespmem:s29+$0xFFFFFFE0];
	s28 =	sadd.s32 $0x4, s28;
	v26 =	vsub.f32 v11, v6;
	v24 =	vmax.f32 v24, $0.0e+00;
	v22 =	vadd.f32 v14, v22  }
0x51e: {  	v28 =	vsub.f32 v12, v6;
	v27 =	vld [tilespmem:s29+$0x0];
	p0 =	slt.u32 s28, $0x7FC;
	v23 =	vadd.f32 v24, v23;
	v24 =	vmax.f32 v10, $0.0e+00  }
0x51f: {  	v19 =	vmax.f32 v19, $0.0e+00;
	v17 =	vadd.f32 v17, v21;
	v10 =	vsub.f32 v8, v6;
	v8 =	vld [tilespmem:s29+$0x10]  }
0x520: {  	v14 =	vmax.f32 v26, $0.0e+00;
	v21 =	vadd.f32 v24, v22;
	v12 =	vld [tilespmem:s29+$0xFFFFFFF0];
	v19 =	vadd.f32 v19, v23  }
0x521: {  	v24 =	vsub.f32 v11, v7;
	v22 =	vadd.f32 v20, v17;
	v23 =	vmax.f32 v15, $0.0e+00  }
0x522: {  	v20 =	vadd.f32 v13, v21;
	v21 =	vmax.f32 v28, $0.0e+00;
	v15 =	vsub.f32 v25, v6  }
0x523: {  	v17 =	vmax.f32 v18, $0.0e+00;
	v18 =	vadd.f32 v9, v22;
	v9 =	vmovc v16;
	v26 =	vsub.f32 v25, v5;
	v11 =	vmovc v27  }
.Ltmp73:
0x524: {  	v22 =	vadd.f32 v21, v20;
	v13 =	vmax.f32 v15, $0.0e+00;
	v15 =	vsub.f32 v25, v7;
	(pc) =	sbr.rel @p0 .LBB2_136-.Ltmp73, $4  }
0x525: {  	v21 =	vadd.f32 v23, v18;
	v16 =	vmax.f32 v26, $0.0e+00;
	v25 =	vsub.f32 v12, v5  }
0x526: {  	v20 =	vmax.f32 v24, $0.0e+00;
	v26 =	vsub.f32 v8, v7;
	v16 =	vadd.f32 v16, v19  }
0x527: {  	v24 =	vsub.f32 v11, v5;
	v19 =	vsub.f32 v8, v5;
	v23 =	vmax.f32 v25, $0.0e+00  }
0x528: {  	s29 =	sadd.s32 $0x40, s29;
	v18 =	vsub.f32 v12, v7;
	v23 =	vadd.f32 v23, v16;
	v16 =	vmax.f32 v26, $0.0e+00  }
0x529: {  	v17 =	vadd.f32 v17, v21  }
0x52a: {  	v14 =	vadd.f32 v14, v22  }
0x52b: {  	v10 =	vmax.f32 v10, $0.0e+00;
	v17 =	vadd.f32 v20, v17  }
0x52c: {  	v10 =	vadd.f32 v10, v14  }
0x52d: {  	v12 =	vsub.f32 v12, v6;
	v9 =	vadd.f32 v9, v17  }
0x52e: {  	v55 =	vmax.f32 v15, $0.0e+00;
	v10 =	vadd.f32 v13, v10  }
0x52f: {  	v56 =	vsub.f32 v11, v6;
	v12 =	vmax.f32 v12, $0.0e+00;
	v9 =	vadd.f32 v55, v9  }
0x530: {  	v57 =	vsub.f32 v11, v7;
	v58 =	vmax.f32 v18, $0.0e+00;
	v10 =	vadd.f32 v12, v10  }
0x531: {  	v8 =	vsub.f32 v8, v6;
	v59 =	vmax.f32 v56, $0.0e+00;
	v9 =	vadd.f32 v58, v9  }
0x532: {  	v11 =	vmax.f32 v57, $0.0e+00;
	v10 =	vadd.f32 v59, v10  }
0x533: {  	v60 =	vmax.f32 v24, $0.0e+00;
	v8 =	vmax.f32 v8, $0.0e+00;
	v9 =	vadd.f32 v11, v9  }
0x534: {  	v61 =	vadd.f32 v60, v23;
	v8 =	vadd.f32 v8, v10  }
0x535: {  	v62 =	vmax.f32 v19, $0.0e+00;
	v9 =	vadd.f32 v16, v9  }
0x536: {  	v10 =	vadd.f32 v62, v61;
	(xrf2) =	vadd.scan.msk.f32 $0xffff, v8  }
0x537: {  	(xrf2) =	vadd.scan.msk.f32 $0xffff, v9  }
0x538: {  	(xrf2) =	vadd.scan.msk.f32 $0xffff, v10;
	_ =	sdelay $0x7  }
0x539: {  	v8, _, _ =	vpop (xrf2)  }
0x53a: {  	(v2sf) =	vpush v8, $0xF;
	v9, _, _ =	vpop (xrf2)  }
0x53b: {  	(v2sf) =	vpush v9, $0xF;
	v63, _, _ =	vpop (xrf2)  }
0x53c: {  	(v2sf) =	vpush v63, $0xF;
	_ =	sdelay $0xc  }
0x53d: {  	s0 =	spop (v2sf)  }
0x53e: {  	s1 =	spop (v2sf)  }
0x53f: {  	s28 =	spop (v2sf)  }
0x540: {  	p0 =	sge.f32 s0, $1.000000000e+00;
	p1 =	sge.f32 s28, $1.000000000e+00  }
0x541: {  	p2 =	sge.f32 s1, $1.000000000e+00  }
0x542: {  	s26 =	sadd.s32 $0x1, s26;
	v3 =	vpsel p0, v6, v3;
	v4 =	vpsel p1, v4, v5  }
0x543: {  	v3 =	vpsel p2, v7, v3;
	v4 =	vpsel p2, v4, v7;
	p2 =	sne.s32 s26, $0xC  }
.Ltmp74:
0x544: {  	_ = 	snop;
	(pc) =	sbr.rel @p2 .LBB2_135-.Ltmp74, $2  }
0x545: {  	_ =	sdelay $0x2  }
0x546: {  	v3 =	vpsel p1, v5, v3;
	v4 =	vpsel p0, v4, v6  }
0x547: {  	s0 =	simm.s32 $0x0  }
0x548: {  	v6 =	vld [tilespmem:s0+$0x8000]  }
0x549: {  	v4 =	vimm.f32 $0.0e+00;
	s26 =	simm.s32 $0x40;
	v5 =	vimm.f32 $0.0e+00  }
.LBB2_139:
0x54a: {  	p0 =	sne.s32 s26, $0x1FFC0  }
.Ltmp75:
0x54b: {  	_ = 	snop;
	(pc) =	sbr.rel @p0 .LBB2_139-.Ltmp75, $4  }
0x54c: {  	_ = 	snop  }
0x54d: {  	s0 =	sshra.s32 s26, $0x2;
	s26 =	sadd.s32 $0x40, s26;
	vm0 =	vgt.f32 v6, v3  }
0x54e: {  	v7 =	vsel vm0, $0x3F800000, v2;
	v8 =	vnsel vm0, $0x0, v6;
	v6 =	vld [tilespmem:s0+$0x8000]  }
0x54f: {  	v4 =	vadd.f32 v7, v4;
	v5 =	vadd.f32 v8, v5  }
0x550: {  	_ = 	snop  }
.Ltmp76:
0x551: {  	_ = 	snop;
	(pc) =	sbr.rel .LBB2_141-.Ltmp76, $4  }
0x552: {  	_ = 	snop  }
0x553: {  	vm0 =	vgt.f32 v6, v3  }
0x554: {  	v3 =	vsel vm0, $0x3F800000, v2;
	v6 =	vnsel vm0, $0x0, v6  }
0x555: {  	v3 =	vadd.f32 v3, v4;
	v4 =	vadd.f32 v6, v5  }
.LBB2_116:
0x556: {  	v9 =	vimm.f32 $0.0e+00;
	v10 =	vimm.f32 $0.0e+00;
	v8 =	vimm.f32 $0.0e+00  }
.LBB2_117:
0x557: {  	s30 =	sshra.s32 @!p0 s28, $0x2  }
0x558: {  	v11 =	vld @!p0 [tilespmem:s30+$0x18000];
	_ =	sdelay $0x4  }
0x559: {  	v12 =	vsub.f32 @!p0 v11, v6  }
0x55a: {  	v13 =	vsub.f32 @!p0 v11, v7;
	v11 =	vsub.f32 @!p0 v11, v5;
	_ =	sdelay $0x1  }
0x55b: {  	v11 =	vmax.f32 @!p0 v11, $0.0e+00  }
0x55c: {  	v13 =	vmax.f32 @!p0 v13, $0.0e+00;
	v11 =	vadd.f32 @!p0 v11, v9  }
0x55d: {  	v12 =	vmax.f32 @!p0 v12, $0.0e+00;
	v13 =	vadd.f32 @!p0 v13, v10  }
0x55e: {  	v12 =	vadd.f32 @!p0 v12, v8;
	v9 =	vpsel p0, v9, v11  }
0x55f: {  	v10 =	vpsel p0, v10, v13;
	(xrf2) =	vadd.scan.msk.f32 $0xffff, v9  }
0x560: {  	v8 =	vpsel p0, v8, v12;
	(xrf2) =	vadd.scan.msk.f32 $0xffff, v10  }
0x561: {  	(xrf2) =	vadd.scan.msk.f32 $0xffff, v8;
	_ =	sdelay $0x7  }
0x562: {  	v61, _, _ =	vpop (xrf2)  }
0x563: {  	v62, _, _ =	vpop (xrf2);
	(v2sf) =	vpush v61, $0xF  }
0x564: {  	(v2sf) =	vpush v62, $0xF;
	v63, _, _ =	vpop (xrf2)  }
0x565: {  	(v2sf) =	vpush v63, $0xF;
	_ =	sdelay $0xc  }
0x566: {  	s0 =	spop (v2sf)  }
0x567: {  	s1 =	spop (v2sf)  }
0x568: {  	s31 =	spop (v2sf)  }
0x569: {  	p2 =	sge.f32 s0, $1.000000000e+00;
	p3 =	sge.f32 s31, $1.000000000e+00  }
0x56a: {  	p4 =	sge.f32 s1, $1.000000000e+00  }
0x56b: {  	s29 =	sadd.s32 $0x1, s29;
	v3 =	vpsel p2, v5, v3;
	v4 =	vpsel p3, v4, v6  }
0x56c: {  	v3 =	vpsel p4, v7, v3;
	v4 =	vpsel p4, v4, v7;
	p4 =	sne.s32 s29, $0xC  }
.Ltmp77:
0x56d: {  	_ = 	snop;
	(pc) =	sbr.rel @!p4 .LBB2_118-.Ltmp77, $2  }
0x56e: {  	_ =	sdelay $0x2  }
0x56f: {  	v3 =	vpsel p3, v6, v3;
	v4 =	vpsel p2, v4, v5  }
.LBB2_115:
0x570: {  	v5 =	vsub.f32 v4, v3  }
.Ltmp78:
0x571: {  	_ = 	snop;
	(pc) =	sbr.rel @p1 .LBB2_116-.Ltmp78, $4  }
0x572: {  	v6 =	vmul.f32 $2.500000000e-01, v5  }
0x573: {  	v7 =	vmul.f32 $5.000000000e-01, v5;
	v8 =	vmul.f32 $7.500000000e-01, v5  }
0x574: {  	v5 =	vadd.f32 v6, v3  }
0x575: {  	v7 =	vadd.f32 v7, v3;
	v6 =	vadd.f32 v8, v3  }
0x576: {  	s30 =	simm.s32 $0x18010  }
0x577: {  	p3 =	sgt.s32 s26, $0x2;
	v20 =	vld [tilespmem:s30+$0xFFFFFFF0]  }
.Ltmp79:
0x578: {  	_ = 	snop;
	(pc) =	sbr.rel @!p3 .LBB2_122-.Ltmp79, $2  }
0x579: {  	_ =	sdelay $0x2  }
0x57a: {  	v8 =	vimm.f32 $0.0e+00;
	s31 =	simm.s32 $0x18030;
	p2 =	por $0x0, $0x0;
	v16 =	vld [tilespmem:s30+$0x0];
	v12 =	vsub.f32 v20, v5  }
0x57b: {  	_ =	sdelay $0x1  }
0x57c: {  	v18 =	vld [tilespmem:s31+$0xFFFFFFF0];
	v9 =	vsub.f32 v20, v6  }
0x57d: {  	p3 =	sgt.s32 s26, $0x4  }
.Ltmp80:
0x57e: {  	v11 =	vsub.f32 v20, v7;
	v13 =	vmax.f32 v9, $0.0e+00;
	v9 =	vsub.f32 v16, v7;
	(pc) =	sbr.rel @!p3 .LBB2_124-.Ltmp80, $4  }
0x57f: {  	v17 =	vsub.f32 v16, v5;
	v15 =	vsub.f32 v16, v6;
	v16 =	vld [tilespmem:s31+$0x0]  }
0x580: {  	v19 =	vimm.f32 $0.0e+00;
	v10 =	vmax.f32 v12, $0.0e+00  }
0x581: {  	v11 =	vmax.f32 v11, $0.0e+00;
	v14 =	vadd.f32 v13, v8;
	v12 =	vsub.f32 v18, v5  }
0x582: {  	s30 =	simm.s32 $0x4;
	p2 =	por $0x1, $0x1;
	s31 =	simm.s32 $0x18050;
	v9 =	vmax.f32 v9, $0.0e+00;
	v13 =	vmax.f32 v17, $0.0e+00;
	v17 =	vimm.f32 $0.0e+00  }
.LBB2_125:
0x583: {  	s30 =	sadd.s32 $0x2, s30  }
0x584: {  	v20 =	vld [tilespmem:s31+$0xFFFFFFF0];
	v21 =	vsub.f32 v18, v6;
	v19 =	vadd.f32 v10, v19;
	v15 =	vmax.f32 v15, $0.0e+00;
	v22 =	vmovc v16;
	p3 =	slt.s32 s30, s26  }
.Ltmp81:
0x585: {  	v17 =	vadd.f32 v11, v17;
	v16 =	vld [tilespmem:s31+$0x0];
	v10 =	vmax.f32 v12, $0.0e+00;
	v12 =	vsub.f32 v18, v7;
	(pc) =	sbr.rel @p3 .LBB2_125-.Ltmp81, $4  }
0x586: {  	v14 =	vadd.f32 v15, v14;
	v18 =	vmax.f32 v21, $0.0e+00;
	v21 =	vsub.f32 v22, v7  }
0x587: {  	v23 =	vsub.f32 v22, v5;
	v15 =	vsub.f32 v22, v6;
	v11 =	vmax.f32 v12, $0.0e+00  }
0x588: {  	v19 =	vadd.f32 v13, v19;
	v17 =	vadd.f32 v9, v17;
	v9 =	vmax.f32 v21, $0.0e+00  }
0x589: {  	s31 =	sadd.s32 $0x20, s31;
	v14 =	vadd.f32 v18, v14;
	v13 =	vmax.f32 v23, $0.0e+00;
	v12 =	vsub.f32 v20, v5;
	v18 =	vmovc v20  }
0x58a: {  	v20 =	vmov v18  }
.LBB2_127:
0x58b: {  	v18 =	vsub.f32 v20, v6  }
0x58c: {  	v10 =	vadd.f32 @p2 v10, v19;
	v57 =	vsub.f32 v20, v7  }
0x58d: {  	v15 =	vmax.f32 @p2 v15, $0.0e+00;
	v11 =	vadd.f32 @p2 v11, v17;
	v59 =	vsub.f32 v16, v7  }
0x58e: {  	v12 =	vmax.f32 v12, $0.0e+00;
	v61 =	vsub.f32 v16, v6;
	v14 =	vadd.f32 @p2 v15, v14  }
0x58f: {  	v58 =	vmax.f32 v18, $0.0e+00;
	v10 =	vadd.f32 @p2 v13, v10;
	v9 =	vadd.f32 @p2 v9, v11  }
.Ltmp82:
0x590: {  	v60 =	vmax.f32 v57, $0.0e+00;
	v11 =	vsub.f32 v16, v5;
	v14 =	vpsel p2, v14, v8;
	(pc) =	sbr.rel .LBB2_117-.Ltmp82, $4  }
0x591: {  	v14 =	vadd.f32 v58, v14;
	v10 =	vpsel p2, v10, v8;
	v8 =	vpsel p2, v9, v8  }
0x592: {  	v9 =	vadd.f32 v12, v10;
	v10 =	vmax.f32 v61, $0.0e+00;
	v62 =	vadd.f32 v60, v8  }
0x593: {  	v63 =	vmax.f32 v59, $0.0e+00;
	v11 =	vmax.f32 v11, $0.0e+00;
	v8 =	vadd.f32 v10, v14  }
0x594: {  	v9 =	vadd.f32 v11, v9;
	v10 =	vadd.f32 v63, v62  }
.LBB2_122:
.Ltmp83:
0x595: {  	(pc) =	sbr.rel .LBB2_127-.Ltmp83, $2  }
0x596: {  	_ =	sdelay $0x2  }
0x597: {  	v19 =	vimm.f32 $0.0e+00;
	v17 =	vimm.f32 $0.0e+00  }
.LBB2_124:
.Ltmp84:
0x598: {  	(pc) =	sbr.rel .LBB2_127-.Ltmp84, $2  }
0x599: {  	_ =	sdelay $0x2  }
0x59a: {  	v20 =	vmov v18;
	v19 =	vimm.f32 $0.0e+00;
	v17 =	vimm.f32 $0.0e+00  }
.LBB2_118:
.Ltmp85:
0x59b: {  	(pc) =	sbr.rel @p1 .LBB2_119-.Ltmp85, $2  }
0x59c: {  	_ =	sdelay $0x2  }
0x59d: {  	v4 =	vimm.f32 $0.0e+00  }
0x59e: {  	p2 =	sgt.s32 s26, $0x2  }
.Ltmp86:
0x59f: {  	_ = 	snop;
	(pc) =	sbr.rel @!p2 .LBB2_129-.Ltmp86, $4  }
0x5a0: {  	_ = 	snop  }
0x5a1: {  	s28 =	simm.s32 $0x18010  }
0x5a2: {  	v10 =	vld [tilespmem:s28+$0xFFFFFFF0]  }
0x5a3: {  	p1 =	por $0x0, $0x0;
	v5 =	vld [tilespmem:s28+$0x0]  }
0x5a4: {  	_ = 	snop  }
0x5a5: {  	p2 =	sgt.s32 s26, $0x4  }
.Ltmp87:
0x5a6: {  	_ = 	snop;
	(pc) =	sbr.rel @!p2 .LBB2_131-.Ltmp87, $4  }
0x5a7: {  	vm0 =	vgt.f32 v10, v3  }
0x5a8: {  	s28 =	simm.s32 $0x18030;
	v7 =	vsel vm0, $0x3F800000, v2  }
0x5a9: {  	v6 =	vld [tilespmem:s28+$0xFFFFFFF0];
	v8 =	vnsel vm0, $0x0, v10;
	vm15 =	vgt.f32 v5, v3;
	v7 =	vadd.f32 v7, v4  }
0x5aa: {  	s29 =	simm.s32 $0x4;
	p1 =	por $0x1, $0x1;
	v9 =	vadd.f32 v8, v4;
	v8 =	vld [tilespmem:s28+$0x0];
	v11 =	vsel vm15, $0x3F800000, v2;
	v12 =	vnsel vm15, $0x0, v5  }
.LBB2_132:
0x5ab: {  	s29 =	sadd.s32 $0x2, s29  }
0x5ac: {  	v5 =	vadd.f32 v11, v7;
	v9 =	vadd.f32 v12, v9;
	p2 =	slt.s32 s29, s26  }
.Ltmp88:
0x5ad: {  	(pc) =	sbr.rel @p2 .LBB2_132-.Ltmp88, $4  }
0x5ae: {  	s28 =	sadd.s32 $0x20, s28;
	vm0 =	vgt.f32 v6, v3  }
0x5af: {  	v7 =	vsel vm0, $0x3F800000, v2;
	v10 =	vnsel vm0, $0x0, v6;
	v6 =	vld [tilespmem:s28+$0xFFFFFFF0]  }
0x5b0: {  	v7 =	vadd.f32 v7, v5;
	v9 =	vadd.f32 v10, v9;
	vm0 =	vgt.f32 v8, v3  }
0x5b1: {  	v11 =	vsel vm0, $0x3F800000, v2;
	v12 =	vnsel vm0, $0x0, v8;
	v8 =	vld [tilespmem:s28+$0x0]  }
0x5b2: {  	_ =	sdelay $0x3  }
0x5b3: {  	v10 =	vmov v6;
	v5 =	vmov v8  }
.LBB2_134:
0x5b4: {  	v6 =	vadd.f32 @p1 v11, v7;
	v7 =	vadd.f32 @p1 v12, v9;
	vm0 =	vgt.f32 v10, v3  }
.Ltmp89:
0x5b5: {  	v8 =	vsel vm0, $0x3F800000, v2;
	(pc) =	sbr.rel .LBB2_120-.Ltmp89, $4  }
0x5b6: {  	v63 =	vnsel vm0, $0x0, v10;
	v6 =	vpsel p1, v6, v4;
	v4 =	vpsel p1, v7, v4  }
0x5b7: {  	vm15 =	vgt.f32 v5, v3;
	v6 =	vadd.f32 v8, v6;
	v7 =	vadd.f32 v63, v4  }
0x5b8: {  	v5 =	vnsel vm15, $0x0, v5;
	v4 =	vsel vm15, $0x3F800000, v2  }
0x5b9: {  	v4 =	vadd.f32 v4, v6;
	v5 =	vadd.f32 v5, v7  }
.LBB2_119:
0x5ba: {  	v5 =	vimm.f32 $0.0e+00  }
.LBB2_120:
0x5bb: {  	v6 =	vld @!p0 [tilespmem:s30+$0x18000];
	_ =	sdelay $0x4  }
0x5bc: {  	vm0 =	vgt.f32 @!p0 v6, v3;
	v3 =	vimm.f32 @!p0 $0.0e+00  }
0x5bd: {  	v6 =	vnsel @!p0 vm0, $0x0, v6;
	v3 =	vsel @!p0 vm0, $0x3F800000, v3  }
0x5be: {  	v6 =	vadd.f32 @!p0 v6, v5;
	v3 =	vadd.f32 @!p0 v3, v4;
	_ =	sdelay $0x1  }
0x5bf: {  	v3 =	vpsel p0, v4, v3;
	v4 =	vpsel p0, v5, v6  }
.LBB2_141:
0x5c0: {  	_ = 	snop  }
0x5c1: {  	(xrf2) =	vadd.scan.msk.f32 $0xffff, v3;
	_ =	sdelay $0x9  }
0x5c2: {  	v3, _, _ =	vpop (xrf2)  }
0x5c3: {  	(xrf2) =	vadd.scan.msk.f32 $0xffff, v4;
	v3 =	vbroadcast v3, $0xF;
	_ =	sdelay $0x1  }
0x5c4: {  	(erf) = vrcp.f32 v3;
	_ =	sdelay $0x7  }
0x5c5: {  	v3, _, _ =	vpop (xrf2)  }
0x5c6: {  	v4 =	vpop (erf)  }
0x5c7: {  	_ =	strace $0x9000005C  }
0x5c8: {  	_ =	strace $0x8000005D  }
0x5c9: {  	_ =	swait.ge [sflag:s24], $0x4000  }
0x5ca: {  	[sflag:s24] =	ssyncset.done $0x0  }
0x5cb: {  	[sflag:s24] =	ssyncadd.s32 $0xFFFFC000  }
0x5cc: {  	_ =	swait.ge [sflag:s24], $0x4000  }
0x5cd: {  	[sflag:s24] =	ssyncset.done $0x0  }
0x5ce: {  	[sflag:s24] =	ssyncadd.s32 $0xFFFFC000  }
0x5cf: {  	_ =	strace $0x9000005D  }
0x5d0: {  	s0 =	simm.s32 $0x8040;
	v3 =	vadd.f32 $-1.000000000e+00, v3;
	_ =	strace $0x8000005E  }
0x5d1: {  	v5 =	vld [tilespmem:s0+$0x30]  }
0x5d2: {  	v3 =	vbroadcast v3, $0xF;
	v7 =	vld [tilespmem:s0+$0xFFFFFFD0]  }
0x5d3: {  	v9 =	vld [tilespmem:s0+$0xFFFFFFE0]  }
0x5d4: {  	v3 =	vmul.f32 v3, v4;
	v8 =	vld [tilespmem:s0+$0xFFFFFFF0]  }
0x5d5: {  	v6 =	vld [tilespmem:s0+$0x0]  }
0x5d6: {  	v4 =	vld [tilespmem:s0+$0x10];
	v11 =	vsub.f32 v5, v3  }
0x5d7: {  	v5 =	vld [tilespmem:s0+$0x20];
	v10 =	vsub.f32 v7, v3  }
0x5d8: {  	s26 =	simm.s32 $0x10040;
	s28 =	simm.s32 $0x0;
	s29 =	simm.s32 $0x80C0;
	v7 =	vld [tilespmem:s0+$0xFFFFFFC0];
	v9 =	vsub.f32 v9, v3;
	v11 =	vmax.f32 v11, $0.0e+00  }
.LBB2_142:
0x5d9: {  	v12 =	vld [tilespmem:s29+$0x30];
	s28 =	sadd.s32 $0x8, s28;
	v10 =	vmax.f32 v10, $0.0e+00;
	v8 =	vsub.f32 v8, v3;
	[tilespmem:s26+$0x30] =	vst v11  }
0x5da: {  	v11 =	vld [tilespmem:s29+$0xFFFFFFD0];
	p0 =	slt.u32 s28, $0x3F8;
	[tilespmem:s26+$0xFFFFFFD0] =	vst v10;
	v9 =	vmax.f32 v9, $0.0e+00;
	v6 =	vsub.f32 v6, v3  }
0x5db: {  	v13 =	vld [tilespmem:s29+$0xFFFFFFE0];
	[tilespmem:s26+$0xFFFFFFE0] =	vst v9;
	v9 =	vmax.f32 v8, $0.0e+00;
	v4 =	vsub.f32 v4, v3  }
.Ltmp90:
0x5dc: {  	v8 =	vld [tilespmem:s29+$0xFFFFFFF0];
	[tilespmem:s26+$0xFFFFFFF0] =	vst v9;
	v9 =	vmax.f32 v6, $0.0e+00;
	v5 =	vsub.f32 v5, v3;
	(pc) =	sbr.rel @p0 .LBB2_142-.Ltmp90, $4  }
0x5dd: {  	v6 =	vld [tilespmem:s29+$0x0];
	v7 =	vsub.f32 v7, v3;
	[tilespmem:s26+$0x0] =	vst v9;
	v9 =	vmax.f32 v4, $0.0e+00  }
0x5de: {  	v4 =	vld [tilespmem:s29+$0x10];
	v12 =	vsub.f32 v12, v3;
	[tilespmem:s26+$0x10] =	vst v9;
	v9 =	vmax.f32 v5, $0.0e+00  }
0x5df: {  	v10 =	vsub.f32 v11, v3;
	v5 =	vld [tilespmem:s29+$0x20];
	v14 =	vmax.f32 v7, $0.0e+00;
	[tilespmem:s26+$0x20] =	vst v9  }
0x5e0: {  	v7 =	vld [tilespmem:s29+$0xFFFFFFC0];
	v9 =	vsub.f32 v13, v3;
	v11 =	vmax.f32 v12, $0.0e+00;
	s29 =	sadd.s32 $0x80, s29;
	[tilespmem:s26+$0xFFFFFFC0] =	vst v14;
	s26 =	sadd.s32 $0x80, s26  }
0x5e1: {  	v10 =	vmax.f32 v10, $0.0e+00;
	v8 =	vsub.f32 v8, v3;
	[tilespmem:s26+$0x30] =	vst v11  }
0x5e2: {  	[tilespmem:s26+$0xFFFFFFD0] =	vst v10;
	v9 =	vmax.f32 v9, $0.0e+00;
	v6 =	vsub.f32 v6, v3  }
0x5e3: {  	[tilespmem:s26+$0xFFFFFFE0] =	vst v9;
	v8 =	vmax.f32 v8, $0.0e+00;
	v4 =	vsub.f32 v4, v3  }
0x5e4: {  	[tilespmem:s26+$0xFFFFFFF0] =	vst v8;
	v6 =	vmax.f32 v6, $0.0e+00;
	v5 =	vsub.f32 v5, v3  }
0x5e5: {  	v7 =	vsub.f32 v7, v3;
	[tilespmem:s26+$0x0] =	vst v6;
	v4 =	vmax.f32 v4, $0.0e+00  }
0x5e6: {  	[tilespmem:s26+$0x10] =	vst v4;
	v4 =	vmax.f32 v5, $0.0e+00  }
0x5e7: {  	v5 =	vmax.f32 v7, $0.0e+00;
	[tilespmem:s26+$0x20] =	vst v4  }
0x5e8: {  	s28 =	simm.s32 $0x0;
	[tilespmem:s26+$0xFFFFFFC0] =	vst v5  }
0x5e9: {  	[hbm4b:s13+s16] =	stream.strided.scatter [tilespmem:s21], [sflag:$0x3], $0x4000, s17, s16, $0x200038;
	[tilespmem:$0x1C000] =	vst v63  }
0x5ea: {  	v4 =	vld [tilespmem:s28+$0xC070]  }
0x5eb: {  	v5 =	vld [tilespmem:s28+$0xC000]  }
0x5ec: {  	v6 =	vld [tilespmem:s28+$0xC010]  }
0x5ed: {  	v7 =	vld [tilespmem:s28+$0xC020]  }
0x5ee: {  	v8 =	vld [tilespmem:s28+$0xC030]  }
0x5ef: {  	v9 =	vld [tilespmem:s28+$0xC040];
	v4 =	vsub.f32 v4, v3  }
0x5f0: {  	v10 =	vld [tilespmem:s28+$0xC050];
	v5 =	vsub.f32 v5, v3  }
0x5f1: {  	s26 =	simm.s32 $0x80;
	v11 =	vld [tilespmem:s28+$0xC060];
	v6 =	vsub.f32 v6, v3;
	v4 =	vmax.f32 v4, $0.0e+00  }
0x5f2: {  	v12 =	vld [tilespmem:s26+$0xC070];
	v7 =	vsub.f32 v7, v3;
	v5 =	vmax.f32 v5, $0.0e+00;
	[tilespmem:s28+$0x14070] =	vst v4  }
0x5f3: {  	v13 =	vld [tilespmem:s26+$0xC000];
	[tilespmem:s28+$0x14000] =	vst v5;
	v4 =	vmax.f32 v6, $0.0e+00;
	v6 =	vsub.f32 v8, v3  }
0x5f4: {  	v8 =	vld [tilespmem:s26+$0xC010];
	[tilespmem:s28+$0x14010] =	vst v4;
	v4 =	vmax.f32 v7, $0.0e+00;
	v7 =	vsub.f32 v9, v3  }
0x5f5: {  	v5 =	vld [tilespmem:s26+$0xC020];
	v9 =	vsub.f32 v10, v3;
	[tilespmem:s28+$0x14020] =	vst v4;
	v6 =	vmax.f32 v6, $0.0e+00  }
0x5f6: {  	v11 =	vsub.f32 v11, v3;
	v4 =	vld [tilespmem:s26+$0xC030];
	[tilespmem:s28+$0x14030] =	vst v6;
	v7 =	vmax.f32 v7, $0.0e+00  }
0x5f7: {  	v10 =	vsub.f32 v12, v3;
	v6 =	vld [tilespmem:s26+$0xC040];
	v14 =	vmax.f32 v9, $0.0e+00;
	[tilespmem:s28+$0x14040] =	vst v7  }
0x5f8: {  	s29 =	simm.s32 $0x408;
	s30 =	simm.s32 $0x400;
	v11 =	vmax.f32 v11, $0.0e+00;
	v9 =	vsub.f32 v13, v3;
	v7 =	vld [tilespmem:s26+$0xC050];
	[tilespmem:s28+$0x14050] =	vst v14  }
.LBB2_144:
0x5f9: {  	s29 =	sadd.s32 $0x8, s29;
	v8 =	vsub.f32 v8, v3;
	v12 =	vld [tilespmem:s26+$0xC060];
	v10 =	vmax.f32 v10, $0.0e+00;
	[tilespmem:s28+$0x14060] =	vst v11;
	s28 =	smov.u32 s26;
	s26 =	sshra.s32 s30, $0x2  }
0x5fa: {  	v11 =	vld [tilespmem:s26+$0xC070];
	p0 =	slt.u32 s29, $0x7F8;
	v9 =	vmax.f32 v9, $0.0e+00;
	v5 =	vsub.f32 v5, v3;
	[tilespmem:s28+$0x14070] =	vst v10  }
0x5fb: {  	v13 =	vld [tilespmem:s26+$0xC000];
	[tilespmem:s28+$0x14000] =	vst v9;
	v9 =	vmax.f32 v8, $0.0e+00;
	v4 =	vsub.f32 v4, v3  }
.Ltmp91:
0x5fc: {  	v8 =	vld [tilespmem:s26+$0xC010];
	[tilespmem:s28+$0x14010] =	vst v9;
	v9 =	vmax.f32 v5, $0.0e+00;
	v6 =	vsub.f32 v6, v3;
	(pc) =	sbr.rel @p0 .LBB2_144-.Ltmp91, $4  }
0x5fd: {  	v5 =	vld [tilespmem:s26+$0xC020];
	[tilespmem:s28+$0x14020] =	vst v9;
	v9 =	vmax.f32 v4, $0.0e+00;
	v7 =	vsub.f32 v7, v3  }
0x5fe: {  	v4 =	vld [tilespmem:s26+$0xC030];
	[tilespmem:s28+$0x14030] =	vst v9;
	v9 =	vmax.f32 v6, $0.0e+00;
	v12 =	vsub.f32 v12, v3  }
0x5ff: {  	v6 =	vld [tilespmem:s26+$0xC040];
	v10 =	vsub.f32 v11, v3;
	[tilespmem:s28+$0x14040] =	vst v9;
	v11 =	vmax.f32 v7, $0.0e+00  }
0x600: {  	s30 =	sadd.s32 $0x200, s30;
	v9 =	vsub.f32 v13, v3;
	v7 =	vld [tilespmem:s26+$0xC050];
	[tilespmem:s28+$0x14050] =	vst v11;
	v11 =	vmax.f32 v12, $0.0e+00  }
0x601: {  	v8 =	vsub.f32 v8, v3;
	v12 =	vld [tilespmem:s26+$0xC060];
	v10 =	vmax.f32 v10, $0.0e+00;
	[tilespmem:s28+$0x14060] =	vst v11  }
0x602: {  	v9 =	vmax.f32 v9, $0.0e+00;
	v5 =	vsub.f32 v5, v3;
	[tilespmem:s26+$0x14070] =	vst v10  }
0x603: {  	[tilespmem:s26+$0x14000] =	vst v9;
	v8 =	vmax.f32 v8, $0.0e+00;
	v4 =	vsub.f32 v4, v3  }
0x604: {  	[tilespmem:s26+$0x14010] =	vst v8;
	v5 =	vmax.f32 v5, $0.0e+00;
	v6 =	vsub.f32 v6, v3  }
0x605: {  	[tilespmem:s26+$0x14020] =	vst v5;
	v4 =	vmax.f32 v4, $0.0e+00;
	v61 =	vsub.f32 v7, v3  }
0x606: {  	[tilespmem:s26+$0x14030] =	vst v4;
	v62 =	vmax.f32 v6, $0.0e+00;
	v3 =	vsub.f32 v12, v3  }
0x607: {  	[tilespmem:s26+$0x14040] =	vst v62;
	v63 =	vmax.f32 v61, $0.0e+00  }
0x608: {  	[tilespmem:s26+$0x14050] =	vst v63;
	v3 =	vmax.f32 v3, $0.0e+00  }
0x609: {  	[tilespmem:s26+$0x14060] =	vst v3  }
0x60a: {  	[hbm4b:s14+s16] =	stream.strided.scatter [tilespmem:s22], [sflag:$0x3], $0x4000, s17, s16, $0x200038;
	[tilespmem:$0x1C000] =	vst v63  }
0x60b: {  	s25 =	sadd.s32 $0x1, s25;
	_ =	strace $0x9000005E  }
0x60c: {  	p0 =	sne.s32 s25, s15;
	_ =	swait.ge [sflag:s24], $0x4000  }
.Ltmp92:
0x60d: {  	[sflag:s24] =	ssyncset.done $0x0;
	(pc) =	sbr.rel @p0 .LBB2_1-.Ltmp92, $4  }
.Ltmp93:
0x60e: {  	[sflag:s24] =	ssyncadd.s32 $0xFFFFC000;
	(pc) =	sbr.rel @!p0 .LBB2_146-.Ltmp93, $4  }
0x60f: {  	_ =	swait.ge [sflag:s24], $0x4000  }
0x610: {  	[sflag:s24] =	ssyncset.done $0x0  }
0x611: {  	[sflag:s24] =	ssyncadd.s32 $0xFFFFC000  }
0x612: {  	_ = 	snop  }
.LBB2_21:
.Ltmp94:
0x613: {  	(pc) =	sbr.rel .LBB2_26-.Ltmp94, $2  }
0x614: {  	_ =	sdelay $0x2  }
0x615: {  	_ = 	snop  }
.LBB2_57:
.Ltmp95:
0x616: {  	(pc) =	sbr.rel .LBB2_62-.Ltmp95, $2  }
0x617: {  	_ =	sdelay $0x2  }
0x618: {  	_ = 	snop  }
.LBB2_93:
.Ltmp96:
0x619: {  	(pc) =	sbr.rel .LBB2_98-.Ltmp96, $2  }
0x61a: {  	_ =	sdelay $0x2  }
0x61b: {  	_ = 	snop  }
.LBB2_129:
.Ltmp97:
0x61c: {  	(pc) =	sbr.rel .LBB2_134-.Ltmp97, $2  }
0x61d: {  	_ =	sdelay $0x2  }
0x61e: {  	_ = 	snop  }
.LBB2_23:
.Ltmp98:
0x61f: {  	_ = 	snop;
	(pc) =	sbr.rel .LBB2_26-.Ltmp98, $2  }
0x620: {  	_ =	sdelay $0x2  }
0x621: {  	v10 =	vmov v6;
	v5 =	vmov v8  }
.LBB2_59:
.Ltmp99:
0x622: {  	_ = 	snop;
	(pc) =	sbr.rel .LBB2_62-.Ltmp99, $2  }
0x623: {  	_ =	sdelay $0x2  }
0x624: {  	v10 =	vmov v6;
	v5 =	vmov v8  }
.LBB2_95:
.Ltmp100:
0x625: {  	_ = 	snop;
	(pc) =	sbr.rel .LBB2_98-.Ltmp100, $2  }
0x626: {  	_ =	sdelay $0x2  }
0x627: {  	v10 =	vmov v6;
	v5 =	vmov v8  }
.LBB2_131:
.Ltmp101:
0x628: {  	_ = 	snop;
	(pc) =	sbr.rel .LBB2_134-.Ltmp101, $2  }
0x629: {  	_ =	sdelay $0x2  }
0x62a: {  	v10 =	vmov v6;
	v5 =	vmov v8  }
.LBB2_146:
0x62b: {  	_ =	sfence.sel $0x180000  }
0x62c: {  	[bflag:$0x0] =	sbarrier.arrive $0xFFFF  }
0x62d: {  	_ =	strace $0x90000047  }
0x62e: {  	s0 =	stileid.u32;
	[bflag:$0x2] =	sbarrier.arrive $0xFFFF  }
0x62f: {  	p0 =	sne.s32 s0, $0x0;
	s0 =	rddreg [dreg:$0x2]  }
0x630: {  	s0 =	sadd.s32 @!p0 $0x100000, s0  }
0x631: {  	[sflag:s0] =	ssyncadd.tile.s32 @!p0 $0x1;
	_ =	shalt  }
.Lfunc_end2:
_tile_overlayer_lowered:
.L_overlay_start_2:
0x632: {  	(tag) =	ssettag $0x2  }
0x633: {  	s0 =	rddreg [dreg:$0x0];
	s2 =	stileid.u32  }
0x634: {  	s1 =	rddreg [dreg:$0x1];
	p0 =	sne.s32 s2, $0x0  }
0x635: {  	s3 =	rddreg [dreg:$0x2];
	[bflag:$0x3] =	sbarrier.arrive $0xFFFF;
	s2 =	simm.s32 @!p0 $0x1C04  }
0x636: {  	[timem:s3], [sflag:s2] =	dma.local @!p0 [hbm:s0], s1  }
0x637: {  	s0 =	simm.s32 @!p0 $0x4  }
0x638: {  	_ =	swait.ge @!p0 [sflag:s0], s1  }
0x639: {  	s1 =	ssub.s32 @!p0 $0x0, s1;
	[sflag:s0] =	ssyncset.done @!p0 $0x0  }
0x63a: {  	[sflag:s0] =	ssyncadd.s32 @!p0 s1  }
0x63b: {  	[bflag:$0x3] =	sbarrier.arrive $0xFFFF  }
0x63c: {  	_ =	shalt  }

</sc_bundles>
